<compile_context>
chip_gen: v7x
topology: tpu7x:2x2x1
jax: 0.10.2.dev20260603
libtpu: 0.0.44.dev20260713+nightly
codegen_flags: <defaults>
</compile_context>

<pallas_src>
import functools

import jax
import jax.numpy as jnp
from jax import lax
from jax.experimental import pallas as pl
from jax.experimental.pallas import tpu as pltpu
from jax.experimental.pallas import tpu_sc as plsc

BATCH = 16384
LATENT_D = 32
HIST = 50
NC = 2
NS = 16
NW = NC * NS
BPW = BATCH // NW
CHUNK = 128
NCH = BPW // CHUNK
L = 16
GROUPS = BPW // L
SLAB = 128


def _rsqrt(x):
    i = plsc.bitcast(x, jnp.int32)
    y = plsc.bitcast(jnp.int32(0x5F3759DF) - (i >> 1), jnp.float32)
    xh = x * -0.5
    y = y * (1.5 + xh * y * y)
    y = y * (1.5 + xh * y * y)
    y = y * (1.5 + xh * y * y)
    return y


@functools.partial(
    pl.kernel,
    mesh=plsc.VectorSubcoreMesh(core_axis_name="c", subcore_axis_name="s"),
    compiler_params=pltpu.CompilerParams(needs_layout_passes=False),
    out_type=(
        jax.ShapeDtypeStruct((BATCH,), jnp.float32),
        jax.ShapeDtypeStruct((BATCH,), jnp.float32),
    ),
    scratch_types=[
        pltpu.VMEM((NCH, CHUNK), jnp.int32),
        pltpu.VMEM((NCH, CHUNK), jnp.int32),
        pltpu.VMEM((NCH, CHUNK), jnp.int32),
        pltpu.VMEM((NCH, CHUNK), jnp.int32),
        pltpu.VMEM((BPW,), jnp.int32),
        pltpu.VMEM((BPW,), jnp.int32),
        pltpu.VMEM((BPW * HIST,), jnp.float32),
        pltpu.VMEM((CHUNK, SLAB), jnp.float32),
        pltpu.VMEM((CHUNK, SLAB), jnp.float32),
        pltpu.VMEM((BPW,), jnp.float32),
        pltpu.VMEM((BPW,), jnp.float32),
        pltpu.VMEM((BPW,), jnp.float32),
        pltpu.VMEM((BPW,), jnp.float32),
        pltpu.VMEM((L,), jnp.float32),
        pltpu.VMEM((L,), jnp.float32),
        pltpu.VMEM((L,), jnp.float32),
        pltpu.VMEM((L,), jnp.float32),
        pltpu.VMEM((L,), jnp.float32),
        pltpu.VMEM((BPW,), jnp.float32),
        pltpu.VMEM((BPW,), jnp.float32),
        pltpu.SemaphoreType.DMA,
    ],
)
def _ex2vec_sc(uidx_h, iidx_h, su_h, si_h, qu_h, qi_h, r_h, eu_h, ei_h,
               ulamb_h, ubias_h, ibias_h,
               cvec_h, glvec_h, avec_h, bvec_h, gvec_h,
               oint_h, odist_h,
               uidx_v, iidx_v, su_v, si_v, qu_v, qi_v, rchunk, uslab, islab,
               ulamb_v, ubias_v, ibias_v, bd_v,
               cvec_v, glvec_v, avec_v, bvec_v, gvec_v,
               oint_v, odist_v, sem):
    cid = lax.axis_index("c")
    sid = lax.axis_index("s")
    wid = sid * NC + cid
    base = wid * BPW

    pltpu.sync_copy(uidx_h.at[wid], uidx_v)
    pltpu.sync_copy(iidx_h.at[wid], iidx_v)
    pltpu.sync_copy(su_h.at[wid], su_v)
    pltpu.sync_copy(si_h.at[wid], si_v)
    pltpu.sync_copy(qu_h.at[pl.ds(base, BPW)], qu_v)
    pltpu.sync_copy(qi_h.at[pl.ds(base, BPW)], qi_v)
    pltpu.sync_copy(r_h.at[pl.ds(base * HIST, BPW * HIST)], rchunk)
    pltpu.sync_copy(cvec_h, cvec_v)
    pltpu.sync_copy(glvec_h, glvec_v)
    pltpu.sync_copy(avec_h, avec_v)
    pltpu.sync_copy(bvec_h, bvec_v)
    pltpu.sync_copy(gvec_h, gvec_v)

    bias_copies = []
    for j in range(NCH):
        ssl = pl.ds(j * CHUNK, CHUNK)
        bias_copies.append(
            pltpu.async_copy(ulamb_h.at[uidx_v.at[j]], ulamb_v.at[ssl], sem))
        bias_copies.append(
            pltpu.async_copy(ubias_h.at[uidx_v.at[j]], ubias_v.at[ssl], sem))
        bias_copies.append(
            pltpu.async_copy(ibias_h.at[iidx_v.at[j]], ibias_v.at[ssl], sem))
    for c in bias_copies:
        c.wait()

    iota = lax.iota(jnp.int32, L)

    def chunk_body(j, carry):
        cu = pltpu.async_copy(eu_h.at[su_v.at[j]], uslab, sem)
        ci = pltpu.async_copy(ei_h.at[si_v.at[j]], islab, sem)
        cu.wait()
        ci.wait()

        def grp(g, c2):
            rows = iota + g * L
            ebase = j * CHUNK + g * L
            qu = qu_v[pl.ds(ebase, L)]
            qi = qi_v[pl.ds(ebase, L)]
            ucol = qu
            icol = qi
            acc = jnp.zeros((L,), jnp.float32)
            for d in range(LATENT_D):
                u = plsc.load_gather(uslab, [rows, ucol + d])
                it = plsc.load_gather(islab, [rows, icol + d])
                acc = acc + jnp.abs(it - u)
            bd_v[pl.ds(ebase, L)] = acc
            return c2

        lax.fori_loop(0, CHUNK // L, grp, 0)
        return carry

    lax.fori_loop(0, NCH, chunk_body, 0)

    C = cvec_v[...]
    GL = glvec_v[...]
    AV = avec_v[...]
    BV = bvec_v[...]
    GV = gvec_v[...]

    def final_body(g, carry):
        gbase = g * L
        rows_h = (iota + gbase) * HIST
        bl = jnp.zeros((L,), jnp.float32)
        for h in range(HIST):
            r = plsc.load_gather(rchunk, [rows_h + h])
            m = r > 0.0
            dt = jnp.where(m, r, 0.0) + C
            y = _rsqrt(dt)
            bl = bl + jnp.where(m, y, 0.0)
        bd = bd_v[pl.ds(gbase, L)]
        ul = ulamb_v[pl.ds(gbase, L)]
        lamb = GL + jnp.clip(ul, 0.1, 10.0)
        act = jnp.minimum(bl * lamb, bd)
        dist = bd - act
        ub = ubias_v[pl.ds(gbase, L)]
        ib = ibias_v[pl.ds(gbase, L)]
        I = AV * dist + BV * dist * dist + GV + ub + ib
        interest = 1.0 / (1.0 + jnp.exp(-I))
        oint_v[pl.ds(gbase, L)] = interest
        odist_v[pl.ds(gbase, L)] = dist
        return carry

    lax.fori_loop(0, GROUPS, final_body, 0)
    pltpu.sync_copy(oint_v, oint_h.at[pl.ds(base, BPW)])
    pltpu.sync_copy(odist_v, odist_h.at[pl.ds(base, BPW)])


def kernel(user_indices, item_indices, r_interval, embedding_user, embedding_item,
           user_lamb, user_bias, item_bias, global_lamb, alpha, beta, gamma, cutoff):
    f32 = jnp.float32
    uidx = user_indices.astype(jnp.int32)
    iidx = item_indices.astype(jnp.int32)
    uidx3 = uidx.reshape(NW, NCH, CHUNK)
    iidx3 = iidx.reshape(NW, NCH, CHUNK)
    su3 = (uidx >> 2).reshape(NW, NCH, CHUNK)
    si3 = (iidx >> 2).reshape(NW, NCH, CHUNK)
    qu = (uidx & 3) * LATENT_D
    qi = (iidx & 3) * LATENT_D
    r_flat = r_interval.reshape(-1)
    eu_slab = embedding_user.reshape(-1, SLAB)
    ei_slab = embedding_item.reshape(-1, SLAB)
    ulamb_flat = user_lamb.reshape(-1)
    ubias_flat = user_bias.reshape(-1)
    ibias_flat = item_bias.reshape(-1)

    def bc(v):
        return jnp.full((L,), v, f32)

    cvec = bc(jnp.clip(cutoff.astype(f32), 0.1, 100.0))
    glvec = bc(jnp.clip(global_lamb.astype(f32), 0.01, 10.0))
    avec = bc(alpha)
    bvec = bc(beta)
    gvec = bc(gamma)
    interest, distance = _ex2vec_sc(
        uidx3, iidx3, su3, si3, qu, qi, r_flat, eu_slab, ei_slab,
        ulamb_flat, ubias_flat, ibias_flat, cvec, glvec, avec, bvec, gvec)
    return interest, distance

# --- scband reference (transcript-rebuilt; emitter-appended) ---
"""Pipeline reference for scband-ex2-vec-16810501997031 (READ-ONLY COPY).

The authoritative reference and input builder live on the scoring server;
editing this copy changes nothing except your own understanding.
"""

import jax, jax.numpy as jnp
import numpy as np

N_USERS = 1000000
N_ITEMS = 1000000
LATENT_D = 32
BATCH = 16384
HIST = 50


def setup_inputs(seed: int = 0) -> dict:
    key = jax.random.key(seed)
    ks = jax.random.split(key, 10)
    user_indices = jax.random.randint(ks[0], (BATCH,), 0, N_USERS, dtype=jnp.int64 if jax.config.jax_enable_x64 else jnp.int32)
    item_indices = jax.random.randint(ks[1], (BATCH,), 0, N_ITEMS, dtype=jnp.int64 if jax.config.jax_enable_x64 else jnp.int32)
    r_interval = jax.random.uniform(ks[2], (BATCH, HIST), dtype=jnp.float32)
    embedding_user = jax.random.normal(ks[3], (N_USERS, LATENT_D), dtype=jnp.float32)
    embedding_item = jax.random.normal(ks[4], (N_ITEMS, LATENT_D), dtype=jnp.float32)
    user_lamb = jax.random.normal(ks[5], (N_USERS, 1), dtype=jnp.float32)
    user_bias = jax.random.normal(ks[6], (N_USERS, 1), dtype=jnp.float32)
    item_bias = jax.random.normal(ks[7], (N_ITEMS, 1), dtype=jnp.float32)
    global_lamb = jnp.asarray(1.0, dtype=jnp.float32)
    alpha = jnp.asarray(1.0, dtype=jnp.float32)
    beta = jnp.asarray(-0.065, dtype=jnp.float32)
    gamma = jnp.asarray(0.5, dtype=jnp.float32)
    cutoff = jnp.asarray(3.0, dtype=jnp.float32)
    return {
        "user_indices": user_indices,
        "item_indices": item_indices,
        "r_interval": r_interval,
        "embedding_user": embedding_user,
        "embedding_item": embedding_item,
        "user_lamb": user_lamb,
        "user_bias": user_bias,
        "item_bias": item_bias,
        "global_lamb": global_lamb,
        "alpha": alpha,
        "beta": beta,
        "gamma": gamma,
        "cutoff": cutoff,
    }


def reference(user_indices, item_indices, r_interval, embedding_user, embedding_item,
              user_lamb, user_bias, item_bias, global_lamb, alpha, beta, gamma, cutoff):
    user_embeddings = jnp.take(embedding_user, user_indices, axis=0)
    item_embeddings = jnp.take(embedding_item, item_indices, axis=0)
    u_bias = jnp.take(user_bias, user_indices, axis=0)[..., 0]
    i_bias = jnp.take(item_bias, item_indices, axis=0)[..., 0]
    difference = item_embeddings - user_embeddings
    base_distance = jnp.sqrt(difference ** 2).sum(axis=1)
    mask = (r_interval > 0).astype(jnp.float32)
    delta_t = r_interval * mask
    delta_t = delta_t + jnp.clip(cutoff, 0.1, 100.0)
    decay = 0.5
    pow_values = jnp.power(delta_t, -decay) * mask
    base_level = jnp.sum(pow_values, axis=-1)
    lamb = jnp.clip(global_lamb, 0.01, 10.0) + jnp.clip(jnp.take(user_lamb, user_indices, axis=0)[..., 0], 0.1, 10.0)
    base_activation = base_level * lamb
    activation = jnp.minimum(base_activation, base_distance)
    distance = base_distance - activation
    I = alpha * distance + beta * jnp.power(distance, 2) + gamma + u_bias + i_bias
    interest = jax.nn.sigmoid(I)
    return (interest, distance)

if __name__ == "__main__":
    import jax
    _d = setup_inputs()
    print(jax.jit(kernel)(*tuple(_d.values())))

</pallas_src>

<mosaic_0001>
#map = affine_map<(d0, d1) -> (0, 0, 0)>
#map1 = affine_map<(d0, d1) -> (0)>
#map2 = affine_map<(d0, d1) -> (0, 0)>
module attributes {stable_mosaic.version = 14 : i64} {
  func.func @_ex2vec_sc(%arg0: i32, %arg1: i32, %arg2: memref<32x4x128xi32, #tpu.memory_space<hbm>>, %arg3: memref<32x4x128xi32, #tpu.memory_space<hbm>>, %arg4: memref<32x4x128xi32, #tpu.memory_space<hbm>>, %arg5: memref<32x4x128xi32, #tpu.memory_space<hbm>>, %arg6: memref<16384xi32, #tpu.memory_space<hbm>>, %arg7: memref<16384xi32, #tpu.memory_space<hbm>>, %arg8: memref<819200xf32, #tpu.memory_space<hbm>>, %arg9: memref<250000x128xf32, #tpu.memory_space<hbm>>, %arg10: memref<250000x128xf32, #tpu.memory_space<hbm>>, %arg11: memref<1000000xf32, #tpu.memory_space<hbm>>, %arg12: memref<1000000xf32, #tpu.memory_space<hbm>>, %arg13: memref<1000000xf32, #tpu.memory_space<hbm>>, %arg14: memref<16xf32, #tpu.memory_space<hbm>>, %arg15: memref<16xf32, #tpu.memory_space<hbm>>, %arg16: memref<16xf32, #tpu.memory_space<hbm>>, %arg17: memref<16xf32, #tpu.memory_space<hbm>>, %arg18: memref<16xf32, #tpu.memory_space<hbm>>, %arg19: memref<16384xf32, #tpu.memory_space<hbm>>, %arg20: memref<16384xf32, #tpu.memory_space<hbm>>, %arg21: memref<4x128xi32, #tpu.memory_space<vmem>>, %arg22: memref<4x128xi32, #tpu.memory_space<vmem>>, %arg23: memref<4x128xi32, #tpu.memory_space<vmem>>, %arg24: memref<4x128xi32, #tpu.memory_space<vmem>>, %arg25: memref<512xi32, #tpu.memory_space<vmem>>, %arg26: memref<512xi32, #tpu.memory_space<vmem>>, %arg27: memref<25600xf32, #tpu.memory_space<vmem>>, %arg28: memref<128x128xf32, #tpu.memory_space<vmem>>, %arg29: memref<128x128xf32, #tpu.memory_space<vmem>>, %arg30: memref<512xf32, #tpu.memory_space<vmem>>, %arg31: memref<512xf32, #tpu.memory_space<vmem>>, %arg32: memref<512xf32, #tpu.memory_space<vmem>>, %arg33: memref<512xf32, #tpu.memory_space<vmem>>, %arg34: memref<16xf32, #tpu.memory_space<vmem>>, %arg35: memref<16xf32, #tpu.memory_space<vmem>>, %arg36: memref<16xf32, #tpu.memory_space<vmem>>, %arg37: memref<16xf32, #tpu.memory_space<vmem>>, %arg38: memref<16xf32, #tpu.memory_space<vmem>>, %arg39: memref<512xf32, #tpu.memory_space<vmem>>, %arg40: memref<512xf32, #tpu.memory_space<vmem>>, %arg41: memref<!tpu.dma_semaphore, #tpu.memory_space<semaphore_mem>>) attributes {dimension_semantics = [#tpu.dimension_semantics<core_parallel>, #tpu.dimension_semantics<subcore_parallel>], iteration_bounds = array<i64: 2, 16>, scalar_prefetch = 0 : i64, scratch_operands = 21 : i64, tpu.core_type = #tpu.core_type<sc_vector_subcore>, window_params = [{transform_indices = #map}, {transform_indices = #map}, {transform_indices = #map}, {transform_indices = #map}, {transform_indices = #map1}, {transform_indices = #map1}, {transform_indices = #map1}, {transform_indices = #map2}, {transform_indices = #map2}, {transform_indices = #map1}, {transform_indices = #map1}, {transform_indices = #map1}, {transform_indices = #map1}, {transform_indices = #map1}, {transform_indices = #map1}, {transform_indices = #map1}, {transform_indices = #map1}, {transform_indices = #map1}, {transform_indices = #map1}]} {
    %mul3A = arith.constant 2 : i32
    %mul3A_0 = arith.muli %arg1, %mul3A : i32
    %add3A = arith.addi %mul3A_0, %arg0 : i32
    %mul3A_1 = arith.constant 512 : i32
    %mul3A_2 = arith.muli %add3A, %mul3A_1 : i32
    "tpu.region"() ({
      %run_scoped3A = tpu.sem_alloc : memref<!tpu.dma_semaphore, #tpu.memory_space<semaphore_mem>>
      %dma_start3A_215 = arith.constant 0 : i32
      %dma_start3A_216 = arith.constant 0 : i32
      %dma_start3A_217 = tpu.memref_slice %arg2[%add3A, %dma_start3A_215, %dma_start3A_216] : memref<32x4x128xi32, #tpu.memory_space<hbm>> -> memref<1x4x128xi32, #tpu.memory_space<hbm>>
      %dma_start3A_218 = tpu.memref_squeeze %dma_start3A_217 : memref<1x4x128xi32, #tpu.memory_space<hbm>> -> memref<4x128xi32, #tpu.memory_space<hbm>>
      %dma_start3A_219 = arith.constant 0 : i32
      %dma_start3A_220 = arith.constant 0 : i32
      %dma_start3A_221 = tpu.memref_slice %arg2[%add3A, %dma_start3A_219, %dma_start3A_220] : memref<32x4x128xi32, #tpu.memory_space<hbm>> -> memref<1x4x128xi32, #tpu.memory_space<hbm>>
      %dma_start3A_222 = tpu.memref_squeeze %dma_start3A_221 : memref<1x4x128xi32, #tpu.memory_space<hbm>> -> memref<4x128xi32, #tpu.memory_space<hbm>>
      tpu.enqueue_dma source(%dma_start3A_222 : memref<4x128xi32, #tpu.memory_space<hbm>>) target(%arg21 : memref<4x128xi32, #tpu.memory_space<vmem>>) target_semaphore(%run_scoped3A : memref<!tpu.dma_semaphore, #tpu.memory_space<semaphore_mem>>)
      %dma_wait3A_223 = arith.constant 0 : i32
      %dma_wait3A_224 = arith.constant 0 : i32
      %dma_wait3A_225 = tpu.memref_slice %arg2[%add3A, %dma_wait3A_223, %dma_wait3A_224] : memref<32x4x128xi32, #tpu.memory_space<hbm>> -> memref<1x4x128xi32, #tpu.memory_space<hbm>>
      %dma_wait3A_226 = tpu.memref_squeeze %dma_wait3A_225 : memref<1x4x128xi32, #tpu.memory_space<hbm>> -> memref<4x128xi32, #tpu.memory_space<hbm>>
      %dma_wait3A_227 = arith.constant 0 : i32
      %dma_wait3A_228 = arith.constant 0 : i32
      %dma_wait3A_229 = tpu.memref_slice %arg2[%add3A, %dma_wait3A_227, %dma_wait3A_228] : memref<32x4x128xi32, #tpu.memory_space<hbm>> -> memref<1x4x128xi32, #tpu.memory_space<hbm>>
      %dma_wait3A_230 = tpu.memref_squeeze %dma_wait3A_229 : memref<1x4x128xi32, #tpu.memory_space<hbm>> -> memref<4x128xi32, #tpu.memory_space<hbm>>
      tpu.wait_dma2 semaphore(%run_scoped3A : memref<!tpu.dma_semaphore, #tpu.memory_space<semaphore_mem>>) src(%dma_wait3A_230 : memref<4x128xi32, #tpu.memory_space<hbm>>) dst(%arg21 : memref<4x128xi32, #tpu.memory_space<vmem>>)
      tpu.yield
    }) : () -> ()
    "tpu.region"() ({
      %run_scoped3A = tpu.sem_alloc : memref<!tpu.dma_semaphore, #tpu.memory_space<semaphore_mem>>
      %dma_start3A_215 = arith.constant 0 : i32
      %dma_start3A_216 = arith.constant 0 : i32
      %dma_start3A_217 = tpu.memref_slice %arg3[%add3A, %dma_start3A_215, %dma_start3A_216] : memref<32x4x128xi32, #tpu.memory_space<hbm>> -> memref<1x4x128xi32, #tpu.memory_space<hbm>>
      %dma_start3A_218 = tpu.memref_squeeze %dma_start3A_217 : memref<1x4x128xi32, #tpu.memory_space<hbm>> -> memref<4x128xi32, #tpu.memory_space<hbm>>
      %dma_start3A_219 = arith.constant 0 : i32
      %dma_start3A_220 = arith.constant 0 : i32
      %dma_start3A_221 = tpu.memref_slice %arg3[%add3A, %dma_start3A_219, %dma_start3A_220] : memref<32x4x128xi32, #tpu.memory_space<hbm>> -> memref<1x4x128xi32, #tpu.memory_space<hbm>>
      %dma_start3A_222 = tpu.memref_squeeze %dma_start3A_221 : memref<1x4x128xi32, #tpu.memory_space<hbm>> -> memref<4x128xi32, #tpu.memory_space<hbm>>
      tpu.enqueue_dma source(%dma_start3A_222 : memref<4x128xi32, #tpu.memory_space<hbm>>) target(%arg22 : memref<4x128xi32, #tpu.memory_space<vmem>>) target_semaphore(%run_scoped3A : memref<!tpu.dma_semaphore, #tpu.memory_space<semaphore_mem>>)
      %dma_wait3A_223 = arith.constant 0 : i32
      %dma_wait3A_224 = arith.constant 0 : i32
      %dma_wait3A_225 = tpu.memref_slice %arg3[%add3A, %dma_wait3A_223, %dma_wait3A_224] : memref<32x4x128xi32, #tpu.memory_space<hbm>> -> memref<1x4x128xi32, #tpu.memory_space<hbm>>
      %dma_wait3A_226 = tpu.memref_squeeze %dma_wait3A_225 : memref<1x4x128xi32, #tpu.memory_space<hbm>> -> memref<4x128xi32, #tpu.memory_space<hbm>>
      %dma_wait3A_227 = arith.constant 0 : i32
      %dma_wait3A_228 = arith.constant 0 : i32
      %dma_wait3A_229 = tpu.memref_slice %arg3[%add3A, %dma_wait3A_227, %dma_wait3A_228] : memref<32x4x128xi32, #tpu.memory_space<hbm>> -> memref<1x4x128xi32, #tpu.memory_space<hbm>>
      %dma_wait3A_230 = tpu.memref_squeeze %dma_wait3A_229 : memref<1x4x128xi32, #tpu.memory_space<hbm>> -> memref<4x128xi32, #tpu.memory_space<hbm>>
      tpu.wait_dma2 semaphore(%run_scoped3A : memref<!tpu.dma_semaphore, #tpu.memory_space<semaphore_mem>>) src(%dma_wait3A_230 : memref<4x128xi32, #tpu.memory_space<hbm>>) dst(%arg22 : memref<4x128xi32, #tpu.memory_space<vmem>>)
      tpu.yield
    }) : () -> ()
    "tpu.region"() ({
      %run_scoped3A = tpu.sem_alloc : memref<!tpu.dma_semaphore, #tpu.memory_space<semaphore_mem>>
      %dma_start3A_215 = arith.constant 0 : i32
      %dma_start3A_216 = arith.constant 0 : i32
      %dma_start3A_217 = tpu.memref_slice %arg4[%add3A, %dma_start3A_215, %dma_start3A_216] : memref<32x4x128xi32, #tpu.memory_space<hbm>> -> memref<1x4x128xi32, #tpu.memory_space<hbm>>
      %dma_start3A_218 = tpu.memref_squeeze %dma_start3A_217 : memref<1x4x128xi32, #tpu.memory_space<hbm>> -> memref<4x128xi32, #tpu.memory_space<hbm>>
      %dma_start3A_219 = arith.constant 0 : i32
      %dma_start3A_220 = arith.constant 0 : i32
      %dma_start3A_221 = tpu.memref_slice %arg4[%add3A, %dma_start3A_219, %dma_start3A_220] : memref<32x4x128xi32, #tpu.memory_space<hbm>> -> memref<1x4x128xi32, #tpu.memory_space<hbm>>
      %dma_start3A_222 = tpu.memref_squeeze %dma_start3A_221 : memref<1x4x128xi32, #tpu.memory_space<hbm>> -> memref<4x128xi32, #tpu.memory_space<hbm>>
      tpu.enqueue_dma source(%dma_start3A_222 : memref<4x128xi32, #tpu.memory_space<hbm>>) target(%arg23 : memref<4x128xi32, #tpu.memory_space<vmem>>) target_semaphore(%run_scoped3A : memref<!tpu.dma_semaphore, #tpu.memory_space<semaphore_mem>>)
      %dma_wait3A_223 = arith.constant 0 : i32
      %dma_wait3A_224 = arith.constant 0 : i32
      %dma_wait3A_225 = tpu.memref_slice %arg4[%add3A, %dma_wait3A_223, %dma_wait3A_224] : memref<32x4x128xi32, #tpu.memory_space<hbm>> -> memref<1x4x128xi32, #tpu.memory_space<hbm>>
      %dma_wait3A_226 = tpu.memref_squeeze %dma_wait3A_225 : memref<1x4x128xi32, #tpu.memory_space<hbm>> -> memref<4x128xi32, #tpu.memory_space<hbm>>
      %dma_wait3A_227 = arith.constant 0 : i32
      %dma_wait3A_228 = arith.constant 0 : i32
      %dma_wait3A_229 = tpu.memref_slice %arg4[%add3A, %dma_wait3A_227, %dma_wait3A_228] : memref<32x4x128xi32, #tpu.memory_space<hbm>> -> memref<1x4x128xi32, #tpu.memory_space<hbm>>
      %dma_wait3A_230 = tpu.memref_squeeze %dma_wait3A_229 : memref<1x4x128xi32, #tpu.memory_space<hbm>> -> memref<4x128xi32, #tpu.memory_space<hbm>>
      tpu.wait_dma2 semaphore(%run_scoped3A : memref<!tpu.dma_semaphore, #tpu.memory_space<semaphore_mem>>) src(%dma_wait3A_230 : memref<4x128xi32, #tpu.memory_space<hbm>>) dst(%arg23 : memref<4x128xi32, #tpu.memory_space<vmem>>)
      tpu.yield
    }) : () -> ()
    "tpu.region"() ({
      %run_scoped3A = tpu.sem_alloc : memref<!tpu.dma_semaphore, #tpu.memory_space<semaphore_mem>>
      %dma_start3A_215 = arith.constant 0 : i32
      %dma_start3A_216 = arith.constant 0 : i32
      %dma_start3A_217 = tpu.memref_slice %arg5[%add3A, %dma_start3A_215, %dma_start3A_216] : memref<32x4x128xi32, #tpu.memory_space<hbm>> -> memref<1x4x128xi32, #tpu.memory_space<hbm>>
      %dma_start3A_218 = tpu.memref_squeeze %dma_start3A_217 : memref<1x4x128xi32, #tpu.memory_space<hbm>> -> memref<4x128xi32, #tpu.memory_space<hbm>>
      %dma_start3A_219 = arith.constant 0 : i32
      %dma_start3A_220 = arith.constant 0 : i32
      %dma_start3A_221 = tpu.memref_slice %arg5[%add3A, %dma_start3A_219, %dma_start3A_220] : memref<32x4x128xi32, #tpu.memory_space<hbm>> -> memref<1x4x128xi32, #tpu.memory_space<hbm>>
      %dma_start3A_222 = tpu.memref_squeeze %dma_start3A_221 : memref<1x4x128xi32, #tpu.memory_space<hbm>> -> memref<4x128xi32, #tpu.memory_space<hbm>>
      tpu.enqueue_dma source(%dma_start3A_222 : memref<4x128xi32, #tpu.memory_space<hbm>>) target(%arg24 : memref<4x128xi32, #tpu.memory_space<vmem>>) target_semaphore(%run_scoped3A : memref<!tpu.dma_semaphore, #tpu.memory_space<semaphore_mem>>)
      %dma_wait3A_223 = arith.constant 0 : i32
      %dma_wait3A_224 = arith.constant 0 : i32
      %dma_wait3A_225 = tpu.memref_slice %arg5[%add3A, %dma_wait3A_223, %dma_wait3A_224] : memref<32x4x128xi32, #tpu.memory_space<hbm>> -> memref<1x4x128xi32, #tpu.memory_space<hbm>>
      %dma_wait3A_226 = tpu.memref_squeeze %dma_wait3A_225 : memref<1x4x128xi32, #tpu.memory_space<hbm>> -> memref<4x128xi32, #tpu.memory_space<hbm>>
      %dma_wait3A_227 = arith.constant 0 : i32
      %dma_wait3A_228 = arith.constant 0 : i32
      %dma_wait3A_229 = tpu.memref_slice %arg5[%add3A, %dma_wait3A_227, %dma_wait3A_228] : memref<32x4x128xi32, #tpu.memory_space<hbm>> -> memref<1x4x128xi32, #tpu.memory_space<hbm>>
      %dma_wait3A_230 = tpu.memref_squeeze %dma_wait3A_229 : memref<1x4x128xi32, #tpu.memory_space<hbm>> -> memref<4x128xi32, #tpu.memory_space<hbm>>
      tpu.wait_dma2 semaphore(%run_scoped3A : memref<!tpu.dma_semaphore, #tpu.memory_space<semaphore_mem>>) src(%dma_wait3A_230 : memref<4x128xi32, #tpu.memory_space<hbm>>) dst(%arg24 : memref<4x128xi32, #tpu.memory_space<vmem>>)
      tpu.yield
    }) : () -> ()
    "tpu.region"() ({
      %run_scoped3A = tpu.sem_alloc : memref<!tpu.dma_semaphore, #tpu.memory_space<semaphore_mem>>
      %dma_start3A_215 = tpu.memref_slice %arg6[%mul3A_2] : memref<16384xi32, #tpu.memory_space<hbm>> -> memref<512xi32, #tpu.memory_space<hbm>>
      %dma_start3A_216 = tpu.memref_slice %arg6[%mul3A_2] : memref<16384xi32, #tpu.memory_space<hbm>> -> memref<512xi32, #tpu.memory_space<hbm>>
      tpu.enqueue_dma source(%dma_start3A_216 : memref<512xi32, #tpu.memory_space<hbm>>) target(%arg25 : memref<512xi32, #tpu.memory_space<vmem>>) target_semaphore(%run_scoped3A : memref<!tpu.dma_semaphore, #tpu.memory_space<semaphore_mem>>)
      %dma_wait3A_217 = tpu.memref_slice %arg6[%mul3A_2] : memref<16384xi32, #tpu.memory_space<hbm>> -> memref<512xi32, #tpu.memory_space<hbm>>
      %dma_wait3A_218 = tpu.memref_slice %arg6[%mul3A_2] : memref<16384xi32, #tpu.memory_space<hbm>> -> memref<512xi32, #tpu.memory_space<hbm>>
      tpu.wait_dma2 semaphore(%run_scoped3A : memref<!tpu.dma_semaphore, #tpu.memory_space<semaphore_mem>>) src(%dma_wait3A_218 : memref<512xi32, #tpu.memory_space<hbm>>) dst(%arg25 : memref<512xi32, #tpu.memory_space<vmem>>)
      tpu.yield
    }) : () -> ()
    "tpu.region"() ({
      %run_scoped3A = tpu.sem_alloc : memref<!tpu.dma_semaphore, #tpu.memory_space<semaphore_mem>>
      %dma_start3A_215 = tpu.memref_slice %arg7[%mul3A_2] : memref<16384xi32, #tpu.memory_space<hbm>> -> memref<512xi32, #tpu.memory_space<hbm>>
      %dma_start3A_216 = tpu.memref_slice %arg7[%mul3A_2] : memref<16384xi32, #tpu.memory_space<hbm>> -> memref<512xi32, #tpu.memory_space<hbm>>
      tpu.enqueue_dma source(%dma_start3A_216 : memref<512xi32, #tpu.memory_space<hbm>>) target(%arg26 : memref<512xi32, #tpu.memory_space<vmem>>) target_semaphore(%run_scoped3A : memref<!tpu.dma_semaphore, #tpu.memory_space<semaphore_mem>>)
      %dma_wait3A_217 = tpu.memref_slice %arg7[%mul3A_2] : memref<16384xi32, #tpu.memory_space<hbm>> -> memref<512xi32, #tpu.memory_space<hbm>>
      %dma_wait3A_218 = tpu.memref_slice %arg7[%mul3A_2] : memref<16384xi32, #tpu.memory_space<hbm>> -> memref<512xi32, #tpu.memory_space<hbm>>
      tpu.wait_dma2 semaphore(%run_scoped3A : memref<!tpu.dma_semaphore, #tpu.memory_space<semaphore_mem>>) src(%dma_wait3A_218 : memref<512xi32, #tpu.memory_space<hbm>>) dst(%arg26 : memref<512xi32, #tpu.memory_space<vmem>>)
      tpu.yield
    }) : () -> ()
    %mul3A_3 = arith.constant 50 : i32
    %mul3A_4 = arith.muli %mul3A_2, %mul3A_3 : i32
    "tpu.region"() ({
      %run_scoped3A = tpu.sem_alloc : memref<!tpu.dma_semaphore, #tpu.memory_space<semaphore_mem>>
      %dma_start3A_215 = tpu.memref_slice %arg8[%mul3A_4] : memref<819200xf32, #tpu.memory_space<hbm>> -> memref<25600xf32, #tpu.memory_space<hbm>>
      %dma_start3A_216 = tpu.memref_slice %arg8[%mul3A_4] : memref<819200xf32, #tpu.memory_space<hbm>> -> memref<25600xf32, #tpu.memory_space<hbm>>
      tpu.enqueue_dma source(%dma_start3A_216 : memref<25600xf32, #tpu.memory_space<hbm>>) target(%arg27 : memref<25600xf32, #tpu.memory_space<vmem>>) target_semaphore(%run_scoped3A : memref<!tpu.dma_semaphore, #tpu.memory_space<semaphore_mem>>)
      %dma_wait3A_217 = tpu.memref_slice %arg8[%mul3A_4] : memref<819200xf32, #tpu.memory_space<hbm>> -> memref<25600xf32, #tpu.memory_space<hbm>>
      %dma_wait3A_218 = tpu.memref_slice %arg8[%mul3A_4] : memref<819200xf32, #tpu.memory_space<hbm>> -> memref<25600xf32, #tpu.memory_space<hbm>>
      tpu.wait_dma2 semaphore(%run_scoped3A : memref<!tpu.dma_semaphore, #tpu.memory_space<semaphore_mem>>) src(%dma_wait3A_218 : memref<25600xf32, #tpu.memory_space<hbm>>) dst(%arg27 : memref<25600xf32, #tpu.memory_space<vmem>>)
      tpu.yield
    }) : () -> ()
    "tpu.region"() ({
      %run_scoped3A = tpu.sem_alloc : memref<!tpu.dma_semaphore, #tpu.memory_space<semaphore_mem>>
      tpu.enqueue_dma source(%arg14 : memref<16xf32, #tpu.memory_space<hbm>>) target(%arg34 : memref<16xf32, #tpu.memory_space<vmem>>) target_semaphore(%run_scoped3A : memref<!tpu.dma_semaphore, #tpu.memory_space<semaphore_mem>>)
      tpu.wait_dma2 semaphore(%run_scoped3A : memref<!tpu.dma_semaphore, #tpu.memory_space<semaphore_mem>>) src(%arg14 : memref<16xf32, #tpu.memory_space<hbm>>) dst(%arg34 : memref<16xf32, #tpu.memory_space<vmem>>)
      tpu.yield
    }) : () -> ()
    "tpu.region"() ({
      %run_scoped3A = tpu.sem_alloc : memref<!tpu.dma_semaphore, #tpu.memory_space<semaphore_mem>>
      tpu.enqueue_dma source(%arg15 : memref<16xf32, #tpu.memory_space<hbm>>) target(%arg35 : memref<16xf32, #tpu.memory_space<vmem>>) target_semaphore(%run_scoped3A : memref<!tpu.dma_semaphore, #tpu.memory_space<semaphore_mem>>)
      tpu.wait_dma2 semaphore(%run_scoped3A : memref<!tpu.dma_semaphore, #tpu.memory_space<semaphore_mem>>) src(%arg15 : memref<16xf32, #tpu.memory_space<hbm>>) dst(%arg35 : memref<16xf32, #tpu.memory_space<vmem>>)
      tpu.yield
    }) : () -> ()
    "tpu.region"() ({
      %run_scoped3A = tpu.sem_alloc : memref<!tpu.dma_semaphore, #tpu.memory_space<semaphore_mem>>
      tpu.enqueue_dma source(%arg16 : memref<16xf32, #tpu.memory_space<hbm>>) target(%arg36 : memref<16xf32, #tpu.memory_space<vmem>>) target_semaphore(%run_scoped3A : memref<!tpu.dma_semaphore, #tpu.memory_space<semaphore_mem>>)
      tpu.wait_dma2 semaphore(%run_scoped3A : memref<!tpu.dma_semaphore, #tpu.memory_space<semaphore_mem>>) src(%arg16 : memref<16xf32, #tpu.memory_space<hbm>>) dst(%arg36 : memref<16xf32, #tpu.memory_space<vmem>>)
      tpu.yield
    }) : () -> ()
    "tpu.region"() ({
      %run_scoped3A = tpu.sem_alloc : memref<!tpu.dma_semaphore, #tpu.memory_space<semaphore_mem>>
      tpu.enqueue_dma source(%arg17 : memref<16xf32, #tpu.memory_space<hbm>>) target(%arg37 : memref<16xf32, #tpu.memory_space<vmem>>) target_semaphore(%run_scoped3A : memref<!tpu.dma_semaphore, #tpu.memory_space<semaphore_mem>>)
      tpu.wait_dma2 semaphore(%run_scoped3A : memref<!tpu.dma_semaphore, #tpu.memory_space<semaphore_mem>>) src(%arg17 : memref<16xf32, #tpu.memory_space<hbm>>) dst(%arg37 : memref<16xf32, #tpu.memory_space<vmem>>)
      tpu.yield
    }) : () -> ()
    "tpu.region"() ({
      %run_scoped3A = tpu.sem_alloc : memref<!tpu.dma_semaphore, #tpu.memory_space<semaphore_mem>>
      tpu.enqueue_dma source(%arg18 : memref<16xf32, #tpu.memory_space<hbm>>) target(%arg38 : memref<16xf32, #tpu.memory_space<vmem>>) target_semaphore(%run_scoped3A : memref<!tpu.dma_semaphore, #tpu.memory_space<semaphore_mem>>)
      tpu.wait_dma2 semaphore(%run_scoped3A : memref<!tpu.dma_semaphore, #tpu.memory_space<semaphore_mem>>) src(%arg18 : memref<16xf32, #tpu.memory_space<hbm>>) dst(%arg38 : memref<16xf32, #tpu.memory_space<vmem>>)
      tpu.yield
    }) : () -> ()
    %dma_start3A = arith.constant 0 : i32
    %dma_start3A_5 = arith.constant 0 : i32
    %dma_start3A_6 = tpu.memref_slice %arg30[%dma_start3A_5] : memref<512xf32, #tpu.memory_space<vmem>> -> memref<128xf32, #tpu.memory_space<vmem>>
    %dma_start3A_7 = arith.constant 0 : i32
    %dma_start3A_8 = tpu.memref_slice %arg21[%dma_start3A, %dma_start3A_7] : memref<4x128xi32, #tpu.memory_space<vmem>> -> memref<1x128xi32, #tpu.memory_space<vmem>>
    %dma_start3A_9 = tpu.memref_squeeze %dma_start3A_8 : memref<1x128xi32, #tpu.memory_space<vmem>> -> memref<128xi32, #tpu.memory_space<vmem>>
    %dma_start3A_10 = arith.constant 0 : i32
    %dma_start3A_11 = tpu.memref_slice %arg11[%dma_start3A_10] : memref<1000000xf32, #tpu.memory_space<hbm>> -> memref<1000000xf32, #tpu.memory_space<hbm>>
    tpu.enqueue_indirect_dma source(%dma_start3A_11 : memref<1000000xf32, #tpu.memory_space<hbm>>) target(%dma_start3A_6 : memref<128xf32, #tpu.memory_space<vmem>>) offsets(%dma_start3A_9 : memref<128xi32, #tpu.memory_space<vmem>>) semaphore(%arg41 : memref<!tpu.dma_semaphore, #tpu.memory_space<semaphore_mem>>)
    %dma_start3A_12 = arith.constant 0 : i32
    %dma_start3A_13 = arith.constant 0 : i32
    %dma_start3A_14 = tpu.memref_slice %arg31[%dma_start3A_13] : memref<512xf32, #tpu.memory_space<vmem>> -> memref<128xf32, #tpu.memory_space<vmem>>
    %dma_start3A_15 = arith.constant 0 : i32
    %dma_start3A_16 = tpu.memref_slice %arg21[%dma_start3A_12, %dma_start3A_15] : memref<4x128xi32, #tpu.memory_space<vmem>> -> memref<1x128xi32, #tpu.memory_space<vmem>>
    %dma_start3A_17 = tpu.memref_squeeze %dma_start3A_16 : memref<1x128xi32, #tpu.memory_space<vmem>> -> memref<128xi32, #tpu.memory_space<vmem>>
    %dma_start3A_18 = arith.constant 0 : i32
    %dma_start3A_19 = tpu.memref_slice %arg12[%dma_start3A_18] : memref<1000000xf32, #tpu.memory_space<hbm>> -> memref<1000000xf32, #tpu.memory_space<hbm>>
    tpu.enqueue_indirect_dma source(%dma_start3A_19 : memref<1000000xf32, #tpu.memory_space<hbm>>) target(%dma_start3A_14 : memref<128xf32, #tpu.memory_space<vmem>>) offsets(%dma_start3A_17 : memref<128xi32, #tpu.memory_space<vmem>>) semaphore(%arg41 : memref<!tpu.dma_semaphore, #tpu.memory_space<semaphore_mem>>)
    %dma_start3A_20 = arith.constant 0 : i32
    %dma_start3A_21 = arith.constant 0 : i32
    %dma_start3A_22 = tpu.memref_slice %arg32[%dma_start3A_21] : memref<512xf32, #tpu.memory_space<vmem>> -> memref<128xf32, #tpu.memory_space<vmem>>
    %dma_start3A_23 = arith.constant 0 : i32
    %dma_start3A_24 = tpu.memref_slice %arg22[%dma_start3A_20, %dma_start3A_23] : memref<4x128xi32, #tpu.memory_space<vmem>> -> memref<1x128xi32, #tpu.memory_space<vmem>>
    %dma_start3A_25 = tpu.memref_squeeze %dma_start3A_24 : memref<1x128xi32, #tpu.memory_space<vmem>> -> memref<128xi32, #tpu.memory_space<vmem>>
    %dma_start3A_26 = arith.constant 0 : i32
    %dma_start3A_27 = tpu.memref_slice %arg13[%dma_start3A_26] : memref<1000000xf32, #tpu.memory_space<hbm>> -> memref<1000000xf32, #tpu.memory_space<hbm>>
    tpu.enqueue_indirect_dma source(%dma_start3A_27 : memref<1000000xf32, #tpu.memory_space<hbm>>) target(%dma_start3A_22 : memref<128xf32, #tpu.memory_space<vmem>>) offsets(%dma_start3A_25 : memref<128xi32, #tpu.memory_space<vmem>>) semaphore(%arg41 : memref<!tpu.dma_semaphore, #tpu.memory_space<semaphore_mem>>)
    %dma_start3A_28 = arith.constant 1 : i32
    %dma_start3A_29 = arith.constant 128 : i32
    %dma_start3A_30 = tpu.memref_slice %arg30[%dma_start3A_29] : memref<512xf32, #tpu.memory_space<vmem>> -> memref<128xf32, #tpu.memory_space<vmem>>
    %dma_start3A_31 = arith.constant 0 : i32
    %dma_start3A_32 = tpu.memref_slice %arg21[%dma_start3A_28, %dma_start3A_31] : memref<4x128xi32, #tpu.memory_space<vmem>> -> memref<1x128xi32, #tpu.memory_space<vmem>>
    %dma_start3A_33 = tpu.memref_squeeze %dma_start3A_32 : memref<1x128xi32, #tpu.memory_space<vmem>> -> memref<128xi32, #tpu.memory_space<vmem>>
    %dma_start3A_34 = arith.constant 0 : i32
    %dma_start3A_35 = tpu.memref_slice %arg11[%dma_start3A_34] : memref<1000000xf32, #tpu.memory_space<hbm>> -> memref<1000000xf32, #tpu.memory_space<hbm>>
    tpu.enqueue_indirect_dma source(%dma_start3A_35 : memref<1000000xf32, #tpu.memory_space<hbm>>) target(%dma_start3A_30 : memref<128xf32, #tpu.memory_space<vmem>>) offsets(%dma_start3A_33 : memref<128xi32, #tpu.memory_space<vmem>>) semaphore(%arg41 : memref<!tpu.dma_semaphore, #tpu.memory_space<semaphore_mem>>)
    %dma_start3A_36 = arith.constant 1 : i32
    %dma_start3A_37 = arith.constant 128 : i32
    %dma_start3A_38 = tpu.memref_slice %arg31[%dma_start3A_37] : memref<512xf32, #tpu.memory_space<vmem>> -> memref<128xf32, #tpu.memory_space<vmem>>
    %dma_start3A_39 = arith.constant 0 : i32
    %dma_start3A_40 = tpu.memref_slice %arg21[%dma_start3A_36, %dma_start3A_39] : memref<4x128xi32, #tpu.memory_space<vmem>> -> memref<1x128xi32, #tpu.memory_space<vmem>>
    %dma_start3A_41 = tpu.memref_squeeze %dma_start3A_40 : memref<1x128xi32, #tpu.memory_space<vmem>> -> memref<128xi32, #tpu.memory_space<vmem>>
    %dma_start3A_42 = arith.constant 0 : i32
    %dma_start3A_43 = tpu.memref_slice %arg12[%dma_start3A_42] : memref<1000000xf32, #tpu.memory_space<hbm>> -> memref<1000000xf32, #tpu.memory_space<hbm>>
    tpu.enqueue_indirect_dma source(%dma_start3A_43 : memref<1000000xf32, #tpu.memory_space<hbm>>) target(%dma_start3A_38 : memref<128xf32, #tpu.memory_space<vmem>>) offsets(%dma_start3A_41 : memref<128xi32, #tpu.memory_space<vmem>>) semaphore(%arg41 : memref<!tpu.dma_semaphore, #tpu.memory_space<semaphore_mem>>)
    %dma_start3A_44 = arith.constant 1 : i32
    %dma_start3A_45 = arith.constant 128 : i32
    %dma_start3A_46 = tpu.memref_slice %arg32[%dma_start3A_45] : memref<512xf32, #tpu.memory_space<vmem>> -> memref<128xf32, #tpu.memory_space<vmem>>
    %dma_start3A_47 = arith.constant 0 : i32
    %dma_start3A_48 = tpu.memref_slice %arg22[%dma_start3A_44, %dma_start3A_47] : memref<4x128xi32, #tpu.memory_space<vmem>> -> memref<1x128xi32, #tpu.memory_space<vmem>>
    %dma_start3A_49 = tpu.memref_squeeze %dma_start3A_48 : memref<1x128xi32, #tpu.memory_space<vmem>> -> memref<128xi32, #tpu.memory_space<vmem>>
    %dma_start3A_50 = arith.constant 0 : i32
    %dma_start3A_51 = tpu.memref_slice %arg13[%dma_start3A_50] : memref<1000000xf32, #tpu.memory_space<hbm>> -> memref<1000000xf32, #tpu.memory_space<hbm>>
    tpu.enqueue_indirect_dma source(%dma_start3A_51 : memref<1000000xf32, #tpu.memory_space<hbm>>) target(%dma_start3A_46 : memref<128xf32, #tpu.memory_space<vmem>>) offsets(%dma_start3A_49 : memref<128xi32, #tpu.memory_space<vmem>>) semaphore(%arg41 : memref<!tpu.dma_semaphore, #tpu.memory_space<semaphore_mem>>)
    %dma_start3A_52 = arith.constant 2 : i32
    %dma_start3A_53 = arith.constant 256 : i32
    %dma_start3A_54 = tpu.memref_slice %arg30[%dma_start3A_53] : memref<512xf32, #tpu.memory_space<vmem>> -> memref<128xf32, #tpu.memory_space<vmem>>
    %dma_start3A_55 = arith.constant 0 : i32
    %dma_start3A_56 = tpu.memref_slice %arg21[%dma_start3A_52, %dma_start3A_55] : memref<4x128xi32, #tpu.memory_space<vmem>> -> memref<1x128xi32, #tpu.memory_space<vmem>>
    %dma_start3A_57 = tpu.memref_squeeze %dma_start3A_56 : memref<1x128xi32, #tpu.memory_space<vmem>> -> memref<128xi32, #tpu.memory_space<vmem>>
    %dma_start3A_58 = arith.constant 0 : i32
    %dma_start3A_59 = tpu.memref_slice %arg11[%dma_start3A_58] : memref<1000000xf32, #tpu.memory_space<hbm>> -> memref<1000000xf32, #tpu.memory_space<hbm>>
    tpu.enqueue_indirect_dma source(%dma_start3A_59 : memref<1000000xf32, #tpu.memory_space<hbm>>) target(%dma_start3A_54 : memref<128xf32, #tpu.memory_space<vmem>>) offsets(%dma_start3A_57 : memref<128xi32, #tpu.memory_space<vmem>>) semaphore(%arg41 : memref<!tpu.dma_semaphore, #tpu.memory_space<semaphore_mem>>)
    %dma_start3A_60 = arith.constant 2 : i32
    %dma_start3A_61 = arith.constant 256 : i32
    %dma_start3A_62 = tpu.memref_slice %arg31[%dma_start3A_61] : memref<512xf32, #tpu.memory_space<vmem>> -> memref<128xf32, #tpu.memory_space<vmem>>
    %dma_start3A_63 = arith.constant 0 : i32
    %dma_start3A_64 = tpu.memref_slice %arg21[%dma_start3A_60, %dma_start3A_63] : memref<4x128xi32, #tpu.memory_space<vmem>> -> memref<1x128xi32, #tpu.memory_space<vmem>>
    %dma_start3A_65 = tpu.memref_squeeze %dma_start3A_64 : memref<1x128xi32, #tpu.memory_space<vmem>> -> memref<128xi32, #tpu.memory_space<vmem>>
    %dma_start3A_66 = arith.constant 0 : i32
    %dma_start3A_67 = tpu.memref_slice %arg12[%dma_start3A_66] : memref<1000000xf32, #tpu.memory_space<hbm>> -> memref<1000000xf32, #tpu.memory_space<hbm>>
    tpu.enqueue_indirect_dma source(%dma_start3A_67 : memref<1000000xf32, #tpu.memory_space<hbm>>) target(%dma_start3A_62 : memref<128xf32, #tpu.memory_space<vmem>>) offsets(%dma_start3A_65 : memref<128xi32, #tpu.memory_space<vmem>>) semaphore(%arg41 : memref<!tpu.dma_semaphore, #tpu.memory_space<semaphore_mem>>)
    %dma_start3A_68 = arith.constant 2 : i32
    %dma_start3A_69 = arith.constant 256 : i32
    %dma_start3A_70 = tpu.memref_slice %arg32[%dma_start3A_69] : memref<512xf32, #tpu.memory_space<vmem>> -> memref<128xf32, #tpu.memory_space<vmem>>
    %dma_start3A_71 = arith.constant 0 : i32
    %dma_start3A_72 = tpu.memref_slice %arg22[%dma_start3A_68, %dma_start3A_71] : memref<4x128xi32, #tpu.memory_space<vmem>> -> memref<1x128xi32, #tpu.memory_space<vmem>>
    %dma_start3A_73 = tpu.memref_squeeze %dma_start3A_72 : memref<1x128xi32, #tpu.memory_space<vmem>> -> memref<128xi32, #tpu.memory_space<vmem>>
    %dma_start3A_74 = arith.constant 0 : i32
    %dma_start3A_75 = tpu.memref_slice %arg13[%dma_start3A_74] : memref<1000000xf32, #tpu.memory_space<hbm>> -> memref<1000000xf32, #tpu.memory_space<hbm>>
    tpu.enqueue_indirect_dma source(%dma_start3A_75 : memref<1000000xf32, #tpu.memory_space<hbm>>) target(%dma_start3A_70 : memref<128xf32, #tpu.memory_space<vmem>>) offsets(%dma_start3A_73 : memref<128xi32, #tpu.memory_space<vmem>>) semaphore(%arg41 : memref<!tpu.dma_semaphore, #tpu.memory_space<semaphore_mem>>)
    %dma_start3A_76 = arith.constant 3 : i32
    %dma_start3A_77 = arith.constant 384 : i32
    %dma_start3A_78 = tpu.memref_slice %arg30[%dma_start3A_77] : memref<512xf32, #tpu.memory_space<vmem>> -> memref<128xf32, #tpu.memory_space<vmem>>
    %dma_start3A_79 = arith.constant 0 : i32
    %dma_start3A_80 = tpu.memref_slice %arg21[%dma_start3A_76, %dma_start3A_79] : memref<4x128xi32, #tpu.memory_space<vmem>> -> memref<1x128xi32, #tpu.memory_space<vmem>>
    %dma_start3A_81 = tpu.memref_squeeze %dma_start3A_80 : memref<1x128xi32, #tpu.memory_space<vmem>> -> memref<128xi32, #tpu.memory_space<vmem>>
    %dma_start3A_82 = arith.constant 0 : i32
    %dma_start3A_83 = tpu.memref_slice %arg11[%dma_start3A_82] : memref<1000000xf32, #tpu.memory_space<hbm>> -> memref<1000000xf32, #tpu.memory_space<hbm>>
    tpu.enqueue_indirect_dma source(%dma_start3A_83 : memref<1000000xf32, #tpu.memory_space<hbm>>) target(%dma_start3A_78 : memref<128xf32, #tpu.memory_space<vmem>>) offsets(%dma_start3A_81 : memref<128xi32, #tpu.memory_space<vmem>>) semaphore(%arg41 : memref<!tpu.dma_semaphore, #tpu.memory_space<semaphore_mem>>)
    %dma_start3A_84 = arith.constant 3 : i32
    %dma_start3A_85 = arith.constant 384 : i32
    %dma_start3A_86 = tpu.memref_slice %arg31[%dma_start3A_85] : memref<512xf32, #tpu.memory_space<vmem>> -> memref<128xf32, #tpu.memory_space<vmem>>
    %dma_start3A_87 = arith.constant 0 : i32
    %dma_start3A_88 = tpu.memref_slice %arg21[%dma_start3A_84, %dma_start3A_87] : memref<4x128xi32, #tpu.memory_space<vmem>> -> memref<1x128xi32, #tpu.memory_space<vmem>>
    %dma_start3A_89 = tpu.memref_squeeze %dma_start3A_88 : memref<1x128xi32, #tpu.memory_space<vmem>> -> memref<128xi32, #tpu.memory_space<vmem>>
    %dma_start3A_90 = arith.constant 0 : i32
    %dma_start3A_91 = tpu.memref_slice %arg12[%dma_start3A_90] : memref<1000000xf32, #tpu.memory_space<hbm>> -> memref<1000000xf32, #tpu.memory_space<hbm>>
    tpu.enqueue_indirect_dma source(%dma_start3A_91 : memref<1000000xf32, #tpu.memory_space<hbm>>) target(%dma_start3A_86 : memref<128xf32, #tpu.memory_space<vmem>>) offsets(%dma_start3A_89 : memref<128xi32, #tpu.memory_space<vmem>>) semaphore(%arg41 : memref<!tpu.dma_semaphore, #tpu.memory_space<semaphore_mem>>)
    %dma_start3A_92 = arith.constant 3 : i32
    %dma_start3A_93 = arith.constant 384 : i32
    %dma_start3A_94 = tpu.memref_slice %arg32[%dma_start3A_93] : memref<512xf32, #tpu.memory_space<vmem>> -> memref<128xf32, #tpu.memory_space<vmem>>
    %dma_start3A_95 = arith.constant 0 : i32
    %dma_start3A_96 = tpu.memref_slice %arg22[%dma_start3A_92, %dma_start3A_95] : memref<4x128xi32, #tpu.memory_space<vmem>> -> memref<1x128xi32, #tpu.memory_space<vmem>>
    %dma_start3A_97 = tpu.memref_squeeze %dma_start3A_96 : memref<1x128xi32, #tpu.memory_space<vmem>> -> memref<128xi32, #tpu.memory_space<vmem>>
    %dma_start3A_98 = arith.constant 0 : i32
    %dma_start3A_99 = tpu.memref_slice %arg13[%dma_start3A_98] : memref<1000000xf32, #tpu.memory_space<hbm>> -> memref<1000000xf32, #tpu.memory_space<hbm>>
    tpu.enqueue_indirect_dma source(%dma_start3A_99 : memref<1000000xf32, #tpu.memory_space<hbm>>) target(%dma_start3A_94 : memref<128xf32, #tpu.memory_space<vmem>>) offsets(%dma_start3A_97 : memref<128xi32, #tpu.memory_space<vmem>>) semaphore(%arg41 : memref<!tpu.dma_semaphore, #tpu.memory_space<semaphore_mem>>)
    %dma_wait3A = arith.constant 0 : i32
    %dma_wait3A_100 = arith.constant 0 : i32
    %dma_wait3A_101 = tpu.memref_slice %arg30[%dma_wait3A_100] : memref<512xf32, #tpu.memory_space<vmem>> -> memref<128xf32, #tpu.memory_space<vmem>>
    %dma_wait3A_102 = arith.constant 0 : i32
    %dma_wait3A_103 = tpu.memref_slice %arg21[%dma_wait3A, %dma_wait3A_102] : memref<4x128xi32, #tpu.memory_space<vmem>> -> memref<1x128xi32, #tpu.memory_space<vmem>>
    %dma_wait3A_104 = tpu.memref_squeeze %dma_wait3A_103 : memref<1x128xi32, #tpu.memory_space<vmem>> -> memref<128xi32, #tpu.memory_space<vmem>>
    %dma_wait3A_105 = arith.constant 0 : i32
    %dma_wait3A_106 = tpu.memref_slice %arg11[%dma_wait3A_105] : memref<1000000xf32, #tpu.memory_space<hbm>> -> memref<1000000xf32, #tpu.memory_space<hbm>>
    tpu.wait_indirect_dma semaphore(%arg41 : memref<!tpu.dma_semaphore, #tpu.memory_space<semaphore_mem>>) src(%dma_wait3A_106 : memref<1000000xf32, #tpu.memory_space<hbm>>) dst(%dma_wait3A_101 : memref<128xf32, #tpu.memory_space<vmem>>)
    %dma_wait3A_107 = arith.constant 0 : i32
    %dma_wait3A_108 = arith.constant 0 : i32
    %dma_wait3A_109 = tpu.memref_slice %arg31[%dma_wait3A_108] : memref<512xf32, #tpu.memory_space<vmem>> -> memref<128xf32, #tpu.memory_space<vmem>>
    %dma_wait3A_110 = arith.constant 0 : i32
    %dma_wait3A_111 = tpu.memref_slice %arg21[%dma_wait3A_107, %dma_wait3A_110] : memref<4x128xi32, #tpu.memory_space<vmem>> -> memref<1x128xi32, #tpu.memory_space<vmem>>
    %dma_wait3A_112 = tpu.memref_squeeze %dma_wait3A_111 : memref<1x128xi32, #tpu.memory_space<vmem>> -> memref<128xi32, #tpu.memory_space<vmem>>
    %dma_wait3A_113 = arith.constant 0 : i32
    %dma_wait3A_114 = tpu.memref_slice %arg12[%dma_wait3A_113] : memref<1000000xf32, #tpu.memory_space<hbm>> -> memref<1000000xf32, #tpu.memory_space<hbm>>
    tpu.wait_indirect_dma semaphore(%arg41 : memref<!tpu.dma_semaphore, #tpu.memory_space<semaphore_mem>>) src(%dma_wait3A_114 : memref<1000000xf32, #tpu.memory_space<hbm>>) dst(%dma_wait3A_109 : memref<128xf32, #tpu.memory_space<vmem>>)
    %dma_wait3A_115 = arith.constant 0 : i32
    %dma_wait3A_116 = arith.constant 0 : i32
    %dma_wait3A_117 = tpu.memref_slice %arg32[%dma_wait3A_116] : memref<512xf32, #tpu.memory_space<vmem>> -> memref<128xf32, #tpu.memory_space<vmem>>
    %dma_wait3A_118 = arith.constant 0 : i32
    %dma_wait3A_119 = tpu.memref_slice %arg22[%dma_wait3A_115, %dma_wait3A_118] : memref<4x128xi32, #tpu.memory_space<vmem>> -> memref<1x128xi32, #tpu.memory_space<vmem>>
    %dma_wait3A_120 = tpu.memref_squeeze %dma_wait3A_119 : memref<1x128xi32, #tpu.memory_space<vmem>> -> memref<128xi32, #tpu.memory_space<vmem>>
    %dma_wait3A_121 = arith.constant 0 : i32
    %dma_wait3A_122 = tpu.memref_slice %arg13[%dma_wait3A_121] : memref<1000000xf32, #tpu.memory_space<hbm>> -> memref<1000000xf32, #tpu.memory_space<hbm>>
    tpu.wait_indirect_dma semaphore(%arg41 : memref<!tpu.dma_semaphore, #tpu.memory_space<semaphore_mem>>) src(%dma_wait3A_122 : memref<1000000xf32, #tpu.memory_space<hbm>>) dst(%dma_wait3A_117 : memref<128xf32, #tpu.memory_space<vmem>>)
    %dma_wait3A_123 = arith.constant 1 : i32
    %dma_wait3A_124 = arith.constant 128 : i32
    %dma_wait3A_125 = tpu.memref_slice %arg30[%dma_wait3A_124] : memref<512xf32, #tpu.memory_space<vmem>> -> memref<128xf32, #tpu.memory_space<vmem>>
    %dma_wait3A_126 = arith.constant 0 : i32
    %dma_wait3A_127 = tpu.memref_slice %arg21[%dma_wait3A_123, %dma_wait3A_126] : memref<4x128xi32, #tpu.memory_space<vmem>> -> memref<1x128xi32, #tpu.memory_space<vmem>>
    %dma_wait3A_128 = tpu.memref_squeeze %dma_wait3A_127 : memref<1x128xi32, #tpu.memory_space<vmem>> -> memref<128xi32, #tpu.memory_space<vmem>>
    %dma_wait3A_129 = arith.constant 0 : i32
    %dma_wait3A_130 = tpu.memref_slice %arg11[%dma_wait3A_129] : memref<1000000xf32, #tpu.memory_space<hbm>> -> memref<1000000xf32, #tpu.memory_space<hbm>>
    tpu.wait_indirect_dma semaphore(%arg41 : memref<!tpu.dma_semaphore, #tpu.memory_space<semaphore_mem>>) src(%dma_wait3A_130 : memref<1000000xf32, #tpu.memory_space<hbm>>) dst(%dma_wait3A_125 : memref<128xf32, #tpu.memory_space<vmem>>)
    %dma_wait3A_131 = arith.constant 1 : i32
    %dma_wait3A_132 = arith.constant 128 : i32
    %dma_wait3A_133 = tpu.memref_slice %arg31[%dma_wait3A_132] : memref<512xf32, #tpu.memory_space<vmem>> -> memref<128xf32, #tpu.memory_space<vmem>>
    %dma_wait3A_134 = arith.constant 0 : i32
    %dma_wait3A_135 = tpu.memref_slice %arg21[%dma_wait3A_131, %dma_wait3A_134] : memref<4x128xi32, #tpu.memory_space<vmem>> -> memref<1x128xi32, #tpu.memory_space<vmem>>
    %dma_wait3A_136 = tpu.memref_squeeze %dma_wait3A_135 : memref<1x128xi32, #tpu.memory_space<vmem>> -> memref<128xi32, #tpu.memory_space<vmem>>
    %dma_wait3A_137 = arith.constant 0 : i32
    %dma_wait3A_138 = tpu.memref_slice %arg12[%dma_wait3A_137] : memref<1000000xf32, #tpu.memory_space<hbm>> -> memref<1000000xf32, #tpu.memory_space<hbm>>
    tpu.wait_indirect_dma semaphore(%arg41 : memref<!tpu.dma_semaphore, #tpu.memory_space<semaphore_mem>>) src(%dma_wait3A_138 : memref<1000000xf32, #tpu.memory_space<hbm>>) dst(%dma_wait3A_133 : memref<128xf32, #tpu.memory_space<vmem>>)
    %dma_wait3A_139 = arith.constant 1 : i32
    %dma_wait3A_140 = arith.constant 128 : i32
    %dma_wait3A_141 = tpu.memref_slice %arg32[%dma_wait3A_140] : memref<512xf32, #tpu.memory_space<vmem>> -> memref<128xf32, #tpu.memory_space<vmem>>
    %dma_wait3A_142 = arith.constant 0 : i32
    %dma_wait3A_143 = tpu.memref_slice %arg22[%dma_wait3A_139, %dma_wait3A_142] : memref<4x128xi32, #tpu.memory_space<vmem>> -> memref<1x128xi32, #tpu.memory_space<vmem>>
    %dma_wait3A_144 = tpu.memref_squeeze %dma_wait3A_143 : memref<1x128xi32, #tpu.memory_space<vmem>> -> memref<128xi32, #tpu.memory_space<vmem>>
    %dma_wait3A_145 = arith.constant 0 : i32
    %dma_wait3A_146 = tpu.memref_slice %arg13[%dma_wait3A_145] : memref<1000000xf32, #tpu.memory_space<hbm>> -> memref<1000000xf32, #tpu.memory_space<hbm>>
    tpu.wait_indirect_dma semaphore(%arg41 : memref<!tpu.dma_semaphore, #tpu.memory_space<semaphore_mem>>) src(%dma_wait3A_146 : memref<1000000xf32, #tpu.memory_space<hbm>>) dst(%dma_wait3A_141 : memref<128xf32, #tpu.memory_space<vmem>>)
    %dma_wait3A_147 = arith.constant 2 : i32
    %dma_wait3A_148 = arith.constant 256 : i32
    %dma_wait3A_149 = tpu.memref_slice %arg30[%dma_wait3A_148] : memref<512xf32, #tpu.memory_space<vmem>> -> memref<128xf32, #tpu.memory_space<vmem>>
    %dma_wait3A_150 = arith.constant 0 : i32
    %dma_wait3A_151 = tpu.memref_slice %arg21[%dma_wait3A_147, %dma_wait3A_150] : memref<4x128xi32, #tpu.memory_space<vmem>> -> memref<1x128xi32, #tpu.memory_space<vmem>>
    %dma_wait3A_152 = tpu.memref_squeeze %dma_wait3A_151 : memref<1x128xi32, #tpu.memory_space<vmem>> -> memref<128xi32, #tpu.memory_space<vmem>>
    %dma_wait3A_153 = arith.constant 0 : i32
    %dma_wait3A_154 = tpu.memref_slice %arg11[%dma_wait3A_153] : memref<1000000xf32, #tpu.memory_space<hbm>> -> memref<1000000xf32, #tpu.memory_space<hbm>>
    tpu.wait_indirect_dma semaphore(%arg41 : memref<!tpu.dma_semaphore, #tpu.memory_space<semaphore_mem>>) src(%dma_wait3A_154 : memref<1000000xf32, #tpu.memory_space<hbm>>) dst(%dma_wait3A_149 : memref<128xf32, #tpu.memory_space<vmem>>)
    %dma_wait3A_155 = arith.constant 2 : i32
    %dma_wait3A_156 = arith.constant 256 : i32
    %dma_wait3A_157 = tpu.memref_slice %arg31[%dma_wait3A_156] : memref<512xf32, #tpu.memory_space<vmem>> -> memref<128xf32, #tpu.memory_space<vmem>>
    %dma_wait3A_158 = arith.constant 0 : i32
    %dma_wait3A_159 = tpu.memref_slice %arg21[%dma_wait3A_155, %dma_wait3A_158] : memref<4x128xi32, #tpu.memory_space<vmem>> -> memref<1x128xi32, #tpu.memory_space<vmem>>
    %dma_wait3A_160 = tpu.memref_squeeze %dma_wait3A_159 : memref<1x128xi32, #tpu.memory_space<vmem>> -> memref<128xi32, #tpu.memory_space<vmem>>
    %dma_wait3A_161 = arith.constant 0 : i32
    %dma_wait3A_162 = tpu.memref_slice %arg12[%dma_wait3A_161] : memref<1000000xf32, #tpu.memory_space<hbm>> -> memref<1000000xf32, #tpu.memory_space<hbm>>
    tpu.wait_indirect_dma semaphore(%arg41 : memref<!tpu.dma_semaphore, #tpu.memory_space<semaphore_mem>>) src(%dma_wait3A_162 : memref<1000000xf32, #tpu.memory_space<hbm>>) dst(%dma_wait3A_157 : memref<128xf32, #tpu.memory_space<vmem>>)
    %dma_wait3A_163 = arith.constant 2 : i32
    %dma_wait3A_164 = arith.constant 256 : i32
    %dma_wait3A_165 = tpu.memref_slice %arg32[%dma_wait3A_164] : memref<512xf32, #tpu.memory_space<vmem>> -> memref<128xf32, #tpu.memory_space<vmem>>
    %dma_wait3A_166 = arith.constant 0 : i32
    %dma_wait3A_167 = tpu.memref_slice %arg22[%dma_wait3A_163, %dma_wait3A_166] : memref<4x128xi32, #tpu.memory_space<vmem>> -> memref<1x128xi32, #tpu.memory_space<vmem>>
    %dma_wait3A_168 = tpu.memref_squeeze %dma_wait3A_167 : memref<1x128xi32, #tpu.memory_space<vmem>> -> memref<128xi32, #tpu.memory_space<vmem>>
    %dma_wait3A_169 = arith.constant 0 : i32
    %dma_wait3A_170 = tpu.memref_slice %arg13[%dma_wait3A_169] : memref<1000000xf32, #tpu.memory_space<hbm>> -> memref<1000000xf32, #tpu.memory_space<hbm>>
    tpu.wait_indirect_dma semaphore(%arg41 : memref<!tpu.dma_semaphore, #tpu.memory_space<semaphore_mem>>) src(%dma_wait3A_170 : memref<1000000xf32, #tpu.memory_space<hbm>>) dst(%dma_wait3A_165 : memref<128xf32, #tpu.memory_space<vmem>>)
    %dma_wait3A_171 = arith.constant 3 : i32
    %dma_wait3A_172 = arith.constant 384 : i32
    %dma_wait3A_173 = tpu.memref_slice %arg30[%dma_wait3A_172] : memref<512xf32, #tpu.memory_space<vmem>> -> memref<128xf32, #tpu.memory_space<vmem>>
    %dma_wait3A_174 = arith.constant 0 : i32
    %dma_wait3A_175 = tpu.memref_slice %arg21[%dma_wait3A_171, %dma_wait3A_174] : memref<4x128xi32, #tpu.memory_space<vmem>> -> memref<1x128xi32, #tpu.memory_space<vmem>>
    %dma_wait3A_176 = tpu.memref_squeeze %dma_wait3A_175 : memref<1x128xi32, #tpu.memory_space<vmem>> -> memref<128xi32, #tpu.memory_space<vmem>>
    %dma_wait3A_177 = arith.constant 0 : i32
    %dma_wait3A_178 = tpu.memref_slice %arg11[%dma_wait3A_177] : memref<1000000xf32, #tpu.memory_space<hbm>> -> memref<1000000xf32, #tpu.memory_space<hbm>>
    tpu.wait_indirect_dma semaphore(%arg41 : memref<!tpu.dma_semaphore, #tpu.memory_space<semaphore_mem>>) src(%dma_wait3A_178 : memref<1000000xf32, #tpu.memory_space<hbm>>) dst(%dma_wait3A_173 : memref<128xf32, #tpu.memory_space<vmem>>)
    %dma_wait3A_179 = arith.constant 3 : i32
    %dma_wait3A_180 = arith.constant 384 : i32
    %dma_wait3A_181 = tpu.memref_slice %arg31[%dma_wait3A_180] : memref<512xf32, #tpu.memory_space<vmem>> -> memref<128xf32, #tpu.memory_space<vmem>>
    %dma_wait3A_182 = arith.constant 0 : i32
    %dma_wait3A_183 = tpu.memref_slice %arg21[%dma_wait3A_179, %dma_wait3A_182] : memref<4x128xi32, #tpu.memory_space<vmem>> -> memref<1x128xi32, #tpu.memory_space<vmem>>
    %dma_wait3A_184 = tpu.memref_squeeze %dma_wait3A_183 : memref<1x128xi32, #tpu.memory_space<vmem>> -> memref<128xi32, #tpu.memory_space<vmem>>
    %dma_wait3A_185 = arith.constant 0 : i32
    %dma_wait3A_186 = tpu.memref_slice %arg12[%dma_wait3A_185] : memref<1000000xf32, #tpu.memory_space<hbm>> -> memref<1000000xf32, #tpu.memory_space<hbm>>
    tpu.wait_indirect_dma semaphore(%arg41 : memref<!tpu.dma_semaphore, #tpu.memory_space<semaphore_mem>>) src(%dma_wait3A_186 : memref<1000000xf32, #tpu.memory_space<hbm>>) dst(%dma_wait3A_181 : memref<128xf32, #tpu.memory_space<vmem>>)
    %dma_wait3A_187 = arith.constant 3 : i32
    %dma_wait3A_188 = arith.constant 384 : i32
    %dma_wait3A_189 = tpu.memref_slice %arg32[%dma_wait3A_188] : memref<512xf32, #tpu.memory_space<vmem>> -> memref<128xf32, #tpu.memory_space<vmem>>
    %dma_wait3A_190 = arith.constant 0 : i32
    %dma_wait3A_191 = tpu.memref_slice %arg22[%dma_wait3A_187, %dma_wait3A_190] : memref<4x128xi32, #tpu.memory_space<vmem>> -> memref<1x128xi32, #tpu.memory_space<vmem>>
    %dma_wait3A_192 = tpu.memref_squeeze %dma_wait3A_191 : memref<1x128xi32, #tpu.memory_space<vmem>> -> memref<128xi32, #tpu.memory_space<vmem>>
    %dma_wait3A_193 = arith.constant 0 : i32
    %dma_wait3A_194 = tpu.memref_slice %arg13[%dma_wait3A_193] : memref<1000000xf32, #tpu.memory_space<hbm>> -> memref<1000000xf32, #tpu.memory_space<hbm>>
    tpu.wait_indirect_dma semaphore(%arg41 : memref<!tpu.dma_semaphore, #tpu.memory_space<semaphore_mem>>) src(%dma_wait3A_194 : memref<1000000xf32, #tpu.memory_space<hbm>>) dst(%dma_wait3A_189 : memref<128xf32, #tpu.memory_space<vmem>>)
    %iota3A = tpu.iota {dimensions = array<i32: 0>} : vector<16xi32>
    %scan3A = arith.constant 0 : i32
    %scan3A_195 = arith.constant 0 : i32
    %scan3A_196 = arith.constant 4 : i32
    %scan3A_197 = arith.addi %scan3A_195, %scan3A_196 : i32
    %scan3A_198 = arith.constant 1 : i32
    scf.for %scan3A_215 = %scan3A_195 to %scan3A_197 step %scan3A_198  : i32 {
      %dma_start3A_216 = arith.constant 0 : i32
      %dma_start3A_217 = tpu.memref_slice %arg23[%scan3A_215, %dma_start3A_216] : memref<4x128xi32, #tpu.memory_space<vmem>> -> memref<1x128xi32, #tpu.memory_space<vmem>>
      %dma_start3A_218 = tpu.memref_squeeze %dma_start3A_217 : memref<1x128xi32, #tpu.memory_space<vmem>> -> memref<128xi32, #tpu.memory_space<vmem>>
      %dma_start3A_219 = arith.constant 0 : i32
      %dma_start3A_220 = arith.constant 0 : i32
      %dma_start3A_221 = tpu.memref_slice %arg9[%dma_start3A_219, %dma_start3A_220] : memref<250000x128xf32, #tpu.memory_space<hbm>> -> memref<250000x128xf32, #tpu.memory_space<hbm>>
      tpu.enqueue_indirect_dma source(%dma_start3A_221 : memref<250000x128xf32, #tpu.memory_space<hbm>>) target(%arg28 : memref<128x128xf32, #tpu.memory_space<vmem>>) offsets(%dma_start3A_218 : memref<128xi32, #tpu.memory_space<vmem>>) semaphore(%arg41 : memref<!tpu.dma_semaphore, #tpu.memory_space<semaphore_mem>>)
      %dma_start3A_222 = arith.constant 0 : i32
      %dma_start3A_223 = tpu.memref_slice %arg24[%scan3A_215, %dma_start3A_222] : memref<4x128xi32, #tpu.memory_space<vmem>> -> memref<1x128xi32, #tpu.memory_space<vmem>>
      %dma_start3A_224 = tpu.memref_squeeze %dma_start3A_223 : memref<1x128xi32, #tpu.memory_space<vmem>> -> memref<128xi32, #tpu.memory_space<vmem>>
      %dma_start3A_225 = arith.constant 0 : i32
      %dma_start3A_226 = arith.constant 0 : i32
      %dma_start3A_227 = tpu.memref_slice %arg10[%dma_start3A_225, %dma_start3A_226] : memref<250000x128xf32, #tpu.memory_space<hbm>> -> memref<250000x128xf32, #tpu.memory_space<hbm>>
      tpu.enqueue_indirect_dma source(%dma_start3A_227 : memref<250000x128xf32, #tpu.memory_space<hbm>>) target(%arg29 : memref<128x128xf32, #tpu.memory_space<vmem>>) offsets(%dma_start3A_224 : memref<128xi32, #tpu.memory_space<vmem>>) semaphore(%arg41 : memref<!tpu.dma_semaphore, #tpu.memory_space<semaphore_mem>>)
      %dma_wait3A_228 = arith.constant 0 : i32
      %dma_wait3A_229 = tpu.memref_slice %arg23[%scan3A_215, %dma_wait3A_228] : memref<4x128xi32, #tpu.memory_space<vmem>> -> memref<1x128xi32, #tpu.memory_space<vmem>>
      %dma_wait3A_230 = tpu.memref_squeeze %dma_wait3A_229 : memref<1x128xi32, #tpu.memory_space<vmem>> -> memref<128xi32, #tpu.memory_space<vmem>>
      %dma_wait3A_231 = arith.constant 0 : i32
      %dma_wait3A_232 = arith.constant 0 : i32
      %dma_wait3A_233 = tpu.memref_slice %arg9[%dma_wait3A_231, %dma_wait3A_232] : memref<250000x128xf32, #tpu.memory_space<hbm>> -> memref<250000x128xf32, #tpu.memory_space<hbm>>
      tpu.wait_indirect_dma semaphore(%arg41 : memref<!tpu.dma_semaphore, #tpu.memory_space<semaphore_mem>>) src(%dma_wait3A_233 : memref<250000x128xf32, #tpu.memory_space<hbm>>) dst(%arg28 : memref<128x128xf32, #tpu.memory_space<vmem>>)
      %dma_wait3A_234 = arith.constant 0 : i32
      %dma_wait3A_235 = tpu.memref_slice %arg24[%scan3A_215, %dma_wait3A_234] : memref<4x128xi32, #tpu.memory_space<vmem>> -> memref<1x128xi32, #tpu.memory_space<vmem>>
      %dma_wait3A_236 = tpu.memref_squeeze %dma_wait3A_235 : memref<1x128xi32, #tpu.memory_space<vmem>> -> memref<128xi32, #tpu.memory_space<vmem>>
      %dma_wait3A_237 = arith.constant 0 : i32
      %dma_wait3A_238 = arith.constant 0 : i32
      %dma_wait3A_239 = tpu.memref_slice %arg10[%dma_wait3A_237, %dma_wait3A_238] : memref<250000x128xf32, #tpu.memory_space<hbm>> -> memref<250000x128xf32, #tpu.memory_space<hbm>>
      tpu.wait_indirect_dma semaphore(%arg41 : memref<!tpu.dma_semaphore, #tpu.memory_space<semaphore_mem>>) src(%dma_wait3A_239 : memref<250000x128xf32, #tpu.memory_space<hbm>>) dst(%arg29 : memref<128x128xf32, #tpu.memory_space<vmem>>)
      %scan3A_240 = arith.constant 0 : i32
      %scan3A_241 = arith.constant 0 : i32
      %scan3A_242 = arith.constant 8 : i32
      %scan3A_243 = arith.addi %scan3A_241, %scan3A_242 : i32
      %scan3A_244 = arith.constant 1 : i32
      scf.for %scan3A_246 = %scan3A_241 to %scan3A_243 step %scan3A_244  : i32 {
        %mul3A_247 = arith.constant 16 : i32
        %mul3A_248 = arith.muli %scan3A_246, %mul3A_247 : i32
        %add3A_249 = vector.broadcast %mul3A_248 : i32 to vector<16xi32>
        %add3A_250 = arith.addi %iota3A, %add3A_249 : vector<16xi32>
        %mul3A_251 = arith.constant 128 : i32
        %mul3A_252 = arith.muli %scan3A_215, %mul3A_251 : i32
        %mul3A_253 = arith.constant 16 : i32
        %mul3A_254 = arith.muli %scan3A_246, %mul3A_253 : i32
        %add3A_255 = arith.addi %mul3A_252, %mul3A_254 : i32
        %get3A_256 = arith.index_cast %add3A_255 : i32 to index
        %get3A_257 = tpu.vector_load %arg25[%get3A_256] {strides = array<i32>} : memref<512xi32, #tpu.memory_space<vmem>>, vector<16xi32>,
        %get3A_258 = arith.index_cast %add3A_255 : i32 to index
        %get3A_259 = tpu.vector_load %arg26[%get3A_258] {strides = array<i32>} : memref<512xi32, #tpu.memory_space<vmem>>, vector<16xi32>,
        %broadcast_in_dim3A = arith.constant 0.000000e+00 : f32
        %broadcast_in_dim3A_260 = vector.broadcast %broadcast_in_dim3A : f32 to vector<16xf32>
        %add3A_261 = arith.constant 0 : i32
        %add3A_262 = vector.broadcast %add3A_261 : i32 to vector<16xi32>
        %add3A_263 = arith.addi %get3A_257, %add3A_262 : vector<16xi32>
        %gather3A = tpu.vector_load_idx %arg28[%add3A_250, %add3A_263] : memref<128x128xf32, #tpu.memory_space<vmem>>[vector<16xi32>, vector<16xi32>], vector<16xf32>,
        %add3A_264 = arith.constant 0 : i32
        %add3A_265 = vector.broadcast %add3A_264 : i32 to vector<16xi32>
        %add3A_266 = arith.addi %get3A_259, %add3A_265 : vector<16xi32>
        %gather3A_267 = tpu.vector_load_idx %arg29[%add3A_250, %add3A_266] : memref<128x128xf32, #tpu.memory_space<vmem>>[vector<16xi32>, vector<16xi32>], vector<16xf32>,
        %sub3A = arith.subf %gather3A_267, %gather3A : vector<16xf32>
        %abs3A = math.absf %sub3A : vector<16xf32>
        %add3A_268 = arith.addf %broadcast_in_dim3A_260, %abs3A : vector<16xf32>
        %add3A_269 = arith.constant 1 : i32
        %add3A_270 = vector.broadcast %add3A_269 : i32 to vector<16xi32>
        %add3A_271 = arith.addi %get3A_257, %add3A_270 : vector<16xi32>
        %gather3A_272 = tpu.vector_load_idx %arg28[%add3A_250, %add3A_271] : memref<128x128xf32, #tpu.memory_space<vmem>>[vector<16xi32>, vector<16xi32>], vector<16xf32>,
        %add3A_273 = arith.constant 1 : i32
        %add3A_274 = vector.broadcast %add3A_273 : i32 to vector<16xi32>
        %add3A_275 = arith.addi %get3A_259, %add3A_274 : vector<16xi32>
        %gather3A_276 = tpu.vector_load_idx %arg29[%add3A_250, %add3A_275] : memref<128x128xf32, #tpu.memory_space<vmem>>[vector<16xi32>, vector<16xi32>], vector<16xf32>,
        %sub3A_277 = arith.subf %gather3A_276, %gather3A_272 : vector<16xf32>
        %abs3A_278 = math.absf %sub3A_277 : vector<16xf32>
        %add3A_279 = arith.addf %add3A_268, %abs3A_278 : vector<16xf32>
        %add3A_280 = arith.constant 2 : i32
        %add3A_281 = vector.broadcast %add3A_280 : i32 to vector<16xi32>
        %add3A_282 = arith.addi %get3A_257, %add3A_281 : vector<16xi32>
        %gather3A_283 = tpu.vector_load_idx %arg28[%add3A_250, %add3A_282] : memref<128x128xf32, #tpu.memory_space<vmem>>[vector<16xi32>, vector<16xi32>], vector<16xf32>,
        %add3A_284 = arith.constant 2 : i32
        %add3A_285 = vector.broadcast %add3A_284 : i32 to vector<16xi32>
        %add3A_286 = arith.addi %get3A_259, %add3A_285 : vector<16xi32>
        %gather3A_287 = tpu.vector_load_idx %arg29[%add3A_250, %add3A_286] : memref<128x128xf32, #tpu.memory_space<vmem>>[vector<16xi32>, vector<16xi32>], vector<16xf32>,
        %sub3A_288 = arith.subf %gather3A_287, %gather3A_283 : vector<16xf32>
        %abs3A_289 = math.absf %sub3A_288 : vector<16xf32>
        %add3A_290 = arith.addf %add3A_279, %abs3A_289 : vector<16xf32>
        %add3A_291 = arith.constant 3 : i32
        %add3A_292 = vector.broadcast %add3A_291 : i32 to vector<16xi32>
        %add3A_293 = arith.addi %get3A_257, %add3A_292 : vector<16xi32>
        %gather3A_294 = tpu.vector_load_idx %arg28[%add3A_250, %add3A_293] : memref<128x128xf32, #tpu.memory_space<vmem>>[vector<16xi32>, vector<16xi32>], vector<16xf32>,
        %add3A_295 = arith.constant 3 : i32
        %add3A_296 = vector.broadcast %add3A_295 : i32 to vector<16xi32>
        %add3A_297 = arith.addi %get3A_259, %add3A_296 : vector<16xi32>
        %gather3A_298 = tpu.vector_load_idx %arg29[%add3A_250, %add3A_297] : memref<128x128xf32, #tpu.memory_space<vmem>>[vector<16xi32>, vector<16xi32>], vector<16xf32>,
        %sub3A_299 = arith.subf %gather3A_298, %gather3A_294 : vector<16xf32>
        %abs3A_300 = math.absf %sub3A_299 : vector<16xf32>
        %add3A_301 = arith.addf %add3A_290, %abs3A_300 : vector<16xf32>
        %add3A_302 = arith.constant 4 : i32
        %add3A_303 = vector.broadcast %add3A_302 : i32 to vector<16xi32>
        %add3A_304 = arith.addi %get3A_257, %add3A_303 : vector<16xi32>
        %gather3A_305 = tpu.vector_load_idx %arg28[%add3A_250, %add3A_304] : memref<128x128xf32, #tpu.memory_space<vmem>>[vector<16xi32>, vector<16xi32>], vector<16xf32>,
        %add3A_306 = arith.constant 4 : i32
        %add3A_307 = vector.broadcast %add3A_306 : i32 to vector<16xi32>
        %add3A_308 = arith.addi %get3A_259, %add3A_307 : vector<16xi32>
        %gather3A_309 = tpu.vector_load_idx %arg29[%add3A_250, %add3A_308] : memref<128x128xf32, #tpu.memory_space<vmem>>[vector<16xi32>, vector<16xi32>], vector<16xf32>,
        %sub3A_310 = arith.subf %gather3A_309, %gather3A_305 : vector<16xf32>
        %abs3A_311 = math.absf %sub3A_310 : vector<16xf32>
        %add3A_312 = arith.addf %add3A_301, %abs3A_311 : vector<16xf32>
        %add3A_313 = arith.constant 5 : i32
        %add3A_314 = vector.broadcast %add3A_313 : i32 to vector<16xi32>
        %add3A_315 = arith.addi %get3A_257, %add3A_314 : vector<16xi32>
        %gather3A_316 = tpu.vector_load_idx %arg28[%add3A_250, %add3A_315] : memref<128x128xf32, #tpu.memory_space<vmem>>[vector<16xi32>, vector<16xi32>], vector<16xf32>,
        %add3A_317 = arith.constant 5 : i32
        %add3A_318 = vector.broadcast %add3A_317 : i32 to vector<16xi32>
        %add3A_319 = arith.addi %get3A_259, %add3A_318 : vector<16xi32>
        %gather3A_320 = tpu.vector_load_idx %arg29[%add3A_250, %add3A_319] : memref<128x128xf32, #tpu.memory_space<vmem>>[vector<16xi32>, vector<16xi32>], vector<16xf32>,
        %sub3A_321 = arith.subf %gather3A_320, %gather3A_316 : vector<16xf32>
        %abs3A_322 = math.absf %sub3A_321 : vector<16xf32>
        %add3A_323 = arith.addf %add3A_312, %abs3A_322 : vector<16xf32>
        %add3A_324 = arith.constant 6 : i32
        %add3A_325 = vector.broadcast %add3A_324 : i32 to vector<16xi32>
        %add3A_326 = arith.addi %get3A_257, %add3A_325 : vector<16xi32>
        %gather3A_327 = tpu.vector_load_idx %arg28[%add3A_250, %add3A_326] : memref<128x128xf32, #tpu.memory_space<vmem>>[vector<16xi32>, vector<16xi32>], vector<16xf32>,
        %add3A_328 = arith.constant 6 : i32
        %add3A_329 = vector.broadcast %add3A_328 : i32 to vector<16xi32>
        %add3A_330 = arith.addi %get3A_259, %add3A_329 : vector<16xi32>
        %gather3A_331 = tpu.vector_load_idx %arg29[%add3A_250, %add3A_330] : memref<128x128xf32, #tpu.memory_space<vmem>>[vector<16xi32>, vector<16xi32>], vector<16xf32>,
        %sub3A_332 = arith.subf %gather3A_331, %gather3A_327 : vector<16xf32>
        %abs3A_333 = math.absf %sub3A_332 : vector<16xf32>
        %add3A_334 = arith.addf %add3A_323, %abs3A_333 : vector<16xf32>
        %add3A_335 = arith.constant 7 : i32
        %add3A_336 = vector.broadcast %add3A_335 : i32 to vector<16xi32>
        %add3A_337 = arith.addi %get3A_257, %add3A_336 : vector<16xi32>
        %gather3A_338 = tpu.vector_load_idx %arg28[%add3A_250, %add3A_337] : memref<128x128xf32, #tpu.memory_space<vmem>>[vector<16xi32>, vector<16xi32>], vector<16xf32>,
        %add3A_339 = arith.constant 7 : i32
        %add3A_340 = vector.broadcast %add3A_339 : i32 to vector<16xi32>
        %add3A_341 = arith.addi %get3A_259, %add3A_340 : vector<16xi32>
        %gather3A_342 = tpu.vector_load_idx %arg29[%add3A_250, %add3A_341] : memref<128x128xf32, #tpu.memory_space<vmem>>[vector<16xi32>, vector<16xi32>], vector<16xf32>,
        %sub3A_343 = arith.subf %gather3A_342, %gather3A_338 : vector<16xf32>
        %abs3A_344 = math.absf %sub3A_343 : vector<16xf32>
        %add3A_345 = arith.addf %add3A_334, %abs3A_344 : vector<16xf32>
        %add3A_346 = arith.constant 8 : i32
        %add3A_347 = vector.broadcast %add3A_346 : i32 to vector<16xi32>
        %add3A_348 = arith.addi %get3A_257, %add3A_347 : vector<16xi32>
        %gather3A_349 = tpu.vector_load_idx %arg28[%add3A_250, %add3A_348] : memref<128x128xf32, #tpu.memory_space<vmem>>[vector<16xi32>, vector<16xi32>], vector<16xf32>,
        %add3A_350 = arith.constant 8 : i32
        %add3A_351 = vector.broadcast %add3A_350 : i32 to vector<16xi32>
        %add3A_352 = arith.addi %get3A_259, %add3A_351 : vector<16xi32>
        %gather3A_353 = tpu.vector_load_idx %arg29[%add3A_250, %add3A_352] : memref<128x128xf32, #tpu.memory_space<vmem>>[vector<16xi32>, vector<16xi32>], vector<16xf32>,
        %sub3A_354 = arith.subf %gather3A_353, %gather3A_349 : vector<16xf32>
        %abs3A_355 = math.absf %sub3A_354 : vector<16xf32>
        %add3A_356 = arith.addf %add3A_345, %abs3A_355 : vector<16xf32>
        %add3A_357 = arith.constant 9 : i32
        %add3A_358 = vector.broadcast %add3A_357 : i32 to vector<16xi32>
        %add3A_359 = arith.addi %get3A_257, %add3A_358 : vector<16xi32>
        %gather3A_360 = tpu.vector_load_idx %arg28[%add3A_250, %add3A_359] : memref<128x128xf32, #tpu.memory_space<vmem>>[vector<16xi32>, vector<16xi32>], vector<16xf32>,
        %add3A_361 = arith.constant 9 : i32
        %add3A_362 = vector.broadcast %add3A_361 : i32 to vector<16xi32>
        %add3A_363 = arith.addi %get3A_259, %add3A_362 : vector<16xi32>
        %gather3A_364 = tpu.vector_load_idx %arg29[%add3A_250, %add3A_363] : memref<128x128xf32, #tpu.memory_space<vmem>>[vector<16xi32>, vector<16xi32>], vector<16xf32>,
        %sub3A_365 = arith.subf %gather3A_364, %gather3A_360 : vector<16xf32>
        %abs3A_366 = math.absf %sub3A_365 : vector<16xf32>
        %add3A_367 = arith.addf %add3A_356, %abs3A_366 : vector<16xf32>
        %add3A_368 = arith.constant 10 : i32
        %add3A_369 = vector.broadcast %add3A_368 : i32 to vector<16xi32>
        %add3A_370 = arith.addi %get3A_257, %add3A_369 : vector<16xi32>
        %gather3A_371 = tpu.vector_load_idx %arg28[%add3A_250, %add3A_370] : memref<128x128xf32, #tpu.memory_space<vmem>>[vector<16xi32>, vector<16xi32>], vector<16xf32>,
        %add3A_372 = arith.constant 10 : i32
        %add3A_373 = vector.broadcast %add3A_372 : i32 to vector<16xi32>
        %add3A_374 = arith.addi %get3A_259, %add3A_373 : vector<16xi32>
        %gather3A_375 = tpu.vector_load_idx %arg29[%add3A_250, %add3A_374] : memref<128x128xf32, #tpu.memory_space<vmem>>[vector<16xi32>, vector<16xi32>], vector<16xf32>,
        %sub3A_376 = arith.subf %gather3A_375, %gather3A_371 : vector<16xf32>
        %abs3A_377 = math.absf %sub3A_376 : vector<16xf32>
        %add3A_378 = arith.addf %add3A_367, %abs3A_377 : vector<16xf32>
        %add3A_379 = arith.constant 11 : i32
        %add3A_380 = vector.broadcast %add3A_379 : i32 to vector<16xi32>
        %add3A_381 = arith.addi %get3A_257, %add3A_380 : vector<16xi32>
        %gather3A_382 = tpu.vector_load_idx %arg28[%add3A_250, %add3A_381] : memref<128x128xf32, #tpu.memory_space<vmem>>[vector<16xi32>, vector<16xi32>], vector<16xf32>,
        %add3A_383 = arith.constant 11 : i32
        %add3A_384 = vector.broadcast %add3A_383 : i32 to vector<16xi32>
        %add3A_385 = arith.addi %get3A_259, %add3A_384 : vector<16xi32>
        %gather3A_386 = tpu.vector_load_idx %arg29[%add3A_250, %add3A_385] : memref<128x128xf32, #tpu.memory_space<vmem>>[vector<16xi32>, vector<16xi32>], vector<16xf32>,
        %sub3A_387 = arith.subf %gather3A_386, %gather3A_382 : vector<16xf32>
        %abs3A_388 = math.absf %sub3A_387 : vector<16xf32>
        %add3A_389 = arith.addf %add3A_378, %abs3A_388 : vector<16xf32>
        %add3A_390 = arith.constant 12 : i32
        %add3A_391 = vector.broadcast %add3A_390 : i32 to vector<16xi32>
        %add3A_392 = arith.addi %get3A_257, %add3A_391 : vector<16xi32>
        %gather3A_393 = tpu.vector_load_idx %arg28[%add3A_250, %add3A_392] : memref<128x128xf32, #tpu.memory_space<vmem>>[vector<16xi32>, vector<16xi32>], vector<16xf32>,
        %add3A_394 = arith.constant 12 : i32
        %add3A_395 = vector.broadcast %add3A_394 : i32 to vector<16xi32>
        %add3A_396 = arith.addi %get3A_259, %add3A_395 : vector<16xi32>
        %gather3A_397 = tpu.vector_load_idx %arg29[%add3A_250, %add3A_396] : memref<128x128xf32, #tpu.memory_space<vmem>>[vector<16xi32>, vector<16xi32>], vector<16xf32>,
        %sub3A_398 = arith.subf %gather3A_397, %gather3A_393 : vector<16xf32>
        %abs3A_399 = math.absf %sub3A_398 : vector<16xf32>
        %add3A_400 = arith.addf %add3A_389, %abs3A_399 : vector<16xf32>
        %add3A_401 = arith.constant 13 : i32
        %add3A_402 = vector.broadcast %add3A_401 : i32 to vector<16xi32>
        %add3A_403 = arith.addi %get3A_257, %add3A_402 : vector<16xi32>
        %gather3A_404 = tpu.vector_load_idx %arg28[%add3A_250, %add3A_403] : memref<128x128xf32, #tpu.memory_space<vmem>>[vector<16xi32>, vector<16xi32>], vector<16xf32>,
        %add3A_405 = arith.constant 13 : i32
        %add3A_406 = vector.broadcast %add3A_405 : i32 to vector<16xi32>
        %add3A_407 = arith.addi %get3A_259, %add3A_406 : vector<16xi32>
        %gather3A_408 = tpu.vector_load_idx %arg29[%add3A_250, %add3A_407] : memref<128x128xf32, #tpu.memory_space<vmem>>[vector<16xi32>, vector<16xi32>], vector<16xf32>,
        %sub3A_409 = arith.subf %gather3A_408, %gather3A_404 : vector<16xf32>
        %abs3A_410 = math.absf %sub3A_409 : vector<16xf32>
        %add3A_411 = arith.addf %add3A_400, %abs3A_410 : vector<16xf32>
        %add3A_412 = arith.constant 14 : i32
        %add3A_413 = vector.broadcast %add3A_412 : i32 to vector<16xi32>
        %add3A_414 = arith.addi %get3A_257, %add3A_413 : vector<16xi32>
        %gather3A_415 = tpu.vector_load_idx %arg28[%add3A_250, %add3A_414] : memref<128x128xf32, #tpu.memory_space<vmem>>[vector<16xi32>, vector<16xi32>], vector<16xf32>,
        %add3A_416 = arith.constant 14 : i32
        %add3A_417 = vector.broadcast %add3A_416 : i32 to vector<16xi32>
        %add3A_418 = arith.addi %get3A_259, %add3A_417 : vector<16xi32>
        %gather3A_419 = tpu.vector_load_idx %arg29[%add3A_250, %add3A_418] : memref<128x128xf32, #tpu.memory_space<vmem>>[vector<16xi32>, vector<16xi32>], vector<16xf32>,
        %sub3A_420 = arith.subf %gather3A_419, %gather3A_415 : vector<16xf32>
        %abs3A_421 = math.absf %sub3A_420 : vector<16xf32>
        %add3A_422 = arith.addf %add3A_411, %abs3A_421 : vector<16xf32>
        %add3A_423 = arith.constant 15 : i32
        %add3A_424 = vector.broadcast %add3A_423 : i32 to vector<16xi32>
        %add3A_425 = arith.addi %get3A_257, %add3A_424 : vector<16xi32>
        %gather3A_426 = tpu.vector_load_idx %arg28[%add3A_250, %add3A_425] : memref<128x128xf32, #tpu.memory_space<vmem>>[vector<16xi32>, vector<16xi32>], vector<16xf32>,
        %add3A_427 = arith.constant 15 : i32
        %add3A_428 = vector.broadcast %add3A_427 : i32 to vector<16xi32>
        %add3A_429 = arith.addi %get3A_259, %add3A_428 : vector<16xi32>
        %gather3A_430 = tpu.vector_load_idx %arg29[%add3A_250, %add3A_429] : memref<128x128xf32, #tpu.memory_space<vmem>>[vector<16xi32>, vector<16xi32>], vector<16xf32>,
        %sub3A_431 = arith.subf %gather3A_430, %gather3A_426 : vector<16xf32>
        %abs3A_432 = math.absf %sub3A_431 : vector<16xf32>
        %add3A_433 = arith.addf %add3A_422, %abs3A_432 : vector<16xf32>
        %add3A_434 = arith.constant 16 : i32
        %add3A_435 = vector.broadcast %add3A_434 : i32 to vector<16xi32>
        %add3A_436 = arith.addi %get3A_257, %add3A_435 : vector<16xi32>
        %gather3A_437 = tpu.vector_load_idx %arg28[%add3A_250, %add3A_436] : memref<128x128xf32, #tpu.memory_space<vmem>>[vector<16xi32>, vector<16xi32>], vector<16xf32>,
        %add3A_438 = arith.constant 16 : i32
        %add3A_439 = vector.broadcast %add3A_438 : i32 to vector<16xi32>
        %add3A_440 = arith.addi %get3A_259, %add3A_439 : vector<16xi32>
        %gather3A_441 = tpu.vector_load_idx %arg29[%add3A_250, %add3A_440] : memref<128x128xf32, #tpu.memory_space<vmem>>[vector<16xi32>, vector<16xi32>], vector<16xf32>,
        %sub3A_442 = arith.subf %gather3A_441, %gather3A_437 : vector<16xf32>
        %abs3A_443 = math.absf %sub3A_442 : vector<16xf32>
        %add3A_444 = arith.addf %add3A_433, %abs3A_443 : vector<16xf32>
        %add3A_445 = arith.constant 17 : i32
        %add3A_446 = vector.broadcast %add3A_445 : i32 to vector<16xi32>
        %add3A_447 = arith.addi %get3A_257, %add3A_446 : vector<16xi32>
        %gather3A_448 = tpu.vector_load_idx %arg28[%add3A_250, %add3A_447] : memref<128x128xf32, #tpu.memory_space<vmem>>[vector<16xi32>, vector<16xi32>], vector<16xf32>,
        %add3A_449 = arith.constant 17 : i32
        %add3A_450 = vector.broadcast %add3A_449 : i32 to vector<16xi32>
        %add3A_451 = arith.addi %get3A_259, %add3A_450 : vector<16xi32>
        %gather3A_452 = tpu.vector_load_idx %arg29[%add3A_250, %add3A_451] : memref<128x128xf32, #tpu.memory_space<vmem>>[vector<16xi32>, vector<16xi32>], vector<16xf32>,
        %sub3A_453 = arith.subf %gather3A_452, %gather3A_448 : vector<16xf32>
        %abs3A_454 = math.absf %sub3A_453 : vector<16xf32>
        %add3A_455 = arith.addf %add3A_444, %abs3A_454 : vector<16xf32>
        %add3A_456 = arith.constant 18 : i32
        %add3A_457 = vector.broadcast %add3A_456 : i32 to vector<16xi32>
        %add3A_458 = arith.addi %get3A_257, %add3A_457 : vector<16xi32>
        %gather3A_459 = tpu.vector_load_idx %arg28[%add3A_250, %add3A_458] : memref<128x128xf32, #tpu.memory_space<vmem>>[vector<16xi32>, vector<16xi32>], vector<16xf32>,
        %add3A_460 = arith.constant 18 : i32
        %add3A_461 = vector.broadcast %add3A_460 : i32 to vector<16xi32>
        %add3A_462 = arith.addi %get3A_259, %add3A_461 : vector<16xi32>
        %gather3A_463 = tpu.vector_load_idx %arg29[%add3A_250, %add3A_462] : memref<128x128xf32, #tpu.memory_space<vmem>>[vector<16xi32>, vector<16xi32>], vector<16xf32>,
        %sub3A_464 = arith.subf %gather3A_463, %gather3A_459 : vector<16xf32>
        %abs3A_465 = math.absf %sub3A_464 : vector<16xf32>
        %add3A_466 = arith.addf %add3A_455, %abs3A_465 : vector<16xf32>
        %add3A_467 = arith.constant 19 : i32
        %add3A_468 = vector.broadcast %add3A_467 : i32 to vector<16xi32>
        %add3A_469 = arith.addi %get3A_257, %add3A_468 : vector<16xi32>
        %gather3A_470 = tpu.vector_load_idx %arg28[%add3A_250, %add3A_469] : memref<128x128xf32, #tpu.memory_space<vmem>>[vector<16xi32>, vector<16xi32>], vector<16xf32>,
        %add3A_471 = arith.constant 19 : i32
        %add3A_472 = vector.broadcast %add3A_471 : i32 to vector<16xi32>
        %add3A_473 = arith.addi %get3A_259, %add3A_472 : vector<16xi32>
        %gather3A_474 = tpu.vector_load_idx %arg29[%add3A_250, %add3A_473] : memref<128x128xf32, #tpu.memory_space<vmem>>[vector<16xi32>, vector<16xi32>], vector<16xf32>,
        %sub3A_475 = arith.subf %gather3A_474, %gather3A_470 : vector<16xf32>
        %abs3A_476 = math.absf %sub3A_475 : vector<16xf32>
        %add3A_477 = arith.addf %add3A_466, %abs3A_476 : vector<16xf32>
        %add3A_478 = arith.constant 20 : i32
        %add3A_479 = vector.broadcast %add3A_478 : i32 to vector<16xi32>
        %add3A_480 = arith.addi %get3A_257, %add3A_479 : vector<16xi32>
        %gather3A_481 = tpu.vector_load_idx %arg28[%add3A_250, %add3A_480] : memref<128x128xf32, #tpu.memory_space<vmem>>[vector<16xi32>, vector<16xi32>], vector<16xf32>,
        %add3A_482 = arith.constant 20 : i32
        %add3A_483 = vector.broadcast %add3A_482 : i32 to vector<16xi32>
        %add3A_484 = arith.addi %get3A_259, %add3A_483 : vector<16xi32>
        %gather3A_485 = tpu.vector_load_idx %arg29[%add3A_250, %add3A_484] : memref<128x128xf32, #tpu.memory_space<vmem>>[vector<16xi32>, vector<16xi32>], vector<16xf32>,
        %sub3A_486 = arith.subf %gather3A_485, %gather3A_481 : vector<16xf32>
        %abs3A_487 = math.absf %sub3A_486 : vector<16xf32>
        %add3A_488 = arith.addf %add3A_477, %abs3A_487 : vector<16xf32>
        %add3A_489 = arith.constant 21 : i32
        %add3A_490 = vector.broadcast %add3A_489 : i32 to vector<16xi32>
        %add3A_491 = arith.addi %get3A_257, %add3A_490 : vector<16xi32>
        %gather3A_492 = tpu.vector_load_idx %arg28[%add3A_250, %add3A_491] : memref<128x128xf32, #tpu.memory_space<vmem>>[vector<16xi32>, vector<16xi32>], vector<16xf32>,
        %add3A_493 = arith.constant 21 : i32
        %add3A_494 = vector.broadcast %add3A_493 : i32 to vector<16xi32>
        %add3A_495 = arith.addi %get3A_259, %add3A_494 : vector<16xi32>
        %gather3A_496 = tpu.vector_load_idx %arg29[%add3A_250, %add3A_495] : memref<128x128xf32, #tpu.memory_space<vmem>>[vector<16xi32>, vector<16xi32>], vector<16xf32>,
        %sub3A_497 = arith.subf %gather3A_496, %gather3A_492 : vector<16xf32>
        %abs3A_498 = math.absf %sub3A_497 : vector<16xf32>
        %add3A_499 = arith.addf %add3A_488, %abs3A_498 : vector<16xf32>
        %add3A_500 = arith.constant 22 : i32
        %add3A_501 = vector.broadcast %add3A_500 : i32 to vector<16xi32>
        %add3A_502 = arith.addi %get3A_257, %add3A_501 : vector<16xi32>
        %gather3A_503 = tpu.vector_load_idx %arg28[%add3A_250, %add3A_502] : memref<128x128xf32, #tpu.memory_space<vmem>>[vector<16xi32>, vector<16xi32>], vector<16xf32>,
        %add3A_504 = arith.constant 22 : i32
        %add3A_505 = vector.broadcast %add3A_504 : i32 to vector<16xi32>
        %add3A_506 = arith.addi %get3A_259, %add3A_505 : vector<16xi32>
        %gather3A_507 = tpu.vector_load_idx %arg29[%add3A_250, %add3A_506] : memref<128x128xf32, #tpu.memory_space<vmem>>[vector<16xi32>, vector<16xi32>], vector<16xf32>,
        %sub3A_508 = arith.subf %gather3A_507, %gather3A_503 : vector<16xf32>
        %abs3A_509 = math.absf %sub3A_508 : vector<16xf32>
        %add3A_510 = arith.addf %add3A_499, %abs3A_509 : vector<16xf32>
        %add3A_511 = arith.constant 23 : i32
        %add3A_512 = vector.broadcast %add3A_511 : i32 to vector<16xi32>
        %add3A_513 = arith.addi %get3A_257, %add3A_512 : vector<16xi32>
        %gather3A_514 = tpu.vector_load_idx %arg28[%add3A_250, %add3A_513] : memref<128x128xf32, #tpu.memory_space<vmem>>[vector<16xi32>, vector<16xi32>], vector<16xf32>,
        %add3A_515 = arith.constant 23 : i32
        %add3A_516 = vector.broadcast %add3A_515 : i32 to vector<16xi32>
        %add3A_517 = arith.addi %get3A_259, %add3A_516 : vector<16xi32>
        %gather3A_518 = tpu.vector_load_idx %arg29[%add3A_250, %add3A_517] : memref<128x128xf32, #tpu.memory_space<vmem>>[vector<16xi32>, vector<16xi32>], vector<16xf32>,
        %sub3A_519 = arith.subf %gather3A_518, %gather3A_514 : vector<16xf32>
        %abs3A_520 = math.absf %sub3A_519 : vector<16xf32>
        %add3A_521 = arith.addf %add3A_510, %abs3A_520 : vector<16xf32>
        %add3A_522 = arith.constant 24 : i32
        %add3A_523 = vector.broadcast %add3A_522 : i32 to vector<16xi32>
        %add3A_524 = arith.addi %get3A_257, %add3A_523 : vector<16xi32>
        %gather3A_525 = tpu.vector_load_idx %arg28[%add3A_250, %add3A_524] : memref<128x128xf32, #tpu.memory_space<vmem>>[vector<16xi32>, vector<16xi32>], vector<16xf32>,
        %add3A_526 = arith.constant 24 : i32
        %add3A_527 = vector.broadcast %add3A_526 : i32 to vector<16xi32>
        %add3A_528 = arith.addi %get3A_259, %add3A_527 : vector<16xi32>
        %gather3A_529 = tpu.vector_load_idx %arg29[%add3A_250, %add3A_528] : memref<128x128xf32, #tpu.memory_space<vmem>>[vector<16xi32>, vector<16xi32>], vector<16xf32>,
        %sub3A_530 = arith.subf %gather3A_529, %gather3A_525 : vector<16xf32>
        %abs3A_531 = math.absf %sub3A_530 : vector<16xf32>
        %add3A_532 = arith.addf %add3A_521, %abs3A_531 : vector<16xf32>
        %add3A_533 = arith.constant 25 : i32
        %add3A_534 = vector.broadcast %add3A_533 : i32 to vector<16xi32>
        %add3A_535 = arith.addi %get3A_257, %add3A_534 : vector<16xi32>
        %gather3A_536 = tpu.vector_load_idx %arg28[%add3A_250, %add3A_535] : memref<128x128xf32, #tpu.memory_space<vmem>>[vector<16xi32>, vector<16xi32>], vector<16xf32>,
        %add3A_537 = arith.constant 25 : i32
        %add3A_538 = vector.broadcast %add3A_537 : i32 to vector<16xi32>
        %add3A_539 = arith.addi %get3A_259, %add3A_538 : vector<16xi32>
        %gather3A_540 = tpu.vector_load_idx %arg29[%add3A_250, %add3A_539] : memref<128x128xf32, #tpu.memory_space<vmem>>[vector<16xi32>, vector<16xi32>], vector<16xf32>,
        %sub3A_541 = arith.subf %gather3A_540, %gather3A_536 : vector<16xf32>
        %abs3A_542 = math.absf %sub3A_541 : vector<16xf32>
        %add3A_543 = arith.addf %add3A_532, %abs3A_542 : vector<16xf32>
        %add3A_544 = arith.constant 26 : i32
        %add3A_545 = vector.broadcast %add3A_544 : i32 to vector<16xi32>
        %add3A_546 = arith.addi %get3A_257, %add3A_545 : vector<16xi32>
        %gather3A_547 = tpu.vector_load_idx %arg28[%add3A_250, %add3A_546] : memref<128x128xf32, #tpu.memory_space<vmem>>[vector<16xi32>, vector<16xi32>], vector<16xf32>,
        %add3A_548 = arith.constant 26 : i32
        %add3A_549 = vector.broadcast %add3A_548 : i32 to vector<16xi32>
        %add3A_550 = arith.addi %get3A_259, %add3A_549 : vector<16xi32>
        %gather3A_551 = tpu.vector_load_idx %arg29[%add3A_250, %add3A_550] : memref<128x128xf32, #tpu.memory_space<vmem>>[vector<16xi32>, vector<16xi32>], vector<16xf32>,
        %sub3A_552 = arith.subf %gather3A_551, %gather3A_547 : vector<16xf32>
        %abs3A_553 = math.absf %sub3A_552 : vector<16xf32>
        %add3A_554 = arith.addf %add3A_543, %abs3A_553 : vector<16xf32>
        %add3A_555 = arith.constant 27 : i32
        %add3A_556 = vector.broadcast %add3A_555 : i32 to vector<16xi32>
        %add3A_557 = arith.addi %get3A_257, %add3A_556 : vector<16xi32>
        %gather3A_558 = tpu.vector_load_idx %arg28[%add3A_250, %add3A_557] : memref<128x128xf32, #tpu.memory_space<vmem>>[vector<16xi32>, vector<16xi32>], vector<16xf32>,
        %add3A_559 = arith.constant 27 : i32
        %add3A_560 = vector.broadcast %add3A_559 : i32 to vector<16xi32>
        %add3A_561 = arith.addi %get3A_259, %add3A_560 : vector<16xi32>
        %gather3A_562 = tpu.vector_load_idx %arg29[%add3A_250, %add3A_561] : memref<128x128xf32, #tpu.memory_space<vmem>>[vector<16xi32>, vector<16xi32>], vector<16xf32>,
        %sub3A_563 = arith.subf %gather3A_562, %gather3A_558 : vector<16xf32>
        %abs3A_564 = math.absf %sub3A_563 : vector<16xf32>
        %add3A_565 = arith.addf %add3A_554, %abs3A_564 : vector<16xf32>
        %add3A_566 = arith.constant 28 : i32
        %add3A_567 = vector.broadcast %add3A_566 : i32 to vector<16xi32>
        %add3A_568 = arith.addi %get3A_257, %add3A_567 : vector<16xi32>
        %gather3A_569 = tpu.vector_load_idx %arg28[%add3A_250, %add3A_568] : memref<128x128xf32, #tpu.memory_space<vmem>>[vector<16xi32>, vector<16xi32>], vector<16xf32>,
        %add3A_570 = arith.constant 28 : i32
        %add3A_571 = vector.broadcast %add3A_570 : i32 to vector<16xi32>
        %add3A_572 = arith.addi %get3A_259, %add3A_571 : vector<16xi32>
        %gather3A_573 = tpu.vector_load_idx %arg29[%add3A_250, %add3A_572] : memref<128x128xf32, #tpu.memory_space<vmem>>[vector<16xi32>, vector<16xi32>], vector<16xf32>,
        %sub3A_574 = arith.subf %gather3A_573, %gather3A_569 : vector<16xf32>
        %abs3A_575 = math.absf %sub3A_574 : vector<16xf32>
        %add3A_576 = arith.addf %add3A_565, %abs3A_575 : vector<16xf32>
        %add3A_577 = arith.constant 29 : i32
        %add3A_578 = vector.broadcast %add3A_577 : i32 to vector<16xi32>
        %add3A_579 = arith.addi %get3A_257, %add3A_578 : vector<16xi32>
        %gather3A_580 = tpu.vector_load_idx %arg28[%add3A_250, %add3A_579] : memref<128x128xf32, #tpu.memory_space<vmem>>[vector<16xi32>, vector<16xi32>], vector<16xf32>,
        %add3A_581 = arith.constant 29 : i32
        %add3A_582 = vector.broadcast %add3A_581 : i32 to vector<16xi32>
        %add3A_583 = arith.addi %get3A_259, %add3A_582 : vector<16xi32>
        %gather3A_584 = tpu.vector_load_idx %arg29[%add3A_250, %add3A_583] : memref<128x128xf32, #tpu.memory_space<vmem>>[vector<16xi32>, vector<16xi32>], vector<16xf32>,
        %sub3A_585 = arith.subf %gather3A_584, %gather3A_580 : vector<16xf32>
        %abs3A_586 = math.absf %sub3A_585 : vector<16xf32>
        %add3A_587 = arith.addf %add3A_576, %abs3A_586 : vector<16xf32>
        %add3A_588 = arith.constant 30 : i32
        %add3A_589 = vector.broadcast %add3A_588 : i32 to vector<16xi32>
        %add3A_590 = arith.addi %get3A_257, %add3A_589 : vector<16xi32>
        %gather3A_591 = tpu.vector_load_idx %arg28[%add3A_250, %add3A_590] : memref<128x128xf32, #tpu.memory_space<vmem>>[vector<16xi32>, vector<16xi32>], vector<16xf32>,
        %add3A_592 = arith.constant 30 : i32
        %add3A_593 = vector.broadcast %add3A_592 : i32 to vector<16xi32>
        %add3A_594 = arith.addi %get3A_259, %add3A_593 : vector<16xi32>
        %gather3A_595 = tpu.vector_load_idx %arg29[%add3A_250, %add3A_594] : memref<128x128xf32, #tpu.memory_space<vmem>>[vector<16xi32>, vector<16xi32>], vector<16xf32>,
        %sub3A_596 = arith.subf %gather3A_595, %gather3A_591 : vector<16xf32>
        %abs3A_597 = math.absf %sub3A_596 : vector<16xf32>
        %add3A_598 = arith.addf %add3A_587, %abs3A_597 : vector<16xf32>
        %add3A_599 = arith.constant 31 : i32
        %add3A_600 = vector.broadcast %add3A_599 : i32 to vector<16xi32>
        %add3A_601 = arith.addi %get3A_257, %add3A_600 : vector<16xi32>
        %gather3A_602 = tpu.vector_load_idx %arg28[%add3A_250, %add3A_601] : memref<128x128xf32, #tpu.memory_space<vmem>>[vector<16xi32>, vector<16xi32>], vector<16xf32>,
        %add3A_603 = arith.constant 31 : i32
        %add3A_604 = vector.broadcast %add3A_603 : i32 to vector<16xi32>
        %add3A_605 = arith.addi %get3A_259, %add3A_604 : vector<16xi32>
        %gather3A_606 = tpu.vector_load_idx %arg29[%add3A_250, %add3A_605] : memref<128x128xf32, #tpu.memory_space<vmem>>[vector<16xi32>, vector<16xi32>], vector<16xf32>,
        %sub3A_607 = arith.subf %gather3A_606, %gather3A_602 : vector<16xf32>
        %abs3A_608 = math.absf %sub3A_607 : vector<16xf32>
        %add3A_609 = arith.addf %add3A_598, %abs3A_608 : vector<16xf32>
        %swap3A = arith.index_cast %add3A_255 : i32 to index
        %swap3A_610 = tpu.vector_load %arg33[%swap3A] {strides = array<i32>} : memref<512xf32, #tpu.memory_space<vmem>>, vector<16xf32>,
        tpu.vector_store %arg33[%swap3A], %add3A_609 {strides = array<i32>} : memref<512xf32, #tpu.memory_space<vmem>>, vector<16xf32>,
      }
      %scan3A_245 = arith.constant 8 : i32
    }
    %scan3A_199 = arith.constant 4 : i32
    %get3A = arith.constant 0 : index
    %get3A_200 = tpu.vector_load %arg34[%get3A] {strides = array<i32>} : memref<16xf32, #tpu.memory_space<vmem>>, vector<16xf32>,
    %get3A_201 = arith.constant 0 : index
    %get3A_202 = tpu.vector_load %arg35[%get3A_201] {strides = array<i32>} : memref<16xf32, #tpu.memory_space<vmem>>, vector<16xf32>,
    %get3A_203 = arith.constant 0 : index
    %get3A_204 = tpu.vector_load %arg36[%get3A_203] {strides = array<i32>} : memref<16xf32, #tpu.memory_space<vmem>>, vector<16xf32>,
    %get3A_205 = arith.constant 0 : index
    %get3A_206 = tpu.vector_load %arg37[%get3A_205] {strides = array<i32>} : memref<16xf32, #tpu.memory_space<vmem>>, vector<16xf32>,
    %get3A_207 = arith.constant 0 : index
    %get3A_208 = tpu.vector_load %arg38[%get3A_207] {strides = array<i32>} : memref<16xf32, #tpu.memory_space<vmem>>, vector<16xf32>,
    %scan3A_209 = arith.constant 0 : i32
    %scan3A_210 = arith.constant 0 : i32
    %scan3A_211 = arith.constant 32 : i32
    %scan3A_212 = arith.addi %scan3A_210, %scan3A_211 : i32
    %scan3A_213 = arith.constant 1 : i32
    scf.for %scan3A_215 = %scan3A_210 to %scan3A_212 step %scan3A_213  : i32 {
      %mul3A_216 = arith.constant 16 : i32
      %mul3A_217 = arith.muli %scan3A_215, %mul3A_216 : i32
      %add3A_218 = vector.broadcast %mul3A_217 : i32 to vector<16xi32>
      %add3A_219 = arith.addi %iota3A, %add3A_218 : vector<16xi32>
      %mul3A_220 = arith.constant 50 : i32
      %mul3A_221 = vector.broadcast %mul3A_220 : i32 to vector<16xi32>
      %mul3A_222 = arith.muli %add3A_219, %mul3A_221 : vector<16xi32>
      %broadcast_in_dim3A = arith.constant 0.000000e+00 : f32
      %broadcast_in_dim3A_223 = vector.broadcast %broadcast_in_dim3A : f32 to vector<16xf32>
      %add3A_224 = arith.constant 0 : i32
      %add3A_225 = vector.broadcast %add3A_224 : i32 to vector<16xi32>
      %add3A_226 = arith.addi %mul3A_222, %add3A_225 : vector<16xi32>
      %gather3A = tpu.vector_load_idx %arg27[%add3A_226] : memref<25600xf32, #tpu.memory_space<vmem>>[vector<16xi32>], vector<16xf32>,
      %gt3A = arith.constant 0.000000e+00 : f32
      %gt3A_227 = vector.broadcast %gt3A : f32 to vector<16xf32>
      %gt3A_228 = arith.cmpf ogt, %gather3A, %gt3A_227 : vector<16xf32>
      %jit3A = arith.constant 0.000000e+00 : f32
      %broadcast_in_dim3A_229 = vector.broadcast %jit3A : f32 to vector<16xf32>
      %select_n3A = arith.select %gt3A_228, %gather3A, %broadcast_in_dim3A_229 : vector<16xi1>, vector<16xf32>
      %add3A_230 = arith.addf %select_n3A, %get3A_200 : vector<16xf32>
      %bitcast3A = vector.bitcast %add3A_230 : vector<16xf32> to vector<16xi32>
      %shift_right_arithmetic3A = arith.constant 1 : i32
      %shift_right_arithmetic3A_231 = vector.broadcast %shift_right_arithmetic3A : i32 to vector<16xi32>
      %shift_right_arithmetic3A_232 = arith.shrsi %bitcast3A, %shift_right_arithmetic3A_231 : vector<16xi32>
      %sub3A = arith.constant 1597463007 : i32
      %sub3A_233 = vector.broadcast %sub3A : i32 to vector<16xi32>
      %sub3A_234 = arith.subi %sub3A_233, %shift_right_arithmetic3A_232 : vector<16xi32>
      %bitcast3A_235 = vector.bitcast %sub3A_234 : vector<16xi32> to vector<16xf32>
      %mul3A_236 = arith.constant -5.000000e-01 : f32
      %mul3A_237 = vector.broadcast %mul3A_236 : f32 to vector<16xf32>
      %mul3A_238 = arith.mulf %add3A_230, %mul3A_237 : vector<16xf32>
      %mul3A_239 = arith.mulf %mul3A_238, %bitcast3A_235 : vector<16xf32>
      %mul3A_240 = arith.mulf %mul3A_239, %bitcast3A_235 : vector<16xf32>
      %add3A_241 = arith.constant 1.500000e+00 : f32
      %add3A_242 = vector.broadcast %add3A_241 : f32 to vector<16xf32>
      %add3A_243 = arith.addf %add3A_242, %mul3A_240 : vector<16xf32>
      %mul3A_244 = arith.mulf %bitcast3A_235, %add3A_243 : vector<16xf32>
      %mul3A_245 = arith.mulf %mul3A_238, %mul3A_244 : vector<16xf32>
      %mul3A_246 = arith.mulf %mul3A_245, %mul3A_244 : vector<16xf32>
      %add3A_247 = arith.constant 1.500000e+00 : f32
      %add3A_248 = vector.broadcast %add3A_247 : f32 to vector<16xf32>
      %add3A_249 = arith.addf %add3A_248, %mul3A_246 : vector<16xf32>
      %mul3A_250 = arith.mulf %mul3A_244, %add3A_249 : vector<16xf32>
      %mul3A_251 = arith.mulf %mul3A_238, %mul3A_250 : vector<16xf32>
      %mul3A_252 = arith.mulf %mul3A_251, %mul3A_250 : vector<16xf32>
      %add3A_253 = arith.constant 1.500000e+00 : f32
      %add3A_254 = vector.broadcast %add3A_253 : f32 to vector<16xf32>
      %add3A_255 = arith.addf %add3A_254, %mul3A_252 : vector<16xf32>
      %mul3A_256 = arith.mulf %mul3A_250, %add3A_255 : vector<16xf32>
      %jit3A_257 = arith.constant 0.000000e+00 : f32
      %broadcast_in_dim3A_258 = vector.broadcast %jit3A_257 : f32 to vector<16xf32>
      %select_n3A_259 = arith.select %gt3A_228, %mul3A_256, %broadcast_in_dim3A_258 : vector<16xi1>, vector<16xf32>
      %add3A_260 = arith.addf %broadcast_in_dim3A_223, %select_n3A_259 : vector<16xf32>
      %add3A_261 = arith.constant 1 : i32
      %add3A_262 = vector.broadcast %add3A_261 : i32 to vector<16xi32>
      %add3A_263 = arith.addi %mul3A_222, %add3A_262 : vector<16xi32>
      %gather3A_264 = tpu.vector_load_idx %arg27[%add3A_263] : memref<25600xf32, #tpu.memory_space<vmem>>[vector<16xi32>], vector<16xf32>,
      %gt3A_265 = arith.constant 0.000000e+00 : f32
      %gt3A_266 = vector.broadcast %gt3A_265 : f32 to vector<16xf32>
      %gt3A_267 = arith.cmpf ogt, %gather3A_264, %gt3A_266 : vector<16xf32>
      %jit3A_268 = arith.constant 0.000000e+00 : f32
      %broadcast_in_dim3A_269 = vector.broadcast %jit3A_268 : f32 to vector<16xf32>
      %select_n3A_270 = arith.select %gt3A_267, %gather3A_264, %broadcast_in_dim3A_269 : vector<16xi1>, vector<16xf32>
      %add3A_271 = arith.addf %select_n3A_270, %get3A_200 : vector<16xf32>
      %bitcast3A_272 = vector.bitcast %add3A_271 : vector<16xf32> to vector<16xi32>
      %shift_right_arithmetic3A_273 = arith.constant 1 : i32
      %shift_right_arithmetic3A_274 = vector.broadcast %shift_right_arithmetic3A_273 : i32 to vector<16xi32>
      %shift_right_arithmetic3A_275 = arith.shrsi %bitcast3A_272, %shift_right_arithmetic3A_274 : vector<16xi32>
      %sub3A_276 = arith.constant 1597463007 : i32
      %sub3A_277 = vector.broadcast %sub3A_276 : i32 to vector<16xi32>
      %sub3A_278 = arith.subi %sub3A_277, %shift_right_arithmetic3A_275 : vector<16xi32>
      %bitcast3A_279 = vector.bitcast %sub3A_278 : vector<16xi32> to vector<16xf32>
      %mul3A_280 = arith.constant -5.000000e-01 : f32
      %mul3A_281 = vector.broadcast %mul3A_280 : f32 to vector<16xf32>
      %mul3A_282 = arith.mulf %add3A_271, %mul3A_281 : vector<16xf32>
      %mul3A_283 = arith.mulf %mul3A_282, %bitcast3A_279 : vector<16xf32>
      %mul3A_284 = arith.mulf %mul3A_283, %bitcast3A_279 : vector<16xf32>
      %add3A_285 = arith.constant 1.500000e+00 : f32
      %add3A_286 = vector.broadcast %add3A_285 : f32 to vector<16xf32>
      %add3A_287 = arith.addf %add3A_286, %mul3A_284 : vector<16xf32>
      %mul3A_288 = arith.mulf %bitcast3A_279, %add3A_287 : vector<16xf32>
      %mul3A_289 = arith.mulf %mul3A_282, %mul3A_288 : vector<16xf32>
      %mul3A_290 = arith.mulf %mul3A_289, %mul3A_288 : vector<16xf32>
      %add3A_291 = arith.constant 1.500000e+00 : f32
      %add3A_292 = vector.broadcast %add3A_291 : f32 to vector<16xf32>
      %add3A_293 = arith.addf %add3A_292, %mul3A_290 : vector<16xf32>
      %mul3A_294 = arith.mulf %mul3A_288, %add3A_293 : vector<16xf32>
      %mul3A_295 = arith.mulf %mul3A_282, %mul3A_294 : vector<16xf32>
      %mul3A_296 = arith.mulf %mul3A_295, %mul3A_294 : vector<16xf32>
      %add3A_297 = arith.constant 1.500000e+00 : f32
      %add3A_298 = vector.broadcast %add3A_297 : f32 to vector<16xf32>
      %add3A_299 = arith.addf %add3A_298, %mul3A_296 : vector<16xf32>
      %mul3A_300 = arith.mulf %mul3A_294, %add3A_299 : vector<16xf32>
      %jit3A_301 = arith.constant 0.000000e+00 : f32
      %broadcast_in_dim3A_302 = vector.broadcast %jit3A_301 : f32 to vector<16xf32>
      %select_n3A_303 = arith.select %gt3A_267, %mul3A_300, %broadcast_in_dim3A_302 : vector<16xi1>, vector<16xf32>
      %add3A_304 = arith.addf %add3A_260, %select_n3A_303 : vector<16xf32>
      %add3A_305 = arith.constant 2 : i32
      %add3A_306 = vector.broadcast %add3A_305 : i32 to vector<16xi32>
      %add3A_307 = arith.addi %mul3A_222, %add3A_306 : vector<16xi32>
      %gather3A_308 = tpu.vector_load_idx %arg27[%add3A_307] : memref<25600xf32, #tpu.memory_space<vmem>>[vector<16xi32>], vector<16xf32>,
      %gt3A_309 = arith.constant 0.000000e+00 : f32
      %gt3A_310 = vector.broadcast %gt3A_309 : f32 to vector<16xf32>
      %gt3A_311 = arith.cmpf ogt, %gather3A_308, %gt3A_310 : vector<16xf32>
      %jit3A_312 = arith.constant 0.000000e+00 : f32
      %broadcast_in_dim3A_313 = vector.broadcast %jit3A_312 : f32 to vector<16xf32>
      %select_n3A_314 = arith.select %gt3A_311, %gather3A_308, %broadcast_in_dim3A_313 : vector<16xi1>, vector<16xf32>
      %add3A_315 = arith.addf %select_n3A_314, %get3A_200 : vector<16xf32>
      %bitcast3A_316 = vector.bitcast %add3A_315 : vector<16xf32> to vector<16xi32>
      %shift_right_arithmetic3A_317 = arith.constant 1 : i32
      %shift_right_arithmetic3A_318 = vector.broadcast %shift_right_arithmetic3A_317 : i32 to vector<16xi32>
      %shift_right_arithmetic3A_319 = arith.shrsi %bitcast3A_316, %shift_right_arithmetic3A_318 : vector<16xi32>
      %sub3A_320 = arith.constant 1597463007 : i32
      %sub3A_321 = vector.broadcast %sub3A_320 : i32 to vector<16xi32>
      %sub3A_322 = arith.subi %sub3A_321, %shift_right_arithmetic3A_319 : vector<16xi32>
      %bitcast3A_323 = vector.bitcast %sub3A_322 : vector<16xi32> to vector<16xf32>
      %mul3A_324 = arith.constant -5.000000e-01 : f32
      %mul3A_325 = vector.broadcast %mul3A_324 : f32 to vector<16xf32>
      %mul3A_326 = arith.mulf %add3A_315, %mul3A_325 : vector<16xf32>
      %mul3A_327 = arith.mulf %mul3A_326, %bitcast3A_323 : vector<16xf32>
      %mul3A_328 = arith.mulf %mul3A_327, %bitcast3A_323 : vector<16xf32>
      %add3A_329 = arith.constant 1.500000e+00 : f32
      %add3A_330 = vector.broadcast %add3A_329 : f32 to vector<16xf32>
      %add3A_331 = arith.addf %add3A_330, %mul3A_328 : vector<16xf32>
      %mul3A_332 = arith.mulf %bitcast3A_323, %add3A_331 : vector<16xf32>
      %mul3A_333 = arith.mulf %mul3A_326, %mul3A_332 : vector<16xf32>
      %mul3A_334 = arith.mulf %mul3A_333, %mul3A_332 : vector<16xf32>
      %add3A_335 = arith.constant 1.500000e+00 : f32
      %add3A_336 = vector.broadcast %add3A_335 : f32 to vector<16xf32>
      %add3A_337 = arith.addf %add3A_336, %mul3A_334 : vector<16xf32>
      %mul3A_338 = arith.mulf %mul3A_332, %add3A_337 : vector<16xf32>
      %mul3A_339 = arith.mulf %mul3A_326, %mul3A_338 : vector<16xf32>
      %mul3A_340 = arith.mulf %mul3A_339, %mul3A_338 : vector<16xf32>
      %add3A_341 = arith.constant 1.500000e+00 : f32
      %add3A_342 = vector.broadcast %add3A_341 : f32 to vector<16xf32>
      %add3A_343 = arith.addf %add3A_342, %mul3A_340 : vector<16xf32>
      %mul3A_344 = arith.mulf %mul3A_338, %add3A_343 : vector<16xf32>
      %jit3A_345 = arith.constant 0.000000e+00 : f32
      %broadcast_in_dim3A_346 = vector.broadcast %jit3A_345 : f32 to vector<16xf32>
      %select_n3A_347 = arith.select %gt3A_311, %mul3A_344, %broadcast_in_dim3A_346 : vector<16xi1>, vector<16xf32>
      %add3A_348 = arith.addf %add3A_304, %select_n3A_347 : vector<16xf32>
      %add3A_349 = arith.constant 3 : i32
      %add3A_350 = vector.broadcast %add3A_349 : i32 to vector<16xi32>
      %add3A_351 = arith.addi %mul3A_222, %add3A_350 : vector<16xi32>
      %gather3A_352 = tpu.vector_load_idx %arg27[%add3A_351] : memref<25600xf32, #tpu.memory_space<vmem>>[vector<16xi32>], vector<16xf32>,
      %gt3A_353 = arith.constant 0.000000e+00 : f32
      %gt3A_354 = vector.broadcast %gt3A_353 : f32 to vector<16xf32>
      %gt3A_355 = arith.cmpf ogt, %gather3A_352, %gt3A_354 : vector<16xf32>
      %jit3A_356 = arith.constant 0.000000e+00 : f32
      %broadcast_in_dim3A_357 = vector.broadcast %jit3A_356 : f32 to vector<16xf32>
      %select_n3A_358 = arith.select %gt3A_355, %gather3A_352, %broadcast_in_dim3A_357 : vector<16xi1>, vector<16xf32>
      %add3A_359 = arith.addf %select_n3A_358, %get3A_200 : vector<16xf32>
      %bitcast3A_360 = vector.bitcast %add3A_359 : vector<16xf32> to vector<16xi32>
      %shift_right_arithmetic3A_361 = arith.constant 1 : i32
      %shift_right_arithmetic3A_362 = vector.broadcast %shift_right_arithmetic3A_361 : i32 to vector<16xi32>
      %shift_right_arithmetic3A_363 = arith.shrsi %bitcast3A_360, %shift_right_arithmetic3A_362 : vector<16xi32>
      %sub3A_364 = arith.constant 1597463007 : i32
      %sub3A_365 = vector.broadcast %sub3A_364 : i32 to vector<16xi32>
      %sub3A_366 = arith.subi %sub3A_365, %shift_right_arithmetic3A_363 : vector<16xi32>
      %bitcast3A_367 = vector.bitcast %sub3A_366 : vector<16xi32> to vector<16xf32>
      %mul3A_368 = arith.constant -5.000000e-01 : f32
      %mul3A_369 = vector.broadcast %mul3A_368 : f32 to vector<16xf32>
      %mul3A_370 = arith.mulf %add3A_359, %mul3A_369 : vector<16xf32>
      %mul3A_371 = arith.mulf %mul3A_370, %bitcast3A_367 : vector<16xf32>
      %mul3A_372 = arith.mulf %mul3A_371, %bitcast3A_367 : vector<16xf32>
      %add3A_373 = arith.constant 1.500000e+00 : f32
      %add3A_374 = vector.broadcast %add3A_373 : f32 to vector<16xf32>
      %add3A_375 = arith.addf %add3A_374, %mul3A_372 : vector<16xf32>
      %mul3A_376 = arith.mulf %bitcast3A_367, %add3A_375 : vector<16xf32>
      %mul3A_377 = arith.mulf %mul3A_370, %mul3A_376 : vector<16xf32>
      %mul3A_378 = arith.mulf %mul3A_377, %mul3A_376 : vector<16xf32>
      %add3A_379 = arith.constant 1.500000e+00 : f32
      %add3A_380 = vector.broadcast %add3A_379 : f32 to vector<16xf32>
      %add3A_381 = arith.addf %add3A_380, %mul3A_378 : vector<16xf32>
      %mul3A_382 = arith.mulf %mul3A_376, %add3A_381 : vector<16xf32>
      %mul3A_383 = arith.mulf %mul3A_370, %mul3A_382 : vector<16xf32>
      %mul3A_384 = arith.mulf %mul3A_383, %mul3A_382 : vector<16xf32>
      %add3A_385 = arith.constant 1.500000e+00 : f32
      %add3A_386 = vector.broadcast %add3A_385 : f32 to vector<16xf32>
      %add3A_387 = arith.addf %add3A_386, %mul3A_384 : vector<16xf32>
      %mul3A_388 = arith.mulf %mul3A_382, %add3A_387 : vector<16xf32>
      %jit3A_389 = arith.constant 0.000000e+00 : f32
      %broadcast_in_dim3A_390 = vector.broadcast %jit3A_389 : f32 to vector<16xf32>
      %select_n3A_391 = arith.select %gt3A_355, %mul3A_388, %broadcast_in_dim3A_390 : vector<16xi1>, vector<16xf32>
      %add3A_392 = arith.addf %add3A_348, %select_n3A_391 : vector<16xf32>
      %add3A_393 = arith.constant 4 : i32
      %add3A_394 = vector.broadcast %add3A_393 : i32 to vector<16xi32>
      %add3A_395 = arith.addi %mul3A_222, %add3A_394 : vector<16xi32>
      %gather3A_396 = tpu.vector_load_idx %arg27[%add3A_395] : memref<25600xf32, #tpu.memory_space<vmem>>[vector<16xi32>], vector<16xf32>,
      %gt3A_397 = arith.constant 0.000000e+00 : f32
      %gt3A_398 = vector.broadcast %gt3A_397 : f32 to vector<16xf32>
      %gt3A_399 = arith.cmpf ogt, %gather3A_396, %gt3A_398 : vector<16xf32>
      %jit3A_400 = arith.constant 0.000000e+00 : f32
      %broadcast_in_dim3A_401 = vector.broadcast %jit3A_400 : f32 to vector<16xf32>
      %select_n3A_402 = arith.select %gt3A_399, %gather3A_396, %broadcast_in_dim3A_401 : vector<16xi1>, vector<16xf32>
      %add3A_403 = arith.addf %select_n3A_402, %get3A_200 : vector<16xf32>
      %bitcast3A_404 = vector.bitcast %add3A_403 : vector<16xf32> to vector<16xi32>
      %shift_right_arithmetic3A_405 = arith.constant 1 : i32
      %shift_right_arithmetic3A_406 = vector.broadcast %shift_right_arithmetic3A_405 : i32 to vector<16xi32>
      %shift_right_arithmetic3A_407 = arith.shrsi %bitcast3A_404, %shift_right_arithmetic3A_406 : vector<16xi32>
      %sub3A_408 = arith.constant 1597463007 : i32
      %sub3A_409 = vector.broadcast %sub3A_408 : i32 to vector<16xi32>
      %sub3A_410 = arith.subi %sub3A_409, %shift_right_arithmetic3A_407 : vector<16xi32>
      %bitcast3A_411 = vector.bitcast %sub3A_410 : vector<16xi32> to vector<16xf32>
      %mul3A_412 = arith.constant -5.000000e-01 : f32
      %mul3A_413 = vector.broadcast %mul3A_412 : f32 to vector<16xf32>
      %mul3A_414 = arith.mulf %add3A_403, %mul3A_413 : vector<16xf32>
      %mul3A_415 = arith.mulf %mul3A_414, %bitcast3A_411 : vector<16xf32>
      %mul3A_416 = arith.mulf %mul3A_415, %bitcast3A_411 : vector<16xf32>
      %add3A_417 = arith.constant 1.500000e+00 : f32
      %add3A_418 = vector.broadcast %add3A_417 : f32 to vector<16xf32>
      %add3A_419 = arith.addf %add3A_418, %mul3A_416 : vector<16xf32>
      %mul3A_420 = arith.mulf %bitcast3A_411, %add3A_419 : vector<16xf32>
      %mul3A_421 = arith.mulf %mul3A_414, %mul3A_420 : vector<16xf32>
      %mul3A_422 = arith.mulf %mul3A_421, %mul3A_420 : vector<16xf32>
      %add3A_423 = arith.constant 1.500000e+00 : f32
      %add3A_424 = vector.broadcast %add3A_423 : f32 to vector<16xf32>
      %add3A_425 = arith.addf %add3A_424, %mul3A_422 : vector<16xf32>
      %mul3A_426 = arith.mulf %mul3A_420, %add3A_425 : vector<16xf32>
      %mul3A_427 = arith.mulf %mul3A_414, %mul3A_426 : vector<16xf32>
      %mul3A_428 = arith.mulf %mul3A_427, %mul3A_426 : vector<16xf32>
      %add3A_429 = arith.constant 1.500000e+00 : f32
      %add3A_430 = vector.broadcast %add3A_429 : f32 to vector<16xf32>
      %add3A_431 = arith.addf %add3A_430, %mul3A_428 : vector<16xf32>
      %mul3A_432 = arith.mulf %mul3A_426, %add3A_431 : vector<16xf32>
      %jit3A_433 = arith.constant 0.000000e+00 : f32
      %broadcast_in_dim3A_434 = vector.broadcast %jit3A_433 : f32 to vector<16xf32>
      %select_n3A_435 = arith.select %gt3A_399, %mul3A_432, %broadcast_in_dim3A_434 : vector<16xi1>, vector<16xf32>
      %add3A_436 = arith.addf %add3A_392, %select_n3A_435 : vector<16xf32>
      %add3A_437 = arith.constant 5 : i32
      %add3A_438 = vector.broadcast %add3A_437 : i32 to vector<16xi32>
      %add3A_439 = arith.addi %mul3A_222, %add3A_438 : vector<16xi32>
      %gather3A_440 = tpu.vector_load_idx %arg27[%add3A_439] : memref<25600xf32, #tpu.memory_space<vmem>>[vector<16xi32>], vector<16xf32>,
      %gt3A_441 = arith.constant 0.000000e+00 : f32
      %gt3A_442 = vector.broadcast %gt3A_441 : f32 to vector<16xf32>
      %gt3A_443 = arith.cmpf ogt, %gather3A_440, %gt3A_442 : vector<16xf32>
      %jit3A_444 = arith.constant 0.000000e+00 : f32
      %broadcast_in_dim3A_445 = vector.broadcast %jit3A_444 : f32 to vector<16xf32>
      %select_n3A_446 = arith.select %gt3A_443, %gather3A_440, %broadcast_in_dim3A_445 : vector<16xi1>, vector<16xf32>
      %add3A_447 = arith.addf %select_n3A_446, %get3A_200 : vector<16xf32>
      %bitcast3A_448 = vector.bitcast %add3A_447 : vector<16xf32> to vector<16xi32>
      %shift_right_arithmetic3A_449 = arith.constant 1 : i32
      %shift_right_arithmetic3A_450 = vector.broadcast %shift_right_arithmetic3A_449 : i32 to vector<16xi32>
      %shift_right_arithmetic3A_451 = arith.shrsi %bitcast3A_448, %shift_right_arithmetic3A_450 : vector<16xi32>
      %sub3A_452 = arith.constant 1597463007 : i32
      %sub3A_453 = vector.broadcast %sub3A_452 : i32 to vector<16xi32>
      %sub3A_454 = arith.subi %sub3A_453, %shift_right_arithmetic3A_451 : vector<16xi32>
      %bitcast3A_455 = vector.bitcast %sub3A_454 : vector<16xi32> to vector<16xf32>
      %mul3A_456 = arith.constant -5.000000e-01 : f32
      %mul3A_457 = vector.broadcast %mul3A_456 : f32 to vector<16xf32>
      %mul3A_458 = arith.mulf %add3A_447, %mul3A_457 : vector<16xf32>
      %mul3A_459 = arith.mulf %mul3A_458, %bitcast3A_455 : vector<16xf32>
      %mul3A_460 = arith.mulf %mul3A_459, %bitcast3A_455 : vector<16xf32>
      %add3A_461 = arith.constant 1.500000e+00 : f32
      %add3A_462 = vector.broadcast %add3A_461 : f32 to vector<16xf32>
      %add3A_463 = arith.addf %add3A_462, %mul3A_460 : vector<16xf32>
      %mul3A_464 = arith.mulf %bitcast3A_455, %add3A_463 : vector<16xf32>
      %mul3A_465 = arith.mulf %mul3A_458, %mul3A_464 : vector<16xf32>
      %mul3A_466 = arith.mulf %mul3A_465, %mul3A_464 : vector<16xf32>
      %add3A_467 = arith.constant 1.500000e+00 : f32
      %add3A_468 = vector.broadcast %add3A_467 : f32 to vector<16xf32>
      %add3A_469 = arith.addf %add3A_468, %mul3A_466 : vector<16xf32>
      %mul3A_470 = arith.mulf %mul3A_464, %add3A_469 : vector<16xf32>
      %mul3A_471 = arith.mulf %mul3A_458, %mul3A_470 : vector<16xf32>
      %mul3A_472 = arith.mulf %mul3A_471, %mul3A_470 : vector<16xf32>
      %add3A_473 = arith.constant 1.500000e+00 : f32
      %add3A_474 = vector.broadcast %add3A_473 : f32 to vector<16xf32>
      %add3A_475 = arith.addf %add3A_474, %mul3A_472 : vector<16xf32>
      %mul3A_476 = arith.mulf %mul3A_470, %add3A_475 : vector<16xf32>
      %jit3A_477 = arith.constant 0.000000e+00 : f32
      %broadcast_in_dim3A_478 = vector.broadcast %jit3A_477 : f32 to vector<16xf32>
      %select_n3A_479 = arith.select %gt3A_443, %mul3A_476, %broadcast_in_dim3A_478 : vector<16xi1>, vector<16xf32>
      %add3A_480 = arith.addf %add3A_436, %select_n3A_479 : vector<16xf32>
      %add3A_481 = arith.constant 6 : i32
      %add3A_482 = vector.broadcast %add3A_481 : i32 to vector<16xi32>
      %add3A_483 = arith.addi %mul3A_222, %add3A_482 : vector<16xi32>
      %gather3A_484 = tpu.vector_load_idx %arg27[%add3A_483] : memref<25600xf32, #tpu.memory_space<vmem>>[vector<16xi32>], vector<16xf32>,
      %gt3A_485 = arith.constant 0.000000e+00 : f32
      %gt3A_486 = vector.broadcast %gt3A_485 : f32 to vector<16xf32>
      %gt3A_487 = arith.cmpf ogt, %gather3A_484, %gt3A_486 : vector<16xf32>
      %jit3A_488 = arith.constant 0.000000e+00 : f32
      %broadcast_in_dim3A_489 = vector.broadcast %jit3A_488 : f32 to vector<16xf32>
      %select_n3A_490 = arith.select %gt3A_487, %gather3A_484, %broadcast_in_dim3A_489 : vector<16xi1>, vector<16xf32>
      %add3A_491 = arith.addf %select_n3A_490, %get3A_200 : vector<16xf32>
      %bitcast3A_492 = vector.bitcast %add3A_491 : vector<16xf32> to vector<16xi32>
      %shift_right_arithmetic3A_493 = arith.constant 1 : i32
      %shift_right_arithmetic3A_494 = vector.broadcast %shift_right_arithmetic3A_493 : i32 to vector<16xi32>
      %shift_right_arithmetic3A_495 = arith.shrsi %bitcast3A_492, %shift_right_arithmetic3A_494 : vector<16xi32>
      %sub3A_496 = arith.constant 1597463007 : i32
      %sub3A_497 = vector.broadcast %sub3A_496 : i32 to vector<16xi32>
      %sub3A_498 = arith.subi %sub3A_497, %shift_right_arithmetic3A_495 : vector<16xi32>
      %bitcast3A_499 = vector.bitcast %sub3A_498 : vector<16xi32> to vector<16xf32>
      %mul3A_500 = arith.constant -5.000000e-01 : f32
      %mul3A_501 = vector.broadcast %mul3A_500 : f32 to vector<16xf32>
      %mul3A_502 = arith.mulf %add3A_491, %mul3A_501 : vector<16xf32>
      %mul3A_503 = arith.mulf %mul3A_502, %bitcast3A_499 : vector<16xf32>
      %mul3A_504 = arith.mulf %mul3A_503, %bitcast3A_499 : vector<16xf32>
      %add3A_505 = arith.constant 1.500000e+00 : f32
      %add3A_506 = vector.broadcast %add3A_505 : f32 to vector<16xf32>
      %add3A_507 = arith.addf %add3A_506, %mul3A_504 : vector<16xf32>
      %mul3A_508 = arith.mulf %bitcast3A_499, %add3A_507 : vector<16xf32>
      %mul3A_509 = arith.mulf %mul3A_502, %mul3A_508 : vector<16xf32>
      %mul3A_510 = arith.mulf %mul3A_509, %mul3A_508 : vector<16xf32>
      %add3A_511 = arith.constant 1.500000e+00 : f32
      %add3A_512 = vector.broadcast %add3A_511 : f32 to vector<16xf32>
      %add3A_513 = arith.addf %add3A_512, %mul3A_510 : vector<16xf32>
      %mul3A_514 = arith.mulf %mul3A_508, %add3A_513 : vector<16xf32>
      %mul3A_515 = arith.mulf %mul3A_502, %mul3A_514 : vector<16xf32>
      %mul3A_516 = arith.mulf %mul3A_515, %mul3A_514 : vector<16xf32>
      %add3A_517 = arith.constant 1.500000e+00 : f32
      %add3A_518 = vector.broadcast %add3A_517 : f32 to vector<16xf32>
      %add3A_519 = arith.addf %add3A_518, %mul3A_516 : vector<16xf32>
      %mul3A_520 = arith.mulf %mul3A_514, %add3A_519 : vector<16xf32>
      %jit3A_521 = arith.constant 0.000000e+00 : f32
      %broadcast_in_dim3A_522 = vector.broadcast %jit3A_521 : f32 to vector<16xf32>
      %select_n3A_523 = arith.select %gt3A_487, %mul3A_520, %broadcast_in_dim3A_522 : vector<16xi1>, vector<16xf32>
      %add3A_524 = arith.addf %add3A_480, %select_n3A_523 : vector<16xf32>
      %add3A_525 = arith.constant 7 : i32
      %add3A_526 = vector.broadcast %add3A_525 : i32 to vector<16xi32>
      %add3A_527 = arith.addi %mul3A_222, %add3A_526 : vector<16xi32>
      %gather3A_528 = tpu.vector_load_idx %arg27[%add3A_527] : memref<25600xf32, #tpu.memory_space<vmem>>[vector<16xi32>], vector<16xf32>,
      %gt3A_529 = arith.constant 0.000000e+00 : f32
      %gt3A_530 = vector.broadcast %gt3A_529 : f32 to vector<16xf32>
      %gt3A_531 = arith.cmpf ogt, %gather3A_528, %gt3A_530 : vector<16xf32>
      %jit3A_532 = arith.constant 0.000000e+00 : f32
      %broadcast_in_dim3A_533 = vector.broadcast %jit3A_532 : f32 to vector<16xf32>
      %select_n3A_534 = arith.select %gt3A_531, %gather3A_528, %broadcast_in_dim3A_533 : vector<16xi1>, vector<16xf32>
      %add3A_535 = arith.addf %select_n3A_534, %get3A_200 : vector<16xf32>
      %bitcast3A_536 = vector.bitcast %add3A_535 : vector<16xf32> to vector<16xi32>
      %shift_right_arithmetic3A_537 = arith.constant 1 : i32
      %shift_right_arithmetic3A_538 = vector.broadcast %shift_right_arithmetic3A_537 : i32 to vector<16xi32>
      %shift_right_arithmetic3A_539 = arith.shrsi %bitcast3A_536, %shift_right_arithmetic3A_538 : vector<16xi32>
      %sub3A_540 = arith.constant 1597463007 : i32
      %sub3A_541 = vector.broadcast %sub3A_540 : i32 to vector<16xi32>
      %sub3A_542 = arith.subi %sub3A_541, %shift_right_arithmetic3A_539 : vector<16xi32>
      %bitcast3A_543 = vector.bitcast %sub3A_542 : vector<16xi32> to vector<16xf32>
      %mul3A_544 = arith.constant -5.000000e-01 : f32
      %mul3A_545 = vector.broadcast %mul3A_544 : f32 to vector<16xf32>
      %mul3A_546 = arith.mulf %add3A_535, %mul3A_545 : vector<16xf32>
      %mul3A_547 = arith.mulf %mul3A_546, %bitcast3A_543 : vector<16xf32>
      %mul3A_548 = arith.mulf %mul3A_547, %bitcast3A_543 : vector<16xf32>
      %add3A_549 = arith.constant 1.500000e+00 : f32
      %add3A_550 = vector.broadcast %add3A_549 : f32 to vector<16xf32>
      %add3A_551 = arith.addf %add3A_550, %mul3A_548 : vector<16xf32>
      %mul3A_552 = arith.mulf %bitcast3A_543, %add3A_551 : vector<16xf32>
      %mul3A_553 = arith.mulf %mul3A_546, %mul3A_552 : vector<16xf32>
      %mul3A_554 = arith.mulf %mul3A_553, %mul3A_552 : vector<16xf32>
      %add3A_555 = arith.constant 1.500000e+00 : f32
      %add3A_556 = vector.broadcast %add3A_555 : f32 to vector<16xf32>
      %add3A_557 = arith.addf %add3A_556, %mul3A_554 : vector<16xf32>
      %mul3A_558 = arith.mulf %mul3A_552, %add3A_557 : vector<16xf32>
      %mul3A_559 = arith.mulf %mul3A_546, %mul3A_558 : vector<16xf32>
      %mul3A_560 = arith.mulf %mul3A_559, %mul3A_558 : vector<16xf32>
      %add3A_561 = arith.constant 1.500000e+00 : f32
      %add3A_562 = vector.broadcast %add3A_561 : f32 to vector<16xf32>
      %add3A_563 = arith.addf %add3A_562, %mul3A_560 : vector<16xf32>
      %mul3A_564 = arith.mulf %mul3A_558, %add3A_563 : vector<16xf32>
      %jit3A_565 = arith.constant 0.000000e+00 : f32
      %broadcast_in_dim3A_566 = vector.broadcast %jit3A_565 : f32 to vector<16xf32>
      %select_n3A_567 = arith.select %gt3A_531, %mul3A_564, %broadcast_in_dim3A_566 : vector<16xi1>, vector<16xf32>
      %add3A_568 = arith.addf %add3A_524, %select_n3A_567 : vector<16xf32>
      %add3A_569 = arith.constant 8 : i32
      %add3A_570 = vector.broadcast %add3A_569 : i32 to vector<16xi32>
      %add3A_571 = arith.addi %mul3A_222, %add3A_570 : vector<16xi32>
      %gather3A_572 = tpu.vector_load_idx %arg27[%add3A_571] : memref<25600xf32, #tpu.memory_space<vmem>>[vector<16xi32>], vector<16xf32>,
      %gt3A_573 = arith.constant 0.000000e+00 : f32
      %gt3A_574 = vector.broadcast %gt3A_573 : f32 to vector<16xf32>
      %gt3A_575 = arith.cmpf ogt, %gather3A_572, %gt3A_574 : vector<16xf32>
      %jit3A_576 = arith.constant 0.000000e+00 : f32
      %broadcast_in_dim3A_577 = vector.broadcast %jit3A_576 : f32 to vector<16xf32>
      %select_n3A_578 = arith.select %gt3A_575, %gather3A_572, %broadcast_in_dim3A_577 : vector<16xi1>, vector<16xf32>
      %add3A_579 = arith.addf %select_n3A_578, %get3A_200 : vector<16xf32>
      %bitcast3A_580 = vector.bitcast %add3A_579 : vector<16xf32> to vector<16xi32>
      %shift_right_arithmetic3A_581 = arith.constant 1 : i32
      %shift_right_arithmetic3A_582 = vector.broadcast %shift_right_arithmetic3A_581 : i32 to vector<16xi32>
      %shift_right_arithmetic3A_583 = arith.shrsi %bitcast3A_580, %shift_right_arithmetic3A_582 : vector<16xi32>
      %sub3A_584 = arith.constant 1597463007 : i32
      %sub3A_585 = vector.broadcast %sub3A_584 : i32 to vector<16xi32>
      %sub3A_586 = arith.subi %sub3A_585, %shift_right_arithmetic3A_583 : vector<16xi32>
      %bitcast3A_587 = vector.bitcast %sub3A_586 : vector<16xi32> to vector<16xf32>
      %mul3A_588 = arith.constant -5.000000e-01 : f32
      %mul3A_589 = vector.broadcast %mul3A_588 : f32 to vector<16xf32>
      %mul3A_590 = arith.mulf %add3A_579, %mul3A_589 : vector<16xf32>
      %mul3A_591 = arith.mulf %mul3A_590, %bitcast3A_587 : vector<16xf32>
      %mul3A_592 = arith.mulf %mul3A_591, %bitcast3A_587 : vector<16xf32>
      %add3A_593 = arith.constant 1.500000e+00 : f32
      %add3A_594 = vector.broadcast %add3A_593 : f32 to vector<16xf32>
      %add3A_595 = arith.addf %add3A_594, %mul3A_592 : vector<16xf32>
      %mul3A_596 = arith.mulf %bitcast3A_587, %add3A_595 : vector<16xf32>
      %mul3A_597 = arith.mulf %mul3A_590, %mul3A_596 : vector<16xf32>
      %mul3A_598 = arith.mulf %mul3A_597, %mul3A_596 : vector<16xf32>
      %add3A_599 = arith.constant 1.500000e+00 : f32
      %add3A_600 = vector.broadcast %add3A_599 : f32 to vector<16xf32>
      %add3A_601 = arith.addf %add3A_600, %mul3A_598 : vector<16xf32>
      %mul3A_602 = arith.mulf %mul3A_596, %add3A_601 : vector<16xf32>
      %mul3A_603 = arith.mulf %mul3A_590, %mul3A_602 : vector<16xf32>
      %mul3A_604 = arith.mulf %mul3A_603, %mul3A_602 : vector<16xf32>
      %add3A_605 = arith.constant 1.500000e+00 : f32
      %add3A_606 = vector.broadcast %add3A_605 : f32 to vector<16xf32>
      %add3A_607 = arith.addf %add3A_606, %mul3A_604 : vector<16xf32>
      %mul3A_608 = arith.mulf %mul3A_602, %add3A_607 : vector<16xf32>
      %jit3A_609 = arith.constant 0.000000e+00 : f32
      %broadcast_in_dim3A_610 = vector.broadcast %jit3A_609 : f32 to vector<16xf32>
      %select_n3A_611 = arith.select %gt3A_575, %mul3A_608, %broadcast_in_dim3A_610 : vector<16xi1>, vector<16xf32>
      %add3A_612 = arith.addf %add3A_568, %select_n3A_611 : vector<16xf32>
      %add3A_613 = arith.constant 9 : i32
      %add3A_614 = vector.broadcast %add3A_613 : i32 to vector<16xi32>
      %add3A_615 = arith.addi %mul3A_222, %add3A_614 : vector<16xi32>
      %gather3A_616 = tpu.vector_load_idx %arg27[%add3A_615] : memref<25600xf32, #tpu.memory_space<vmem>>[vector<16xi32>], vector<16xf32>,
      %gt3A_617 = arith.constant 0.000000e+00 : f32
      %gt3A_618 = vector.broadcast %gt3A_617 : f32 to vector<16xf32>
      %gt3A_619 = arith.cmpf ogt, %gather3A_616, %gt3A_618 : vector<16xf32>
      %jit3A_620 = arith.constant 0.000000e+00 : f32
      %broadcast_in_dim3A_621 = vector.broadcast %jit3A_620 : f32 to vector<16xf32>
      %select_n3A_622 = arith.select %gt3A_619, %gather3A_616, %broadcast_in_dim3A_621 : vector<16xi1>, vector<16xf32>
      %add3A_623 = arith.addf %select_n3A_622, %get3A_200 : vector<16xf32>
      %bitcast3A_624 = vector.bitcast %add3A_623 : vector<16xf32> to vector<16xi32>
      %shift_right_arithmetic3A_625 = arith.constant 1 : i32
      %shift_right_arithmetic3A_626 = vector.broadcast %shift_right_arithmetic3A_625 : i32 to vector<16xi32>
      %shift_right_arithmetic3A_627 = arith.shrsi %bitcast3A_624, %shift_right_arithmetic3A_626 : vector<16xi32>
      %sub3A_628 = arith.constant 1597463007 : i32
      %sub3A_629 = vector.broadcast %sub3A_628 : i32 to vector<16xi32>
      %sub3A_630 = arith.subi %sub3A_629, %shift_right_arithmetic3A_627 : vector<16xi32>
      %bitcast3A_631 = vector.bitcast %sub3A_630 : vector<16xi32> to vector<16xf32>
      %mul3A_632 = arith.constant -5.000000e-01 : f32
      %mul3A_633 = vector.broadcast %mul3A_632 : f32 to vector<16xf32>
      %mul3A_634 = arith.mulf %add3A_623, %mul3A_633 : vector<16xf32>
      %mul3A_635 = arith.mulf %mul3A_634, %bitcast3A_631 : vector<16xf32>
      %mul3A_636 = arith.mulf %mul3A_635, %bitcast3A_631 : vector<16xf32>
      %add3A_637 = arith.constant 1.500000e+00 : f32
      %add3A_638 = vector.broadcast %add3A_637 : f32 to vector<16xf32>
      %add3A_639 = arith.addf %add3A_638, %mul3A_636 : vector<16xf32>
      %mul3A_640 = arith.mulf %bitcast3A_631, %add3A_639 : vector<16xf32>
      %mul3A_641 = arith.mulf %mul3A_634, %mul3A_640 : vector<16xf32>
      %mul3A_642 = arith.mulf %mul3A_641, %mul3A_640 : vector<16xf32>
      %add3A_643 = arith.constant 1.500000e+00 : f32
      %add3A_644 = vector.broadcast %add3A_643 : f32 to vector<16xf32>
      %add3A_645 = arith.addf %add3A_644, %mul3A_642 : vector<16xf32>
      %mul3A_646 = arith.mulf %mul3A_640, %add3A_645 : vector<16xf32>
      %mul3A_647 = arith.mulf %mul3A_634, %mul3A_646 : vector<16xf32>
      %mul3A_648 = arith.mulf %mul3A_647, %mul3A_646 : vector<16xf32>
      %add3A_649 = arith.constant 1.500000e+00 : f32
      %add3A_650 = vector.broadcast %add3A_649 : f32 to vector<16xf32>
      %add3A_651 = arith.addf %add3A_650, %mul3A_648 : vector<16xf32>
      %mul3A_652 = arith.mulf %mul3A_646, %add3A_651 : vector<16xf32>
      %jit3A_653 = arith.constant 0.000000e+00 : f32
      %broadcast_in_dim3A_654 = vector.broadcast %jit3A_653 : f32 to vector<16xf32>
      %select_n3A_655 = arith.select %gt3A_619, %mul3A_652, %broadcast_in_dim3A_654 : vector<16xi1>, vector<16xf32>
      %add3A_656 = arith.addf %add3A_612, %select_n3A_655 : vector<16xf32>
      %add3A_657 = arith.constant 10 : i32
      %add3A_658 = vector.broadcast %add3A_657 : i32 to vector<16xi32>
      %add3A_659 = arith.addi %mul3A_222, %add3A_658 : vector<16xi32>
      %gather3A_660 = tpu.vector_load_idx %arg27[%add3A_659] : memref<25600xf32, #tpu.memory_space<vmem>>[vector<16xi32>], vector<16xf32>,
      %gt3A_661 = arith.constant 0.000000e+00 : f32
      %gt3A_662 = vector.broadcast %gt3A_661 : f32 to vector<16xf32>
      %gt3A_663 = arith.cmpf ogt, %gather3A_660, %gt3A_662 : vector<16xf32>
      %jit3A_664 = arith.constant 0.000000e+00 : f32
      %broadcast_in_dim3A_665 = vector.broadcast %jit3A_664 : f32 to vector<16xf32>
      %select_n3A_666 = arith.select %gt3A_663, %gather3A_660, %broadcast_in_dim3A_665 : vector<16xi1>, vector<16xf32>
      %add3A_667 = arith.addf %select_n3A_666, %get3A_200 : vector<16xf32>
      %bitcast3A_668 = vector.bitcast %add3A_667 : vector<16xf32> to vector<16xi32>
      %shift_right_arithmetic3A_669 = arith.constant 1 : i32
      %shift_right_arithmetic3A_670 = vector.broadcast %shift_right_arithmetic3A_669 : i32 to vector<16xi32>
      %shift_right_arithmetic3A_671 = arith.shrsi %bitcast3A_668, %shift_right_arithmetic3A_670 : vector<16xi32>
      %sub3A_672 = arith.constant 1597463007 : i32
      %sub3A_673 = vector.broadcast %sub3A_672 : i32 to vector<16xi32>
      %sub3A_674 = arith.subi %sub3A_673, %shift_right_arithmetic3A_671 : vector<16xi32>
      %bitcast3A_675 = vector.bitcast %sub3A_674 : vector<16xi32> to vector<16xf32>
      %mul3A_676 = arith.constant -5.000000e-01 : f32
      %mul3A_677 = vector.broadcast %mul3A_676 : f32 to vector<16xf32>
      %mul3A_678 = arith.mulf %add3A_667, %mul3A_677 : vector<16xf32>
      %mul3A_679 = arith.mulf %mul3A_678, %bitcast3A_675 : vector<16xf32>
      %mul3A_680 = arith.mulf %mul3A_679, %bitcast3A_675 : vector<16xf32>
      %add3A_681 = arith.constant 1.500000e+00 : f32
      %add3A_682 = vector.broadcast %add3A_681 : f32 to vector<16xf32>
      %add3A_683 = arith.addf %add3A_682, %mul3A_680 : vector<16xf32>
      %mul3A_684 = arith.mulf %bitcast3A_675, %add3A_683 : vector<16xf32>
      %mul3A_685 = arith.mulf %mul3A_678, %mul3A_684 : vector<16xf32>
      %mul3A_686 = arith.mulf %mul3A_685, %mul3A_684 : vector<16xf32>
      %add3A_687 = arith.constant 1.500000e+00 : f32
      %add3A_688 = vector.broadcast %add3A_687 : f32 to vector<16xf32>
      %add3A_689 = arith.addf %add3A_688, %mul3A_686 : vector<16xf32>
      %mul3A_690 = arith.mulf %mul3A_684, %add3A_689 : vector<16xf32>
      %mul3A_691 = arith.mulf %mul3A_678, %mul3A_690 : vector<16xf32>
      %mul3A_692 = arith.mulf %mul3A_691, %mul3A_690 : vector<16xf32>
      %add3A_693 = arith.constant 1.500000e+00 : f32
      %add3A_694 = vector.broadcast %add3A_693 : f32 to vector<16xf32>
      %add3A_695 = arith.addf %add3A_694, %mul3A_692 : vector<16xf32>
      %mul3A_696 = arith.mulf %mul3A_690, %add3A_695 : vector<16xf32>
      %jit3A_697 = arith.constant 0.000000e+00 : f32
      %broadcast_in_dim3A_698 = vector.broadcast %jit3A_697 : f32 to vector<16xf32>
      %select_n3A_699 = arith.select %gt3A_663, %mul3A_696, %broadcast_in_dim3A_698 : vector<16xi1>, vector<16xf32>
      %add3A_700 = arith.addf %add3A_656, %select_n3A_699 : vector<16xf32>
      %add3A_701 = arith.constant 11 : i32
      %add3A_702 = vector.broadcast %add3A_701 : i32 to vector<16xi32>
      %add3A_703 = arith.addi %mul3A_222, %add3A_702 : vector<16xi32>
      %gather3A_704 = tpu.vector_load_idx %arg27[%add3A_703] : memref<25600xf32, #tpu.memory_space<vmem>>[vector<16xi32>], vector<16xf32>,
      %gt3A_705 = arith.constant 0.000000e+00 : f32
      %gt3A_706 = vector.broadcast %gt3A_705 : f32 to vector<16xf32>
      %gt3A_707 = arith.cmpf ogt, %gather3A_704, %gt3A_706 : vector<16xf32>
      %jit3A_708 = arith.constant 0.000000e+00 : f32
      %broadcast_in_dim3A_709 = vector.broadcast %jit3A_708 : f32 to vector<16xf32>
      %select_n3A_710 = arith.select %gt3A_707, %gather3A_704, %broadcast_in_dim3A_709 : vector<16xi1>, vector<16xf32>
      %add3A_711 = arith.addf %select_n3A_710, %get3A_200 : vector<16xf32>
      %bitcast3A_712 = vector.bitcast %add3A_711 : vector<16xf32> to vector<16xi32>
      %shift_right_arithmetic3A_713 = arith.constant 1 : i32
      %shift_right_arithmetic3A_714 = vector.broadcast %shift_right_arithmetic3A_713 : i32 to vector<16xi32>
      %shift_right_arithmetic3A_715 = arith.shrsi %bitcast3A_712, %shift_right_arithmetic3A_714 : vector<16xi32>
      %sub3A_716 = arith.constant 1597463007 : i32
      %sub3A_717 = vector.broadcast %sub3A_716 : i32 to vector<16xi32>
      %sub3A_718 = arith.subi %sub3A_717, %shift_right_arithmetic3A_715 : vector<16xi32>
      %bitcast3A_719 = vector.bitcast %sub3A_718 : vector<16xi32> to vector<16xf32>
      %mul3A_720 = arith.constant -5.000000e-01 : f32
      %mul3A_721 = vector.broadcast %mul3A_720 : f32 to vector<16xf32>
      %mul3A_722 = arith.mulf %add3A_711, %mul3A_721 : vector<16xf32>
      %mul3A_723 = arith.mulf %mul3A_722, %bitcast3A_719 : vector<16xf32>
      %mul3A_724 = arith.mulf %mul3A_723, %bitcast3A_719 : vector<16xf32>
      %add3A_725 = arith.constant 1.500000e+00 : f32
      %add3A_726 = vector.broadcast %add3A_725 : f32 to vector<16xf32>
      %add3A_727 = arith.addf %add3A_726, %mul3A_724 : vector<16xf32>
      %mul3A_728 = arith.mulf %bitcast3A_719, %add3A_727 : vector<16xf32>
      %mul3A_729 = arith.mulf %mul3A_722, %mul3A_728 : vector<16xf32>
      %mul3A_730 = arith.mulf %mul3A_729, %mul3A_728 : vector<16xf32>
      %add3A_731 = arith.constant 1.500000e+00 : f32
      %add3A_732 = vector.broadcast %add3A_731 : f32 to vector<16xf32>
      %add3A_733 = arith.addf %add3A_732, %mul3A_730 : vector<16xf32>
      %mul3A_734 = arith.mulf %mul3A_728, %add3A_733 : vector<16xf32>
      %mul3A_735 = arith.mulf %mul3A_722, %mul3A_734 : vector<16xf32>
      %mul3A_736 = arith.mulf %mul3A_735, %mul3A_734 : vector<16xf32>
      %add3A_737 = arith.constant 1.500000e+00 : f32
      %add3A_738 = vector.broadcast %add3A_737 : f32 to vector<16xf32>
      %add3A_739 = arith.addf %add3A_738, %mul3A_736 : vector<16xf32>
      %mul3A_740 = arith.mulf %mul3A_734, %add3A_739 : vector<16xf32>
      %jit3A_741 = arith.constant 0.000000e+00 : f32
      %broadcast_in_dim3A_742 = vector.broadcast %jit3A_741 : f32 to vector<16xf32>
      %select_n3A_743 = arith.select %gt3A_707, %mul3A_740, %broadcast_in_dim3A_742 : vector<16xi1>, vector<16xf32>
      %add3A_744 = arith.addf %add3A_700, %select_n3A_743 : vector<16xf32>
      %add3A_745 = arith.constant 12 : i32
      %add3A_746 = vector.broadcast %add3A_745 : i32 to vector<16xi32>
      %add3A_747 = arith.addi %mul3A_222, %add3A_746 : vector<16xi32>
      %gather3A_748 = tpu.vector_load_idx %arg27[%add3A_747] : memref<25600xf32, #tpu.memory_space<vmem>>[vector<16xi32>], vector<16xf32>,
      %gt3A_749 = arith.constant 0.000000e+00 : f32
      %gt3A_750 = vector.broadcast %gt3A_749 : f32 to vector<16xf32>
      %gt3A_751 = arith.cmpf ogt, %gather3A_748, %gt3A_750 : vector<16xf32>
      %jit3A_752 = arith.constant 0.000000e+00 : f32
      %broadcast_in_dim3A_753 = vector.broadcast %jit3A_752 : f32 to vector<16xf32>
      %select_n3A_754 = arith.select %gt3A_751, %gather3A_748, %broadcast_in_dim3A_753 : vector<16xi1>, vector<16xf32>
      %add3A_755 = arith.addf %select_n3A_754, %get3A_200 : vector<16xf32>
      %bitcast3A_756 = vector.bitcast %add3A_755 : vector<16xf32> to vector<16xi32>
      %shift_right_arithmetic3A_757 = arith.constant 1 : i32
      %shift_right_arithmetic3A_758 = vector.broadcast %shift_right_arithmetic3A_757 : i32 to vector<16xi32>
      %shift_right_arithmetic3A_759 = arith.shrsi %bitcast3A_756, %shift_right_arithmetic3A_758 : vector<16xi32>
      %sub3A_760 = arith.constant 1597463007 : i32
      %sub3A_761 = vector.broadcast %sub3A_760 : i32 to vector<16xi32>
      %sub3A_762 = arith.subi %sub3A_761, %shift_right_arithmetic3A_759 : vector<16xi32>
      %bitcast3A_763 = vector.bitcast %sub3A_762 : vector<16xi32> to vector<16xf32>
      %mul3A_764 = arith.constant -5.000000e-01 : f32
      %mul3A_765 = vector.broadcast %mul3A_764 : f32 to vector<16xf32>
      %mul3A_766 = arith.mulf %add3A_755, %mul3A_765 : vector<16xf32>
      %mul3A_767 = arith.mulf %mul3A_766, %bitcast3A_763 : vector<16xf32>
      %mul3A_768 = arith.mulf %mul3A_767, %bitcast3A_763 : vector<16xf32>
      %add3A_769 = arith.constant 1.500000e+00 : f32
      %add3A_770 = vector.broadcast %add3A_769 : f32 to vector<16xf32>
      %add3A_771 = arith.addf %add3A_770, %mul3A_768 : vector<16xf32>
      %mul3A_772 = arith.mulf %bitcast3A_763, %add3A_771 : vector<16xf32>
      %mul3A_773 = arith.mulf %mul3A_766, %mul3A_772 : vector<16xf32>
      %mul3A_774 = arith.mulf %mul3A_773, %mul3A_772 : vector<16xf32>
      %add3A_775 = arith.constant 1.500000e+00 : f32
      %add3A_776 = vector.broadcast %add3A_775 : f32 to vector<16xf32>
      %add3A_777 = arith.addf %add3A_776, %mul3A_774 : vector<16xf32>
      %mul3A_778 = arith.mulf %mul3A_772, %add3A_777 : vector<16xf32>
      %mul3A_779 = arith.mulf %mul3A_766, %mul3A_778 : vector<16xf32>
      %mul3A_780 = arith.mulf %mul3A_779, %mul3A_778 : vector<16xf32>
      %add3A_781 = arith.constant 1.500000e+00 : f32
      %add3A_782 = vector.broadcast %add3A_781 : f32 to vector<16xf32>
      %add3A_783 = arith.addf %add3A_782, %mul3A_780 : vector<16xf32>
      %mul3A_784 = arith.mulf %mul3A_778, %add3A_783 : vector<16xf32>
      %jit3A_785 = arith.constant 0.000000e+00 : f32
      %broadcast_in_dim3A_786 = vector.broadcast %jit3A_785 : f32 to vector<16xf32>
      %select_n3A_787 = arith.select %gt3A_751, %mul3A_784, %broadcast_in_dim3A_786 : vector<16xi1>, vector<16xf32>
      %add3A_788 = arith.addf %add3A_744, %select_n3A_787 : vector<16xf32>
      %add3A_789 = arith.constant 13 : i32
      %add3A_790 = vector.broadcast %add3A_789 : i32 to vector<16xi32>
      %add3A_791 = arith.addi %mul3A_222, %add3A_790 : vector<16xi32>
      %gather3A_792 = tpu.vector_load_idx %arg27[%add3A_791] : memref<25600xf32, #tpu.memory_space<vmem>>[vector<16xi32>], vector<16xf32>,
      %gt3A_793 = arith.constant 0.000000e+00 : f32
      %gt3A_794 = vector.broadcast %gt3A_793 : f32 to vector<16xf32>
      %gt3A_795 = arith.cmpf ogt, %gather3A_792, %gt3A_794 : vector<16xf32>
      %jit3A_796 = arith.constant 0.000000e+00 : f32
      %broadcast_in_dim3A_797 = vector.broadcast %jit3A_796 : f32 to vector<16xf32>
      %select_n3A_798 = arith.select %gt3A_795, %gather3A_792, %broadcast_in_dim3A_797 : vector<16xi1>, vector<16xf32>
      %add3A_799 = arith.addf %select_n3A_798, %get3A_200 : vector<16xf32>
      %bitcast3A_800 = vector.bitcast %add3A_799 : vector<16xf32> to vector<16xi32>
      %shift_right_arithmetic3A_801 = arith.constant 1 : i32
      %shift_right_arithmetic3A_802 = vector.broadcast %shift_right_arithmetic3A_801 : i32 to vector<16xi32>
      %shift_right_arithmetic3A_803 = arith.shrsi %bitcast3A_800, %shift_right_arithmetic3A_802 : vector<16xi32>
      %sub3A_804 = arith.constant 1597463007 : i32
      %sub3A_805 = vector.broadcast %sub3A_804 : i32 to vector<16xi32>
      %sub3A_806 = arith.subi %sub3A_805, %shift_right_arithmetic3A_803 : vector<16xi32>
      %bitcast3A_807 = vector.bitcast %sub3A_806 : vector<16xi32> to vector<16xf32>
      %mul3A_808 = arith.constant -5.000000e-01 : f32
      %mul3A_809 = vector.broadcast %mul3A_808 : f32 to vector<16xf32>
      %mul3A_810 = arith.mulf %add3A_799, %mul3A_809 : vector<16xf32>
      %mul3A_811 = arith.mulf %mul3A_810, %bitcast3A_807 : vector<16xf32>
      %mul3A_812 = arith.mulf %mul3A_811, %bitcast3A_807 : vector<16xf32>
      %add3A_813 = arith.constant 1.500000e+00 : f32
      %add3A_814 = vector.broadcast %add3A_813 : f32 to vector<16xf32>
      %add3A_815 = arith.addf %add3A_814, %mul3A_812 : vector<16xf32>
      %mul3A_816 = arith.mulf %bitcast3A_807, %add3A_815 : vector<16xf32>
      %mul3A_817 = arith.mulf %mul3A_810, %mul3A_816 : vector<16xf32>
      %mul3A_818 = arith.mulf %mul3A_817, %mul3A_816 : vector<16xf32>
      %add3A_819 = arith.constant 1.500000e+00 : f32
      %add3A_820 = vector.broadcast %add3A_819 : f32 to vector<16xf32>
      %add3A_821 = arith.addf %add3A_820, %mul3A_818 : vector<16xf32>
      %mul3A_822 = arith.mulf %mul3A_816, %add3A_821 : vector<16xf32>
      %mul3A_823 = arith.mulf %mul3A_810, %mul3A_822 : vector<16xf32>
      %mul3A_824 = arith.mulf %mul3A_823, %mul3A_822 : vector<16xf32>
      %add3A_825 = arith.constant 1.500000e+00 : f32
      %add3A_826 = vector.broadcast %add3A_825 : f32 to vector<16xf32>
      %add3A_827 = arith.addf %add3A_826, %mul3A_824 : vector<16xf32>
      %mul3A_828 = arith.mulf %mul3A_822, %add3A_827 : vector<16xf32>
      %jit3A_829 = arith.constant 0.000000e+00 : f32
      %broadcast_in_dim3A_830 = vector.broadcast %jit3A_829 : f32 to vector<16xf32>
      %select_n3A_831 = arith.select %gt3A_795, %mul3A_828, %broadcast_in_dim3A_830 : vector<16xi1>, vector<16xf32>
      %add3A_832 = arith.addf %add3A_788, %select_n3A_831 : vector<16xf32>
      %add3A_833 = arith.constant 14 : i32
      %add3A_834 = vector.broadcast %add3A_833 : i32 to vector<16xi32>
      %add3A_835 = arith.addi %mul3A_222, %add3A_834 : vector<16xi32>
      %gather3A_836 = tpu.vector_load_idx %arg27[%add3A_835] : memref<25600xf32, #tpu.memory_space<vmem>>[vector<16xi32>], vector<16xf32>,
      %gt3A_837 = arith.constant 0.000000e+00 : f32
      %gt3A_838 = vector.broadcast %gt3A_837 : f32 to vector<16xf32>
      %gt3A_839 = arith.cmpf ogt, %gather3A_836, %gt3A_838 : vector<16xf32>
      %jit3A_840 = arith.constant 0.000000e+00 : f32
      %broadcast_in_dim3A_841 = vector.broadcast %jit3A_840 : f32 to vector<16xf32>
      %select_n3A_842 = arith.select %gt3A_839, %gather3A_836, %broadcast_in_dim3A_841 : vector<16xi1>, vector<16xf32>
      %add3A_843 = arith.addf %select_n3A_842, %get3A_200 : vector<16xf32>
      %bitcast3A_844 = vector.bitcast %add3A_843 : vector<16xf32> to vector<16xi32>
      %shift_right_arithmetic3A_845 = arith.constant 1 : i32
      %shift_right_arithmetic3A_846 = vector.broadcast %shift_right_arithmetic3A_845 : i32 to vector<16xi32>
      %shift_right_arithmetic3A_847 = arith.shrsi %bitcast3A_844, %shift_right_arithmetic3A_846 : vector<16xi32>
      %sub3A_848 = arith.constant 1597463007 : i32
      %sub3A_849 = vector.broadcast %sub3A_848 : i32 to vector<16xi32>
      %sub3A_850 = arith.subi %sub3A_849, %shift_right_arithmetic3A_847 : vector<16xi32>
      %bitcast3A_851 = vector.bitcast %sub3A_850 : vector<16xi32> to vector<16xf32>
      %mul3A_852 = arith.constant -5.000000e-01 : f32
      %mul3A_853 = vector.broadcast %mul3A_852 : f32 to vector<16xf32>
      %mul3A_854 = arith.mulf %add3A_843, %mul3A_853 : vector<16xf32>
      %mul3A_855 = arith.mulf %mul3A_854, %bitcast3A_851 : vector<16xf32>
      %mul3A_856 = arith.mulf %mul3A_855, %bitcast3A_851 : vector<16xf32>
      %add3A_857 = arith.constant 1.500000e+00 : f32
      %add3A_858 = vector.broadcast %add3A_857 : f32 to vector<16xf32>
      %add3A_859 = arith.addf %add3A_858, %mul3A_856 : vector<16xf32>
      %mul3A_860 = arith.mulf %bitcast3A_851, %add3A_859 : vector<16xf32>
      %mul3A_861 = arith.mulf %mul3A_854, %mul3A_860 : vector<16xf32>
      %mul3A_862 = arith.mulf %mul3A_861, %mul3A_860 : vector<16xf32>
      %add3A_863 = arith.constant 1.500000e+00 : f32
      %add3A_864 = vector.broadcast %add3A_863 : f32 to vector<16xf32>
      %add3A_865 = arith.addf %add3A_864, %mul3A_862 : vector<16xf32>
      %mul3A_866 = arith.mulf %mul3A_860, %add3A_865 : vector<16xf32>
      %mul3A_867 = arith.mulf %mul3A_854, %mul3A_866 : vector<16xf32>
      %mul3A_868 = arith.mulf %mul3A_867, %mul3A_866 : vector<16xf32>
      %add3A_869 = arith.constant 1.500000e+00 : f32
      %add3A_870 = vector.broadcast %add3A_869 : f32 to vector<16xf32>
      %add3A_871 = arith.addf %add3A_870, %mul3A_868 : vector<16xf32>
      %mul3A_872 = arith.mulf %mul3A_866, %add3A_871 : vector<16xf32>
      %jit3A_873 = arith.constant 0.000000e+00 : f32
      %broadcast_in_dim3A_874 = vector.broadcast %jit3A_873 : f32 to vector<16xf32>
      %select_n3A_875 = arith.select %gt3A_839, %mul3A_872, %broadcast_in_dim3A_874 : vector<16xi1>, vector<16xf32>
      %add3A_876 = arith.addf %add3A_832, %select_n3A_875 : vector<16xf32>
      %add3A_877 = arith.constant 15 : i32
      %add3A_878 = vector.broadcast %add3A_877 : i32 to vector<16xi32>
      %add3A_879 = arith.addi %mul3A_222, %add3A_878 : vector<16xi32>
      %gather3A_880 = tpu.vector_load_idx %arg27[%add3A_879] : memref<25600xf32, #tpu.memory_space<vmem>>[vector<16xi32>], vector<16xf32>,
      %gt3A_881 = arith.constant 0.000000e+00 : f32
      %gt3A_882 = vector.broadcast %gt3A_881 : f32 to vector<16xf32>
      %gt3A_883 = arith.cmpf ogt, %gather3A_880, %gt3A_882 : vector<16xf32>
      %jit3A_884 = arith.constant 0.000000e+00 : f32
      %broadcast_in_dim3A_885 = vector.broadcast %jit3A_884 : f32 to vector<16xf32>
      %select_n3A_886 = arith.select %gt3A_883, %gather3A_880, %broadcast_in_dim3A_885 : vector<16xi1>, vector<16xf32>
      %add3A_887 = arith.addf %select_n3A_886, %get3A_200 : vector<16xf32>
      %bitcast3A_888 = vector.bitcast %add3A_887 : vector<16xf32> to vector<16xi32>
      %shift_right_arithmetic3A_889 = arith.constant 1 : i32
      %shift_right_arithmetic3A_890 = vector.broadcast %shift_right_arithmetic3A_889 : i32 to vector<16xi32>
      %shift_right_arithmetic3A_891 = arith.shrsi %bitcast3A_888, %shift_right_arithmetic3A_890 : vector<16xi32>
      %sub3A_892 = arith.constant 1597463007 : i32
      %sub3A_893 = vector.broadcast %sub3A_892 : i32 to vector<16xi32>
      %sub3A_894 = arith.subi %sub3A_893, %shift_right_arithmetic3A_891 : vector<16xi32>
      %bitcast3A_895 = vector.bitcast %sub3A_894 : vector<16xi32> to vector<16xf32>
      %mul3A_896 = arith.constant -5.000000e-01 : f32
      %mul3A_897 = vector.broadcast %mul3A_896 : f32 to vector<16xf32>
      %mul3A_898 = arith.mulf %add3A_887, %mul3A_897 : vector<16xf32>
      %mul3A_899 = arith.mulf %mul3A_898, %bitcast3A_895 : vector<16xf32>
      %mul3A_900 = arith.mulf %mul3A_899, %bitcast3A_895 : vector<16xf32>
      %add3A_901 = arith.constant 1.500000e+00 : f32
      %add3A_902 = vector.broadcast %add3A_901 : f32 to vector<16xf32>
      %add3A_903 = arith.addf %add3A_902, %mul3A_900 : vector<16xf32>
      %mul3A_904 = arith.mulf %bitcast3A_895, %add3A_903 : vector<16xf32>
      %mul3A_905 = arith.mulf %mul3A_898, %mul3A_904 : vector<16xf32>
      %mul3A_906 = arith.mulf %mul3A_905, %mul3A_904 : vector<16xf32>
      %add3A_907 = arith.constant 1.500000e+00 : f32
      %add3A_908 = vector.broadcast %add3A_907 : f32 to vector<16xf32>
      %add3A_909 = arith.addf %add3A_908, %mul3A_906 : vector<16xf32>
      %mul3A_910 = arith.mulf %mul3A_904, %add3A_909 : vector<16xf32>
      %mul3A_911 = arith.mulf %mul3A_898, %mul3A_910 : vector<16xf32>
      %mul3A_912 = arith.mulf %mul3A_911, %mul3A_910 : vector<16xf32>
      %add3A_913 = arith.constant 1.500000e+00 : f32
      %add3A_914 = vector.broadcast %add3A_913 : f32 to vector<16xf32>
      %add3A_915 = arith.addf %add3A_914, %mul3A_912 : vector<16xf32>
      %mul3A_916 = arith.mulf %mul3A_910, %add3A_915 : vector<16xf32>
      %jit3A_917 = arith.constant 0.000000e+00 : f32
      %broadcast_in_dim3A_918 = vector.broadcast %jit3A_917 : f32 to vector<16xf32>
      %select_n3A_919 = arith.select %gt3A_883, %mul3A_916, %broadcast_in_dim3A_918 : vector<16xi1>, vector<16xf32>
      %add3A_920 = arith.addf %add3A_876, %select_n3A_919 : vector<16xf32>
      %add3A_921 = arith.constant 16 : i32
      %add3A_922 = vector.broadcast %add3A_921 : i32 to vector<16xi32>
      %add3A_923 = arith.addi %mul3A_222, %add3A_922 : vector<16xi32>
      %gather3A_924 = tpu.vector_load_idx %arg27[%add3A_923] : memref<25600xf32, #tpu.memory_space<vmem>>[vector<16xi32>], vector<16xf32>,
      %gt3A_925 = arith.constant 0.000000e+00 : f32
      %gt3A_926 = vector.broadcast %gt3A_925 : f32 to vector<16xf32>
      %gt3A_927 = arith.cmpf ogt, %gather3A_924, %gt3A_926 : vector<16xf32>
      %jit3A_928 = arith.constant 0.000000e+00 : f32
      %broadcast_in_dim3A_929 = vector.broadcast %jit3A_928 : f32 to vector<16xf32>
      %select_n3A_930 = arith.select %gt3A_927, %gather3A_924, %broadcast_in_dim3A_929 : vector<16xi1>, vector<16xf32>
      %add3A_931 = arith.addf %select_n3A_930, %get3A_200 : vector<16xf32>
      %bitcast3A_932 = vector.bitcast %add3A_931 : vector<16xf32> to vector<16xi32>
      %shift_right_arithmetic3A_933 = arith.constant 1 : i32
      %shift_right_arithmetic3A_934 = vector.broadcast %shift_right_arithmetic3A_933 : i32 to vector<16xi32>
      %shift_right_arithmetic3A_935 = arith.shrsi %bitcast3A_932, %shift_right_arithmetic3A_934 : vector<16xi32>
      %sub3A_936 = arith.constant 1597463007 : i32
      %sub3A_937 = vector.broadcast %sub3A_936 : i32 to vector<16xi32>
      %sub3A_938 = arith.subi %sub3A_937, %shift_right_arithmetic3A_935 : vector<16xi32>
      %bitcast3A_939 = vector.bitcast %sub3A_938 : vector<16xi32> to vector<16xf32>
      %mul3A_940 = arith.constant -5.000000e-01 : f32
      %mul3A_941 = vector.broadcast %mul3A_940 : f32 to vector<16xf32>
      %mul3A_942 = arith.mulf %add3A_931, %mul3A_941 : vector<16xf32>
      %mul3A_943 = arith.mulf %mul3A_942, %bitcast3A_939 : vector<16xf32>
      %mul3A_944 = arith.mulf %mul3A_943, %bitcast3A_939 : vector<16xf32>
      %add3A_945 = arith.constant 1.500000e+00 : f32
      %add3A_946 = vector.broadcast %add3A_945 : f32 to vector<16xf32>
      %add3A_947 = arith.addf %add3A_946, %mul3A_944 : vector<16xf32>
      %mul3A_948 = arith.mulf %bitcast3A_939, %add3A_947 : vector<16xf32>
      %mul3A_949 = arith.mulf %mul3A_942, %mul3A_948 : vector<16xf32>
      %mul3A_950 = arith.mulf %mul3A_949, %mul3A_948 : vector<16xf32>
      %add3A_951 = arith.constant 1.500000e+00 : f32
      %add3A_952 = vector.broadcast %add3A_951 : f32 to vector<16xf32>
      %add3A_953 = arith.addf %add3A_952, %mul3A_950 : vector<16xf32>
      %mul3A_954 = arith.mulf %mul3A_948, %add3A_953 : vector<16xf32>
      %mul3A_955 = arith.mulf %mul3A_942, %mul3A_954 : vector<16xf32>
      %mul3A_956 = arith.mulf %mul3A_955, %mul3A_954 : vector<16xf32>
      %add3A_957 = arith.constant 1.500000e+00 : f32
      %add3A_958 = vector.broadcast %add3A_957 : f32 to vector<16xf32>
      %add3A_959 = arith.addf %add3A_958, %mul3A_956 : vector<16xf32>
      %mul3A_960 = arith.mulf %mul3A_954, %add3A_959 : vector<16xf32>
      %jit3A_961 = arith.constant 0.000000e+00 : f32
      %broadcast_in_dim3A_962 = vector.broadcast %jit3A_961 : f32 to vector<16xf32>
      %select_n3A_963 = arith.select %gt3A_927, %mul3A_960, %broadcast_in_dim3A_962 : vector<16xi1>, vector<16xf32>
      %add3A_964 = arith.addf %add3A_920, %select_n3A_963 : vector<16xf32>
      %add3A_965 = arith.constant 17 : i32
      %add3A_966 = vector.broadcast %add3A_965 : i32 to vector<16xi32>
      %add3A_967 = arith.addi %mul3A_222, %add3A_966 : vector<16xi32>
      %gather3A_968 = tpu.vector_load_idx %arg27[%add3A_967] : memref<25600xf32, #tpu.memory_space<vmem>>[vector<16xi32>], vector<16xf32>,
      %gt3A_969 = arith.constant 0.000000e+00 : f32
      %gt3A_970 = vector.broadcast %gt3A_969 : f32 to vector<16xf32>
      %gt3A_971 = arith.cmpf ogt, %gather3A_968, %gt3A_970 : vector<16xf32>
      %jit3A_972 = arith.constant 0.000000e+00 : f32
      %broadcast_in_dim3A_973 = vector.broadcast %jit3A_972 : f32 to vector<16xf32>
      %select_n3A_974 = arith.select %gt3A_971, %gather3A_968, %broadcast_in_dim3A_973 : vector<16xi1>, vector<16xf32>
      %add3A_975 = arith.addf %select_n3A_974, %get3A_200 : vector<16xf32>
      %bitcast3A_976 = vector.bitcast %add3A_975 : vector<16xf32> to vector<16xi32>
      %shift_right_arithmetic3A_977 = arith.constant 1 : i32
      %shift_right_arithmetic3A_978 = vector.broadcast %shift_right_arithmetic3A_977 : i32 to vector<16xi32>
      %shift_right_arithmetic3A_979 = arith.shrsi %bitcast3A_976, %shift_right_arithmetic3A_978 : vector<16xi32>
      %sub3A_980 = arith.constant 1597463007 : i32
      %sub3A_981 = vector.broadcast %sub3A_980 : i32 to vector<16xi32>
      %sub3A_982 = arith.subi %sub3A_981, %shift_right_arithmetic3A_979 : vector<16xi32>
      %bitcast3A_983 = vector.bitcast %sub3A_982 : vector<16xi32> to vector<16xf32>
      %mul3A_984 = arith.constant -5.000000e-01 : f32
      %mul3A_985 = vector.broadcast %mul3A_984 : f32 to vector<16xf32>
      %mul3A_986 = arith.mulf %add3A_975, %mul3A_985 : vector<16xf32>
      %mul3A_987 = arith.mulf %mul3A_986, %bitcast3A_983 : vector<16xf32>
      %mul3A_988 = arith.mulf %mul3A_987, %bitcast3A_983 : vector<16xf32>
      %add3A_989 = arith.constant 1.500000e+00 : f32
      %add3A_990 = vector.broadcast %add3A_989 : f32 to vector<16xf32>
      %add3A_991 = arith.addf %add3A_990, %mul3A_988 : vector<16xf32>
      %mul3A_992 = arith.mulf %bitcast3A_983, %add3A_991 : vector<16xf32>
      %mul3A_993 = arith.mulf %mul3A_986, %mul3A_992 : vector<16xf32>
      %mul3A_994 = arith.mulf %mul3A_993, %mul3A_992 : vector<16xf32>
      %add3A_995 = arith.constant 1.500000e+00 : f32
      %add3A_996 = vector.broadcast %add3A_995 : f32 to vector<16xf32>
      %add3A_997 = arith.addf %add3A_996, %mul3A_994 : vector<16xf32>
      %mul3A_998 = arith.mulf %mul3A_992, %add3A_997 : vector<16xf32>
      %mul3A_999 = arith.mulf %mul3A_986, %mul3A_998 : vector<16xf32>
      %mul3A_1000 = arith.mulf %mul3A_999, %mul3A_998 : vector<16xf32>
      %add3A_1001 = arith.constant 1.500000e+00 : f32
      %add3A_1002 = vector.broadcast %add3A_1001 : f32 to vector<16xf32>
      %add3A_1003 = arith.addf %add3A_1002, %mul3A_1000 : vector<16xf32>
      %mul3A_1004 = arith.mulf %mul3A_998, %add3A_1003 : vector<16xf32>
      %jit3A_1005 = arith.constant 0.000000e+00 : f32
      %broadcast_in_dim3A_1006 = vector.broadcast %jit3A_1005 : f32 to vector<16xf32>
      %select_n3A_1007 = arith.select %gt3A_971, %mul3A_1004, %broadcast_in_dim3A_1006 : vector<16xi1>, vector<16xf32>
      %add3A_1008 = arith.addf %add3A_964, %select_n3A_1007 : vector<16xf32>
      %add3A_1009 = arith.constant 18 : i32
      %add3A_1010 = vector.broadcast %add3A_1009 : i32 to vector<16xi32>
      %add3A_1011 = arith.addi %mul3A_222, %add3A_1010 : vector<16xi32>
      %gather3A_1012 = tpu.vector_load_idx %arg27[%add3A_1011] : memref<25600xf32, #tpu.memory_space<vmem>>[vector<16xi32>], vector<16xf32>,
      %gt3A_1013 = arith.constant 0.000000e+00 : f32
      %gt3A_1014 = vector.broadcast %gt3A_1013 : f32 to vector<16xf32>
      %gt3A_1015 = arith.cmpf ogt, %gather3A_1012, %gt3A_1014 : vector<16xf32>
      %jit3A_1016 = arith.constant 0.000000e+00 : f32
      %broadcast_in_dim3A_1017 = vector.broadcast %jit3A_1016 : f32 to vector<16xf32>
      %select_n3A_1018 = arith.select %gt3A_1015, %gather3A_1012, %broadcast_in_dim3A_1017 : vector<16xi1>, vector<16xf32>
      %add3A_1019 = arith.addf %select_n3A_1018, %get3A_200 : vector<16xf32>
      %bitcast3A_1020 = vector.bitcast %add3A_1019 : vector<16xf32> to vector<16xi32>
      %shift_right_arithmetic3A_1021 = arith.constant 1 : i32
      %shift_right_arithmetic3A_1022 = vector.broadcast %shift_right_arithmetic3A_1021 : i32 to vector<16xi32>
      %shift_right_arithmetic3A_1023 = arith.shrsi %bitcast3A_1020, %shift_right_arithmetic3A_1022 : vector<16xi32>
      %sub3A_1024 = arith.constant 1597463007 : i32
      %sub3A_1025 = vector.broadcast %sub3A_1024 : i32 to vector<16xi32>
      %sub3A_1026 = arith.subi %sub3A_1025, %shift_right_arithmetic3A_1023 : vector<16xi32>
      %bitcast3A_1027 = vector.bitcast %sub3A_1026 : vector<16xi32> to vector<16xf32>
      %mul3A_1028 = arith.constant -5.000000e-01 : f32
      %mul3A_1029 = vector.broadcast %mul3A_1028 : f32 to vector<16xf32>
      %mul3A_1030 = arith.mulf %add3A_1019, %mul3A_1029 : vector<16xf32>
      %mul3A_1031 = arith.mulf %mul3A_1030, %bitcast3A_1027 : vector<16xf32>
      %mul3A_1032 = arith.mulf %mul3A_1031, %bitcast3A_1027 : vector<16xf32>
      %add3A_1033 = arith.constant 1.500000e+00 : f32
      %add3A_1034 = vector.broadcast %add3A_1033 : f32 to vector<16xf32>
      %add3A_1035 = arith.addf %add3A_1034, %mul3A_1032 : vector<16xf32>
      %mul3A_1036 = arith.mulf %bitcast3A_1027, %add3A_1035 : vector<16xf32>
      %mul3A_1037 = arith.mulf %mul3A_1030, %mul3A_1036 : vector<16xf32>
      %mul3A_1038 = arith.mulf %mul3A_1037, %mul3A_1036 : vector<16xf32>
      %add3A_1039 = arith.constant 1.500000e+00 : f32
      %add3A_1040 = vector.broadcast %add3A_1039 : f32 to vector<16xf32>
      %add3A_1041 = arith.addf %add3A_1040, %mul3A_1038 : vector<16xf32>
      %mul3A_1042 = arith.mulf %mul3A_1036, %add3A_1041 : vector<16xf32>
      %mul3A_1043 = arith.mulf %mul3A_1030, %mul3A_1042 : vector<16xf32>
      %mul3A_1044 = arith.mulf %mul3A_1043, %mul3A_1042 : vector<16xf32>
      %add3A_1045 = arith.constant 1.500000e+00 : f32
      %add3A_1046 = vector.broadcast %add3A_1045 : f32 to vector<16xf32>
      %add3A_1047 = arith.addf %add3A_1046, %mul3A_1044 : vector<16xf32>
      %mul3A_1048 = arith.mulf %mul3A_1042, %add3A_1047 : vector<16xf32>
      %jit3A_1049 = arith.constant 0.000000e+00 : f32
      %broadcast_in_dim3A_1050 = vector.broadcast %jit3A_1049 : f32 to vector<16xf32>
      %select_n3A_1051 = arith.select %gt3A_1015, %mul3A_1048, %broadcast_in_dim3A_1050 : vector<16xi1>, vector<16xf32>
      %add3A_1052 = arith.addf %add3A_1008, %select_n3A_1051 : vector<16xf32>
      %add3A_1053 = arith.constant 19 : i32
      %add3A_1054 = vector.broadcast %add3A_1053 : i32 to vector<16xi32>
      %add3A_1055 = arith.addi %mul3A_222, %add3A_1054 : vector<16xi32>
      %gather3A_1056 = tpu.vector_load_idx %arg27[%add3A_1055] : memref<25600xf32, #tpu.memory_space<vmem>>[vector<16xi32>], vector<16xf32>,
      %gt3A_1057 = arith.constant 0.000000e+00 : f32
      %gt3A_1058 = vector.broadcast %gt3A_1057 : f32 to vector<16xf32>
      %gt3A_1059 = arith.cmpf ogt, %gather3A_1056, %gt3A_1058 : vector<16xf32>
      %jit3A_1060 = arith.constant 0.000000e+00 : f32
      %broadcast_in_dim3A_1061 = vector.broadcast %jit3A_1060 : f32 to vector<16xf32>
      %select_n3A_1062 = arith.select %gt3A_1059, %gather3A_1056, %broadcast_in_dim3A_1061 : vector<16xi1>, vector<16xf32>
      %add3A_1063 = arith.addf %select_n3A_1062, %get3A_200 : vector<16xf32>
      %bitcast3A_1064 = vector.bitcast %add3A_1063 : vector<16xf32> to vector<16xi32>
      %shift_right_arithmetic3A_1065 = arith.constant 1 : i32
      %shift_right_arithmetic3A_1066 = vector.broadcast %shift_right_arithmetic3A_1065 : i32 to vector<16xi32>
      %shift_right_arithmetic3A_1067 = arith.shrsi %bitcast3A_1064, %shift_right_arithmetic3A_1066 : vector<16xi32>
      %sub3A_1068 = arith.constant 1597463007 : i32
      %sub3A_1069 = vector.broadcast %sub3A_1068 : i32 to vector<16xi32>
      %sub3A_1070 = arith.subi %sub3A_1069, %shift_right_arithmetic3A_1067 : vector<16xi32>
      %bitcast3A_1071 = vector.bitcast %sub3A_1070 : vector<16xi32> to vector<16xf32>
      %mul3A_1072 = arith.constant -5.000000e-01 : f32
      %mul3A_1073 = vector.broadcast %mul3A_1072 : f32 to vector<16xf32>
      %mul3A_1074 = arith.mulf %add3A_1063, %mul3A_1073 : vector<16xf32>
      %mul3A_1075 = arith.mulf %mul3A_1074, %bitcast3A_1071 : vector<16xf32>
      %mul3A_1076 = arith.mulf %mul3A_1075, %bitcast3A_1071 : vector<16xf32>
      %add3A_1077 = arith.constant 1.500000e+00 : f32
      %add3A_1078 = vector.broadcast %add3A_1077 : f32 to vector<16xf32>
      %add3A_1079 = arith.addf %add3A_1078, %mul3A_1076 : vector<16xf32>
      %mul3A_1080 = arith.mulf %bitcast3A_1071, %add3A_1079 : vector<16xf32>
      %mul3A_1081 = arith.mulf %mul3A_1074, %mul3A_1080 : vector<16xf32>
      %mul3A_1082 = arith.mulf %mul3A_1081, %mul3A_1080 : vector<16xf32>
      %add3A_1083 = arith.constant 1.500000e+00 : f32
      %add3A_1084 = vector.broadcast %add3A_1083 : f32 to vector<16xf32>
      %add3A_1085 = arith.addf %add3A_1084, %mul3A_1082 : vector<16xf32>
      %mul3A_1086 = arith.mulf %mul3A_1080, %add3A_1085 : vector<16xf32>
      %mul3A_1087 = arith.mulf %mul3A_1074, %mul3A_1086 : vector<16xf32>
      %mul3A_1088 = arith.mulf %mul3A_1087, %mul3A_1086 : vector<16xf32>
      %add3A_1089 = arith.constant 1.500000e+00 : f32
      %add3A_1090 = vector.broadcast %add3A_1089 : f32 to vector<16xf32>
      %add3A_1091 = arith.addf %add3A_1090, %mul3A_1088 : vector<16xf32>
      %mul3A_1092 = arith.mulf %mul3A_1086, %add3A_1091 : vector<16xf32>
      %jit3A_1093 = arith.constant 0.000000e+00 : f32
      %broadcast_in_dim3A_1094 = vector.broadcast %jit3A_1093 : f32 to vector<16xf32>
      %select_n3A_1095 = arith.select %gt3A_1059, %mul3A_1092, %broadcast_in_dim3A_1094 : vector<16xi1>, vector<16xf32>
      %add3A_1096 = arith.addf %add3A_1052, %select_n3A_1095 : vector<16xf32>
      %add3A_1097 = arith.constant 20 : i32
      %add3A_1098 = vector.broadcast %add3A_1097 : i32 to vector<16xi32>
      %add3A_1099 = arith.addi %mul3A_222, %add3A_1098 : vector<16xi32>
      %gather3A_1100 = tpu.vector_load_idx %arg27[%add3A_1099] : memref<25600xf32, #tpu.memory_space<vmem>>[vector<16xi32>], vector<16xf32>,
      %gt3A_1101 = arith.constant 0.000000e+00 : f32
      %gt3A_1102 = vector.broadcast %gt3A_1101 : f32 to vector<16xf32>
      %gt3A_1103 = arith.cmpf ogt, %gather3A_1100, %gt3A_1102 : vector<16xf32>
      %jit3A_1104 = arith.constant 0.000000e+00 : f32
      %broadcast_in_dim3A_1105 = vector.broadcast %jit3A_1104 : f32 to vector<16xf32>
      %select_n3A_1106 = arith.select %gt3A_1103, %gather3A_1100, %broadcast_in_dim3A_1105 : vector<16xi1>, vector<16xf32>
      %add3A_1107 = arith.addf %select_n3A_1106, %get3A_200 : vector<16xf32>
      %bitcast3A_1108 = vector.bitcast %add3A_1107 : vector<16xf32> to vector<16xi32>
      %shift_right_arithmetic3A_1109 = arith.constant 1 : i32
      %shift_right_arithmetic3A_1110 = vector.broadcast %shift_right_arithmetic3A_1109 : i32 to vector<16xi32>
      %shift_right_arithmetic3A_1111 = arith.shrsi %bitcast3A_1108, %shift_right_arithmetic3A_1110 : vector<16xi32>
      %sub3A_1112 = arith.constant 1597463007 : i32
      %sub3A_1113 = vector.broadcast %sub3A_1112 : i32 to vector<16xi32>
      %sub3A_1114 = arith.subi %sub3A_1113, %shift_right_arithmetic3A_1111 : vector<16xi32>
      %bitcast3A_1115 = vector.bitcast %sub3A_1114 : vector<16xi32> to vector<16xf32>
      %mul3A_1116 = arith.constant -5.000000e-01 : f32
      %mul3A_1117 = vector.broadcast %mul3A_1116 : f32 to vector<16xf32>
      %mul3A_1118 = arith.mulf %add3A_1107, %mul3A_1117 : vector<16xf32>
      %mul3A_1119 = arith.mulf %mul3A_1118, %bitcast3A_1115 : vector<16xf32>
      %mul3A_1120 = arith.mulf %mul3A_1119, %bitcast3A_1115 : vector<16xf32>
      %add3A_1121 = arith.constant 1.500000e+00 : f32
      %add3A_1122 = vector.broadcast %add3A_1121 : f32 to vector<16xf32>
      %add3A_1123 = arith.addf %add3A_1122, %mul3A_1120 : vector<16xf32>
      %mul3A_1124 = arith.mulf %bitcast3A_1115, %add3A_1123 : vector<16xf32>
      %mul3A_1125 = arith.mulf %mul3A_1118, %mul3A_1124 : vector<16xf32>
      %mul3A_1126 = arith.mulf %mul3A_1125, %mul3A_1124 : vector<16xf32>
      %add3A_1127 = arith.constant 1.500000e+00 : f32
      %add3A_1128 = vector.broadcast %add3A_1127 : f32 to vector<16xf32>
      %add3A_1129 = arith.addf %add3A_1128, %mul3A_1126 : vector<16xf32>
      %mul3A_1130 = arith.mulf %mul3A_1124, %add3A_1129 : vector<16xf32>
      %mul3A_1131 = arith.mulf %mul3A_1118, %mul3A_1130 : vector<16xf32>
      %mul3A_1132 = arith.mulf %mul3A_1131, %mul3A_1130 : vector<16xf32>
      %add3A_1133 = arith.constant 1.500000e+00 : f32
      %add3A_1134 = vector.broadcast %add3A_1133 : f32 to vector<16xf32>
      %add3A_1135 = arith.addf %add3A_1134, %mul3A_1132 : vector<16xf32>
      %mul3A_1136 = arith.mulf %mul3A_1130, %add3A_1135 : vector<16xf32>
      %jit3A_1137 = arith.constant 0.000000e+00 : f32
      %broadcast_in_dim3A_1138 = vector.broadcast %jit3A_1137 : f32 to vector<16xf32>
      %select_n3A_1139 = arith.select %gt3A_1103, %mul3A_1136, %broadcast_in_dim3A_1138 : vector<16xi1>, vector<16xf32>
      %add3A_1140 = arith.addf %add3A_1096, %select_n3A_1139 : vector<16xf32>
      %add3A_1141 = arith.constant 21 : i32
      %add3A_1142 = vector.broadcast %add3A_1141 : i32 to vector<16xi32>
      %add3A_1143 = arith.addi %mul3A_222, %add3A_1142 : vector<16xi32>
      %gather3A_1144 = tpu.vector_load_idx %arg27[%add3A_1143] : memref<25600xf32, #tpu.memory_space<vmem>>[vector<16xi32>], vector<16xf32>,
      %gt3A_1145 = arith.constant 0.000000e+00 : f32
      %gt3A_1146 = vector.broadcast %gt3A_1145 : f32 to vector<16xf32>
      %gt3A_1147 = arith.cmpf ogt, %gather3A_1144, %gt3A_1146 : vector<16xf32>
      %jit3A_1148 = arith.constant 0.000000e+00 : f32
      %broadcast_in_dim3A_1149 = vector.broadcast %jit3A_1148 : f32 to vector<16xf32>
      %select_n3A_1150 = arith.select %gt3A_1147, %gather3A_1144, %broadcast_in_dim3A_1149 : vector<16xi1>, vector<16xf32>
      %add3A_1151 = arith.addf %select_n3A_1150, %get3A_200 : vector<16xf32>
      %bitcast3A_1152 = vector.bitcast %add3A_1151 : vector<16xf32> to vector<16xi32>
      %shift_right_arithmetic3A_1153 = arith.constant 1 : i32
      %shift_right_arithmetic3A_1154 = vector.broadcast %shift_right_arithmetic3A_1153 : i32 to vector<16xi32>
      %shift_right_arithmetic3A_1155 = arith.shrsi %bitcast3A_1152, %shift_right_arithmetic3A_1154 : vector<16xi32>
      %sub3A_1156 = arith.constant 1597463007 : i32
      %sub3A_1157 = vector.broadcast %sub3A_1156 : i32 to vector<16xi32>
      %sub3A_1158 = arith.subi %sub3A_1157, %shift_right_arithmetic3A_1155 : vector<16xi32>
      %bitcast3A_1159 = vector.bitcast %sub3A_1158 : vector<16xi32> to vector<16xf32>
      %mul3A_1160 = arith.constant -5.000000e-01 : f32
      %mul3A_1161 = vector.broadcast %mul3A_1160 : f32 to vector<16xf32>
      %mul3A_1162 = arith.mulf %add3A_1151, %mul3A_1161 : vector<16xf32>
      %mul3A_1163 = arith.mulf %mul3A_1162, %bitcast3A_1159 : vector<16xf32>
      %mul3A_1164 = arith.mulf %mul3A_1163, %bitcast3A_1159 : vector<16xf32>
      %add3A_1165 = arith.constant 1.500000e+00 : f32
      %add3A_1166 = vector.broadcast %add3A_1165 : f32 to vector<16xf32>
      %add3A_1167 = arith.addf %add3A_1166, %mul3A_1164 : vector<16xf32>
      %mul3A_1168 = arith.mulf %bitcast3A_1159, %add3A_1167 : vector<16xf32>
      %mul3A_1169 = arith.mulf %mul3A_1162, %mul3A_1168 : vector<16xf32>
      %mul3A_1170 = arith.mulf %mul3A_1169, %mul3A_1168 : vector<16xf32>
      %add3A_1171 = arith.constant 1.500000e+00 : f32
      %add3A_1172 = vector.broadcast %add3A_1171 : f32 to vector<16xf32>
      %add3A_1173 = arith.addf %add3A_1172, %mul3A_1170 : vector<16xf32>
      %mul3A_1174 = arith.mulf %mul3A_1168, %add3A_1173 : vector<16xf32>
      %mul3A_1175 = arith.mulf %mul3A_1162, %mul3A_1174 : vector<16xf32>
      %mul3A_1176 = arith.mulf %mul3A_1175, %mul3A_1174 : vector<16xf32>
      %add3A_1177 = arith.constant 1.500000e+00 : f32
      %add3A_1178 = vector.broadcast %add3A_1177 : f32 to vector<16xf32>
      %add3A_1179 = arith.addf %add3A_1178, %mul3A_1176 : vector<16xf32>
      %mul3A_1180 = arith.mulf %mul3A_1174, %add3A_1179 : vector<16xf32>
      %jit3A_1181 = arith.constant 0.000000e+00 : f32
      %broadcast_in_dim3A_1182 = vector.broadcast %jit3A_1181 : f32 to vector<16xf32>
      %select_n3A_1183 = arith.select %gt3A_1147, %mul3A_1180, %broadcast_in_dim3A_1182 : vector<16xi1>, vector<16xf32>
      %add3A_1184 = arith.addf %add3A_1140, %select_n3A_1183 : vector<16xf32>
      %add3A_1185 = arith.constant 22 : i32
      %add3A_1186 = vector.broadcast %add3A_1185 : i32 to vector<16xi32>
      %add3A_1187 = arith.addi %mul3A_222, %add3A_1186 : vector<16xi32>
      %gather3A_1188 = tpu.vector_load_idx %arg27[%add3A_1187] : memref<25600xf32, #tpu.memory_space<vmem>>[vector<16xi32>], vector<16xf32>,
      %gt3A_1189 = arith.constant 0.000000e+00 : f32
      %gt3A_1190 = vector.broadcast %gt3A_1189 : f32 to vector<16xf32>
      %gt3A_1191 = arith.cmpf ogt, %gather3A_1188, %gt3A_1190 : vector<16xf32>
      %jit3A_1192 = arith.constant 0.000000e+00 : f32
      %broadcast_in_dim3A_1193 = vector.broadcast %jit3A_1192 : f32 to vector<16xf32>
      %select_n3A_1194 = arith.select %gt3A_1191, %gather3A_1188, %broadcast_in_dim3A_1193 : vector<16xi1>, vector<16xf32>
      %add3A_1195 = arith.addf %select_n3A_1194, %get3A_200 : vector<16xf32>
      %bitcast3A_1196 = vector.bitcast %add3A_1195 : vector<16xf32> to vector<16xi32>
      %shift_right_arithmetic3A_1197 = arith.constant 1 : i32
      %shift_right_arithmetic3A_1198 = vector.broadcast %shift_right_arithmetic3A_1197 : i32 to vector<16xi32>
      %shift_right_arithmetic3A_1199 = arith.shrsi %bitcast3A_1196, %shift_right_arithmetic3A_1198 : vector<16xi32>
      %sub3A_1200 = arith.constant 1597463007 : i32
      %sub3A_1201 = vector.broadcast %sub3A_1200 : i32 to vector<16xi32>
      %sub3A_1202 = arith.subi %sub3A_1201, %shift_right_arithmetic3A_1199 : vector<16xi32>
      %bitcast3A_1203 = vector.bitcast %sub3A_1202 : vector<16xi32> to vector<16xf32>
      %mul3A_1204 = arith.constant -5.000000e-01 : f32
      %mul3A_1205 = vector.broadcast %mul3A_1204 : f32 to vector<16xf32>
      %mul3A_1206 = arith.mulf %add3A_1195, %mul3A_1205 : vector<16xf32>
      %mul3A_1207 = arith.mulf %mul3A_1206, %bitcast3A_1203 : vector<16xf32>
      %mul3A_1208 = arith.mulf %mul3A_1207, %bitcast3A_1203 : vector<16xf32>
      %add3A_1209 = arith.constant 1.500000e+00 : f32
      %add3A_1210 = vector.broadcast %add3A_1209 : f32 to vector<16xf32>
      %add3A_1211 = arith.addf %add3A_1210, %mul3A_1208 : vector<16xf32>
      %mul3A_1212 = arith.mulf %bitcast3A_1203, %add3A_1211 : vector<16xf32>
      %mul3A_1213 = arith.mulf %mul3A_1206, %mul3A_1212 : vector<16xf32>
      %mul3A_1214 = arith.mulf %mul3A_1213, %mul3A_1212 : vector<16xf32>
      %add3A_1215 = arith.constant 1.500000e+00 : f32
      %add3A_1216 = vector.broadcast %add3A_1215 : f32 to vector<16xf32>
      %add3A_1217 = arith.addf %add3A_1216, %mul3A_1214 : vector<16xf32>
      %mul3A_1218 = arith.mulf %mul3A_1212, %add3A_1217 : vector<16xf32>
      %mul3A_1219 = arith.mulf %mul3A_1206, %mul3A_1218 : vector<16xf32>
      %mul3A_1220 = arith.mulf %mul3A_1219, %mul3A_1218 : vector<16xf32>
      %add3A_1221 = arith.constant 1.500000e+00 : f32
      %add3A_1222 = vector.broadcast %add3A_1221 : f32 to vector<16xf32>
      %add3A_1223 = arith.addf %add3A_1222, %mul3A_1220 : vector<16xf32>
      %mul3A_1224 = arith.mulf %mul3A_1218, %add3A_1223 : vector<16xf32>
      %jit3A_1225 = arith.constant 0.000000e+00 : f32
      %broadcast_in_dim3A_1226 = vector.broadcast %jit3A_1225 : f32 to vector<16xf32>
      %select_n3A_1227 = arith.select %gt3A_1191, %mul3A_1224, %broadcast_in_dim3A_1226 : vector<16xi1>, vector<16xf32>
      %add3A_1228 = arith.addf %add3A_1184, %select_n3A_1227 : vector<16xf32>
      %add3A_1229 = arith.constant 23 : i32
      %add3A_1230 = vector.broadcast %add3A_1229 : i32 to vector<16xi32>
      %add3A_1231 = arith.addi %mul3A_222, %add3A_1230 : vector<16xi32>
      %gather3A_1232 = tpu.vector_load_idx %arg27[%add3A_1231] : memref<25600xf32, #tpu.memory_space<vmem>>[vector<16xi32>], vector<16xf32>,
      %gt3A_1233 = arith.constant 0.000000e+00 : f32
      %gt3A_1234 = vector.broadcast %gt3A_1233 : f32 to vector<16xf32>
      %gt3A_1235 = arith.cmpf ogt, %gather3A_1232, %gt3A_1234 : vector<16xf32>
      %jit3A_1236 = arith.constant 0.000000e+00 : f32
      %broadcast_in_dim3A_1237 = vector.broadcast %jit3A_1236 : f32 to vector<16xf32>
      %select_n3A_1238 = arith.select %gt3A_1235, %gather3A_1232, %broadcast_in_dim3A_1237 : vector<16xi1>, vector<16xf32>
      %add3A_1239 = arith.addf %select_n3A_1238, %get3A_200 : vector<16xf32>
      %bitcast3A_1240 = vector.bitcast %add3A_1239 : vector<16xf32> to vector<16xi32>
      %shift_right_arithmetic3A_1241 = arith.constant 1 : i32
      %shift_right_arithmetic3A_1242 = vector.broadcast %shift_right_arithmetic3A_1241 : i32 to vector<16xi32>
      %shift_right_arithmetic3A_1243 = arith.shrsi %bitcast3A_1240, %shift_right_arithmetic3A_1242 : vector<16xi32>
      %sub3A_1244 = arith.constant 1597463007 : i32
      %sub3A_1245 = vector.broadcast %sub3A_1244 : i32 to vector<16xi32>
      %sub3A_1246 = arith.subi %sub3A_1245, %shift_right_arithmetic3A_1243 : vector<16xi32>
      %bitcast3A_1247 = vector.bitcast %sub3A_1246 : vector<16xi32> to vector<16xf32>
      %mul3A_1248 = arith.constant -5.000000e-01 : f32
      %mul3A_1249 = vector.broadcast %mul3A_1248 : f32 to vector<16xf32>
      %mul3A_1250 = arith.mulf %add3A_1239, %mul3A_1249 : vector<16xf32>
      %mul3A_1251 = arith.mulf %mul3A_1250, %bitcast3A_1247 : vector<16xf32>
      %mul3A_1252 = arith.mulf %mul3A_1251, %bitcast3A_1247 : vector<16xf32>
      %add3A_1253 = arith.constant 1.500000e+00 : f32
      %add3A_1254 = vector.broadcast %add3A_1253 : f32 to vector<16xf32>
      %add3A_1255 = arith.addf %add3A_1254, %mul3A_1252 : vector<16xf32>
      %mul3A_1256 = arith.mulf %bitcast3A_1247, %add3A_1255 : vector<16xf32>
      %mul3A_1257 = arith.mulf %mul3A_1250, %mul3A_1256 : vector<16xf32>
      %mul3A_1258 = arith.mulf %mul3A_1257, %mul3A_1256 : vector<16xf32>
      %add3A_1259 = arith.constant 1.500000e+00 : f32
      %add3A_1260 = vector.broadcast %add3A_1259 : f32 to vector<16xf32>
      %add3A_1261 = arith.addf %add3A_1260, %mul3A_1258 : vector<16xf32>
      %mul3A_1262 = arith.mulf %mul3A_1256, %add3A_1261 : vector<16xf32>
      %mul3A_1263 = arith.mulf %mul3A_1250, %mul3A_1262 : vector<16xf32>
      %mul3A_1264 = arith.mulf %mul3A_1263, %mul3A_1262 : vector<16xf32>
      %add3A_1265 = arith.constant 1.500000e+00 : f32
      %add3A_1266 = vector.broadcast %add3A_1265 : f32 to vector<16xf32>
      %add3A_1267 = arith.addf %add3A_1266, %mul3A_1264 : vector<16xf32>
      %mul3A_1268 = arith.mulf %mul3A_1262, %add3A_1267 : vector<16xf32>
      %jit3A_1269 = arith.constant 0.000000e+00 : f32
      %broadcast_in_dim3A_1270 = vector.broadcast %jit3A_1269 : f32 to vector<16xf32>
      %select_n3A_1271 = arith.select %gt3A_1235, %mul3A_1268, %broadcast_in_dim3A_1270 : vector<16xi1>, vector<16xf32>
      %add3A_1272 = arith.addf %add3A_1228, %select_n3A_1271 : vector<16xf32>
      %add3A_1273 = arith.constant 24 : i32
      %add3A_1274 = vector.broadcast %add3A_1273 : i32 to vector<16xi32>
      %add3A_1275 = arith.addi %mul3A_222, %add3A_1274 : vector<16xi32>
      %gather3A_1276 = tpu.vector_load_idx %arg27[%add3A_1275] : memref<25600xf32, #tpu.memory_space<vmem>>[vector<16xi32>], vector<16xf32>,
      %gt3A_1277 = arith.constant 0.000000e+00 : f32
      %gt3A_1278 = vector.broadcast %gt3A_1277 : f32 to vector<16xf32>
      %gt3A_1279 = arith.cmpf ogt, %gather3A_1276, %gt3A_1278 : vector<16xf32>
      %jit3A_1280 = arith.constant 0.000000e+00 : f32
      %broadcast_in_dim3A_1281 = vector.broadcast %jit3A_1280 : f32 to vector<16xf32>
      %select_n3A_1282 = arith.select %gt3A_1279, %gather3A_1276, %broadcast_in_dim3A_1281 : vector<16xi1>, vector<16xf32>
      %add3A_1283 = arith.addf %select_n3A_1282, %get3A_200 : vector<16xf32>
      %bitcast3A_1284 = vector.bitcast %add3A_1283 : vector<16xf32> to vector<16xi32>
      %shift_right_arithmetic3A_1285 = arith.constant 1 : i32
      %shift_right_arithmetic3A_1286 = vector.broadcast %shift_right_arithmetic3A_1285 : i32 to vector<16xi32>
      %shift_right_arithmetic3A_1287 = arith.shrsi %bitcast3A_1284, %shift_right_arithmetic3A_1286 : vector<16xi32>
      %sub3A_1288 = arith.constant 1597463007 : i32
      %sub3A_1289 = vector.broadcast %sub3A_1288 : i32 to vector<16xi32>
      %sub3A_1290 = arith.subi %sub3A_1289, %shift_right_arithmetic3A_1287 : vector<16xi32>
      %bitcast3A_1291 = vector.bitcast %sub3A_1290 : vector<16xi32> to vector<16xf32>
      %mul3A_1292 = arith.constant -5.000000e-01 : f32
      %mul3A_1293 = vector.broadcast %mul3A_1292 : f32 to vector<16xf32>
      %mul3A_1294 = arith.mulf %add3A_1283, %mul3A_1293 : vector<16xf32>
      %mul3A_1295 = arith.mulf %mul3A_1294, %bitcast3A_1291 : vector<16xf32>
      %mul3A_1296 = arith.mulf %mul3A_1295, %bitcast3A_1291 : vector<16xf32>
      %add3A_1297 = arith.constant 1.500000e+00 : f32
      %add3A_1298 = vector.broadcast %add3A_1297 : f32 to vector<16xf32>
      %add3A_1299 = arith.addf %add3A_1298, %mul3A_1296 : vector<16xf32>
      %mul3A_1300 = arith.mulf %bitcast3A_1291, %add3A_1299 : vector<16xf32>
      %mul3A_1301 = arith.mulf %mul3A_1294, %mul3A_1300 : vector<16xf32>
      %mul3A_1302 = arith.mulf %mul3A_1301, %mul3A_1300 : vector<16xf32>
      %add3A_1303 = arith.constant 1.500000e+00 : f32
      %add3A_1304 = vector.broadcast %add3A_1303 : f32 to vector<16xf32>
      %add3A_1305 = arith.addf %add3A_1304, %mul3A_1302 : vector<16xf32>
      %mul3A_1306 = arith.mulf %mul3A_1300, %add3A_1305 : vector<16xf32>
      %mul3A_1307 = arith.mulf %mul3A_1294, %mul3A_1306 : vector<16xf32>
      %mul3A_1308 = arith.mulf %mul3A_1307, %mul3A_1306 : vector<16xf32>
      %add3A_1309 = arith.constant 1.500000e+00 : f32
      %add3A_1310 = vector.broadcast %add3A_1309 : f32 to vector<16xf32>
      %add3A_1311 = arith.addf %add3A_1310, %mul3A_1308 : vector<16xf32>
      %mul3A_1312 = arith.mulf %mul3A_1306, %add3A_1311 : vector<16xf32>
      %jit3A_1313 = arith.constant 0.000000e+00 : f32
      %broadcast_in_dim3A_1314 = vector.broadcast %jit3A_1313 : f32 to vector<16xf32>
      %select_n3A_1315 = arith.select %gt3A_1279, %mul3A_1312, %broadcast_in_dim3A_1314 : vector<16xi1>, vector<16xf32>
      %add3A_1316 = arith.addf %add3A_1272, %select_n3A_1315 : vector<16xf32>
      %add3A_1317 = arith.constant 25 : i32
      %add3A_1318 = vector.broadcast %add3A_1317 : i32 to vector<16xi32>
      %add3A_1319 = arith.addi %mul3A_222, %add3A_1318 : vector<16xi32>
      %gather3A_1320 = tpu.vector_load_idx %arg27[%add3A_1319] : memref<25600xf32, #tpu.memory_space<vmem>>[vector<16xi32>], vector<16xf32>,
      %gt3A_1321 = arith.constant 0.000000e+00 : f32
      %gt3A_1322 = vector.broadcast %gt3A_1321 : f32 to vector<16xf32>
      %gt3A_1323 = arith.cmpf ogt, %gather3A_1320, %gt3A_1322 : vector<16xf32>
      %jit3A_1324 = arith.constant 0.000000e+00 : f32
      %broadcast_in_dim3A_1325 = vector.broadcast %jit3A_1324 : f32 to vector<16xf32>
      %select_n3A_1326 = arith.select %gt3A_1323, %gather3A_1320, %broadcast_in_dim3A_1325 : vector<16xi1>, vector<16xf32>
      %add3A_1327 = arith.addf %select_n3A_1326, %get3A_200 : vector<16xf32>
      %bitcast3A_1328 = vector.bitcast %add3A_1327 : vector<16xf32> to vector<16xi32>
      %shift_right_arithmetic3A_1329 = arith.constant 1 : i32
      %shift_right_arithmetic3A_1330 = vector.broadcast %shift_right_arithmetic3A_1329 : i32 to vector<16xi32>
      %shift_right_arithmetic3A_1331 = arith.shrsi %bitcast3A_1328, %shift_right_arithmetic3A_1330 : vector<16xi32>
      %sub3A_1332 = arith.constant 1597463007 : i32
      %sub3A_1333 = vector.broadcast %sub3A_1332 : i32 to vector<16xi32>
      %sub3A_1334 = arith.subi %sub3A_1333, %shift_right_arithmetic3A_1331 : vector<16xi32>
      %bitcast3A_1335 = vector.bitcast %sub3A_1334 : vector<16xi32> to vector<16xf32>
      %mul3A_1336 = arith.constant -5.000000e-01 : f32
      %mul3A_1337 = vector.broadcast %mul3A_1336 : f32 to vector<16xf32>
      %mul3A_1338 = arith.mulf %add3A_1327, %mul3A_1337 : vector<16xf32>
      %mul3A_1339 = arith.mulf %mul3A_1338, %bitcast3A_1335 : vector<16xf32>
      %mul3A_1340 = arith.mulf %mul3A_1339, %bitcast3A_1335 : vector<16xf32>
      %add3A_1341 = arith.constant 1.500000e+00 : f32
      %add3A_1342 = vector.broadcast %add3A_1341 : f32 to vector<16xf32>
      %add3A_1343 = arith.addf %add3A_1342, %mul3A_1340 : vector<16xf32>
      %mul3A_1344 = arith.mulf %bitcast3A_1335, %add3A_1343 : vector<16xf32>
      %mul3A_1345 = arith.mulf %mul3A_1338, %mul3A_1344 : vector<16xf32>
      %mul3A_1346 = arith.mulf %mul3A_1345, %mul3A_1344 : vector<16xf32>
      %add3A_1347 = arith.constant 1.500000e+00 : f32
      %add3A_1348 = vector.broadcast %add3A_1347 : f32 to vector<16xf32>
      %add3A_1349 = arith.addf %add3A_1348, %mul3A_1346 : vector<16xf32>
      %mul3A_1350 = arith.mulf %mul3A_1344, %add3A_1349 : vector<16xf32>
      %mul3A_1351 = arith.mulf %mul3A_1338, %mul3A_1350 : vector<16xf32>
      %mul3A_1352 = arith.mulf %mul3A_1351, %mul3A_1350 : vector<16xf32>
      %add3A_1353 = arith.constant 1.500000e+00 : f32
      %add3A_1354 = vector.broadcast %add3A_1353 : f32 to vector<16xf32>
      %add3A_1355 = arith.addf %add3A_1354, %mul3A_1352 : vector<16xf32>
      %mul3A_1356 = arith.mulf %mul3A_1350, %add3A_1355 : vector<16xf32>
      %jit3A_1357 = arith.constant 0.000000e+00 : f32
      %broadcast_in_dim3A_1358 = vector.broadcast %jit3A_1357 : f32 to vector<16xf32>
      %select_n3A_1359 = arith.select %gt3A_1323, %mul3A_1356, %broadcast_in_dim3A_1358 : vector<16xi1>, vector<16xf32>
      %add3A_1360 = arith.addf %add3A_1316, %select_n3A_1359 : vector<16xf32>
      %add3A_1361 = arith.constant 26 : i32
      %add3A_1362 = vector.broadcast %add3A_1361 : i32 to vector<16xi32>
      %add3A_1363 = arith.addi %mul3A_222, %add3A_1362 : vector<16xi32>
      %gather3A_1364 = tpu.vector_load_idx %arg27[%add3A_1363] : memref<25600xf32, #tpu.memory_space<vmem>>[vector<16xi32>], vector<16xf32>,
      %gt3A_1365 = arith.constant 0.000000e+00 : f32
      %gt3A_1366 = vector.broadcast %gt3A_1365 : f32 to vector<16xf32>
      %gt3A_1367 = arith.cmpf ogt, %gather3A_1364, %gt3A_1366 : vector<16xf32>
      %jit3A_1368 = arith.constant 0.000000e+00 : f32
      %broadcast_in_dim3A_1369 = vector.broadcast %jit3A_1368 : f32 to vector<16xf32>
      %select_n3A_1370 = arith.select %gt3A_1367, %gather3A_1364, %broadcast_in_dim3A_1369 : vector<16xi1>, vector<16xf32>
      %add3A_1371 = arith.addf %select_n3A_1370, %get3A_200 : vector<16xf32>
      %bitcast3A_1372 = vector.bitcast %add3A_1371 : vector<16xf32> to vector<16xi32>
      %shift_right_arithmetic3A_1373 = arith.constant 1 : i32
      %shift_right_arithmetic3A_1374 = vector.broadcast %shift_right_arithmetic3A_1373 : i32 to vector<16xi32>
      %shift_right_arithmetic3A_1375 = arith.shrsi %bitcast3A_1372, %shift_right_arithmetic3A_1374 : vector<16xi32>
      %sub3A_1376 = arith.constant 1597463007 : i32
      %sub3A_1377 = vector.broadcast %sub3A_1376 : i32 to vector<16xi32>
      %sub3A_1378 = arith.subi %sub3A_1377, %shift_right_arithmetic3A_1375 : vector<16xi32>
      %bitcast3A_1379 = vector.bitcast %sub3A_1378 : vector<16xi32> to vector<16xf32>
      %mul3A_1380 = arith.constant -5.000000e-01 : f32
      %mul3A_1381 = vector.broadcast %mul3A_1380 : f32 to vector<16xf32>
      %mul3A_1382 = arith.mulf %add3A_1371, %mul3A_1381 : vector<16xf32>
      %mul3A_1383 = arith.mulf %mul3A_1382, %bitcast3A_1379 : vector<16xf32>
      %mul3A_1384 = arith.mulf %mul3A_1383, %bitcast3A_1379 : vector<16xf32>
      %add3A_1385 = arith.constant 1.500000e+00 : f32
      %add3A_1386 = vector.broadcast %add3A_1385 : f32 to vector<16xf32>
      %add3A_1387 = arith.addf %add3A_1386, %mul3A_1384 : vector<16xf32>
      %mul3A_1388 = arith.mulf %bitcast3A_1379, %add3A_1387 : vector<16xf32>
      %mul3A_1389 = arith.mulf %mul3A_1382, %mul3A_1388 : vector<16xf32>
      %mul3A_1390 = arith.mulf %mul3A_1389, %mul3A_1388 : vector<16xf32>
      %add3A_1391 = arith.constant 1.500000e+00 : f32
      %add3A_1392 = vector.broadcast %add3A_1391 : f32 to vector<16xf32>
      %add3A_1393 = arith.addf %add3A_1392, %mul3A_1390 : vector<16xf32>
      %mul3A_1394 = arith.mulf %mul3A_1388, %add3A_1393 : vector<16xf32>
      %mul3A_1395 = arith.mulf %mul3A_1382, %mul3A_1394 : vector<16xf32>
      %mul3A_1396 = arith.mulf %mul3A_1395, %mul3A_1394 : vector<16xf32>
      %add3A_1397 = arith.constant 1.500000e+00 : f32
      %add3A_1398 = vector.broadcast %add3A_1397 : f32 to vector<16xf32>
      %add3A_1399 = arith.addf %add3A_1398, %mul3A_1396 : vector<16xf32>
      %mul3A_1400 = arith.mulf %mul3A_1394, %add3A_1399 : vector<16xf32>
      %jit3A_1401 = arith.constant 0.000000e+00 : f32
      %broadcast_in_dim3A_1402 = vector.broadcast %jit3A_1401 : f32 to vector<16xf32>
      %select_n3A_1403 = arith.select %gt3A_1367, %mul3A_1400, %broadcast_in_dim3A_1402 : vector<16xi1>, vector<16xf32>
      %add3A_1404 = arith.addf %add3A_1360, %select_n3A_1403 : vector<16xf32>
      %add3A_1405 = arith.constant 27 : i32
      %add3A_1406 = vector.broadcast %add3A_1405 : i32 to vector<16xi32>
      %add3A_1407 = arith.addi %mul3A_222, %add3A_1406 : vector<16xi32>
      %gather3A_1408 = tpu.vector_load_idx %arg27[%add3A_1407] : memref<25600xf32, #tpu.memory_space<vmem>>[vector<16xi32>], vector<16xf32>,
      %gt3A_1409 = arith.constant 0.000000e+00 : f32
      %gt3A_1410 = vector.broadcast %gt3A_1409 : f32 to vector<16xf32>
      %gt3A_1411 = arith.cmpf ogt, %gather3A_1408, %gt3A_1410 : vector<16xf32>
      %jit3A_1412 = arith.constant 0.000000e+00 : f32
      %broadcast_in_dim3A_1413 = vector.broadcast %jit3A_1412 : f32 to vector<16xf32>
      %select_n3A_1414 = arith.select %gt3A_1411, %gather3A_1408, %broadcast_in_dim3A_1413 : vector<16xi1>, vector<16xf32>
      %add3A_1415 = arith.addf %select_n3A_1414, %get3A_200 : vector<16xf32>
      %bitcast3A_1416 = vector.bitcast %add3A_1415 : vector<16xf32> to vector<16xi32>
      %shift_right_arithmetic3A_1417 = arith.constant 1 : i32
      %shift_right_arithmetic3A_1418 = vector.broadcast %shift_right_arithmetic3A_1417 : i32 to vector<16xi32>
      %shift_right_arithmetic3A_1419 = arith.shrsi %bitcast3A_1416, %shift_right_arithmetic3A_1418 : vector<16xi32>
      %sub3A_1420 = arith.constant 1597463007 : i32
      %sub3A_1421 = vector.broadcast %sub3A_1420 : i32 to vector<16xi32>
      %sub3A_1422 = arith.subi %sub3A_1421, %shift_right_arithmetic3A_1419 : vector<16xi32>
      %bitcast3A_1423 = vector.bitcast %sub3A_1422 : vector<16xi32> to vector<16xf32>
      %mul3A_1424 = arith.constant -5.000000e-01 : f32
      %mul3A_1425 = vector.broadcast %mul3A_1424 : f32 to vector<16xf32>
      %mul3A_1426 = arith.mulf %add3A_1415, %mul3A_1425 : vector<16xf32>
      %mul3A_1427 = arith.mulf %mul3A_1426, %bitcast3A_1423 : vector<16xf32>
      %mul3A_1428 = arith.mulf %mul3A_1427, %bitcast3A_1423 : vector<16xf32>
      %add3A_1429 = arith.constant 1.500000e+00 : f32
      %add3A_1430 = vector.broadcast %add3A_1429 : f32 to vector<16xf32>
      %add3A_1431 = arith.addf %add3A_1430, %mul3A_1428 : vector<16xf32>
      %mul3A_1432 = arith.mulf %bitcast3A_1423, %add3A_1431 : vector<16xf32>
      %mul3A_1433 = arith.mulf %mul3A_1426, %mul3A_1432 : vector<16xf32>
      %mul3A_1434 = arith.mulf %mul3A_1433, %mul3A_1432 : vector<16xf32>
      %add3A_1435 = arith.constant 1.500000e+00 : f32
      %add3A_1436 = vector.broadcast %add3A_1435 : f32 to vector<16xf32>
      %add3A_1437 = arith.addf %add3A_1436, %mul3A_1434 : vector<16xf32>
      %mul3A_1438 = arith.mulf %mul3A_1432, %add3A_1437 : vector<16xf32>
      %mul3A_1439 = arith.mulf %mul3A_1426, %mul3A_1438 : vector<16xf32>
      %mul3A_1440 = arith.mulf %mul3A_1439, %mul3A_1438 : vector<16xf32>
      %add3A_1441 = arith.constant 1.500000e+00 : f32
      %add3A_1442 = vector.broadcast %add3A_1441 : f32 to vector<16xf32>
      %add3A_1443 = arith.addf %add3A_1442, %mul3A_1440 : vector<16xf32>
      %mul3A_1444 = arith.mulf %mul3A_1438, %add3A_1443 : vector<16xf32>
      %jit3A_1445 = arith.constant 0.000000e+00 : f32
      %broadcast_in_dim3A_1446 = vector.broadcast %jit3A_1445 : f32 to vector<16xf32>
      %select_n3A_1447 = arith.select %gt3A_1411, %mul3A_1444, %broadcast_in_dim3A_1446 : vector<16xi1>, vector<16xf32>
      %add3A_1448 = arith.addf %add3A_1404, %select_n3A_1447 : vector<16xf32>
      %add3A_1449 = arith.constant 28 : i32
      %add3A_1450 = vector.broadcast %add3A_1449 : i32 to vector<16xi32>
      %add3A_1451 = arith.addi %mul3A_222, %add3A_1450 : vector<16xi32>
      %gather3A_1452 = tpu.vector_load_idx %arg27[%add3A_1451] : memref<25600xf32, #tpu.memory_space<vmem>>[vector<16xi32>], vector<16xf32>,
      %gt3A_1453 = arith.constant 0.000000e+00 : f32
      %gt3A_1454 = vector.broadcast %gt3A_1453 : f32 to vector<16xf32>
      %gt3A_1455 = arith.cmpf ogt, %gather3A_1452, %gt3A_1454 : vector<16xf32>
      %jit3A_1456 = arith.constant 0.000000e+00 : f32
      %broadcast_in_dim3A_1457 = vector.broadcast %jit3A_1456 : f32 to vector<16xf32>
      %select_n3A_1458 = arith.select %gt3A_1455, %gather3A_1452, %broadcast_in_dim3A_1457 : vector<16xi1>, vector<16xf32>
      %add3A_1459 = arith.addf %select_n3A_1458, %get3A_200 : vector<16xf32>
      %bitcast3A_1460 = vector.bitcast %add3A_1459 : vector<16xf32> to vector<16xi32>
      %shift_right_arithmetic3A_1461 = arith.constant 1 : i32
      %shift_right_arithmetic3A_1462 = vector.broadcast %shift_right_arithmetic3A_1461 : i32 to vector<16xi32>
      %shift_right_arithmetic3A_1463 = arith.shrsi %bitcast3A_1460, %shift_right_arithmetic3A_1462 : vector<16xi32>
      %sub3A_1464 = arith.constant 1597463007 : i32
      %sub3A_1465 = vector.broadcast %sub3A_1464 : i32 to vector<16xi32>
      %sub3A_1466 = arith.subi %sub3A_1465, %shift_right_arithmetic3A_1463 : vector<16xi32>
      %bitcast3A_1467 = vector.bitcast %sub3A_1466 : vector<16xi32> to vector<16xf32>
      %mul3A_1468 = arith.constant -5.000000e-01 : f32
      %mul3A_1469 = vector.broadcast %mul3A_1468 : f32 to vector<16xf32>
      %mul3A_1470 = arith.mulf %add3A_1459, %mul3A_1469 : vector<16xf32>
      %mul3A_1471 = arith.mulf %mul3A_1470, %bitcast3A_1467 : vector<16xf32>
      %mul3A_1472 = arith.mulf %mul3A_1471, %bitcast3A_1467 : vector<16xf32>
      %add3A_1473 = arith.constant 1.500000e+00 : f32
      %add3A_1474 = vector.broadcast %add3A_1473 : f32 to vector<16xf32>
      %add3A_1475 = arith.addf %add3A_1474, %mul3A_1472 : vector<16xf32>
      %mul3A_1476 = arith.mulf %bitcast3A_1467, %add3A_1475 : vector<16xf32>
      %mul3A_1477 = arith.mulf %mul3A_1470, %mul3A_1476 : vector<16xf32>
      %mul3A_1478 = arith.mulf %mul3A_1477, %mul3A_1476 : vector<16xf32>
      %add3A_1479 = arith.constant 1.500000e+00 : f32
      %add3A_1480 = vector.broadcast %add3A_1479 : f32 to vector<16xf32>
      %add3A_1481 = arith.addf %add3A_1480, %mul3A_1478 : vector<16xf32>
      %mul3A_1482 = arith.mulf %mul3A_1476, %add3A_1481 : vector<16xf32>
      %mul3A_1483 = arith.mulf %mul3A_1470, %mul3A_1482 : vector<16xf32>
      %mul3A_1484 = arith.mulf %mul3A_1483, %mul3A_1482 : vector<16xf32>
      %add3A_1485 = arith.constant 1.500000e+00 : f32
      %add3A_1486 = vector.broadcast %add3A_1485 : f32 to vector<16xf32>
      %add3A_1487 = arith.addf %add3A_1486, %mul3A_1484 : vector<16xf32>
      %mul3A_1488 = arith.mulf %mul3A_1482, %add3A_1487 : vector<16xf32>
      %jit3A_1489 = arith.constant 0.000000e+00 : f32
      %broadcast_in_dim3A_1490 = vector.broadcast %jit3A_1489 : f32 to vector<16xf32>
      %select_n3A_1491 = arith.select %gt3A_1455, %mul3A_1488, %broadcast_in_dim3A_1490 : vector<16xi1>, vector<16xf32>
      %add3A_1492 = arith.addf %add3A_1448, %select_n3A_1491 : vector<16xf32>
      %add3A_1493 = arith.constant 29 : i32
      %add3A_1494 = vector.broadcast %add3A_1493 : i32 to vector<16xi32>
      %add3A_1495 = arith.addi %mul3A_222, %add3A_1494 : vector<16xi32>
      %gather3A_1496 = tpu.vector_load_idx %arg27[%add3A_1495] : memref<25600xf32, #tpu.memory_space<vmem>>[vector<16xi32>], vector<16xf32>,
      %gt3A_1497 = arith.constant 0.000000e+00 : f32
      %gt3A_1498 = vector.broadcast %gt3A_1497 : f32 to vector<16xf32>
      %gt3A_1499 = arith.cmpf ogt, %gather3A_1496, %gt3A_1498 : vector<16xf32>
      %jit3A_1500 = arith.constant 0.000000e+00 : f32
      %broadcast_in_dim3A_1501 = vector.broadcast %jit3A_1500 : f32 to vector<16xf32>
      %select_n3A_1502 = arith.select %gt3A_1499, %gather3A_1496, %broadcast_in_dim3A_1501 : vector<16xi1>, vector<16xf32>
      %add3A_1503 = arith.addf %select_n3A_1502, %get3A_200 : vector<16xf32>
      %bitcast3A_1504 = vector.bitcast %add3A_1503 : vector<16xf32> to vector<16xi32>
      %shift_right_arithmetic3A_1505 = arith.constant 1 : i32
      %shift_right_arithmetic3A_1506 = vector.broadcast %shift_right_arithmetic3A_1505 : i32 to vector<16xi32>
      %shift_right_arithmetic3A_1507 = arith.shrsi %bitcast3A_1504, %shift_right_arithmetic3A_1506 : vector<16xi32>
      %sub3A_1508 = arith.constant 1597463007 : i32
      %sub3A_1509 = vector.broadcast %sub3A_1508 : i32 to vector<16xi32>
      %sub3A_1510 = arith.subi %sub3A_1509, %shift_right_arithmetic3A_1507 : vector<16xi32>
      %bitcast3A_1511 = vector.bitcast %sub3A_1510 : vector<16xi32> to vector<16xf32>
      %mul3A_1512 = arith.constant -5.000000e-01 : f32
      %mul3A_1513 = vector.broadcast %mul3A_1512 : f32 to vector<16xf32>
      %mul3A_1514 = arith.mulf %add3A_1503, %mul3A_1513 : vector<16xf32>
      %mul3A_1515 = arith.mulf %mul3A_1514, %bitcast3A_1511 : vector<16xf32>
      %mul3A_1516 = arith.mulf %mul3A_1515, %bitcast3A_1511 : vector<16xf32>
      %add3A_1517 = arith.constant 1.500000e+00 : f32
      %add3A_1518 = vector.broadcast %add3A_1517 : f32 to vector<16xf32>
      %add3A_1519 = arith.addf %add3A_1518, %mul3A_1516 : vector<16xf32>
      %mul3A_1520 = arith.mulf %bitcast3A_1511, %add3A_1519 : vector<16xf32>
      %mul3A_1521 = arith.mulf %mul3A_1514, %mul3A_1520 : vector<16xf32>
      %mul3A_1522 = arith.mulf %mul3A_1521, %mul3A_1520 : vector<16xf32>
      %add3A_1523 = arith.constant 1.500000e+00 : f32
      %add3A_1524 = vector.broadcast %add3A_1523 : f32 to vector<16xf32>
      %add3A_1525 = arith.addf %add3A_1524, %mul3A_1522 : vector<16xf32>
      %mul3A_1526 = arith.mulf %mul3A_1520, %add3A_1525 : vector<16xf32>
      %mul3A_1527 = arith.mulf %mul3A_1514, %mul3A_1526 : vector<16xf32>
      %mul3A_1528 = arith.mulf %mul3A_1527, %mul3A_1526 : vector<16xf32>
      %add3A_1529 = arith.constant 1.500000e+00 : f32
      %add3A_1530 = vector.broadcast %add3A_1529 : f32 to vector<16xf32>
      %add3A_1531 = arith.addf %add3A_1530, %mul3A_1528 : vector<16xf32>
      %mul3A_1532 = arith.mulf %mul3A_1526, %add3A_1531 : vector<16xf32>
      %jit3A_1533 = arith.constant 0.000000e+00 : f32
      %broadcast_in_dim3A_1534 = vector.broadcast %jit3A_1533 : f32 to vector<16xf32>
      %select_n3A_1535 = arith.select %gt3A_1499, %mul3A_1532, %broadcast_in_dim3A_1534 : vector<16xi1>, vector<16xf32>
      %add3A_1536 = arith.addf %add3A_1492, %select_n3A_1535 : vector<16xf32>
      %add3A_1537 = arith.constant 30 : i32
      %add3A_1538 = vector.broadcast %add3A_1537 : i32 to vector<16xi32>
      %add3A_1539 = arith.addi %mul3A_222, %add3A_1538 : vector<16xi32>
      %gather3A_1540 = tpu.vector_load_idx %arg27[%add3A_1539] : memref<25600xf32, #tpu.memory_space<vmem>>[vector<16xi32>], vector<16xf32>,
      %gt3A_1541 = arith.constant 0.000000e+00 : f32
      %gt3A_1542 = vector.broadcast %gt3A_1541 : f32 to vector<16xf32>
      %gt3A_1543 = arith.cmpf ogt, %gather3A_1540, %gt3A_1542 : vector<16xf32>
      %jit3A_1544 = arith.constant 0.000000e+00 : f32
      %broadcast_in_dim3A_1545 = vector.broadcast %jit3A_1544 : f32 to vector<16xf32>
      %select_n3A_1546 = arith.select %gt3A_1543, %gather3A_1540, %broadcast_in_dim3A_1545 : vector<16xi1>, vector<16xf32>
      %add3A_1547 = arith.addf %select_n3A_1546, %get3A_200 : vector<16xf32>
      %bitcast3A_1548 = vector.bitcast %add3A_1547 : vector<16xf32> to vector<16xi32>
      %shift_right_arithmetic3A_1549 = arith.constant 1 : i32
      %shift_right_arithmetic3A_1550 = vector.broadcast %shift_right_arithmetic3A_1549 : i32 to vector<16xi32>
      %shift_right_arithmetic3A_1551 = arith.shrsi %bitcast3A_1548, %shift_right_arithmetic3A_1550 : vector<16xi32>
      %sub3A_1552 = arith.constant 1597463007 : i32
      %sub3A_1553 = vector.broadcast %sub3A_1552 : i32 to vector<16xi32>
      %sub3A_1554 = arith.subi %sub3A_1553, %shift_right_arithmetic3A_1551 : vector<16xi32>
      %bitcast3A_1555 = vector.bitcast %sub3A_1554 : vector<16xi32> to vector<16xf32>
      %mul3A_1556 = arith.constant -5.000000e-01 : f32
      %mul3A_1557 = vector.broadcast %mul3A_1556 : f32 to vector<16xf32>
      %mul3A_1558 = arith.mulf %add3A_1547, %mul3A_1557 : vector<16xf32>
      %mul3A_1559 = arith.mulf %mul3A_1558, %bitcast3A_1555 : vector<16xf32>
      %mul3A_1560 = arith.mulf %mul3A_1559, %bitcast3A_1555 : vector<16xf32>
      %add3A_1561 = arith.constant 1.500000e+00 : f32
      %add3A_1562 = vector.broadcast %add3A_1561 : f32 to vector<16xf32>
      %add3A_1563 = arith.addf %add3A_1562, %mul3A_1560 : vector<16xf32>
      %mul3A_1564 = arith.mulf %bitcast3A_1555, %add3A_1563 : vector<16xf32>
      %mul3A_1565 = arith.mulf %mul3A_1558, %mul3A_1564 : vector<16xf32>
      %mul3A_1566 = arith.mulf %mul3A_1565, %mul3A_1564 : vector<16xf32>
      %add3A_1567 = arith.constant 1.500000e+00 : f32
      %add3A_1568 = vector.broadcast %add3A_1567 : f32 to vector<16xf32>
      %add3A_1569 = arith.addf %add3A_1568, %mul3A_1566 : vector<16xf32>
      %mul3A_1570 = arith.mulf %mul3A_1564, %add3A_1569 : vector<16xf32>
      %mul3A_1571 = arith.mulf %mul3A_1558, %mul3A_1570 : vector<16xf32>
      %mul3A_1572 = arith.mulf %mul3A_1571, %mul3A_1570 : vector<16xf32>
      %add3A_1573 = arith.constant 1.500000e+00 : f32
      %add3A_1574 = vector.broadcast %add3A_1573 : f32 to vector<16xf32>
      %add3A_1575 = arith.addf %add3A_1574, %mul3A_1572 : vector<16xf32>
      %mul3A_1576 = arith.mulf %mul3A_1570, %add3A_1575 : vector<16xf32>
      %jit3A_1577 = arith.constant 0.000000e+00 : f32
      %broadcast_in_dim3A_1578 = vector.broadcast %jit3A_1577 : f32 to vector<16xf32>
      %select_n3A_1579 = arith.select %gt3A_1543, %mul3A_1576, %broadcast_in_dim3A_1578 : vector<16xi1>, vector<16xf32>
      %add3A_1580 = arith.addf %add3A_1536, %select_n3A_1579 : vector<16xf32>
      %add3A_1581 = arith.constant 31 : i32
      %add3A_1582 = vector.broadcast %add3A_1581 : i32 to vector<16xi32>
      %add3A_1583 = arith.addi %mul3A_222, %add3A_1582 : vector<16xi32>
      %gather3A_1584 = tpu.vector_load_idx %arg27[%add3A_1583] : memref<25600xf32, #tpu.memory_space<vmem>>[vector<16xi32>], vector<16xf32>,
      %gt3A_1585 = arith.constant 0.000000e+00 : f32
      %gt3A_1586 = vector.broadcast %gt3A_1585 : f32 to vector<16xf32>
      %gt3A_1587 = arith.cmpf ogt, %gather3A_1584, %gt3A_1586 : vector<16xf32>
      %jit3A_1588 = arith.constant 0.000000e+00 : f32
      %broadcast_in_dim3A_1589 = vector.broadcast %jit3A_1588 : f32 to vector<16xf32>
      %select_n3A_1590 = arith.select %gt3A_1587, %gather3A_1584, %broadcast_in_dim3A_1589 : vector<16xi1>, vector<16xf32>
      %add3A_1591 = arith.addf %select_n3A_1590, %get3A_200 : vector<16xf32>
      %bitcast3A_1592 = vector.bitcast %add3A_1591 : vector<16xf32> to vector<16xi32>
      %shift_right_arithmetic3A_1593 = arith.constant 1 : i32
      %shift_right_arithmetic3A_1594 = vector.broadcast %shift_right_arithmetic3A_1593 : i32 to vector<16xi32>
      %shift_right_arithmetic3A_1595 = arith.shrsi %bitcast3A_1592, %shift_right_arithmetic3A_1594 : vector<16xi32>
      %sub3A_1596 = arith.constant 1597463007 : i32
      %sub3A_1597 = vector.broadcast %sub3A_1596 : i32 to vector<16xi32>
      %sub3A_1598 = arith.subi %sub3A_1597, %shift_right_arithmetic3A_1595 : vector<16xi32>
      %bitcast3A_1599 = vector.bitcast %sub3A_1598 : vector<16xi32> to vector<16xf32>
      %mul3A_1600 = arith.constant -5.000000e-01 : f32
      %mul3A_1601 = vector.broadcast %mul3A_1600 : f32 to vector<16xf32>
      %mul3A_1602 = arith.mulf %add3A_1591, %mul3A_1601 : vector<16xf32>
      %mul3A_1603 = arith.mulf %mul3A_1602, %bitcast3A_1599 : vector<16xf32>
      %mul3A_1604 = arith.mulf %mul3A_1603, %bitcast3A_1599 : vector<16xf32>
      %add3A_1605 = arith.constant 1.500000e+00 : f32
      %add3A_1606 = vector.broadcast %add3A_1605 : f32 to vector<16xf32>
      %add3A_1607 = arith.addf %add3A_1606, %mul3A_1604 : vector<16xf32>
      %mul3A_1608 = arith.mulf %bitcast3A_1599, %add3A_1607 : vector<16xf32>
      %mul3A_1609 = arith.mulf %mul3A_1602, %mul3A_1608 : vector<16xf32>
      %mul3A_1610 = arith.mulf %mul3A_1609, %mul3A_1608 : vector<16xf32>
      %add3A_1611 = arith.constant 1.500000e+00 : f32
      %add3A_1612 = vector.broadcast %add3A_1611 : f32 to vector<16xf32>
      %add3A_1613 = arith.addf %add3A_1612, %mul3A_1610 : vector<16xf32>
      %mul3A_1614 = arith.mulf %mul3A_1608, %add3A_1613 : vector<16xf32>
      %mul3A_1615 = arith.mulf %mul3A_1602, %mul3A_1614 : vector<16xf32>
      %mul3A_1616 = arith.mulf %mul3A_1615, %mul3A_1614 : vector<16xf32>
      %add3A_1617 = arith.constant 1.500000e+00 : f32
      %add3A_1618 = vector.broadcast %add3A_1617 : f32 to vector<16xf32>
      %add3A_1619 = arith.addf %add3A_1618, %mul3A_1616 : vector<16xf32>
      %mul3A_1620 = arith.mulf %mul3A_1614, %add3A_1619 : vector<16xf32>
      %jit3A_1621 = arith.constant 0.000000e+00 : f32
      %broadcast_in_dim3A_1622 = vector.broadcast %jit3A_1621 : f32 to vector<16xf32>
      %select_n3A_1623 = arith.select %gt3A_1587, %mul3A_1620, %broadcast_in_dim3A_1622 : vector<16xi1>, vector<16xf32>
      %add3A_1624 = arith.addf %add3A_1580, %select_n3A_1623 : vector<16xf32>
      %add3A_1625 = arith.constant 32 : i32
      %add3A_1626 = vector.broadcast %add3A_1625 : i32 to vector<16xi32>
      %add3A_1627 = arith.addi %mul3A_222, %add3A_1626 : vector<16xi32>
      %gather3A_1628 = tpu.vector_load_idx %arg27[%add3A_1627] : memref<25600xf32, #tpu.memory_space<vmem>>[vector<16xi32>], vector<16xf32>,
      %gt3A_1629 = arith.constant 0.000000e+00 : f32
      %gt3A_1630 = vector.broadcast %gt3A_1629 : f32 to vector<16xf32>
      %gt3A_1631 = arith.cmpf ogt, %gather3A_1628, %gt3A_1630 : vector<16xf32>
      %jit3A_1632 = arith.constant 0.000000e+00 : f32
      %broadcast_in_dim3A_1633 = vector.broadcast %jit3A_1632 : f32 to vector<16xf32>
      %select_n3A_1634 = arith.select %gt3A_1631, %gather3A_1628, %broadcast_in_dim3A_1633 : vector<16xi1>, vector<16xf32>
      %add3A_1635 = arith.addf %select_n3A_1634, %get3A_200 : vector<16xf32>
      %bitcast3A_1636 = vector.bitcast %add3A_1635 : vector<16xf32> to vector<16xi32>
      %shift_right_arithmetic3A_1637 = arith.constant 1 : i32
      %shift_right_arithmetic3A_1638 = vector.broadcast %shift_right_arithmetic3A_1637 : i32 to vector<16xi32>
      %shift_right_arithmetic3A_1639 = arith.shrsi %bitcast3A_1636, %shift_right_arithmetic3A_1638 : vector<16xi32>
      %sub3A_1640 = arith.constant 1597463007 : i32
      %sub3A_1641 = vector.broadcast %sub3A_1640 : i32 to vector<16xi32>
      %sub3A_1642 = arith.subi %sub3A_1641, %shift_right_arithmetic3A_1639 : vector<16xi32>
      %bitcast3A_1643 = vector.bitcast %sub3A_1642 : vector<16xi32> to vector<16xf32>
      %mul3A_1644 = arith.constant -5.000000e-01 : f32
      %mul3A_1645 = vector.broadcast %mul3A_1644 : f32 to vector<16xf32>
      %mul3A_1646 = arith.mulf %add3A_1635, %mul3A_1645 : vector<16xf32>
      %mul3A_1647 = arith.mulf %mul3A_1646, %bitcast3A_1643 : vector<16xf32>
      %mul3A_1648 = arith.mulf %mul3A_1647, %bitcast3A_1643 : vector<16xf32>
      %add3A_1649 = arith.constant 1.500000e+00 : f32
      %add3A_1650 = vector.broadcast %add3A_1649 : f32 to vector<16xf32>
      %add3A_1651 = arith.addf %add3A_1650, %mul3A_1648 : vector<16xf32>
      %mul3A_1652 = arith.mulf %bitcast3A_1643, %add3A_1651 : vector<16xf32>
      %mul3A_1653 = arith.mulf %mul3A_1646, %mul3A_1652 : vector<16xf32>
      %mul3A_1654 = arith.mulf %mul3A_1653, %mul3A_1652 : vector<16xf32>
      %add3A_1655 = arith.constant 1.500000e+00 : f32
      %add3A_1656 = vector.broadcast %add3A_1655 : f32 to vector<16xf32>
      %add3A_1657 = arith.addf %add3A_1656, %mul3A_1654 : vector<16xf32>
      %mul3A_1658 = arith.mulf %mul3A_1652, %add3A_1657 : vector<16xf32>
      %mul3A_1659 = arith.mulf %mul3A_1646, %mul3A_1658 : vector<16xf32>
      %mul3A_1660 = arith.mulf %mul3A_1659, %mul3A_1658 : vector<16xf32>
      %add3A_1661 = arith.constant 1.500000e+00 : f32
      %add3A_1662 = vector.broadcast %add3A_1661 : f32 to vector<16xf32>
      %add3A_1663 = arith.addf %add3A_1662, %mul3A_1660 : vector<16xf32>
      %mul3A_1664 = arith.mulf %mul3A_1658, %add3A_1663 : vector<16xf32>
      %jit3A_1665 = arith.constant 0.000000e+00 : f32
      %broadcast_in_dim3A_1666 = vector.broadcast %jit3A_1665 : f32 to vector<16xf32>
      %select_n3A_1667 = arith.select %gt3A_1631, %mul3A_1664, %broadcast_in_dim3A_1666 : vector<16xi1>, vector<16xf32>
      %add3A_1668 = arith.addf %add3A_1624, %select_n3A_1667 : vector<16xf32>
      %add3A_1669 = arith.constant 33 : i32
      %add3A_1670 = vector.broadcast %add3A_1669 : i32 to vector<16xi32>
      %add3A_1671 = arith.addi %mul3A_222, %add3A_1670 : vector<16xi32>
      %gather3A_1672 = tpu.vector_load_idx %arg27[%add3A_1671] : memref<25600xf32, #tpu.memory_space<vmem>>[vector<16xi32>], vector<16xf32>,
      %gt3A_1673 = arith.constant 0.000000e+00 : f32
      %gt3A_1674 = vector.broadcast %gt3A_1673 : f32 to vector<16xf32>
      %gt3A_1675 = arith.cmpf ogt, %gather3A_1672, %gt3A_1674 : vector<16xf32>
      %jit3A_1676 = arith.constant 0.000000e+00 : f32
      %broadcast_in_dim3A_1677 = vector.broadcast %jit3A_1676 : f32 to vector<16xf32>
      %select_n3A_1678 = arith.select %gt3A_1675, %gather3A_1672, %broadcast_in_dim3A_1677 : vector<16xi1>, vector<16xf32>
      %add3A_1679 = arith.addf %select_n3A_1678, %get3A_200 : vector<16xf32>
      %bitcast3A_1680 = vector.bitcast %add3A_1679 : vector<16xf32> to vector<16xi32>
      %shift_right_arithmetic3A_1681 = arith.constant 1 : i32
      %shift_right_arithmetic3A_1682 = vector.broadcast %shift_right_arithmetic3A_1681 : i32 to vector<16xi32>
      %shift_right_arithmetic3A_1683 = arith.shrsi %bitcast3A_1680, %shift_right_arithmetic3A_1682 : vector<16xi32>
      %sub3A_1684 = arith.constant 1597463007 : i32
      %sub3A_1685 = vector.broadcast %sub3A_1684 : i32 to vector<16xi32>
      %sub3A_1686 = arith.subi %sub3A_1685, %shift_right_arithmetic3A_1683 : vector<16xi32>
      %bitcast3A_1687 = vector.bitcast %sub3A_1686 : vector<16xi32> to vector<16xf32>
      %mul3A_1688 = arith.constant -5.000000e-01 : f32
      %mul3A_1689 = vector.broadcast %mul3A_1688 : f32 to vector<16xf32>
      %mul3A_1690 = arith.mulf %add3A_1679, %mul3A_1689 : vector<16xf32>
      %mul3A_1691 = arith.mulf %mul3A_1690, %bitcast3A_1687 : vector<16xf32>
      %mul3A_1692 = arith.mulf %mul3A_1691, %bitcast3A_1687 : vector<16xf32>
      %add3A_1693 = arith.constant 1.500000e+00 : f32
      %add3A_1694 = vector.broadcast %add3A_1693 : f32 to vector<16xf32>
      %add3A_1695 = arith.addf %add3A_1694, %mul3A_1692 : vector<16xf32>
      %mul3A_1696 = arith.mulf %bitcast3A_1687, %add3A_1695 : vector<16xf32>
      %mul3A_1697 = arith.mulf %mul3A_1690, %mul3A_1696 : vector<16xf32>
      %mul3A_1698 = arith.mulf %mul3A_1697, %mul3A_1696 : vector<16xf32>
      %add3A_1699 = arith.constant 1.500000e+00 : f32
      %add3A_1700 = vector.broadcast %add3A_1699 : f32 to vector<16xf32>
      %add3A_1701 = arith.addf %add3A_1700, %mul3A_1698 : vector<16xf32>
      %mul3A_1702 = arith.mulf %mul3A_1696, %add3A_1701 : vector<16xf32>
      %mul3A_1703 = arith.mulf %mul3A_1690, %mul3A_1702 : vector<16xf32>
      %mul3A_1704 = arith.mulf %mul3A_1703, %mul3A_1702 : vector<16xf32>
      %add3A_1705 = arith.constant 1.500000e+00 : f32
      %add3A_1706 = vector.broadcast %add3A_1705 : f32 to vector<16xf32>
      %add3A_1707 = arith.addf %add3A_1706, %mul3A_1704 : vector<16xf32>
      %mul3A_1708 = arith.mulf %mul3A_1702, %add3A_1707 : vector<16xf32>
      %jit3A_1709 = arith.constant 0.000000e+00 : f32
      %broadcast_in_dim3A_1710 = vector.broadcast %jit3A_1709 : f32 to vector<16xf32>
      %select_n3A_1711 = arith.select %gt3A_1675, %mul3A_1708, %broadcast_in_dim3A_1710 : vector<16xi1>, vector<16xf32>
      %add3A_1712 = arith.addf %add3A_1668, %select_n3A_1711 : vector<16xf32>
      %add3A_1713 = arith.constant 34 : i32
      %add3A_1714 = vector.broadcast %add3A_1713 : i32 to vector<16xi32>
      %add3A_1715 = arith.addi %mul3A_222, %add3A_1714 : vector<16xi32>
      %gather3A_1716 = tpu.vector_load_idx %arg27[%add3A_1715] : memref<25600xf32, #tpu.memory_space<vmem>>[vector<16xi32>], vector<16xf32>,
      %gt3A_1717 = arith.constant 0.000000e+00 : f32
      %gt3A_1718 = vector.broadcast %gt3A_1717 : f32 to vector<16xf32>
      %gt3A_1719 = arith.cmpf ogt, %gather3A_1716, %gt3A_1718 : vector<16xf32>
      %jit3A_1720 = arith.constant 0.000000e+00 : f32
      %broadcast_in_dim3A_1721 = vector.broadcast %jit3A_1720 : f32 to vector<16xf32>
      %select_n3A_1722 = arith.select %gt3A_1719, %gather3A_1716, %broadcast_in_dim3A_1721 : vector<16xi1>, vector<16xf32>
      %add3A_1723 = arith.addf %select_n3A_1722, %get3A_200 : vector<16xf32>
      %bitcast3A_1724 = vector.bitcast %add3A_1723 : vector<16xf32> to vector<16xi32>
      %shift_right_arithmetic3A_1725 = arith.constant 1 : i32
      %shift_right_arithmetic3A_1726 = vector.broadcast %shift_right_arithmetic3A_1725 : i32 to vector<16xi32>
      %shift_right_arithmetic3A_1727 = arith.shrsi %bitcast3A_1724, %shift_right_arithmetic3A_1726 : vector<16xi32>
      %sub3A_1728 = arith.constant 1597463007 : i32
      %sub3A_1729 = vector.broadcast %sub3A_1728 : i32 to vector<16xi32>
      %sub3A_1730 = arith.subi %sub3A_1729, %shift_right_arithmetic3A_1727 : vector<16xi32>
      %bitcast3A_1731 = vector.bitcast %sub3A_1730 : vector<16xi32> to vector<16xf32>
      %mul3A_1732 = arith.constant -5.000000e-01 : f32
      %mul3A_1733 = vector.broadcast %mul3A_1732 : f32 to vector<16xf32>
      %mul3A_1734 = arith.mulf %add3A_1723, %mul3A_1733 : vector<16xf32>
      %mul3A_1735 = arith.mulf %mul3A_1734, %bitcast3A_1731 : vector<16xf32>
      %mul3A_1736 = arith.mulf %mul3A_1735, %bitcast3A_1731 : vector<16xf32>
      %add3A_1737 = arith.constant 1.500000e+00 : f32
      %add3A_1738 = vector.broadcast %add3A_1737 : f32 to vector<16xf32>
      %add3A_1739 = arith.addf %add3A_1738, %mul3A_1736 : vector<16xf32>
      %mul3A_1740 = arith.mulf %bitcast3A_1731, %add3A_1739 : vector<16xf32>
      %mul3A_1741 = arith.mulf %mul3A_1734, %mul3A_1740 : vector<16xf32>
      %mul3A_1742 = arith.mulf %mul3A_1741, %mul3A_1740 : vector<16xf32>
      %add3A_1743 = arith.constant 1.500000e+00 : f32
      %add3A_1744 = vector.broadcast %add3A_1743 : f32 to vector<16xf32>
      %add3A_1745 = arith.addf %add3A_1744, %mul3A_1742 : vector<16xf32>
      %mul3A_1746 = arith.mulf %mul3A_1740, %add3A_1745 : vector<16xf32>
      %mul3A_1747 = arith.mulf %mul3A_1734, %mul3A_1746 : vector<16xf32>
      %mul3A_1748 = arith.mulf %mul3A_1747, %mul3A_1746 : vector<16xf32>
      %add3A_1749 = arith.constant 1.500000e+00 : f32
      %add3A_1750 = vector.broadcast %add3A_1749 : f32 to vector<16xf32>
      %add3A_1751 = arith.addf %add3A_1750, %mul3A_1748 : vector<16xf32>
      %mul3A_1752 = arith.mulf %mul3A_1746, %add3A_1751 : vector<16xf32>
      %jit3A_1753 = arith.constant 0.000000e+00 : f32
      %broadcast_in_dim3A_1754 = vector.broadcast %jit3A_1753 : f32 to vector<16xf32>
      %select_n3A_1755 = arith.select %gt3A_1719, %mul3A_1752, %broadcast_in_dim3A_1754 : vector<16xi1>, vector<16xf32>
      %add3A_1756 = arith.addf %add3A_1712, %select_n3A_1755 : vector<16xf32>
      %add3A_1757 = arith.constant 35 : i32
      %add3A_1758 = vector.broadcast %add3A_1757 : i32 to vector<16xi32>
      %add3A_1759 = arith.addi %mul3A_222, %add3A_1758 : vector<16xi32>
      %gather3A_1760 = tpu.vector_load_idx %arg27[%add3A_1759] : memref<25600xf32, #tpu.memory_space<vmem>>[vector<16xi32>], vector<16xf32>,
      %gt3A_1761 = arith.constant 0.000000e+00 : f32
      %gt3A_1762 = vector.broadcast %gt3A_1761 : f32 to vector<16xf32>
      %gt3A_1763 = arith.cmpf ogt, %gather3A_1760, %gt3A_1762 : vector<16xf32>
      %jit3A_1764 = arith.constant 0.000000e+00 : f32
      %broadcast_in_dim3A_1765 = vector.broadcast %jit3A_1764 : f32 to vector<16xf32>
      %select_n3A_1766 = arith.select %gt3A_1763, %gather3A_1760, %broadcast_in_dim3A_1765 : vector<16xi1>, vector<16xf32>
      %add3A_1767 = arith.addf %select_n3A_1766, %get3A_200 : vector<16xf32>
      %bitcast3A_1768 = vector.bitcast %add3A_1767 : vector<16xf32> to vector<16xi32>
      %shift_right_arithmetic3A_1769 = arith.constant 1 : i32
      %shift_right_arithmetic3A_1770 = vector.broadcast %shift_right_arithmetic3A_1769 : i32 to vector<16xi32>
      %shift_right_arithmetic3A_1771 = arith.shrsi %bitcast3A_1768, %shift_right_arithmetic3A_1770 : vector<16xi32>
      %sub3A_1772 = arith.constant 1597463007 : i32
      %sub3A_1773 = vector.broadcast %sub3A_1772 : i32 to vector<16xi32>
      %sub3A_1774 = arith.subi %sub3A_1773, %shift_right_arithmetic3A_1771 : vector<16xi32>
      %bitcast3A_1775 = vector.bitcast %sub3A_1774 : vector<16xi32> to vector<16xf32>
      %mul3A_1776 = arith.constant -5.000000e-01 : f32
      %mul3A_1777 = vector.broadcast %mul3A_1776 : f32 to vector<16xf32>
      %mul3A_1778 = arith.mulf %add3A_1767, %mul3A_1777 : vector<16xf32>
      %mul3A_1779 = arith.mulf %mul3A_1778, %bitcast3A_1775 : vector<16xf32>
      %mul3A_1780 = arith.mulf %mul3A_1779, %bitcast3A_1775 : vector<16xf32>
      %add3A_1781 = arith.constant 1.500000e+00 : f32
      %add3A_1782 = vector.broadcast %add3A_1781 : f32 to vector<16xf32>
      %add3A_1783 = arith.addf %add3A_1782, %mul3A_1780 : vector<16xf32>
      %mul3A_1784 = arith.mulf %bitcast3A_1775, %add3A_1783 : vector<16xf32>
      %mul3A_1785 = arith.mulf %mul3A_1778, %mul3A_1784 : vector<16xf32>
      %mul3A_1786 = arith.mulf %mul3A_1785, %mul3A_1784 : vector<16xf32>
      %add3A_1787 = arith.constant 1.500000e+00 : f32
      %add3A_1788 = vector.broadcast %add3A_1787 : f32 to vector<16xf32>
      %add3A_1789 = arith.addf %add3A_1788, %mul3A_1786 : vector<16xf32>
      %mul3A_1790 = arith.mulf %mul3A_1784, %add3A_1789 : vector<16xf32>
      %mul3A_1791 = arith.mulf %mul3A_1778, %mul3A_1790 : vector<16xf32>
      %mul3A_1792 = arith.mulf %mul3A_1791, %mul3A_1790 : vector<16xf32>
      %add3A_1793 = arith.constant 1.500000e+00 : f32
      %add3A_1794 = vector.broadcast %add3A_1793 : f32 to vector<16xf32>
      %add3A_1795 = arith.addf %add3A_1794, %mul3A_1792 : vector<16xf32>
      %mul3A_1796 = arith.mulf %mul3A_1790, %add3A_1795 : vector<16xf32>
      %jit3A_1797 = arith.constant 0.000000e+00 : f32
      %broadcast_in_dim3A_1798 = vector.broadcast %jit3A_1797 : f32 to vector<16xf32>
      %select_n3A_1799 = arith.select %gt3A_1763, %mul3A_1796, %broadcast_in_dim3A_1798 : vector<16xi1>, vector<16xf32>
      %add3A_1800 = arith.addf %add3A_1756, %select_n3A_1799 : vector<16xf32>
      %add3A_1801 = arith.constant 36 : i32
      %add3A_1802 = vector.broadcast %add3A_1801 : i32 to vector<16xi32>
      %add3A_1803 = arith.addi %mul3A_222, %add3A_1802 : vector<16xi32>
      %gather3A_1804 = tpu.vector_load_idx %arg27[%add3A_1803] : memref<25600xf32, #tpu.memory_space<vmem>>[vector<16xi32>], vector<16xf32>,
      %gt3A_1805 = arith.constant 0.000000e+00 : f32
      %gt3A_1806 = vector.broadcast %gt3A_1805 : f32 to vector<16xf32>
      %gt3A_1807 = arith.cmpf ogt, %gather3A_1804, %gt3A_1806 : vector<16xf32>
      %jit3A_1808 = arith.constant 0.000000e+00 : f32
      %broadcast_in_dim3A_1809 = vector.broadcast %jit3A_1808 : f32 to vector<16xf32>
      %select_n3A_1810 = arith.select %gt3A_1807, %gather3A_1804, %broadcast_in_dim3A_1809 : vector<16xi1>, vector<16xf32>
      %add3A_1811 = arith.addf %select_n3A_1810, %get3A_200 : vector<16xf32>
      %bitcast3A_1812 = vector.bitcast %add3A_1811 : vector<16xf32> to vector<16xi32>
      %shift_right_arithmetic3A_1813 = arith.constant 1 : i32
      %shift_right_arithmetic3A_1814 = vector.broadcast %shift_right_arithmetic3A_1813 : i32 to vector<16xi32>
      %shift_right_arithmetic3A_1815 = arith.shrsi %bitcast3A_1812, %shift_right_arithmetic3A_1814 : vector<16xi32>
      %sub3A_1816 = arith.constant 1597463007 : i32
      %sub3A_1817 = vector.broadcast %sub3A_1816 : i32 to vector<16xi32>
      %sub3A_1818 = arith.subi %sub3A_1817, %shift_right_arithmetic3A_1815 : vector<16xi32>
      %bitcast3A_1819 = vector.bitcast %sub3A_1818 : vector<16xi32> to vector<16xf32>
      %mul3A_1820 = arith.constant -5.000000e-01 : f32
      %mul3A_1821 = vector.broadcast %mul3A_1820 : f32 to vector<16xf32>
      %mul3A_1822 = arith.mulf %add3A_1811, %mul3A_1821 : vector<16xf32>
      %mul3A_1823 = arith.mulf %mul3A_1822, %bitcast3A_1819 : vector<16xf32>
      %mul3A_1824 = arith.mulf %mul3A_1823, %bitcast3A_1819 : vector<16xf32>
      %add3A_1825 = arith.constant 1.500000e+00 : f32
      %add3A_1826 = vector.broadcast %add3A_1825 : f32 to vector<16xf32>
      %add3A_1827 = arith.addf %add3A_1826, %mul3A_1824 : vector<16xf32>
      %mul3A_1828 = arith.mulf %bitcast3A_1819, %add3A_1827 : vector<16xf32>
      %mul3A_1829 = arith.mulf %mul3A_1822, %mul3A_1828 : vector<16xf32>
      %mul3A_1830 = arith.mulf %mul3A_1829, %mul3A_1828 : vector<16xf32>
      %add3A_1831 = arith.constant 1.500000e+00 : f32
      %add3A_1832 = vector.broadcast %add3A_1831 : f32 to vector<16xf32>
      %add3A_1833 = arith.addf %add3A_1832, %mul3A_1830 : vector<16xf32>
      %mul3A_1834 = arith.mulf %mul3A_1828, %add3A_1833 : vector<16xf32>
      %mul3A_1835 = arith.mulf %mul3A_1822, %mul3A_1834 : vector<16xf32>
      %mul3A_1836 = arith.mulf %mul3A_1835, %mul3A_1834 : vector<16xf32>
      %add3A_1837 = arith.constant 1.500000e+00 : f32
      %add3A_1838 = vector.broadcast %add3A_1837 : f32 to vector<16xf32>
      %add3A_1839 = arith.addf %add3A_1838, %mul3A_1836 : vector<16xf32>
      %mul3A_1840 = arith.mulf %mul3A_1834, %add3A_1839 : vector<16xf32>
      %jit3A_1841 = arith.constant 0.000000e+00 : f32
      %broadcast_in_dim3A_1842 = vector.broadcast %jit3A_1841 : f32 to vector<16xf32>
      %select_n3A_1843 = arith.select %gt3A_1807, %mul3A_1840, %broadcast_in_dim3A_1842 : vector<16xi1>, vector<16xf32>
      %add3A_1844 = arith.addf %add3A_1800, %select_n3A_1843 : vector<16xf32>
      %add3A_1845 = arith.constant 37 : i32
      %add3A_1846 = vector.broadcast %add3A_1845 : i32 to vector<16xi32>
      %add3A_1847 = arith.addi %mul3A_222, %add3A_1846 : vector<16xi32>
      %gather3A_1848 = tpu.vector_load_idx %arg27[%add3A_1847] : memref<25600xf32, #tpu.memory_space<vmem>>[vector<16xi32>], vector<16xf32>,
      %gt3A_1849 = arith.constant 0.000000e+00 : f32
      %gt3A_1850 = vector.broadcast %gt3A_1849 : f32 to vector<16xf32>
      %gt3A_1851 = arith.cmpf ogt, %gather3A_1848, %gt3A_1850 : vector<16xf32>
      %jit3A_1852 = arith.constant 0.000000e+00 : f32
      %broadcast_in_dim3A_1853 = vector.broadcast %jit3A_1852 : f32 to vector<16xf32>
      %select_n3A_1854 = arith.select %gt3A_1851, %gather3A_1848, %broadcast_in_dim3A_1853 : vector<16xi1>, vector<16xf32>
      %add3A_1855 = arith.addf %select_n3A_1854, %get3A_200 : vector<16xf32>
      %bitcast3A_1856 = vector.bitcast %add3A_1855 : vector<16xf32> to vector<16xi32>
      %shift_right_arithmetic3A_1857 = arith.constant 1 : i32
      %shift_right_arithmetic3A_1858 = vector.broadcast %shift_right_arithmetic3A_1857 : i32 to vector<16xi32>
      %shift_right_arithmetic3A_1859 = arith.shrsi %bitcast3A_1856, %shift_right_arithmetic3A_1858 : vector<16xi32>
      %sub3A_1860 = arith.constant 1597463007 : i32
      %sub3A_1861 = vector.broadcast %sub3A_1860 : i32 to vector<16xi32>
      %sub3A_1862 = arith.subi %sub3A_1861, %shift_right_arithmetic3A_1859 : vector<16xi32>
      %bitcast3A_1863 = vector.bitcast %sub3A_1862 : vector<16xi32> to vector<16xf32>
      %mul3A_1864 = arith.constant -5.000000e-01 : f32
      %mul3A_1865 = vector.broadcast %mul3A_1864 : f32 to vector<16xf32>
      %mul3A_1866 = arith.mulf %add3A_1855, %mul3A_1865 : vector<16xf32>
      %mul3A_1867 = arith.mulf %mul3A_1866, %bitcast3A_1863 : vector<16xf32>
      %mul3A_1868 = arith.mulf %mul3A_1867, %bitcast3A_1863 : vector<16xf32>
      %add3A_1869 = arith.constant 1.500000e+00 : f32
      %add3A_1870 = vector.broadcast %add3A_1869 : f32 to vector<16xf32>
      %add3A_1871 = arith.addf %add3A_1870, %mul3A_1868 : vector<16xf32>
      %mul3A_1872 = arith.mulf %bitcast3A_1863, %add3A_1871 : vector<16xf32>
      %mul3A_1873 = arith.mulf %mul3A_1866, %mul3A_1872 : vector<16xf32>
      %mul3A_1874 = arith.mulf %mul3A_1873, %mul3A_1872 : vector<16xf32>
      %add3A_1875 = arith.constant 1.500000e+00 : f32
      %add3A_1876 = vector.broadcast %add3A_1875 : f32 to vector<16xf32>
      %add3A_1877 = arith.addf %add3A_1876, %mul3A_1874 : vector<16xf32>
      %mul3A_1878 = arith.mulf %mul3A_1872, %add3A_1877 : vector<16xf32>
      %mul3A_1879 = arith.mulf %mul3A_1866, %mul3A_1878 : vector<16xf32>
      %mul3A_1880 = arith.mulf %mul3A_1879, %mul3A_1878 : vector<16xf32>
      %add3A_1881 = arith.constant 1.500000e+00 : f32
      %add3A_1882 = vector.broadcast %add3A_1881 : f32 to vector<16xf32>
      %add3A_1883 = arith.addf %add3A_1882, %mul3A_1880 : vector<16xf32>
      %mul3A_1884 = arith.mulf %mul3A_1878, %add3A_1883 : vector<16xf32>
      %jit3A_1885 = arith.constant 0.000000e+00 : f32
      %broadcast_in_dim3A_1886 = vector.broadcast %jit3A_1885 : f32 to vector<16xf32>
      %select_n3A_1887 = arith.select %gt3A_1851, %mul3A_1884, %broadcast_in_dim3A_1886 : vector<16xi1>, vector<16xf32>
      %add3A_1888 = arith.addf %add3A_1844, %select_n3A_1887 : vector<16xf32>
      %add3A_1889 = arith.constant 38 : i32
      %add3A_1890 = vector.broadcast %add3A_1889 : i32 to vector<16xi32>
      %add3A_1891 = arith.addi %mul3A_222, %add3A_1890 : vector<16xi32>
      %gather3A_1892 = tpu.vector_load_idx %arg27[%add3A_1891] : memref<25600xf32, #tpu.memory_space<vmem>>[vector<16xi32>], vector<16xf32>,
      %gt3A_1893 = arith.constant 0.000000e+00 : f32
      %gt3A_1894 = vector.broadcast %gt3A_1893 : f32 to vector<16xf32>
      %gt3A_1895 = arith.cmpf ogt, %gather3A_1892, %gt3A_1894 : vector<16xf32>
      %jit3A_1896 = arith.constant 0.000000e+00 : f32
      %broadcast_in_dim3A_1897 = vector.broadcast %jit3A_1896 : f32 to vector<16xf32>
      %select_n3A_1898 = arith.select %gt3A_1895, %gather3A_1892, %broadcast_in_dim3A_1897 : vector<16xi1>, vector<16xf32>
      %add3A_1899 = arith.addf %select_n3A_1898, %get3A_200 : vector<16xf32>
      %bitcast3A_1900 = vector.bitcast %add3A_1899 : vector<16xf32> to vector<16xi32>
      %shift_right_arithmetic3A_1901 = arith.constant 1 : i32
      %shift_right_arithmetic3A_1902 = vector.broadcast %shift_right_arithmetic3A_1901 : i32 to vector<16xi32>
      %shift_right_arithmetic3A_1903 = arith.shrsi %bitcast3A_1900, %shift_right_arithmetic3A_1902 : vector<16xi32>
      %sub3A_1904 = arith.constant 1597463007 : i32
      %sub3A_1905 = vector.broadcast %sub3A_1904 : i32 to vector<16xi32>
      %sub3A_1906 = arith.subi %sub3A_1905, %shift_right_arithmetic3A_1903 : vector<16xi32>
      %bitcast3A_1907 = vector.bitcast %sub3A_1906 : vector<16xi32> to vector<16xf32>
      %mul3A_1908 = arith.constant -5.000000e-01 : f32
      %mul3A_1909 = vector.broadcast %mul3A_1908 : f32 to vector<16xf32>
      %mul3A_1910 = arith.mulf %add3A_1899, %mul3A_1909 : vector<16xf32>
      %mul3A_1911 = arith.mulf %mul3A_1910, %bitcast3A_1907 : vector<16xf32>
      %mul3A_1912 = arith.mulf %mul3A_1911, %bitcast3A_1907 : vector<16xf32>
      %add3A_1913 = arith.constant 1.500000e+00 : f32
      %add3A_1914 = vector.broadcast %add3A_1913 : f32 to vector<16xf32>
      %add3A_1915 = arith.addf %add3A_1914, %mul3A_1912 : vector<16xf32>
      %mul3A_1916 = arith.mulf %bitcast3A_1907, %add3A_1915 : vector<16xf32>
      %mul3A_1917 = arith.mulf %mul3A_1910, %mul3A_1916 : vector<16xf32>
      %mul3A_1918 = arith.mulf %mul3A_1917, %mul3A_1916 : vector<16xf32>
      %add3A_1919 = arith.constant 1.500000e+00 : f32
      %add3A_1920 = vector.broadcast %add3A_1919 : f32 to vector<16xf32>
      %add3A_1921 = arith.addf %add3A_1920, %mul3A_1918 : vector<16xf32>
      %mul3A_1922 = arith.mulf %mul3A_1916, %add3A_1921 : vector<16xf32>
      %mul3A_1923 = arith.mulf %mul3A_1910, %mul3A_1922 : vector<16xf32>
      %mul3A_1924 = arith.mulf %mul3A_1923, %mul3A_1922 : vector<16xf32>
      %add3A_1925 = arith.constant 1.500000e+00 : f32
      %add3A_1926 = vector.broadcast %add3A_1925 : f32 to vector<16xf32>
      %add3A_1927 = arith.addf %add3A_1926, %mul3A_1924 : vector<16xf32>
      %mul3A_1928 = arith.mulf %mul3A_1922, %add3A_1927 : vector<16xf32>
      %jit3A_1929 = arith.constant 0.000000e+00 : f32
      %broadcast_in_dim3A_1930 = vector.broadcast %jit3A_1929 : f32 to vector<16xf32>
      %select_n3A_1931 = arith.select %gt3A_1895, %mul3A_1928, %broadcast_in_dim3A_1930 : vector<16xi1>, vector<16xf32>
      %add3A_1932 = arith.addf %add3A_1888, %select_n3A_1931 : vector<16xf32>
      %add3A_1933 = arith.constant 39 : i32
      %add3A_1934 = vector.broadcast %add3A_1933 : i32 to vector<16xi32>
      %add3A_1935 = arith.addi %mul3A_222, %add3A_1934 : vector<16xi32>
      %gather3A_1936 = tpu.vector_load_idx %arg27[%add3A_1935] : memref<25600xf32, #tpu.memory_space<vmem>>[vector<16xi32>], vector<16xf32>,
      %gt3A_1937 = arith.constant 0.000000e+00 : f32
      %gt3A_1938 = vector.broadcast %gt3A_1937 : f32 to vector<16xf32>
      %gt3A_1939 = arith.cmpf ogt, %gather3A_1936, %gt3A_1938 : vector<16xf32>
      %jit3A_1940 = arith.constant 0.000000e+00 : f32
      %broadcast_in_dim3A_1941 = vector.broadcast %jit3A_1940 : f32 to vector<16xf32>
      %select_n3A_1942 = arith.select %gt3A_1939, %gather3A_1936, %broadcast_in_dim3A_1941 : vector<16xi1>, vector<16xf32>
      %add3A_1943 = arith.addf %select_n3A_1942, %get3A_200 : vector<16xf32>
      %bitcast3A_1944 = vector.bitcast %add3A_1943 : vector<16xf32> to vector<16xi32>
      %shift_right_arithmetic3A_1945 = arith.constant 1 : i32
      %shift_right_arithmetic3A_1946 = vector.broadcast %shift_right_arithmetic3A_1945 : i32 to vector<16xi32>
      %shift_right_arithmetic3A_1947 = arith.shrsi %bitcast3A_1944, %shift_right_arithmetic3A_1946 : vector<16xi32>
      %sub3A_1948 = arith.constant 1597463007 : i32
      %sub3A_1949 = vector.broadcast %sub3A_1948 : i32 to vector<16xi32>
      %sub3A_1950 = arith.subi %sub3A_1949, %shift_right_arithmetic3A_1947 : vector<16xi32>
      %bitcast3A_1951 = vector.bitcast %sub3A_1950 : vector<16xi32> to vector<16xf32>
      %mul3A_1952 = arith.constant -5.000000e-01 : f32
      %mul3A_1953 = vector.broadcast %mul3A_1952 : f32 to vector<16xf32>
      %mul3A_1954 = arith.mulf %add3A_1943, %mul3A_1953 : vector<16xf32>
      %mul3A_1955 = arith.mulf %mul3A_1954, %bitcast3A_1951 : vector<16xf32>
      %mul3A_1956 = arith.mulf %mul3A_1955, %bitcast3A_1951 : vector<16xf32>
      %add3A_1957 = arith.constant 1.500000e+00 : f32
      %add3A_1958 = vector.broadcast %add3A_1957 : f32 to vector<16xf32>
      %add3A_1959 = arith.addf %add3A_1958, %mul3A_1956 : vector<16xf32>
      %mul3A_1960 = arith.mulf %bitcast3A_1951, %add3A_1959 : vector<16xf32>
      %mul3A_1961 = arith.mulf %mul3A_1954, %mul3A_1960 : vector<16xf32>
      %mul3A_1962 = arith.mulf %mul3A_1961, %mul3A_1960 : vector<16xf32>
      %add3A_1963 = arith.constant 1.500000e+00 : f32
      %add3A_1964 = vector.broadcast %add3A_1963 : f32 to vector<16xf32>
      %add3A_1965 = arith.addf %add3A_1964, %mul3A_1962 : vector<16xf32>
      %mul3A_1966 = arith.mulf %mul3A_1960, %add3A_1965 : vector<16xf32>
      %mul3A_1967 = arith.mulf %mul3A_1954, %mul3A_1966 : vector<16xf32>
      %mul3A_1968 = arith.mulf %mul3A_1967, %mul3A_1966 : vector<16xf32>
      %add3A_1969 = arith.constant 1.500000e+00 : f32
      %add3A_1970 = vector.broadcast %add3A_1969 : f32 to vector<16xf32>
      %add3A_1971 = arith.addf %add3A_1970, %mul3A_1968 : vector<16xf32>
      %mul3A_1972 = arith.mulf %mul3A_1966, %add3A_1971 : vector<16xf32>
      %jit3A_1973 = arith.constant 0.000000e+00 : f32
      %broadcast_in_dim3A_1974 = vector.broadcast %jit3A_1973 : f32 to vector<16xf32>
      %select_n3A_1975 = arith.select %gt3A_1939, %mul3A_1972, %broadcast_in_dim3A_1974 : vector<16xi1>, vector<16xf32>
      %add3A_1976 = arith.addf %add3A_1932, %select_n3A_1975 : vector<16xf32>
      %add3A_1977 = arith.constant 40 : i32
      %add3A_1978 = vector.broadcast %add3A_1977 : i32 to vector<16xi32>
      %add3A_1979 = arith.addi %mul3A_222, %add3A_1978 : vector<16xi32>
      %gather3A_1980 = tpu.vector_load_idx %arg27[%add3A_1979] : memref<25600xf32, #tpu.memory_space<vmem>>[vector<16xi32>], vector<16xf32>,
      %gt3A_1981 = arith.constant 0.000000e+00 : f32
      %gt3A_1982 = vector.broadcast %gt3A_1981 : f32 to vector<16xf32>
      %gt3A_1983 = arith.cmpf ogt, %gather3A_1980, %gt3A_1982 : vector<16xf32>
      %jit3A_1984 = arith.constant 0.000000e+00 : f32
      %broadcast_in_dim3A_1985 = vector.broadcast %jit3A_1984 : f32 to vector<16xf32>
      %select_n3A_1986 = arith.select %gt3A_1983, %gather3A_1980, %broadcast_in_dim3A_1985 : vector<16xi1>, vector<16xf32>
      %add3A_1987 = arith.addf %select_n3A_1986, %get3A_200 : vector<16xf32>
      %bitcast3A_1988 = vector.bitcast %add3A_1987 : vector<16xf32> to vector<16xi32>
      %shift_right_arithmetic3A_1989 = arith.constant 1 : i32
      %shift_right_arithmetic3A_1990 = vector.broadcast %shift_right_arithmetic3A_1989 : i32 to vector<16xi32>
      %shift_right_arithmetic3A_1991 = arith.shrsi %bitcast3A_1988, %shift_right_arithmetic3A_1990 : vector<16xi32>
      %sub3A_1992 = arith.constant 1597463007 : i32
      %sub3A_1993 = vector.broadcast %sub3A_1992 : i32 to vector<16xi32>
      %sub3A_1994 = arith.subi %sub3A_1993, %shift_right_arithmetic3A_1991 : vector<16xi32>
      %bitcast3A_1995 = vector.bitcast %sub3A_1994 : vector<16xi32> to vector<16xf32>
      %mul3A_1996 = arith.constant -5.000000e-01 : f32
      %mul3A_1997 = vector.broadcast %mul3A_1996 : f32 to vector<16xf32>
      %mul3A_1998 = arith.mulf %add3A_1987, %mul3A_1997 : vector<16xf32>
      %mul3A_1999 = arith.mulf %mul3A_1998, %bitcast3A_1995 : vector<16xf32>
      %mul3A_2000 = arith.mulf %mul3A_1999, %bitcast3A_1995 : vector<16xf32>
      %add3A_2001 = arith.constant 1.500000e+00 : f32
      %add3A_2002 = vector.broadcast %add3A_2001 : f32 to vector<16xf32>
      %add3A_2003 = arith.addf %add3A_2002, %mul3A_2000 : vector<16xf32>
      %mul3A_2004 = arith.mulf %bitcast3A_1995, %add3A_2003 : vector<16xf32>
      %mul3A_2005 = arith.mulf %mul3A_1998, %mul3A_2004 : vector<16xf32>
      %mul3A_2006 = arith.mulf %mul3A_2005, %mul3A_2004 : vector<16xf32>
      %add3A_2007 = arith.constant 1.500000e+00 : f32
      %add3A_2008 = vector.broadcast %add3A_2007 : f32 to vector<16xf32>
      %add3A_2009 = arith.addf %add3A_2008, %mul3A_2006 : vector<16xf32>
      %mul3A_2010 = arith.mulf %mul3A_2004, %add3A_2009 : vector<16xf32>
      %mul3A_2011 = arith.mulf %mul3A_1998, %mul3A_2010 : vector<16xf32>
      %mul3A_2012 = arith.mulf %mul3A_2011, %mul3A_2010 : vector<16xf32>
      %add3A_2013 = arith.constant 1.500000e+00 : f32
      %add3A_2014 = vector.broadcast %add3A_2013 : f32 to vector<16xf32>
      %add3A_2015 = arith.addf %add3A_2014, %mul3A_2012 : vector<16xf32>
      %mul3A_2016 = arith.mulf %mul3A_2010, %add3A_2015 : vector<16xf32>
      %jit3A_2017 = arith.constant 0.000000e+00 : f32
      %broadcast_in_dim3A_2018 = vector.broadcast %jit3A_2017 : f32 to vector<16xf32>
      %select_n3A_2019 = arith.select %gt3A_1983, %mul3A_2016, %broadcast_in_dim3A_2018 : vector<16xi1>, vector<16xf32>
      %add3A_2020 = arith.addf %add3A_1976, %select_n3A_2019 : vector<16xf32>
      %add3A_2021 = arith.constant 41 : i32
      %add3A_2022 = vector.broadcast %add3A_2021 : i32 to vector<16xi32>
      %add3A_2023 = arith.addi %mul3A_222, %add3A_2022 : vector<16xi32>
      %gather3A_2024 = tpu.vector_load_idx %arg27[%add3A_2023] : memref<25600xf32, #tpu.memory_space<vmem>>[vector<16xi32>], vector<16xf32>,
      %gt3A_2025 = arith.constant 0.000000e+00 : f32
      %gt3A_2026 = vector.broadcast %gt3A_2025 : f32 to vector<16xf32>
      %gt3A_2027 = arith.cmpf ogt, %gather3A_2024, %gt3A_2026 : vector<16xf32>
      %jit3A_2028 = arith.constant 0.000000e+00 : f32
      %broadcast_in_dim3A_2029 = vector.broadcast %jit3A_2028 : f32 to vector<16xf32>
      %select_n3A_2030 = arith.select %gt3A_2027, %gather3A_2024, %broadcast_in_dim3A_2029 : vector<16xi1>, vector<16xf32>
      %add3A_2031 = arith.addf %select_n3A_2030, %get3A_200 : vector<16xf32>
      %bitcast3A_2032 = vector.bitcast %add3A_2031 : vector<16xf32> to vector<16xi32>
      %shift_right_arithmetic3A_2033 = arith.constant 1 : i32
      %shift_right_arithmetic3A_2034 = vector.broadcast %shift_right_arithmetic3A_2033 : i32 to vector<16xi32>
      %shift_right_arithmetic3A_2035 = arith.shrsi %bitcast3A_2032, %shift_right_arithmetic3A_2034 : vector<16xi32>
      %sub3A_2036 = arith.constant 1597463007 : i32
      %sub3A_2037 = vector.broadcast %sub3A_2036 : i32 to vector<16xi32>
      %sub3A_2038 = arith.subi %sub3A_2037, %shift_right_arithmetic3A_2035 : vector<16xi32>
      %bitcast3A_2039 = vector.bitcast %sub3A_2038 : vector<16xi32> to vector<16xf32>
      %mul3A_2040 = arith.constant -5.000000e-01 : f32
      %mul3A_2041 = vector.broadcast %mul3A_2040 : f32 to vector<16xf32>
      %mul3A_2042 = arith.mulf %add3A_2031, %mul3A_2041 : vector<16xf32>
      %mul3A_2043 = arith.mulf %mul3A_2042, %bitcast3A_2039 : vector<16xf32>
      %mul3A_2044 = arith.mulf %mul3A_2043, %bitcast3A_2039 : vector<16xf32>
      %add3A_2045 = arith.constant 1.500000e+00 : f32
      %add3A_2046 = vector.broadcast %add3A_2045 : f32 to vector<16xf32>
      %add3A_2047 = arith.addf %add3A_2046, %mul3A_2044 : vector<16xf32>
      %mul3A_2048 = arith.mulf %bitcast3A_2039, %add3A_2047 : vector<16xf32>
      %mul3A_2049 = arith.mulf %mul3A_2042, %mul3A_2048 : vector<16xf32>
      %mul3A_2050 = arith.mulf %mul3A_2049, %mul3A_2048 : vector<16xf32>
      %add3A_2051 = arith.constant 1.500000e+00 : f32
      %add3A_2052 = vector.broadcast %add3A_2051 : f32 to vector<16xf32>
      %add3A_2053 = arith.addf %add3A_2052, %mul3A_2050 : vector<16xf32>
      %mul3A_2054 = arith.mulf %mul3A_2048, %add3A_2053 : vector<16xf32>
      %mul3A_2055 = arith.mulf %mul3A_2042, %mul3A_2054 : vector<16xf32>
      %mul3A_2056 = arith.mulf %mul3A_2055, %mul3A_2054 : vector<16xf32>
      %add3A_2057 = arith.constant 1.500000e+00 : f32
      %add3A_2058 = vector.broadcast %add3A_2057 : f32 to vector<16xf32>
      %add3A_2059 = arith.addf %add3A_2058, %mul3A_2056 : vector<16xf32>
      %mul3A_2060 = arith.mulf %mul3A_2054, %add3A_2059 : vector<16xf32>
      %jit3A_2061 = arith.constant 0.000000e+00 : f32
      %broadcast_in_dim3A_2062 = vector.broadcast %jit3A_2061 : f32 to vector<16xf32>
      %select_n3A_2063 = arith.select %gt3A_2027, %mul3A_2060, %broadcast_in_dim3A_2062 : vector<16xi1>, vector<16xf32>
      %add3A_2064 = arith.addf %add3A_2020, %select_n3A_2063 : vector<16xf32>
      %add3A_2065 = arith.constant 42 : i32
      %add3A_2066 = vector.broadcast %add3A_2065 : i32 to vector<16xi32>
      %add3A_2067 = arith.addi %mul3A_222, %add3A_2066 : vector<16xi32>
      %gather3A_2068 = tpu.vector_load_idx %arg27[%add3A_2067] : memref<25600xf32, #tpu.memory_space<vmem>>[vector<16xi32>], vector<16xf32>,
      %gt3A_2069 = arith.constant 0.000000e+00 : f32
      %gt3A_2070 = vector.broadcast %gt3A_2069 : f32 to vector<16xf32>
      %gt3A_2071 = arith.cmpf ogt, %gather3A_2068, %gt3A_2070 : vector<16xf32>
      %jit3A_2072 = arith.constant 0.000000e+00 : f32
      %broadcast_in_dim3A_2073 = vector.broadcast %jit3A_2072 : f32 to vector<16xf32>
      %select_n3A_2074 = arith.select %gt3A_2071, %gather3A_2068, %broadcast_in_dim3A_2073 : vector<16xi1>, vector<16xf32>
      %add3A_2075 = arith.addf %select_n3A_2074, %get3A_200 : vector<16xf32>
      %bitcast3A_2076 = vector.bitcast %add3A_2075 : vector<16xf32> to vector<16xi32>
      %shift_right_arithmetic3A_2077 = arith.constant 1 : i32
      %shift_right_arithmetic3A_2078 = vector.broadcast %shift_right_arithmetic3A_2077 : i32 to vector<16xi32>
      %shift_right_arithmetic3A_2079 = arith.shrsi %bitcast3A_2076, %shift_right_arithmetic3A_2078 : vector<16xi32>
      %sub3A_2080 = arith.constant 1597463007 : i32
      %sub3A_2081 = vector.broadcast %sub3A_2080 : i32 to vector<16xi32>
      %sub3A_2082 = arith.subi %sub3A_2081, %shift_right_arithmetic3A_2079 : vector<16xi32>
      %bitcast3A_2083 = vector.bitcast %sub3A_2082 : vector<16xi32> to vector<16xf32>
      %mul3A_2084 = arith.constant -5.000000e-01 : f32
      %mul3A_2085 = vector.broadcast %mul3A_2084 : f32 to vector<16xf32>
      %mul3A_2086 = arith.mulf %add3A_2075, %mul3A_2085 : vector<16xf32>
      %mul3A_2087 = arith.mulf %mul3A_2086, %bitcast3A_2083 : vector<16xf32>
      %mul3A_2088 = arith.mulf %mul3A_2087, %bitcast3A_2083 : vector<16xf32>
      %add3A_2089 = arith.constant 1.500000e+00 : f32
      %add3A_2090 = vector.broadcast %add3A_2089 : f32 to vector<16xf32>
      %add3A_2091 = arith.addf %add3A_2090, %mul3A_2088 : vector<16xf32>
      %mul3A_2092 = arith.mulf %bitcast3A_2083, %add3A_2091 : vector<16xf32>
      %mul3A_2093 = arith.mulf %mul3A_2086, %mul3A_2092 : vector<16xf32>
      %mul3A_2094 = arith.mulf %mul3A_2093, %mul3A_2092 : vector<16xf32>
      %add3A_2095 = arith.constant 1.500000e+00 : f32
      %add3A_2096 = vector.broadcast %add3A_2095 : f32 to vector<16xf32>
      %add3A_2097 = arith.addf %add3A_2096, %mul3A_2094 : vector<16xf32>
      %mul3A_2098 = arith.mulf %mul3A_2092, %add3A_2097 : vector<16xf32>
      %mul3A_2099 = arith.mulf %mul3A_2086, %mul3A_2098 : vector<16xf32>
      %mul3A_2100 = arith.mulf %mul3A_2099, %mul3A_2098 : vector<16xf32>
      %add3A_2101 = arith.constant 1.500000e+00 : f32
      %add3A_2102 = vector.broadcast %add3A_2101 : f32 to vector<16xf32>
      %add3A_2103 = arith.addf %add3A_2102, %mul3A_2100 : vector<16xf32>
      %mul3A_2104 = arith.mulf %mul3A_2098, %add3A_2103 : vector<16xf32>
      %jit3A_2105 = arith.constant 0.000000e+00 : f32
      %broadcast_in_dim3A_2106 = vector.broadcast %jit3A_2105 : f32 to vector<16xf32>
      %select_n3A_2107 = arith.select %gt3A_2071, %mul3A_2104, %broadcast_in_dim3A_2106 : vector<16xi1>, vector<16xf32>
      %add3A_2108 = arith.addf %add3A_2064, %select_n3A_2107 : vector<16xf32>
      %add3A_2109 = arith.constant 43 : i32
      %add3A_2110 = vector.broadcast %add3A_2109 : i32 to vector<16xi32>
      %add3A_2111 = arith.addi %mul3A_222, %add3A_2110 : vector<16xi32>
      %gather3A_2112 = tpu.vector_load_idx %arg27[%add3A_2111] : memref<25600xf32, #tpu.memory_space<vmem>>[vector<16xi32>], vector<16xf32>,
      %gt3A_2113 = arith.constant 0.000000e+00 : f32
      %gt3A_2114 = vector.broadcast %gt3A_2113 : f32 to vector<16xf32>
      %gt3A_2115 = arith.cmpf ogt, %gather3A_2112, %gt3A_2114 : vector<16xf32>
      %jit3A_2116 = arith.constant 0.000000e+00 : f32
      %broadcast_in_dim3A_2117 = vector.broadcast %jit3A_2116 : f32 to vector<16xf32>
      %select_n3A_2118 = arith.select %gt3A_2115, %gather3A_2112, %broadcast_in_dim3A_2117 : vector<16xi1>, vector<16xf32>
      %add3A_2119 = arith.addf %select_n3A_2118, %get3A_200 : vector<16xf32>
      %bitcast3A_2120 = vector.bitcast %add3A_2119 : vector<16xf32> to vector<16xi32>
      %shift_right_arithmetic3A_2121 = arith.constant 1 : i32
      %shift_right_arithmetic3A_2122 = vector.broadcast %shift_right_arithmetic3A_2121 : i32 to vector<16xi32>
      %shift_right_arithmetic3A_2123 = arith.shrsi %bitcast3A_2120, %shift_right_arithmetic3A_2122 : vector<16xi32>
      %sub3A_2124 = arith.constant 1597463007 : i32
      %sub3A_2125 = vector.broadcast %sub3A_2124 : i32 to vector<16xi32>
      %sub3A_2126 = arith.subi %sub3A_2125, %shift_right_arithmetic3A_2123 : vector<16xi32>
      %bitcast3A_2127 = vector.bitcast %sub3A_2126 : vector<16xi32> to vector<16xf32>
      %mul3A_2128 = arith.constant -5.000000e-01 : f32
      %mul3A_2129 = vector.broadcast %mul3A_2128 : f32 to vector<16xf32>
      %mul3A_2130 = arith.mulf %add3A_2119, %mul3A_2129 : vector<16xf32>
      %mul3A_2131 = arith.mulf %mul3A_2130, %bitcast3A_2127 : vector<16xf32>
      %mul3A_2132 = arith.mulf %mul3A_2131, %bitcast3A_2127 : vector<16xf32>
      %add3A_2133 = arith.constant 1.500000e+00 : f32
      %add3A_2134 = vector.broadcast %add3A_2133 : f32 to vector<16xf32>
      %add3A_2135 = arith.addf %add3A_2134, %mul3A_2132 : vector<16xf32>
      %mul3A_2136 = arith.mulf %bitcast3A_2127, %add3A_2135 : vector<16xf32>
      %mul3A_2137 = arith.mulf %mul3A_2130, %mul3A_2136 : vector<16xf32>
      %mul3A_2138 = arith.mulf %mul3A_2137, %mul3A_2136 : vector<16xf32>
      %add3A_2139 = arith.constant 1.500000e+00 : f32
      %add3A_2140 = vector.broadcast %add3A_2139 : f32 to vector<16xf32>
      %add3A_2141 = arith.addf %add3A_2140, %mul3A_2138 : vector<16xf32>
      %mul3A_2142 = arith.mulf %mul3A_2136, %add3A_2141 : vector<16xf32>
      %mul3A_2143 = arith.mulf %mul3A_2130, %mul3A_2142 : vector<16xf32>
      %mul3A_2144 = arith.mulf %mul3A_2143, %mul3A_2142 : vector<16xf32>
      %add3A_2145 = arith.constant 1.500000e+00 : f32
      %add3A_2146 = vector.broadcast %add3A_2145 : f32 to vector<16xf32>
      %add3A_2147 = arith.addf %add3A_2146, %mul3A_2144 : vector<16xf32>
      %mul3A_2148 = arith.mulf %mul3A_2142, %add3A_2147 : vector<16xf32>
      %jit3A_2149 = arith.constant 0.000000e+00 : f32
      %broadcast_in_dim3A_2150 = vector.broadcast %jit3A_2149 : f32 to vector<16xf32>
      %select_n3A_2151 = arith.select %gt3A_2115, %mul3A_2148, %broadcast_in_dim3A_2150 : vector<16xi1>, vector<16xf32>
      %add3A_2152 = arith.addf %add3A_2108, %select_n3A_2151 : vector<16xf32>
      %add3A_2153 = arith.constant 44 : i32
      %add3A_2154 = vector.broadcast %add3A_2153 : i32 to vector<16xi32>
      %add3A_2155 = arith.addi %mul3A_222, %add3A_2154 : vector<16xi32>
      %gather3A_2156 = tpu.vector_load_idx %arg27[%add3A_2155] : memref<25600xf32, #tpu.memory_space<vmem>>[vector<16xi32>], vector<16xf32>,
      %gt3A_2157 = arith.constant 0.000000e+00 : f32
      %gt3A_2158 = vector.broadcast %gt3A_2157 : f32 to vector<16xf32>
      %gt3A_2159 = arith.cmpf ogt, %gather3A_2156, %gt3A_2158 : vector<16xf32>
      %jit3A_2160 = arith.constant 0.000000e+00 : f32
      %broadcast_in_dim3A_2161 = vector.broadcast %jit3A_2160 : f32 to vector<16xf32>
      %select_n3A_2162 = arith.select %gt3A_2159, %gather3A_2156, %broadcast_in_dim3A_2161 : vector<16xi1>, vector<16xf32>
      %add3A_2163 = arith.addf %select_n3A_2162, %get3A_200 : vector<16xf32>
      %bitcast3A_2164 = vector.bitcast %add3A_2163 : vector<16xf32> to vector<16xi32>
      %shift_right_arithmetic3A_2165 = arith.constant 1 : i32
      %shift_right_arithmetic3A_2166 = vector.broadcast %shift_right_arithmetic3A_2165 : i32 to vector<16xi32>
      %shift_right_arithmetic3A_2167 = arith.shrsi %bitcast3A_2164, %shift_right_arithmetic3A_2166 : vector<16xi32>
      %sub3A_2168 = arith.constant 1597463007 : i32
      %sub3A_2169 = vector.broadcast %sub3A_2168 : i32 to vector<16xi32>
      %sub3A_2170 = arith.subi %sub3A_2169, %shift_right_arithmetic3A_2167 : vector<16xi32>
      %bitcast3A_2171 = vector.bitcast %sub3A_2170 : vector<16xi32> to vector<16xf32>
      %mul3A_2172 = arith.constant -5.000000e-01 : f32
      %mul3A_2173 = vector.broadcast %mul3A_2172 : f32 to vector<16xf32>
      %mul3A_2174 = arith.mulf %add3A_2163, %mul3A_2173 : vector<16xf32>
      %mul3A_2175 = arith.mulf %mul3A_2174, %bitcast3A_2171 : vector<16xf32>
      %mul3A_2176 = arith.mulf %mul3A_2175, %bitcast3A_2171 : vector<16xf32>
      %add3A_2177 = arith.constant 1.500000e+00 : f32
      %add3A_2178 = vector.broadcast %add3A_2177 : f32 to vector<16xf32>
      %add3A_2179 = arith.addf %add3A_2178, %mul3A_2176 : vector<16xf32>
      %mul3A_2180 = arith.mulf %bitcast3A_2171, %add3A_2179 : vector<16xf32>
      %mul3A_2181 = arith.mulf %mul3A_2174, %mul3A_2180 : vector<16xf32>
      %mul3A_2182 = arith.mulf %mul3A_2181, %mul3A_2180 : vector<16xf32>
      %add3A_2183 = arith.constant 1.500000e+00 : f32
      %add3A_2184 = vector.broadcast %add3A_2183 : f32 to vector<16xf32>
      %add3A_2185 = arith.addf %add3A_2184, %mul3A_2182 : vector<16xf32>
      %mul3A_2186 = arith.mulf %mul3A_2180, %add3A_2185 : vector<16xf32>
      %mul3A_2187 = arith.mulf %mul3A_2174, %mul3A_2186 : vector<16xf32>
      %mul3A_2188 = arith.mulf %mul3A_2187, %mul3A_2186 : vector<16xf32>
      %add3A_2189 = arith.constant 1.500000e+00 : f32
      %add3A_2190 = vector.broadcast %add3A_2189 : f32 to vector<16xf32>
      %add3A_2191 = arith.addf %add3A_2190, %mul3A_2188 : vector<16xf32>
      %mul3A_2192 = arith.mulf %mul3A_2186, %add3A_2191 : vector<16xf32>
      %jit3A_2193 = arith.constant 0.000000e+00 : f32
      %broadcast_in_dim3A_2194 = vector.broadcast %jit3A_2193 : f32 to vector<16xf32>
      %select_n3A_2195 = arith.select %gt3A_2159, %mul3A_2192, %broadcast_in_dim3A_2194 : vector<16xi1>, vector<16xf32>
      %add3A_2196 = arith.addf %add3A_2152, %select_n3A_2195 : vector<16xf32>
      %add3A_2197 = arith.constant 45 : i32
      %add3A_2198 = vector.broadcast %add3A_2197 : i32 to vector<16xi32>
      %add3A_2199 = arith.addi %mul3A_222, %add3A_2198 : vector<16xi32>
      %gather3A_2200 = tpu.vector_load_idx %arg27[%add3A_2199] : memref<25600xf32, #tpu.memory_space<vmem>>[vector<16xi32>], vector<16xf32>,
      %gt3A_2201 = arith.constant 0.000000e+00 : f32
      %gt3A_2202 = vector.broadcast %gt3A_2201 : f32 to vector<16xf32>
      %gt3A_2203 = arith.cmpf ogt, %gather3A_2200, %gt3A_2202 : vector<16xf32>
      %jit3A_2204 = arith.constant 0.000000e+00 : f32
      %broadcast_in_dim3A_2205 = vector.broadcast %jit3A_2204 : f32 to vector<16xf32>
      %select_n3A_2206 = arith.select %gt3A_2203, %gather3A_2200, %broadcast_in_dim3A_2205 : vector<16xi1>, vector<16xf32>
      %add3A_2207 = arith.addf %select_n3A_2206, %get3A_200 : vector<16xf32>
      %bitcast3A_2208 = vector.bitcast %add3A_2207 : vector<16xf32> to vector<16xi32>
      %shift_right_arithmetic3A_2209 = arith.constant 1 : i32
      %shift_right_arithmetic3A_2210 = vector.broadcast %shift_right_arithmetic3A_2209 : i32 to vector<16xi32>
      %shift_right_arithmetic3A_2211 = arith.shrsi %bitcast3A_2208, %shift_right_arithmetic3A_2210 : vector<16xi32>
      %sub3A_2212 = arith.constant 1597463007 : i32
      %sub3A_2213 = vector.broadcast %sub3A_2212 : i32 to vector<16xi32>
      %sub3A_2214 = arith.subi %sub3A_2213, %shift_right_arithmetic3A_2211 : vector<16xi32>
      %bitcast3A_2215 = vector.bitcast %sub3A_2214 : vector<16xi32> to vector<16xf32>
      %mul3A_2216 = arith.constant -5.000000e-01 : f32
      %mul3A_2217 = vector.broadcast %mul3A_2216 : f32 to vector<16xf32>
      %mul3A_2218 = arith.mulf %add3A_2207, %mul3A_2217 : vector<16xf32>
      %mul3A_2219 = arith.mulf %mul3A_2218, %bitcast3A_2215 : vector<16xf32>
      %mul3A_2220 = arith.mulf %mul3A_2219, %bitcast3A_2215 : vector<16xf32>
      %add3A_2221 = arith.constant 1.500000e+00 : f32
      %add3A_2222 = vector.broadcast %add3A_2221 : f32 to vector<16xf32>
      %add3A_2223 = arith.addf %add3A_2222, %mul3A_2220 : vector<16xf32>
      %mul3A_2224 = arith.mulf %bitcast3A_2215, %add3A_2223 : vector<16xf32>
      %mul3A_2225 = arith.mulf %mul3A_2218, %mul3A_2224 : vector<16xf32>
      %mul3A_2226 = arith.mulf %mul3A_2225, %mul3A_2224 : vector<16xf32>
      %add3A_2227 = arith.constant 1.500000e+00 : f32
      %add3A_2228 = vector.broadcast %add3A_2227 : f32 to vector<16xf32>
      %add3A_2229 = arith.addf %add3A_2228, %mul3A_2226 : vector<16xf32>
      %mul3A_2230 = arith.mulf %mul3A_2224, %add3A_2229 : vector<16xf32>
      %mul3A_2231 = arith.mulf %mul3A_2218, %mul3A_2230 : vector<16xf32>
      %mul3A_2232 = arith.mulf %mul3A_2231, %mul3A_2230 : vector<16xf32>
      %add3A_2233 = arith.constant 1.500000e+00 : f32
      %add3A_2234 = vector.broadcast %add3A_2233 : f32 to vector<16xf32>
      %add3A_2235 = arith.addf %add3A_2234, %mul3A_2232 : vector<16xf32>
      %mul3A_2236 = arith.mulf %mul3A_2230, %add3A_2235 : vector<16xf32>
      %jit3A_2237 = arith.constant 0.000000e+00 : f32
      %broadcast_in_dim3A_2238 = vector.broadcast %jit3A_2237 : f32 to vector<16xf32>
      %select_n3A_2239 = arith.select %gt3A_2203, %mul3A_2236, %broadcast_in_dim3A_2238 : vector<16xi1>, vector<16xf32>
      %add3A_2240 = arith.addf %add3A_2196, %select_n3A_2239 : vector<16xf32>
      %add3A_2241 = arith.constant 46 : i32
      %add3A_2242 = vector.broadcast %add3A_2241 : i32 to vector<16xi32>
      %add3A_2243 = arith.addi %mul3A_222, %add3A_2242 : vector<16xi32>
      %gather3A_2244 = tpu.vector_load_idx %arg27[%add3A_2243] : memref<25600xf32, #tpu.memory_space<vmem>>[vector<16xi32>], vector<16xf32>,
      %gt3A_2245 = arith.constant 0.000000e+00 : f32
      %gt3A_2246 = vector.broadcast %gt3A_2245 : f32 to vector<16xf32>
      %gt3A_2247 = arith.cmpf ogt, %gather3A_2244, %gt3A_2246 : vector<16xf32>
      %jit3A_2248 = arith.constant 0.000000e+00 : f32
      %broadcast_in_dim3A_2249 = vector.broadcast %jit3A_2248 : f32 to vector<16xf32>
      %select_n3A_2250 = arith.select %gt3A_2247, %gather3A_2244, %broadcast_in_dim3A_2249 : vector<16xi1>, vector<16xf32>
      %add3A_2251 = arith.addf %select_n3A_2250, %get3A_200 : vector<16xf32>
      %bitcast3A_2252 = vector.bitcast %add3A_2251 : vector<16xf32> to vector<16xi32>
      %shift_right_arithmetic3A_2253 = arith.constant 1 : i32
      %shift_right_arithmetic3A_2254 = vector.broadcast %shift_right_arithmetic3A_2253 : i32 to vector<16xi32>
      %shift_right_arithmetic3A_2255 = arith.shrsi %bitcast3A_2252, %shift_right_arithmetic3A_2254 : vector<16xi32>
      %sub3A_2256 = arith.constant 1597463007 : i32
      %sub3A_2257 = vector.broadcast %sub3A_2256 : i32 to vector<16xi32>
      %sub3A_2258 = arith.subi %sub3A_2257, %shift_right_arithmetic3A_2255 : vector<16xi32>
      %bitcast3A_2259 = vector.bitcast %sub3A_2258 : vector<16xi32> to vector<16xf32>
      %mul3A_2260 = arith.constant -5.000000e-01 : f32
      %mul3A_2261 = vector.broadcast %mul3A_2260 : f32 to vector<16xf32>
      %mul3A_2262 = arith.mulf %add3A_2251, %mul3A_2261 : vector<16xf32>
      %mul3A_2263 = arith.mulf %mul3A_2262, %bitcast3A_2259 : vector<16xf32>
      %mul3A_2264 = arith.mulf %mul3A_2263, %bitcast3A_2259 : vector<16xf32>
      %add3A_2265 = arith.constant 1.500000e+00 : f32
      %add3A_2266 = vector.broadcast %add3A_2265 : f32 to vector<16xf32>
      %add3A_2267 = arith.addf %add3A_2266, %mul3A_2264 : vector<16xf32>
      %mul3A_2268 = arith.mulf %bitcast3A_2259, %add3A_2267 : vector<16xf32>
      %mul3A_2269 = arith.mulf %mul3A_2262, %mul3A_2268 : vector<16xf32>
      %mul3A_2270 = arith.mulf %mul3A_2269, %mul3A_2268 : vector<16xf32>
      %add3A_2271 = arith.constant 1.500000e+00 : f32
      %add3A_2272 = vector.broadcast %add3A_2271 : f32 to vector<16xf32>
      %add3A_2273 = arith.addf %add3A_2272, %mul3A_2270 : vector<16xf32>
      %mul3A_2274 = arith.mulf %mul3A_2268, %add3A_2273 : vector<16xf32>
      %mul3A_2275 = arith.mulf %mul3A_2262, %mul3A_2274 : vector<16xf32>
      %mul3A_2276 = arith.mulf %mul3A_2275, %mul3A_2274 : vector<16xf32>
      %add3A_2277 = arith.constant 1.500000e+00 : f32
      %add3A_2278 = vector.broadcast %add3A_2277 : f32 to vector<16xf32>
      %add3A_2279 = arith.addf %add3A_2278, %mul3A_2276 : vector<16xf32>
      %mul3A_2280 = arith.mulf %mul3A_2274, %add3A_2279 : vector<16xf32>
      %jit3A_2281 = arith.constant 0.000000e+00 : f32
      %broadcast_in_dim3A_2282 = vector.broadcast %jit3A_2281 : f32 to vector<16xf32>
      %select_n3A_2283 = arith.select %gt3A_2247, %mul3A_2280, %broadcast_in_dim3A_2282 : vector<16xi1>, vector<16xf32>
      %add3A_2284 = arith.addf %add3A_2240, %select_n3A_2283 : vector<16xf32>
      %add3A_2285 = arith.constant 47 : i32
      %add3A_2286 = vector.broadcast %add3A_2285 : i32 to vector<16xi32>
      %add3A_2287 = arith.addi %mul3A_222, %add3A_2286 : vector<16xi32>
      %gather3A_2288 = tpu.vector_load_idx %arg27[%add3A_2287] : memref<25600xf32, #tpu.memory_space<vmem>>[vector<16xi32>], vector<16xf32>,
      %gt3A_2289 = arith.constant 0.000000e+00 : f32
      %gt3A_2290 = vector.broadcast %gt3A_2289 : f32 to vector<16xf32>
      %gt3A_2291 = arith.cmpf ogt, %gather3A_2288, %gt3A_2290 : vector<16xf32>
      %jit3A_2292 = arith.constant 0.000000e+00 : f32
      %broadcast_in_dim3A_2293 = vector.broadcast %jit3A_2292 : f32 to vector<16xf32>
      %select_n3A_2294 = arith.select %gt3A_2291, %gather3A_2288, %broadcast_in_dim3A_2293 : vector<16xi1>, vector<16xf32>
      %add3A_2295 = arith.addf %select_n3A_2294, %get3A_200 : vector<16xf32>
      %bitcast3A_2296 = vector.bitcast %add3A_2295 : vector<16xf32> to vector<16xi32>
      %shift_right_arithmetic3A_2297 = arith.constant 1 : i32
      %shift_right_arithmetic3A_2298 = vector.broadcast %shift_right_arithmetic3A_2297 : i32 to vector<16xi32>
      %shift_right_arithmetic3A_2299 = arith.shrsi %bitcast3A_2296, %shift_right_arithmetic3A_2298 : vector<16xi32>
      %sub3A_2300 = arith.constant 1597463007 : i32
      %sub3A_2301 = vector.broadcast %sub3A_2300 : i32 to vector<16xi32>
      %sub3A_2302 = arith.subi %sub3A_2301, %shift_right_arithmetic3A_2299 : vector<16xi32>
      %bitcast3A_2303 = vector.bitcast %sub3A_2302 : vector<16xi32> to vector<16xf32>
      %mul3A_2304 = arith.constant -5.000000e-01 : f32
      %mul3A_2305 = vector.broadcast %mul3A_2304 : f32 to vector<16xf32>
      %mul3A_2306 = arith.mulf %add3A_2295, %mul3A_2305 : vector<16xf32>
      %mul3A_2307 = arith.mulf %mul3A_2306, %bitcast3A_2303 : vector<16xf32>
      %mul3A_2308 = arith.mulf %mul3A_2307, %bitcast3A_2303 : vector<16xf32>
      %add3A_2309 = arith.constant 1.500000e+00 : f32
      %add3A_2310 = vector.broadcast %add3A_2309 : f32 to vector<16xf32>
      %add3A_2311 = arith.addf %add3A_2310, %mul3A_2308 : vector<16xf32>
      %mul3A_2312 = arith.mulf %bitcast3A_2303, %add3A_2311 : vector<16xf32>
      %mul3A_2313 = arith.mulf %mul3A_2306, %mul3A_2312 : vector<16xf32>
      %mul3A_2314 = arith.mulf %mul3A_2313, %mul3A_2312 : vector<16xf32>
      %add3A_2315 = arith.constant 1.500000e+00 : f32
      %add3A_2316 = vector.broadcast %add3A_2315 : f32 to vector<16xf32>
      %add3A_2317 = arith.addf %add3A_2316, %mul3A_2314 : vector<16xf32>
      %mul3A_2318 = arith.mulf %mul3A_2312, %add3A_2317 : vector<16xf32>
      %mul3A_2319 = arith.mulf %mul3A_2306, %mul3A_2318 : vector<16xf32>
      %mul3A_2320 = arith.mulf %mul3A_2319, %mul3A_2318 : vector<16xf32>
      %add3A_2321 = arith.constant 1.500000e+00 : f32
      %add3A_2322 = vector.broadcast %add3A_2321 : f32 to vector<16xf32>
      %add3A_2323 = arith.addf %add3A_2322, %mul3A_2320 : vector<16xf32>
      %mul3A_2324 = arith.mulf %mul3A_2318, %add3A_2323 : vector<16xf32>
      %jit3A_2325 = arith.constant 0.000000e+00 : f32
      %broadcast_in_dim3A_2326 = vector.broadcast %jit3A_2325 : f32 to vector<16xf32>
      %select_n3A_2327 = arith.select %gt3A_2291, %mul3A_2324, %broadcast_in_dim3A_2326 : vector<16xi1>, vector<16xf32>
      %add3A_2328 = arith.addf %add3A_2284, %select_n3A_2327 : vector<16xf32>
      %add3A_2329 = arith.constant 48 : i32
      %add3A_2330 = vector.broadcast %add3A_2329 : i32 to vector<16xi32>
      %add3A_2331 = arith.addi %mul3A_222, %add3A_2330 : vector<16xi32>
      %gather3A_2332 = tpu.vector_load_idx %arg27[%add3A_2331] : memref<25600xf32, #tpu.memory_space<vmem>>[vector<16xi32>], vector<16xf32>,
      %gt3A_2333 = arith.constant 0.000000e+00 : f32
      %gt3A_2334 = vector.broadcast %gt3A_2333 : f32 to vector<16xf32>
      %gt3A_2335 = arith.cmpf ogt, %gather3A_2332, %gt3A_2334 : vector<16xf32>
      %jit3A_2336 = arith.constant 0.000000e+00 : f32
      %broadcast_in_dim3A_2337 = vector.broadcast %jit3A_2336 : f32 to vector<16xf32>
      %select_n3A_2338 = arith.select %gt3A_2335, %gather3A_2332, %broadcast_in_dim3A_2337 : vector<16xi1>, vector<16xf32>
      %add3A_2339 = arith.addf %select_n3A_2338, %get3A_200 : vector<16xf32>
      %bitcast3A_2340 = vector.bitcast %add3A_2339 : vector<16xf32> to vector<16xi32>
      %shift_right_arithmetic3A_2341 = arith.constant 1 : i32
      %shift_right_arithmetic3A_2342 = vector.broadcast %shift_right_arithmetic3A_2341 : i32 to vector<16xi32>
      %shift_right_arithmetic3A_2343 = arith.shrsi %bitcast3A_2340, %shift_right_arithmetic3A_2342 : vector<16xi32>
      %sub3A_2344 = arith.constant 1597463007 : i32
      %sub3A_2345 = vector.broadcast %sub3A_2344 : i32 to vector<16xi32>
      %sub3A_2346 = arith.subi %sub3A_2345, %shift_right_arithmetic3A_2343 : vector<16xi32>
      %bitcast3A_2347 = vector.bitcast %sub3A_2346 : vector<16xi32> to vector<16xf32>
      %mul3A_2348 = arith.constant -5.000000e-01 : f32
      %mul3A_2349 = vector.broadcast %mul3A_2348 : f32 to vector<16xf32>
      %mul3A_2350 = arith.mulf %add3A_2339, %mul3A_2349 : vector<16xf32>
      %mul3A_2351 = arith.mulf %mul3A_2350, %bitcast3A_2347 : vector<16xf32>
      %mul3A_2352 = arith.mulf %mul3A_2351, %bitcast3A_2347 : vector<16xf32>
      %add3A_2353 = arith.constant 1.500000e+00 : f32
      %add3A_2354 = vector.broadcast %add3A_2353 : f32 to vector<16xf32>
      %add3A_2355 = arith.addf %add3A_2354, %mul3A_2352 : vector<16xf32>
      %mul3A_2356 = arith.mulf %bitcast3A_2347, %add3A_2355 : vector<16xf32>
      %mul3A_2357 = arith.mulf %mul3A_2350, %mul3A_2356 : vector<16xf32>
      %mul3A_2358 = arith.mulf %mul3A_2357, %mul3A_2356 : vector<16xf32>
      %add3A_2359 = arith.constant 1.500000e+00 : f32
      %add3A_2360 = vector.broadcast %add3A_2359 : f32 to vector<16xf32>
      %add3A_2361 = arith.addf %add3A_2360, %mul3A_2358 : vector<16xf32>
      %mul3A_2362 = arith.mulf %mul3A_2356, %add3A_2361 : vector<16xf32>
      %mul3A_2363 = arith.mulf %mul3A_2350, %mul3A_2362 : vector<16xf32>
      %mul3A_2364 = arith.mulf %mul3A_2363, %mul3A_2362 : vector<16xf32>
      %add3A_2365 = arith.constant 1.500000e+00 : f32
      %add3A_2366 = vector.broadcast %add3A_2365 : f32 to vector<16xf32>
      %add3A_2367 = arith.addf %add3A_2366, %mul3A_2364 : vector<16xf32>
      %mul3A_2368 = arith.mulf %mul3A_2362, %add3A_2367 : vector<16xf32>
      %jit3A_2369 = arith.constant 0.000000e+00 : f32
      %broadcast_in_dim3A_2370 = vector.broadcast %jit3A_2369 : f32 to vector<16xf32>
      %select_n3A_2371 = arith.select %gt3A_2335, %mul3A_2368, %broadcast_in_dim3A_2370 : vector<16xi1>, vector<16xf32>
      %add3A_2372 = arith.addf %add3A_2328, %select_n3A_2371 : vector<16xf32>
      %add3A_2373 = arith.constant 49 : i32
      %add3A_2374 = vector.broadcast %add3A_2373 : i32 to vector<16xi32>
      %add3A_2375 = arith.addi %mul3A_222, %add3A_2374 : vector<16xi32>
      %gather3A_2376 = tpu.vector_load_idx %arg27[%add3A_2375] : memref<25600xf32, #tpu.memory_space<vmem>>[vector<16xi32>], vector<16xf32>,
      %gt3A_2377 = arith.constant 0.000000e+00 : f32
      %gt3A_2378 = vector.broadcast %gt3A_2377 : f32 to vector<16xf32>
      %gt3A_2379 = arith.cmpf ogt, %gather3A_2376, %gt3A_2378 : vector<16xf32>
      %jit3A_2380 = arith.constant 0.000000e+00 : f32
      %broadcast_in_dim3A_2381 = vector.broadcast %jit3A_2380 : f32 to vector<16xf32>
      %select_n3A_2382 = arith.select %gt3A_2379, %gather3A_2376, %broadcast_in_dim3A_2381 : vector<16xi1>, vector<16xf32>
      %add3A_2383 = arith.addf %select_n3A_2382, %get3A_200 : vector<16xf32>
      %bitcast3A_2384 = vector.bitcast %add3A_2383 : vector<16xf32> to vector<16xi32>
      %shift_right_arithmetic3A_2385 = arith.constant 1 : i32
      %shift_right_arithmetic3A_2386 = vector.broadcast %shift_right_arithmetic3A_2385 : i32 to vector<16xi32>
      %shift_right_arithmetic3A_2387 = arith.shrsi %bitcast3A_2384, %shift_right_arithmetic3A_2386 : vector<16xi32>
      %sub3A_2388 = arith.constant 1597463007 : i32
      %sub3A_2389 = vector.broadcast %sub3A_2388 : i32 to vector<16xi32>
      %sub3A_2390 = arith.subi %sub3A_2389, %shift_right_arithmetic3A_2387 : vector<16xi32>
      %bitcast3A_2391 = vector.bitcast %sub3A_2390 : vector<16xi32> to vector<16xf32>
      %mul3A_2392 = arith.constant -5.000000e-01 : f32
      %mul3A_2393 = vector.broadcast %mul3A_2392 : f32 to vector<16xf32>
      %mul3A_2394 = arith.mulf %add3A_2383, %mul3A_2393 : vector<16xf32>
      %mul3A_2395 = arith.mulf %mul3A_2394, %bitcast3A_2391 : vector<16xf32>
      %mul3A_2396 = arith.mulf %mul3A_2395, %bitcast3A_2391 : vector<16xf32>
      %add3A_2397 = arith.constant 1.500000e+00 : f32
      %add3A_2398 = vector.broadcast %add3A_2397 : f32 to vector<16xf32>
      %add3A_2399 = arith.addf %add3A_2398, %mul3A_2396 : vector<16xf32>
      %mul3A_2400 = arith.mulf %bitcast3A_2391, %add3A_2399 : vector<16xf32>
      %mul3A_2401 = arith.mulf %mul3A_2394, %mul3A_2400 : vector<16xf32>
      %mul3A_2402 = arith.mulf %mul3A_2401, %mul3A_2400 : vector<16xf32>
      %add3A_2403 = arith.constant 1.500000e+00 : f32
      %add3A_2404 = vector.broadcast %add3A_2403 : f32 to vector<16xf32>
      %add3A_2405 = arith.addf %add3A_2404, %mul3A_2402 : vector<16xf32>
      %mul3A_2406 = arith.mulf %mul3A_2400, %add3A_2405 : vector<16xf32>
      %mul3A_2407 = arith.mulf %mul3A_2394, %mul3A_2406 : vector<16xf32>
      %mul3A_2408 = arith.mulf %mul3A_2407, %mul3A_2406 : vector<16xf32>
      %add3A_2409 = arith.constant 1.500000e+00 : f32
      %add3A_2410 = vector.broadcast %add3A_2409 : f32 to vector<16xf32>
      %add3A_2411 = arith.addf %add3A_2410, %mul3A_2408 : vector<16xf32>
      %mul3A_2412 = arith.mulf %mul3A_2406, %add3A_2411 : vector<16xf32>
      %jit3A_2413 = arith.constant 0.000000e+00 : f32
      %broadcast_in_dim3A_2414 = vector.broadcast %jit3A_2413 : f32 to vector<16xf32>
      %select_n3A_2415 = arith.select %gt3A_2379, %mul3A_2412, %broadcast_in_dim3A_2414 : vector<16xi1>, vector<16xf32>
      %add3A_2416 = arith.addf %add3A_2372, %select_n3A_2415 : vector<16xf32>
      %get3A_2417 = arith.index_cast %mul3A_217 : i32 to index
      %get3A_2418 = tpu.vector_load %arg33[%get3A_2417] {strides = array<i32>} : memref<512xf32, #tpu.memory_space<vmem>>, vector<16xf32>,
      %get3A_2419 = arith.index_cast %mul3A_217 : i32 to index
      %get3A_2420 = tpu.vector_load %arg30[%get3A_2419] {strides = array<i32>} : memref<512xf32, #tpu.memory_space<vmem>>, vector<16xf32>,
      %jit3A_2421 = arith.constant 1.000000e-01 : f32
      %jit3A_2422 = arith.constant 1.000000e+01 : f32
      %max3A = vector.broadcast %jit3A_2421 : f32 to vector<16xf32>
      %max3A_2423 = arith.maximumf %max3A, %get3A_2420 : vector<16xf32>
      %min3A = vector.broadcast %jit3A_2422 : f32 to vector<16xf32>
      %min3A_2424 = arith.minimumf %min3A, %max3A_2423 : vector<16xf32>
      %add3A_2425 = arith.addf %get3A_202, %min3A_2424 : vector<16xf32>
      %mul3A_2426 = arith.mulf %add3A_2416, %add3A_2425 : vector<16xf32>
      %min3A_2427 = arith.minimumf %mul3A_2426, %get3A_2418 : vector<16xf32>
      %sub3A_2428 = arith.subf %get3A_2418, %min3A_2427 : vector<16xf32>
      %get3A_2429 = arith.index_cast %mul3A_217 : i32 to index
      %get3A_2430 = tpu.vector_load %arg31[%get3A_2429] {strides = array<i32>} : memref<512xf32, #tpu.memory_space<vmem>>, vector<16xf32>,
      %get3A_2431 = arith.index_cast %mul3A_217 : i32 to index
      %get3A_2432 = tpu.vector_load %arg32[%get3A_2431] {strides = array<i32>} : memref<512xf32, #tpu.memory_space<vmem>>, vector<16xf32>,
      %mul3A_2433 = arith.mulf %get3A_204, %sub3A_2428 : vector<16xf32>
      %mul3A_2434 = arith.mulf %get3A_206, %sub3A_2428 : vector<16xf32>
      %mul3A_2435 = arith.mulf %mul3A_2434, %sub3A_2428 : vector<16xf32>
      %add3A_2436 = arith.addf %mul3A_2433, %mul3A_2435 : vector<16xf32>
      %add3A_2437 = arith.addf %add3A_2436, %get3A_208 : vector<16xf32>
      %add3A_2438 = arith.addf %add3A_2437, %get3A_2430 : vector<16xf32>
      %add3A_2439 = arith.addf %add3A_2438, %get3A_2432 : vector<16xf32>
      %neg3A = arith.constant 0.000000e+00 : f32
      %neg3A_2440 = vector.broadcast %neg3A : f32 to vector<16xf32>
      %neg3A_2441 = arith.subf %neg3A_2440, %add3A_2439 : vector<16xf32>
      %exp3A = math.exp %neg3A_2441 : vector<16xf32>
      %add3A_2442 = arith.constant 1.000000e+00 : f32
      %add3A_2443 = vector.broadcast %add3A_2442 : f32 to vector<16xf32>
      %add3A_2444 = arith.addf %add3A_2443, %exp3A : vector<16xf32>
      %div3A = arith.constant 1.000000e+00 : f32
      %div3A_2445 = vector.broadcast %div3A : f32 to vector<16xf32>
      %div3A_2446 = arith.divf %div3A_2445, %add3A_2444 : vector<16xf32>
      %swap3A = arith.index_cast %mul3A_217 : i32 to index
      %swap3A_2447 = tpu.vector_load %arg39[%swap3A] {strides = array<i32>} : memref<512xf32, #tpu.memory_space<vmem>>, vector<16xf32>,
      tpu.vector_store %arg39[%swap3A], %div3A_2446 {strides = array<i32>} : memref<512xf32, #tpu.memory_space<vmem>>, vector<16xf32>,
      %swap3A_2448 = arith.index_cast %mul3A_217 : i32 to index
      %swap3A_2449 = tpu.vector_load %arg40[%swap3A_2448] {strides = array<i32>} : memref<512xf32, #tpu.memory_space<vmem>>, vector<16xf32>,
      tpu.vector_store %arg40[%swap3A_2448], %sub3A_2428 {strides = array<i32>} : memref<512xf32, #tpu.memory_space<vmem>>, vector<16xf32>,
    }
    %scan3A_214 = arith.constant 32 : i32
    "tpu.region"() ({
      %run_scoped3A = tpu.sem_alloc : memref<!tpu.dma_semaphore, #tpu.memory_space<semaphore_mem>>
      %dma_start3A_215 = tpu.memref_slice %arg19[%mul3A_2] : memref<16384xf32, #tpu.memory_space<hbm>> -> memref<512xf32, #tpu.memory_space<hbm>>
      %dma_start3A_216 = tpu.memref_slice %arg19[%mul3A_2] : memref<16384xf32, #tpu.memory_space<hbm>> -> memref<512xf32, #tpu.memory_space<hbm>>
      tpu.enqueue_dma source(%arg39 : memref<512xf32, #tpu.memory_space<vmem>>) target(%dma_start3A_216 : memref<512xf32, #tpu.memory_space<hbm>>) target_semaphore(%run_scoped3A : memref<!tpu.dma_semaphore, #tpu.memory_space<semaphore_mem>>)
      %dma_wait3A_217 = tpu.memref_slice %arg19[%mul3A_2] : memref<16384xf32, #tpu.memory_space<hbm>> -> memref<512xf32, #tpu.memory_space<hbm>>
      %dma_wait3A_218 = tpu.memref_slice %arg19[%mul3A_2] : memref<16384xf32, #tpu.memory_space<hbm>> -> memref<512xf32, #tpu.memory_space<hbm>>
      tpu.wait_dma2 semaphore(%run_scoped3A : memref<!tpu.dma_semaphore, #tpu.memory_space<semaphore_mem>>) src(%arg39 : memref<512xf32, #tpu.memory_space<vmem>>) dst(%dma_wait3A_218 : memref<512xf32, #tpu.memory_space<hbm>>)
      tpu.yield
    }) : () -> ()
    "tpu.region"() ({
      %run_scoped3A = tpu.sem_alloc : memref<!tpu.dma_semaphore, #tpu.memory_space<semaphore_mem>>
      %dma_start3A_215 = tpu.memref_slice %arg20[%mul3A_2] : memref<16384xf32, #tpu.memory_space<hbm>> -> memref<512xf32, #tpu.memory_space<hbm>>
      %dma_start3A_216 = tpu.memref_slice %arg20[%mul3A_2] : memref<16384xf32, #tpu.memory_space<hbm>> -> memref<512xf32, #tpu.memory_space<hbm>>
      tpu.enqueue_dma source(%arg40 : memref<512xf32, #tpu.memory_space<vmem>>) target(%dma_start3A_216 : memref<512xf32, #tpu.memory_space<hbm>>) target_semaphore(%run_scoped3A : memref<!tpu.dma_semaphore, #tpu.memory_space<semaphore_mem>>)
      %dma_wait3A_217 = tpu.memref_slice %arg20[%mul3A_2] : memref<16384xf32, #tpu.memory_space<hbm>> -> memref<512xf32, #tpu.memory_space<hbm>>
      %dma_wait3A_218 = tpu.memref_slice %arg20[%mul3A_2] : memref<16384xf32, #tpu.memory_space<hbm>> -> memref<512xf32, #tpu.memory_space<hbm>>
      tpu.wait_dma2 semaphore(%run_scoped3A : memref<!tpu.dma_semaphore, #tpu.memory_space<semaphore_mem>>) src(%arg40 : memref<512xf32, #tpu.memory_space<vmem>>) dst(%dma_wait3A_218 : memref<512xf32, #tpu.memory_space<hbm>>)
      tpu.yield
    }) : () -> ()
    return
  }
}

</mosaic_0001>

<sc_bundles>
// kernel: kernel.3.cloned.1.call-start
scs
__scs_entry_jumppad:
0x0: {  	(pc) =	sbr.rel $0x88, $3  }
0x1: {  	(tag) =	ssettag $0x0;
	lr =	simm.s32 $0x1  }
0x2: {  	[smem:$0x3F94] =	sst lr;
	_ =	strace $0xD0000000  }
0x3: {  	_ = 	snop  }
0x4: {  	_ = 	snop  }
0x5: {  	_ = 	snop  }
0x6: {  	_ = 	snop  }
0x7: {  	_ = 	snop  }
__scs_overlays_trampoline_lowered:
0x8: {  	[smem:$0x3FA3] =	sst s0  }
0x9: {  	[smem:$0x3FA4] =	sst s1  }
0xa: {  	[smem:$0x3FA5] =	sst s2  }
0xb: {  	[smem:$0x3FA6] =	sst s3  }
0xc: {  	[smem:$0x3FA7] =	sst s4  }
0xd: {  	[smem:$0x3FA8] =	sst s5  }
0xe: {  	[smem:$0x3FA9] =	sst s6  }
0xf: {  	[smem:$0x3FAA] =	sst s7  }
0x10: {  	[smem:$0x3FAB] =	sst s8  }
0x11: {  	[smem:$0x3FAC] =	sst s9;
	s0 =	simm.s32 @!p0 $0x0  }
0x12: {  	s1 =	sld [smem:$0x3F92];
	s0 =	simm.s32 @p0 $0x1  }
0x13: {  	[smem:$0x3FAD] =	sst s0;
	s0 =	simm.s32 @!p1 $0x0  }
0x14: {  	s2 =	sld [smem:$0x3F91];
	s0 =	simm.s32 @p1 $0x1  }
0x15: {  	[smem:$0x3FAE] =	sst s0;
	s0 =	simm.s32 @!p2 $0x0  }
0x16: {  	s3 =	sld [smem:$0x3FDB];
	s0 =	simm.s32 @p2 $0x1  }
0x17: {  	s4 =	simm.s32 $0x1BF5;
	[smem:$0x3FB0] =	sst s0  }
0x18: {  	s0 =	sld [smem:$0x3F93];
	_ =	swait.ge [sflag:s4], $0x0  }
0x19: {  	s7 =	sld [smem:$0x3F94]  }
0x1a: {  	s8 =	sadd.s32 $0xFFFFE003, lr  }
0x1b: {  	s9 =	sadd.s32 $0xFFFFFEF7, lr;
	s5 =	simm.s32 $0xFFFFFFFF;
	p2 =	slt.u32 s8, $0xFFFFF086  }
0x1c: {  	p1 =	slt.u32 s9, $0xF7A;
	s5 =	simm.s32 @!p2 $0x0  }
0x1d: {  	s5 =	simm.s32 @p1 $0x1;
	p0 =	seq.s32 s7, s2  }
0x1e: {  	s7 =	smul.u32 @!p0 $0xF7A, s2;
	p2 =	seq.s32 @!p0 s5, $0x0  }
0x1f: {  	s9 =	smul.u32 $0xF7A, s1;
	s8 =	simm.s32 @!p0 $0x1BF5;
	p2 =	por !p2, p0  }
0x20: {  	[sflag:s8] =	ssyncset.s32 @!p0 $0xFFFFF086;
	s6 =	sadd.s32 @!p0 s3, s7;
	s7 =	simm.s32 @!p0 $0x108  }
0x21: {  	s3 =	sadd.s32 s3, s9;
	s6 =	sadd.s32 @!p0 $0x88, s6;
	s7 =	simm.s32 @p2 $0x1082  }
0x22: {  	[simem:s7], [sflag:s8] =	dma.local @!p0 [hbm:s6], $0xF7A  }
0x23: {  	s9 =	sor.u32 $0xD0000000, s2;
	s6 =	simm.s32 $0x108;
	_ =	swait.ge @!p0 [sflag:s8], $0x0  }
0x24: {  	s3 =	sadd.s32 $0x88, s3;
	s6 =	simm.s32 @!p1 $0x1082;
	[sflag:s4] =	ssyncset.s32 $0xFFFFF086  }
0x25: {  	[simem:s6], [sflag:s4] =	dma.local [hbm:s3], $0xF7A  }
0x26: {  	[smem:$0x3F94] =	sst s1;
	(tag) =	ssettag s2;
	_ =	strace s9  }
0x27: {  	s1 =	sld [smem:$0x3FA4]  }
0x28: {  	s2 =	sld [smem:$0x3FA5]  }
0x29: {  	s4 =	sld [smem:$0x3FA7]  }
0x2a: {  	p0 =	seq.s32 s5, $0x0;
	s5 =	sld [smem:$0x3FA8]  }
0x2b: {  	s6 =	sld [smem:$0x3FA9]  }
0x2c: {  	s7 =	sld [smem:$0x3FAA]  }
0x2d: {  	s3 =	simm.s32 $0x108;
	s8 =	sld [smem:$0x3FAB]  }
0x2e: {  	s3 =	simm.s32 @!p0 $0x1082;
	s9 =	sld [smem:$0x3FAC]  }
0x2f: {  	lr =	sadd.s32 s0, s3;
	s0 =	sld [smem:$0x3FA3]  }
0x30: {  	s3 =	sld [smem:$0x3FA6]  }
0x31: {  	[smem:$0x3FAF] =	sst s10  }
0x32: {  	s10 =	sld [smem:$0x3FAD];
	_ =	sdelay $0x3  }
0x33: {  	p0 =	seq.s32 s10, $0x1;
	s10 =	sld [smem:$0x3FAF];
	_ =	sdelay $0x3  }
0x34: {  	[smem:$0x3FAF] =	sst s10  }
0x35: {  	s10 =	sld [smem:$0x3FAE];
	_ =	sdelay $0x3  }
0x36: {  	p1 =	seq.s32 s10, $0x1;
	s10 =	sld [smem:$0x3FAF];
	_ =	sdelay $0x3  }
0x37: {  	[smem:$0x3FAF] =	sst s10  }
0x38: {  	s10 =	sld [smem:$0x3FB0]  }
0x39: {  	_ = 	snop;
	(pc) =	sbr.ind lr, $3  }
0x3a: {  	_ = 	snop  }
0x3b: {  	_ = 	snop  }
0x3c: {  	p2 =	seq.s32 s10, $0x1;
	s10 =	sld [smem:$0x3FAF]  }
0x3d: {  	_ =	shalt  }
0x3e: {  	_ =	shalt  }
0x3f: {  	_ =	shalt  }
0x40: {  	_ =	shalt  }
0x41: {  	_ =	shalt  }
0x42: {  	_ =	shalt  }
0x43: {  	_ =	shalt  }
0x44: {  	_ =	shalt  }
0x45: {  	_ =	shalt  }
0x46: {  	_ =	shalt  }
0x47: {  	_ =	shalt  }
0x48: {  	_ =	shalt  }
0x49: {  	_ =	shalt  }
0x4a: {  	_ =	shalt  }
0x4b: {  	_ =	shalt  }
0x4c: {  	_ =	shalt  }
0x4d: {  	_ =	shalt  }
0x4e: {  	_ =	shalt  }
0x4f: {  	_ =	shalt  }
0x50: {  	_ =	shalt  }
0x51: {  	_ =	shalt  }
0x52: {  	_ =	shalt  }
0x53: {  	_ =	shalt  }
0x54: {  	_ =	shalt  }
0x55: {  	_ =	shalt  }
0x56: {  	_ =	shalt  }
0x57: {  	_ =	shalt  }
0x58: {  	_ =	shalt  }
0x59: {  	_ =	shalt  }
0x5a: {  	_ =	shalt  }
0x5b: {  	_ =	shalt  }
0x5c: {  	_ =	shalt  }
0x5d: {  	_ =	shalt  }
0x5e: {  	_ =	shalt  }
0x5f: {  	_ =	shalt  }
0x60: {  	_ =	shalt  }
0x61: {  	_ =	shalt  }
0x62: {  	_ =	shalt  }
0x63: {  	_ =	shalt  }
0x64: {  	_ =	shalt  }
0x65: {  	_ =	shalt  }
0x66: {  	_ =	shalt  }
0x67: {  	_ =	shalt  }
0x68: {  	_ =	shalt  }
0x69: {  	_ =	shalt  }
0x6a: {  	_ =	shalt  }
0x6b: {  	_ =	shalt  }
0x6c: {  	_ =	shalt  }
0x6d: {  	_ =	shalt  }
0x6e: {  	_ =	shalt  }
0x6f: {  	_ =	shalt  }
0x70: {  	_ =	shalt  }
0x71: {  	_ =	shalt  }
0x72: {  	_ =	shalt  }
0x73: {  	_ =	shalt  }
0x74: {  	_ =	shalt  }
0x75: {  	_ =	shalt  }
0x76: {  	_ =	shalt  }
0x77: {  	_ =	shalt  }
0x78: {  	_ =	shalt  }
0x79: {  	_ =	shalt  }
0x7a: {  	_ =	shalt  }
0x7b: {  	_ =	shalt  }
0x7c: {  	_ =	shalt  }
0x7d: {  	_ =	shalt  }
0x7e: {  	_ =	shalt  }
0x7f: {  	_ =	shalt  }
0x80: {  	_ =	shalt  }
0x81: {  	_ =	shalt  }
0x82: {  	_ =	shalt  }
0x83: {  	_ =	shalt  }
0x84: {  	_ =	shalt  }
0x85: {  	_ =	shalt  }
0x86: {  	_ =	shalt  }
0x87: {  	_ =	shalt  }
.Lfunc_end0:
.L_simem_size_0:
called_computation_lowered:
.L_overlay_start_0:
0x88: {  	s2 =	sld [smem:$0x3FD9]  }
0x89: {  	s3 =	sld [smem:$0x3FFE];
	_ =	sdelay $0x1  }
0x8a: {  	s1 =	srdreg.scid  }
0x8b: {  	s0 =	sand.u32 $0x1, s1  }
0x8c: {  	s14 =	sshll.u32 s0, $0xA;
	s2 =	sadd.s32 s3, s2  }
0x8d: {  	s2 =	sadd.s32 s2, s14  }
0x8e: {  	[smem:$0x3FBB] =	sst s2  }
0x8f: {  	_ = 	snop  }
0x90: {  	s2 =	sld [smem:$0x3FD0];
	_ =	sdelay $0x1  }
0x91: {  	s15 =	sld [smem:$0x3FC9]  }
0x92: {  	s5 =	simm.s32 $0xA;
	s6 =	simm.s32 $0x10;
	s4 =	sld [smem:$0x3FC8]  }
0x93: {  	[smem:s6], [sflag:s5] =	dma.local [hbm:s2], $0x1  }
0x94: {  	_ =	swait.eq [sflag:s5], $0x1  }
0x95: {  	[sflag:s5] =	ssyncset.done $0x0  }
0x96: {  	s16 =	sld [smem:$0x10];
	[sflag:s5] =	ssyncadd.s32 $0xFFFFFFFF  }
0x97: {  	s17 =	sld [smem:$0x11];
	(tm) =	ssettm $0x1  }
0x98: {  	s18 =	sld [smem:$0x3FFB];
	_ =	sdelay $0x3  }
0x99: {  	_ =	strace s18  }
0x9a: {  	s6 =	sld [smem:$0x3FFC];
	_ =	sdelay $0x3  }
0x9b: {  	_ =	strace s6  }
0x9c: {  	s6 =	sld [smem:$0x3FFD];
	_ =	sdelay $0x3  }
0x9d: {  	_ =	strace s6  }
0x9e: {  	_ =	strace $0x8FFFFFFF  }
0x9f: {  	s19 =	sld [smem:$0x3FDB];
	_ =	sdelay $0x1  }
0xa0: {  	s7 =	simm.s32 $_scs_section_size  }
0xa1: {  	s8 =	simm.s32 $_size__tile_overlayer_lowered;
	s9 =	simm.s32 $_tile_overlayer_lowered  }
0xa2: {  	s22 =	simm.s32 $0x1BFF;
	s21 =	sshll.u32 s9, $0x1;
	s6 =	sadd.s32 s7, s19  }
0xa3: {  	s10 =	simm.s32 $0x0;
	s20 =	sshll.u32 s8, $0x1;
	s8 =	sadd.s32 s21, s6  }
0xa4: {  	[timem:s10], [sflag:s22] =	dma.local [hbm:s8], s20  }
0xa5: {  	_ =	swait.ge [sflag:s22], s20  }
0xa6: {  	s7 =	ssub.s32 $0x0, s20;
	[sflag:s22] =	ssyncset.done $0x0  }
0xa7: {  	[sflag:s22] =	ssyncadd.s32 s7;
	_ =	sdelay $0x1  }
0xa8: {  	s23 =	simm.s32 $0x1B8B  }
0xa9: {  	_ =	swait.ge [sflag:s23], $0x1  }
0xaa: {  	[sflag:s23] =	ssyncset.done $0x0  }
0xab: {  	s25 =	simm.s32 $0x1B8E;
	s24 =	sld [smem:$0x3FFE];
	[sflag:s23] =	ssyncadd.s32 $0xFFFFFFFF  }
0xac: {  	s26 =	simm.s32 $execute0_lowered;
	[smem:$0x3FD2] =	sst s25  }
0xad: {  	s8 =	sshll.u32 s26, $0x1;
	_ =	strace $0x80000046;
	[dreg:$0x1] =	wrdreg $0xFFFFFFFF  }
0xae: {  	s28 =	simm.s32 $_size_execute0_lowered;
	s6 =	sadd.s32 s6, s8;
	[dreg:$0x0] =	wrdreg $0x0  }
0xaf: {  	s8 =	sshll.u32 s28, $0x1;
	[dreg:$0x2] =	wrdreg s6  }
0xb0: {  	[dreg:$0x3] =	wrdreg s8  }
0xb1: {  	[dreg:$0x4] =	wrdreg $0xC0  }
0xb2: {  	_ =	task [dreg:s10], $0x5FFFF  }
0xb3: {  	[dreg:$0x1] =	wrdreg $0xFFFFFFFF  }
0xb4: {  	[dreg:$0x0] =	wrdreg $0x60  }
0xb5: {  	[dreg:$0x2] =	wrdreg s15  }
0xb6: {  	[dreg:$0x3] =	wrdreg s4  }
0xb7: {  	[dreg:$0x4] =	wrdreg s24  }
0xb8: {  	[dreg:$0x5] =	wrdreg s16  }
0xb9: {  	[dreg:$0x6] =	wrdreg s17  }
0xba: {  	[dreg:$0x7] =	wrdreg $0x9  }
0xbb: {  	_ =	task.clear_ibuf [dreg:s10], $0x8FFFF;
	_ =	strace $0x90000046  }
0xbc: {  	s29 =	simm.s32 $0x9;
	_ =	strace $0x80000048  }
0xbd: {  	_ =	swait.ge [sflag:s29], $0x1  }
0xbe: {  	[sflag:s29] =	ssyncadd.s32 $0xFFFFFFFF  }
0xbf: {  	_ =	strace $0x90000048  }
0xc0: {  	_ =	sfence  }
0xc1: {  	s30 =	sld [smem:$0x0];
	_ =	sdelay $0x2  }
0xc2: {  	s31 =	sshll.u32 s1, $0xD;
	s1 =	sshrl.u32 s1, $0x2  }
0xc3: {  	s3 =	sand.u32 $0x4000, s31;
	s1 =	sadd.s32 s1, s30  }
0xc4: {  	s0 =	sor.u32 s3, s0;
	s1 =	sshll.u32 s1, $0x11  }
0xc5: {  	s0 =	sor.u32 s1, s0  }
0xc6: {  	s0 =	sadd.s32 $0x8F2B, s0  }
0xc7: {  	[sflag:s0] =	ssyncadd.remote.s32 $0x1  }
0xc8: {  	_ =	sfence.sel $0xFFFF  }
0xc9: {  	[dreg:$0x0] =	wrdreg $0xFFFFFFFF;
	(pc) =	sbr.abs _section_cstart, $3  }
0xca: {  	[dreg:$0x1] =	wrdreg $0xFFFFFFFF  }
0xcb: {  	_ =	task.clear_ibuf [dreg:s10], $0x2FFFF;
	_ =	strace $0x9FFFFFFF  }
0xcc: {  	(tm) =	ssettm $0x7FFFFFFF  }
0xcd: {  	_ =	shalt  }
tec
execute0_lowered:
.L_overlay_start_1:
0x0: {  	(tag) =	ssettag $0x1  }
0x1: {  	s0 =	rddreg [dreg:$0x0]  }
0x2: {  	s1 =	rddreg [dreg:$0x1]  }
0x3: {  	s8 =	rddreg [dreg:$0x2]  }
0x4: {  	s9 =	rddreg [dreg:$0x3];
	s2 =	srdreg.scid  }
0x5: {  	s3 =	stileid.u32;
	s10 =	rddreg [dreg:$0x4]  }
0x6: {  	s23 =	simm.s32 $0x2;
	s28 =	simm.s32 $0xC00;
	s30 =	simm.s32 $0x1  }
0x7: {  	s31 =	simm.s32 $0x7000;
	s11 =	sand.u32 $0x1, s2;
	s3 =	sshll.u32 s3, $0x1  }
0x8: {  	s2 =	simm.s32 $0x0;
	s5 =	sadd.s32 $0x19400, s8;
	s6 =	sadd.s32 $0x37E00, s8  }
0x9: {  	s7 =	sadd.s32 $0x56800, s8;
	s13 =	sadd.s32 $0x77200, s8;
	s24 =	sadd.s32 $0x77400, s8  }
0xa: {  	s25 =	sadd.s32 $0x77600, s8;
	s26 =	sadd.s32 $0x77800, s8;
	[smem:$0x7FF] =	sst s2  }
0xb: {  	s3 =	sor.u32 s11, s3;
	_ =	strace $0x80000047;
	[dreg:$0x6] =	wrdreg s13  }
0xc: {  	s11 =	ssub.s32 $0x2, s11;
	s12 =	sshll.u32 s3, $0x6;
	[dreg:$0x7] =	wrdreg s24  }
0xd: {  	s4 =	smul.u32 $0xC80, s3;
	s3 =	sadd.s32 $0xF42800, s8;
	[dreg:$0x8] =	wrdreg s25  }
0xe: {  	[dreg:$0x9] =	wrdreg s26;
	s29 =	sshrl.u32 s11, $0x1;
	s25 =	simm.s32 $0x80  }
0xf: {  	s18 =	sadd.s32 s12, s8;
	s13 =	sadd.s32 s0, s12;
	s14 =	sadd.s32 s1, s12  }
0x10: {  	s20 =	sadd.s32 s9, s12;
	s21 =	sadd.s32 s10, s12;
	s1 =	simm.s32 $0xB000  }
0x11: {  	v0 =	vlaneseq.u32;
	s0 =	simm.s32 $0x0;
	s19 =	sadd.s32 s4, s8;
	s4 =	sadd.s32 $0x1313200, s8  }
0x12: {  	v30 =	vmul.u32 $0x80, v0;
	s8 =	sadd.s32 $0x77A00, s8;
	s15 =	sadd.s32 $0x76200, s18;
	s16 =	sadd.s32 $0x75A00, s18  }
0x13: {  	s17 =	sadd.s32 $0x76A00, s18;
	[dreg:$0xa] =	wrdreg s8;
	s8 =	ssub.s32 s11, s29  }
0x14: {  	[tilespmem:$0x1FFF0] =	vst v30;
	s18 =	sadd.s32 $0x75200, s18;
	s19 =	sadd.s32 $0x400, s19;
	s22 =	smax.u32 s8, $0x1  }
.LBB2_1:
0x15: {  	[tilespmem:s2], [sflag:$0x2] =	stream.linear.gather [hbm4b:s13+s2], $0x200, $0x38;
	[tilespmem:$0xFE80] =	vst v63  }
0x16: {  	_ =	swait.ge [sflag:s23], $0x200  }
0x17: {  	[sflag:s23] =	ssyncset.done $0x0  }
0x18: {  	s9 =	simm.s32 $0x200;
	[sflag:s23] =	ssyncadd.s32 $0xFFFFFE00  }
0x19: {  	[tilespmem:s9], [sflag:$0x2] =	stream.linear.gather [hbm4b:s14+s2], $0x200, $0x38;
	[tilespmem:$0xFE80] =	vst v63  }
0x1a: {  	_ =	swait.ge [sflag:s23], $0x200  }
0x1b: {  	[sflag:s23] =	ssyncset.done $0x0  }
0x1c: {  	s8 =	simm.s32 $0x400;
	[sflag:s23] =	ssyncadd.s32 $0xFFFFFE00  }
0x1d: {  	[tilespmem:s8], [sflag:$0x2] =	stream.linear.gather [hbm4b:s15+s2], $0x200, $0x38;
	[tilespmem:$0xFE80] =	vst v63  }
0x1e: {  	_ =	swait.ge [sflag:s23], $0x200  }
0x1f: {  	[sflag:s23] =	ssyncset.done $0x0  }
0x20: {  	s24 =	simm.s32 $0x600;
	[sflag:s23] =	ssyncadd.s32 $0xFFFFFE00  }
0x21: {  	[tilespmem:s24], [sflag:$0x2] =	stream.linear.gather [hbm4b:s16+s2], $0x200, $0x38;
	[tilespmem:$0xFE80] =	vst v63  }
0x22: {  	_ =	swait.ge [sflag:s23], $0x200  }
0x23: {  	[sflag:s23] =	ssyncset.done $0x0  }
0x24: {  	s24 =	simm.s32 $0x800;
	[sflag:s23] =	ssyncadd.s32 $0xFFFFFE00  }
0x25: {  	[tilespmem:s24], [sflag:$0x2] =	stream.linear.gather [hbm4b:s17+s2], $0x200, $0x38;
	[tilespmem:$0xFE80] =	vst v63  }
0x26: {  	_ =	swait.ge [sflag:s23], $0x200  }
0x27: {  	[sflag:s23] =	ssyncset.done $0x0  }
0x28: {  	s29 =	simm.s32 $0xA00;
	[sflag:s23] =	ssyncadd.s32 $0xFFFFFE00  }
0x29: {  	[tilespmem:s29], [sflag:$0x2] =	stream.linear.gather [hbm4b:s18+s2], $0x200, $0x38;
	[tilespmem:$0xFE80] =	vst v63  }
0x2a: {  	_ =	swait.ge [sflag:s23], $0x200  }
0x2b: {  	[sflag:s23] =	ssyncset.done $0x0  }
0x2c: {  	[sflag:s23] =	ssyncadd.s32 $0xFFFFFE00  }
0x2d: {  	[tilespmem:s28], [sflag:$0x2] =	stream.linear.gather [hbm4b:s19+s2], $0x6400, $0x38;
	[tilespmem:$0xFE80] =	vst v63  }
0x2e: {  	_ =	swait.ge [sflag:s23], $0x6400  }
0x2f: {  	[sflag:s23] =	ssyncset.done $0x0  }
0x30: {  	s10 =	simm.s32 $0xF800;
	s26 =	rddreg [dreg:$0x6];
	[sflag:s23] =	ssyncadd.s32 $0xFFFF9C00  }
0x31: {  	[tilespmem:s10], [sflag:$0x2] =	stream.linear.gather [hbm4b:s26+s2], $0x80, $0x38;
	[tilespmem:$0xFE80] =	vst v63  }
0x32: {  	_ =	swait.ge [sflag:s23], $0x80  }
0x33: {  	[sflag:s23] =	ssyncset.done $0x0  }
0x34: {  	s11 =	simm.s32 $0xF880;
	s10 =	rddreg [dreg:$0x7];
	[sflag:s23] =	ssyncadd.s32 $0xFFFFFF80  }
0x35: {  	[tilespmem:s11], [sflag:$0x2] =	stream.linear.gather [hbm4b:s10+s2], $0x80, $0x38;
	[tilespmem:$0xFE80] =	vst v63  }
0x36: {  	_ =	swait.ge [sflag:s23], $0x80  }
0x37: {  	[sflag:s23] =	ssyncset.done $0x0  }
0x38: {  	s26 =	simm.s32 $0xF900;
	s12 =	rddreg [dreg:$0x8];
	[sflag:s23] =	ssyncadd.s32 $0xFFFFFF80  }
0x39: {  	[tilespmem:s26], [sflag:$0x2] =	stream.linear.gather [hbm4b:s12+s2], $0x80, $0x38;
	[tilespmem:$0xFE80] =	vst v63  }
0x3a: {  	_ =	swait.ge [sflag:s23], $0x80  }
0x3b: {  	[sflag:s23] =	ssyncset.done $0x0  }
0x3c: {  	s11 =	simm.s32 $0xF980;
	s10 =	rddreg [dreg:$0x9];
	[sflag:s23] =	ssyncadd.s32 $0xFFFFFF80  }
0x3d: {  	[tilespmem:s11], [sflag:$0x2] =	stream.linear.gather [hbm4b:s10+s2], $0x80, $0x38;
	[tilespmem:$0xFE80] =	vst v63  }
0x3e: {  	_ =	swait.ge [sflag:s23], $0x80  }
0x3f: {  	[sflag:s23] =	ssyncset.done $0x0  }
0x40: {  	s26 =	simm.s32 $0xFA00;
	s12 =	rddreg [dreg:$0xa];
	[sflag:s23] =	ssyncadd.s32 $0xFFFFFF80  }
0x41: {  	[tilespmem:s26], [sflag:$0x2] =	stream.linear.gather [hbm4b:s12+s2], $0x80, $0x38;
	[tilespmem:$0xFE80] =	vst v63  }
0x42: {  	_ =	swait.ge [sflag:s23], $0x80  }
0x43: {  	[sflag:s23] =	ssyncset.done $0x0  }
0x44: {  	s10 =	simm.s32 $0xF000;
	[sflag:s23] =	ssyncadd.s32 $0xFFFFFF80  }
0x45: {  	[tilespmem:s10], [sflag:$0x1] =	stream.indirect.gather [hbm4b:s5+s25], $0x1, s2, s25, $0xb8;
	[tilespmem:$0xFE80] =	vst v63  }
0x46: {  	s11 =	simm.s32 $0xF200  }
0x47: {  	[tilespmem:s11], [sflag:$0x1] =	stream.indirect.gather [hbm4b:s6+s25], $0x1, s2, s25, $0xb8;
	[tilespmem:$0xFE80] =	vst v63  }
0x48: {  	s12 =	simm.s32 $0xF400  }
0x49: {  	[tilespmem:s12], [sflag:$0x1] =	stream.indirect.gather [hbm4b:s7+s25], $0x1, s9, s25, $0xb8;
	[tilespmem:$0xFE80] =	vst v63  }
0x4a: {  	s26 =	simm.s32 $0xF080  }
0x4b: {  	[tilespmem:s26], [sflag:$0x1] =	stream.indirect.gather [hbm4b:s5+s25], $0x1, s25, s25, $0xb8;
	[tilespmem:$0xFE80] =	vst v63  }
0x4c: {  	s9 =	simm.s32 $0xF280  }
0x4d: {  	[tilespmem:s9], [sflag:$0x1] =	stream.indirect.gather [hbm4b:s6+s25], $0x1, s25, s25, $0xb8;
	[tilespmem:$0xFE80] =	vst v63  }
0x4e: {  	s10 =	simm.s32 $0x280;
	s11 =	simm.s32 $0xF480  }
0x4f: {  	[tilespmem:s11], [sflag:$0x1] =	stream.indirect.gather [hbm4b:s7+s25], $0x1, s10, s25, $0xb8;
	[tilespmem:$0xFE80] =	vst v63  }
0x50: {  	s12 =	simm.s32 $0x100;
	s26 =	simm.s32 $0xF100  }
0x51: {  	[tilespmem:s26], [sflag:$0x1] =	stream.indirect.gather [hbm4b:s5+s25], $0x1, s12, s25, $0xb8;
	[tilespmem:$0xFE80] =	vst v63  }
0x52: {  	s10 =	simm.s32 $0xF300  }
0x53: {  	[tilespmem:s10], [sflag:$0x1] =	stream.indirect.gather [hbm4b:s6+s25], $0x1, s12, s25, $0xb8;
	[tilespmem:$0xFE80] =	vst v63  }
0x54: {  	s11 =	simm.s32 $0x300;
	s12 =	simm.s32 $0xF500  }
0x55: {  	[tilespmem:s12], [sflag:$0x1] =	stream.indirect.gather [hbm4b:s7+s25], $0x1, s11, s25, $0xb8;
	[tilespmem:$0xFE80] =	vst v63  }
0x56: {  	s26 =	simm.s32 $0x180;
	s10 =	simm.s32 $0xF180  }
0x57: {  	[tilespmem:s10], [sflag:$0x1] =	stream.indirect.gather [hbm4b:s5+s25], $0x1, s26, s25, $0xb8;
	[tilespmem:$0xFE80] =	vst v63  }
0x58: {  	s11 =	simm.s32 $0xF380  }
0x59: {  	[tilespmem:s11], [sflag:$0x1] =	stream.indirect.gather [hbm4b:s6+s25], $0x1, s26, s25, $0xb8;
	[tilespmem:$0xFE80] =	vst v63  }
0x5a: {  	s12 =	simm.s32 $0x380;
	s26 =	simm.s32 $0xF580  }
0x5b: {  	[tilespmem:s26], [sflag:$0x1] =	stream.indirect.gather [hbm4b:s7+s25], $0x1, s12, s25, $0xb8;
	[tilespmem:$0xFE80] =	vst v63  }
0x5c: {  	_ =	swait.ge [sflag:s30], $0x80  }
0x5d: {  	[sflag:s30] =	ssyncset.done $0x0  }
0x5e: {  	[sflag:s30] =	ssyncadd.s32 $0xFFFFFF80  }
0x5f: {  	_ =	swait.ge [sflag:s30], $0x80  }
0x60: {  	[sflag:s30] =	ssyncset.done $0x0  }
0x61: {  	[sflag:s30] =	ssyncadd.s32 $0xFFFFFF80  }
0x62: {  	_ =	swait.ge [sflag:s30], $0x80  }
0x63: {  	[sflag:s30] =	ssyncset.done $0x0  }
0x64: {  	[sflag:s30] =	ssyncadd.s32 $0xFFFFFF80  }
0x65: {  	_ =	swait.ge [sflag:s30], $0x80  }
0x66: {  	[sflag:s30] =	ssyncset.done $0x0  }
0x67: {  	[sflag:s30] =	ssyncadd.s32 $0xFFFFFF80  }
0x68: {  	_ =	swait.ge [sflag:s30], $0x80  }
0x69: {  	[sflag:s30] =	ssyncset.done $0x0  }
0x6a: {  	[sflag:s30] =	ssyncadd.s32 $0xFFFFFF80  }
0x6b: {  	_ =	swait.ge [sflag:s30], $0x80  }
0x6c: {  	[sflag:s30] =	ssyncset.done $0x0  }
0x6d: {  	[sflag:s30] =	ssyncadd.s32 $0xFFFFFF80  }
0x6e: {  	_ =	swait.ge [sflag:s30], $0x80  }
0x6f: {  	[sflag:s30] =	ssyncset.done $0x0  }
0x70: {  	[sflag:s30] =	ssyncadd.s32 $0xFFFFFF80  }
0x71: {  	_ =	swait.ge [sflag:s30], $0x80  }
0x72: {  	[sflag:s30] =	ssyncset.done $0x0  }
0x73: {  	[sflag:s30] =	ssyncadd.s32 $0xFFFFFF80  }
0x74: {  	_ =	swait.ge [sflag:s30], $0x80  }
0x75: {  	[sflag:s30] =	ssyncset.done $0x0  }
0x76: {  	[sflag:s30] =	ssyncadd.s32 $0xFFFFFF80  }
0x77: {  	_ =	swait.ge [sflag:s30], $0x80  }
0x78: {  	[sflag:s30] =	ssyncset.done $0x0  }
0x79: {  	[sflag:s30] =	ssyncadd.s32 $0xFFFFFF80  }
0x7a: {  	_ =	swait.ge [sflag:s30], $0x80  }
0x7b: {  	[sflag:s30] =	ssyncset.done $0x0  }
0x7c: {  	[sflag:s30] =	ssyncadd.s32 $0xFFFFFF80  }
0x7d: {  	_ =	swait.ge [sflag:s30], $0x80  }
0x7e: {  	[sflag:s30] =	ssyncset.done $0x0  }
0x7f: {  	s8 =	simm.s32 $0x0;
	s26 =	simm.s32 $0xF600;
	[sflag:s30] =	ssyncadd.s32 $0xFFFFFF80  }
.LBB2_2:
0x80: {  	s9 =	sshll.u32 s8, $0x7  }
0x81: {  	s10 =	sadd.s32 $0x400, s9  }
0x82: {  	[tilespmem:s31], [sflag:$0x1] =	stream.indirect.gather [hbm4b:s3+s25], $0x80, s10, s25, $0xb8;
	[tilespmem:$0xFE80] =	vst v63  }
0x83: {  	s9 =	sadd.s32 $0x600, s9  }
0x84: {  	[tilespmem:s1], [sflag:$0x1] =	stream.indirect.gather [hbm4b:s4+s25], $0x80, s9, s25, $0xb8;
	[tilespmem:$0xFE80] =	vst v63  }
0x85: {  	_ =	swait.ge [sflag:s30], $0x4000  }
0x86: {  	[sflag:s30] =	ssyncset.done $0x0  }
0x87: {  	[sflag:s30] =	ssyncadd.s32 $0xFFFFC000  }
0x88: {  	_ =	swait.ge [sflag:s30], $0x4000  }
0x89: {  	[sflag:s30] =	ssyncset.done $0x0  }
0x8a: {  	[sflag:s30] =	ssyncadd.s32 $0xFFFFC000  }
0x8b: {  	v0 =	vld [tilespmem:s24+$0x0];
	_ =	sdelay $0x1  }
0x8c: {  	s11 =	simm.s32 $0x0  }
0x8d: {  	v1 =	vmov s11  }
0x8e: {  	v1 =	vshll.u32 v1, $0x7  }
0x8f: {  	v2 =	vor.u32 v30, v1;
	v1 =	vadd.s32 $0x1F, v0;
	v3 =	vadd.s32 $0x1C, v0  }
0x90: {  	v4 =	vadd.s32 $0x1D, v0;
	v5 =	vadd.s32 $0x1E, v0;
	v6 =	vadd.s32 $0x19, v0  }
0x91: {  	v7 =	vadd.s32 $0x1A, v0;
	v8 =	vadd.s32 $0x1B, v0;
	v9 =	vadd.s32 $0x16, v0  }
0x92: {  	v10 =	vadd.s32 $0x17, v0;
	v11 =	vadd.s32 $0x18, v0;
	v12 =	vadd.s32 $0x13, v0  }
0x93: {  	v13 =	vadd.s32 $0x14, v0;
	v14 =	vadd.s32 $0x15, v0;
	v15 =	vadd.s32 $0x10, v0  }
0x94: {  	v16 =	vadd.s32 $0x11, v0;
	v17 =	vadd.s32 $0x12, v0;
	v18 =	vadd.s32 $0xD, v0  }
0x95: {  	v19 =	vadd.s32 $0xE, v0;
	v20 =	vadd.s32 $0xF, v0;
	v21 =	vadd.s32 $0xA, v0  }
0x96: {  	v22 =	vadd.s32 $0xB, v0;
	v23 =	vadd.s32 $0xC, v0;
	v24 =	vadd.s32 $0x7, v0  }
0x97: {  	v25 =	vadd.s32 $0x8, v0;
	v26 =	vadd.s32 $0x9, v0;
	v27 =	vadd.s32 $0x4, v0  }
0x98: {  	v28 =	vadd.s32 $0x5, v0;
	v29 =	vadd.s32 $0x6, v0;
	v30 =	vand.u32 $0x7F, v0  }
0x99: {  	v31 =	vadd.s32 $0x2, v0;
	v32 =	vadd.s32 $0x3, v0;
	v33 =	vand.u32 $0xFFFFFF80, v0  }
0x9a: {  	v0 =	vadd.s32 $0x1, v0;
	v34 =	vand.u32 $0x7F, v1;
	v35 =	vand.u32 $0xFFFFFF80, v5  }
0x9b: {  	v5 =	vand.u32 $0x7F, v5;
	v1 =	vand.u32 $0xFFFFFF80, v1;
	v37 =	vand.u32 $0xFFFFFF80, v4  }
0x9c: {  	v38 =	vand.u32 $0x7F, v4;
	v4 =	vand.u32 $0xFFFFFF80, v8;
	v36 =	vand.u32 $0x7F, v8  }
0x9d: {  	v39 =	vand.u32 $0x7F, v6;
	v40 =	vand.u32 $0xFFFFFF80, v7;
	v41 =	vand.u32 $0x7F, v7  }
0x9e: {  	v7 =	vand.u32 $0xFFFFFF80, v11;
	v6 =	vand.u32 $0xFFFFFF80, v6;
	v42 =	vand.u32 $0x7F, v9  }
0x9f: {  	v43 =	vand.u32 $0xFFFFFF80, v10;
	v44 =	vand.u32 $0x7F, v10;
	v10 =	vand.u32 $0xFFFFFF80, v14  }
0xa0: {  	v8 =	vand.u32 $0x7F, v14;
	v9 =	vand.u32 $0xFFFFFF80, v9;
	v45 =	vand.u32 $0x7F, v12  }
0xa1: {  	v46 =	vand.u32 $0xFFFFFF80, v13;
	v47 =	vand.u32 $0x7F, v13;
	v13 =	vand.u32 $0xFFFFFF80, v17  }
0xa2: {  	v48 =	vand.u32 $0x7F, v17;
	v12 =	vand.u32 $0xFFFFFF80, v12;
	v49 =	vand.u32 $0x7F, v15  }
0xa3: {  	v17 =	vand.u32 $0xFFFFFF80, v16;
	v16 =	vand.u32 $0x7F, v16;
	v50 =	vand.u32 $0xFFFFFF80, v20  }
0xa4: {  	v20 =	vand.u32 $0x7F, v20;
	v15 =	vand.u32 $0xFFFFFF80, v15;
	v51 =	vand.u32 $0x7F, v18  }
0xa5: {  	v52 =	vand.u32 $0xFFFFFF80, v19;
	v53 =	vand.u32 $0x7F, v19;
	v19 =	vand.u32 $0xFFFFFF80, v23  }
0xa6: {  	v54 =	vand.u32 $0x7F, v23;
	v18 =	vand.u32 $0xFFFFFF80, v18;
	v55 =	vand.u32 $0x7F, v21  }
0xa7: {  	v23 =	vand.u32 $0xFFFFFF80, v22;
	v22 =	vand.u32 $0x7F, v22;
	v57 =	vand.u32 $0x7F, v26  }
0xa8: {  	v21 =	vand.u32 $0xFFFFFF80, v21;
	v58 =	vand.u32 $0x7F, v24;
	v59 =	vand.u32 $0xFFFFFF80, v29  }
0xa9: {  	v29 =	vand.u32 $0x7F, v29;
	v24 =	vand.u32 $0xFFFFFF80, v24;
	v60 =	vand.u32 $0x7F, v27  }
0xaa: {  	v61 =	vand.u32 $0xFFFFFF80, v28;
	v62 =	vand.u32 $0x7F, v28;
	v28 =	vand.u32 $0xFFFFFF80, v32  }
0xab: {  	v32 =	vand.u32 $0x7F, v32;
	v27 =	vand.u32 $0xFFFFFF80, v27;
	v33 =	vadd.s32 v2, v33  }
0xac: {  	v63 =	vand.u32 $0xFFFFFF80, v31;
	v31 =	vand.u32 $0x7F, v31;
	v14 =	vand.u32 $0x7F, v0;
	[tilespmem:$0x1FE40] =	vst v34  }
0xad: {  	[tilespmem:$0x1FE30] =	vst v5;
	v5 =	vand.u32 $0x7F, v3;
	v3 =	vand.u32 $0xFFFFFF80, v3;
	v34 =	vand.u32 $0x7F, v11  }
0xae: {  	v33 =	vor.u32 v30, v33;
	v30 =	vand.u32 $0xFFFFFF80, v0;
	v56 =	vadd.s32 v2, v1  }
0xaf: {  	v37 =	vadd.s32 v2, v37;
	v35 =	vadd.s32 v2, v35;
	v6 =	vadd.s32 v2, v6  }
0xb0: {  	v40 =	vadd.s32 v2, v40;
	v4 =	vadd.s32 v2, v4;
	v9 =	vadd.s32 v2, v9  }
0xb1: {  	v43 =	vadd.s32 v2, v43;
	v7 =	vadd.s32 v2, v7;
	v12 =	vadd.s32 v2, v12  }
0xb2: {  	v46 =	vadd.s32 v2, v46;
	v10 =	vadd.s32 v2, v10;
	v15 =	vadd.s32 v2, v15  }
0xb3: {  	v17 =	vadd.s32 v2, v17;
	v13 =	vadd.s32 v2, v13;
	v18 =	vadd.s32 v2, v18  }
0xb4: {  	v52 =	vadd.s32 v2, v52;
	v50 =	vadd.s32 v2, v50;
	v21 =	vadd.s32 v2, v21  }
0xb5: {  	v23 =	vadd.s32 v2, v23;
	v19 =	vadd.s32 v2, v19;
	v24 =	vadd.s32 v2, v24  }
0xb6: {  	v27 =	vadd.s32 v2, v27;
	v1 =	vadd.s32 v2, v59;
	v11 =	vadd.s32 v2, v63  }
0xb7: {  	v28 =	vadd.s32 v2, v28;
	[tilespmem:$0x1FE50] =	vst v5;
	v5 =	vand.u32 $0xFFFFFF80, v26;
	v26 =	vand.u32 $0xFFFFFF80, v25  }
0xb8: {  	v25 =	vand.u32 $0x7F, v25;
	v3 =	vadd.s32 v2, v3;
	v30 =	vadd.s32 v2, v30  }
0xb9: {  	v6 =	vor.u32 v39, v6;
	v10 =	vor.u32 v8, v10;
	v48 =	vor.u32 v48, v13;
	v8 =	vld [tilespmem:s29+$0x0]  }
0xba: {  	v13 =	vor.u32 v45, v12;
	v50 =	vor.u32 v20, v50;
	v49 =	vor.u32 v49, v15  }
0xbb: {  	v15 =	vor.u32 v16, v17;
	v0 =	vadd.s32 v2, v5;
	v5 =	vadd.s32 v2, v61;
	v61 =	vld [tilespmem:$0x1FE30]  }
0xbc: {  	v17 =	vor.u32 v29, v1;
	v1 =	vor.u32 v32, v28;
	v11 =	vor.u32 v31, v11  }
0xbd: {  	v26 =	vadd.s32 v2, v26;
	v45 =	vor.u32 v57, v0;
	v5 =	vor.u32 v62, v5  }
0xbe: {  	v63 =	vld [tilespmem:$0x1FE40];
	v20 =	vadd.s32 $0x1A, v8;
	v0 =	vadd.s32 $0x16, v8;
	v32 =	vadd.s32 $0x14, v8  }
0xbf: {  	v39 =	vadd.s32 $0x11, v8;
	v28 =	vadd.s32 $0xE, v8;
	v29 =	vand.u32 $0x7F, v8  }
0xc0: {  	v31 =	vand.u32 $0xFFFFFF80, v8;
	v35 =	vor.u32 v61, v35;
	v61 =	vor.u32 v38, v37  }
0xc1: {  	v38 =	vor.u32 v22, v23;
	v23 =	vor.u32 v60, v27;
	v22 =	vadd.s32 $0x19, v8  }
0xc2: {  	v37 =	vadd.s32 $0x12, v8;
	v27 =	vadd.s32 $0xD, v8;
	v60 =	vadd.s32 $0x2, v8  }
0xc3: {  	v31 =	vadd.s32 v2, v31;
	[tilespmem:$0x1FE60] =	vst v35;
	v35 =	vor.u32 v63, v56;
	v56 =	vor.u32 v36, v4  }
0xc4: {  	v63 =	vor.u32 v47, v46;
	v36 =	vor.u32 v54, v19;
	v47 =	vor.u32 v53, v52  }
0xc5: {  	v4 =	vld [tilespmem:$0x1FE50];
	v19 =	vor.u32 v58, v24;
	v24 =	vadd.s32 $0x18, v8;
	v46 =	vadd.s32 $0xF, v8  }
0xc6: {  	v58 =	vadd.s32 $0x1, v8;
	v29 =	vor.u32 v29, v31;
	v52 =	vadd.s32 $0xC, v8  }
0xc7: {  	v53 =	vadd.s32 $0x4, v8;
	v54 =	vadd.s32 $0x5, v8;
	v62 =	vand.u32 $0xFFFFFF80, v58  }
0xc8: {  	[tilespmem:$0x1FE70] =	vst v35;
	v35 =	vor.u32 v51, v18;
	v31 =	vand.u32 $0x7F, v58;
	v57 =	vadd.s32 v2, v62  }
0xc9: {  	v51 =	vadd.s32 $0xB, v8;
	v58 =	vand.u32 $0xFFFFFF80, v60;
	v31 =	vor.u32 v31, v57  }
0xca: {  	v59 =	vor.u32 v4, v3;
	v3 =	vor.u32 v34, v7;
	v4 =	vor.u32 v41, v40  }
0xcb: {  	v7 =	vor.u32 v42, v9;
	v9 =	vor.u32 v44, v43;
	v42 =	vor.u32 v55, v21  }
0xcc: {  	v21 =	vor.u32 v25, v26;
	v26 =	vor.u32 v14, v30;
	v25 =	vadd.s32 $0x17, v8  }
0xcd: {  	v33 =	vld.idx.msk [tilespmem:v33+s31+$0x0], $0xffff;
	v34 =	vadd.s32 $0x13, v8;
	v30 =	vadd.s32 $0x15, v8;
	v43 =	vadd.s32 $0x10, v8  }
0xce: {  	v11 =	vld.idx.msk [tilespmem:v11+s31+$0x0], $0xffff;
	v44 =	vand.u32 $0x7F, v60;
	v40 =	vadd.s32 v2, v58;
	v60 =	vadd.s32 $0x3, v8  }
0xcf: {  	v17 =	vld.idx.msk [tilespmem:v17+s31+$0x0], $0xffff;
	v58 =	vadd.s32 $0x6, v8;
	v40 =	vor.u32 v44, v40;
	v62 =	vand.u32 $0xFFFFFF80, v60  }
0xd0: {  	v29 =	vld.idx.msk [tilespmem:v29+s1+$0x0], $0xffff;
	v55 =	vand.u32 $0x7F, v60;
	v60 =	vand.u32 $0xFFFFFF80, v53;
	v53 =	vand.u32 $0x7F, v53  }
0xd1: {  	v5 =	vld.idx.msk [tilespmem:v5+s31+$0x0], $0xffff;
	v44 =	vadd.s32 v2, v62;
	v57 =	vadd.s32 v2, v60;
	v62 =	vand.u32 $0xFFFFFF80, v54  }
0xd2: {  	v54 =	vand.u32 $0x7F, v54;
	v60 =	vand.u32 $0xFFFFFF80, v58;
	v44 =	vor.u32 v55, v44;
	v31 =	vld.idx.msk [tilespmem:v31+s1+$0x0], $0xffff  }
0xd3: {  	v58 =	vand.u32 $0x7F, v58;
	v53 =	vor.u32 v53, v57;
	v55 =	vadd.s32 v2, v62;
	v26 =	vld.idx.msk [tilespmem:v26+s31+$0x0], $0xffff  }
0xd4: {  	v57 =	vadd.s32 v2, v60;
	v54 =	vor.u32 v54, v55;
	v55 =	vadd.s32 $0x7, v8;
	v40 =	vld.idx.msk [tilespmem:v40+s1+$0x0], $0xffff  }
0xd5: {  	v60 =	vld.idx.msk [tilespmem:v1+s31+$0x0], $0xffff;
	v57 =	vor.u32 v58, v57;
	v1 =	vsub.f32 v29, v33;
	v29 =	vand.u32 $0xFFFFFF80, v55  }
0xd6: {  	v23 =	vld.idx.msk [tilespmem:v23+s31+$0x0], $0xffff;
	v41 =	vadd.s32 $0xA, v8;
	v62 =	vand.u32 $0x7F, v55;
	v29 =	vadd.s32 v2, v29  }
0xd7: {  	v58 =	vadd.s32 $0x8, v8;
	v55 =	vadd.s32 $0x9, v8;
	v62 =	vor.u32 v62, v29;
	v33 =	vld.idx.msk [tilespmem:v44+s1+$0x0], $0xffff  }
0xd8: {  	v1 =	vand.u32 $0x7FFFFFFF, v1;
	v53 =	vld.idx.msk [tilespmem:v53+s1+$0x0], $0xffff;
	v44 =	vand.u32 $0xFFFFFF80, v55;
	v26 =	vsub.f32 v31, v26  }
0xd9: {  	v55 =	vand.u32 $0x7F, v55;
	v54 =	vld.idx.msk [tilespmem:v54+s1+$0x0], $0xffff;
	v31 =	vand.u32 $0xFFFFFF80, v58;
	v11 =	vsub.f32 v40, v11  }
0xda: {  	v57 =	vld.idx.msk [tilespmem:v57+s1+$0x0], $0xffff;
	v40 =	vand.u32 $0x7F, v58;
	v58 =	vadd.s32 v2, v31;
	v26 =	vand.u32 $0x7FFFFFFF, v26  }
0xdb: {  	v58 =	vor.u32 v40, v58;
	v40 =	vadd.s32 v2, v44;
	v44 =	vand.u32 $0x7F, v22  }
0xdc: {  	v22 =	vand.u32 $0xFFFFFF80, v22;
	v26 =	vadd.f32 v26, v1;
	v33 =	vsub.f32 v33, v60  }
0xdd: {  	v11 =	vand.u32 $0x7FFFFFFF, v11;
	v23 =	vsub.f32 v53, v23;
	v53 =	vand.u32 $0xFFFFFF80, v41  }
0xde: {  	v60 =	vand.u32 $0x7F, v41;
	v53 =	vadd.s32 v2, v53;
	v5 =	vsub.f32 v54, v5  }
0xdf: {  	v54 =	vand.u32 $0xFFFFFF80, v51;
	v51 =	vand.u32 $0x7F, v51;
	v17 =	vsub.f32 v57, v17  }
0xe0: {  	v11 =	vadd.f32 v11, v26;
	v26 =	vor.u32 v55, v40;
	v54 =	vadd.s32 v2, v54  }
0xe1: {  	v19 =	vld.idx.msk [tilespmem:v19+s31+$0x0], $0xffff;
	v33 =	vand.u32 $0x7FFFFFFF, v33;
	v23 =	vand.u32 $0x7FFFFFFF, v23;
	v51 =	vor.u32 v51, v54  }
0xe2: {  	v21 =	vld.idx.msk [tilespmem:v21+s31+$0x0], $0xffff;
	v54 =	vand.u32 $0x7F, v24;
	v5 =	vand.u32 $0x7FFFFFFF, v5;
	v17 =	vand.u32 $0x7FFFFFFF, v17  }
0xe3: {  	v11 =	vadd.f32 v33, v11;
	v33 =	vor.u32 v60, v53;
	v53 =	vand.u32 $0x7F, v0;
	v60 =	vld.idx.msk [tilespmem:v62+s1+$0x0], $0xffff  }
0xe4: {  	v62 =	vand.u32 $0xFFFFFF80, v52;
	v52 =	vand.u32 $0x7F, v52;
	v58 =	vld.idx.msk [tilespmem:v58+s1+$0x0], $0xffff;
	v0 =	vand.u32 $0xFFFFFF80, v0  }
0xe5: {  	v57 =	vadd.s32 v2, v62;
	v62 =	vand.u32 $0xFFFFFF80, v28;
	v11 =	vadd.f32 v23, v11  }
0xe6: {  	v45 =	vld.idx.msk [tilespmem:v45+s31+$0x0], $0xffff;
	v28 =	vand.u32 $0x7F, v28;
	v52 =	vor.u32 v52, v57;
	v57 =	vand.u32 $0x7F, v32  }
0xe7: {  	v38 =	vld.idx.msk [tilespmem:v38+s31+$0x0], $0xffff;
	v32 =	vand.u32 $0xFFFFFF80, v32;
	v5 =	vadd.f32 v5, v11;
	v11 =	vand.u32 $0x7F, v34  }
0xe8: {  	v26 =	vld.idx.msk [tilespmem:v26+s1+$0x0], $0xffff;
	v19 =	vsub.f32 v60, v19;
	v60 =	vand.u32 $0xFFFFFF80, v27;
	v27 =	vand.u32 $0x7F, v27  }
0xe9: {  	v42 =	vld.idx.msk [tilespmem:v42+s31+$0x0], $0xffff;
	v21 =	vsub.f32 v58, v21;
	v58 =	vadd.s32 v2, v62;
	v62 =	vand.u32 $0xFFFFFF80, v46  }
0xea: {  	v33 =	vld.idx.msk [tilespmem:v33+s1+$0x0], $0xffff;
	v46 =	vand.u32 $0x7F, v46;
	v55 =	vadd.s32 v2, v60;
	v5 =	vadd.f32 v17, v5  }
0xeb: {  	v51 =	vld.idx.msk [tilespmem:v51+s1+$0x0], $0xffff;
	v28 =	vor.u32 v28, v58;
	v27 =	vor.u32 v27, v55;
	v19 =	vand.u32 $0x7FFFFFFF, v19  }
0xec: {  	v15 =	vld.idx.msk [tilespmem:v15+s31+$0x0], $0xffff;
	v60 =	vand.u32 $0x7F, v43;
	v43 =	vand.u32 $0xFFFFFF80, v43;
	v5 =	vadd.f32 v19, v5  }
0xed: {  	v36 =	vld.idx.msk [tilespmem:v36+s31+$0x0], $0xffff;
	v21 =	vand.u32 $0x7FFFFFFF, v21;
	v19 =	vand.u32 $0x7F, v39;
	v26 =	vsub.f32 v26, v45  }
0xee: {  	v52 =	vld.idx.msk [tilespmem:v52+s1+$0x0], $0xffff;
	v45 =	vadd.s32 v2, v62;
	v39 =	vand.u32 $0xFFFFFF80, v39;
	v5 =	vadd.f32 v21, v5  }
0xef: {  	v35 =	vld.idx.msk [tilespmem:v35+s31+$0x0], $0xffff;
	v21 =	vor.u32 v46, v45;
	v26 =	vand.u32 $0x7FFFFFFF, v26;
	v33 =	vsub.f32 v33, v42  }
0xf0: {  	v38 =	vsub.f32 v51, v38;
	v45 =	vadd.s32 v2, v43;
	v27 =	vld.idx.msk [tilespmem:v27+s1+$0x0], $0xffff;
	v5 =	vadd.f32 v26, v5  }
0xf1: {  	v39 =	vadd.s32 v2, v39;
	v46 =	vld.idx.msk [tilespmem:v47+s31+$0x0], $0xffff;
	v26 =	vor.u32 v60, v45;
	v33 =	vand.u32 $0x7FFFFFFF, v33  }
0xf2: {  	v34 =	vand.u32 $0xFFFFFF80, v34;
	v19 =	vor.u32 v19, v39;
	v28 =	vld.idx.msk [tilespmem:v28+s1+$0x0], $0xffff;
	v5 =	vadd.f32 v33, v5  }
0xf3: {  	v51 =	vld.idx.msk [tilespmem:v50+s31+$0x0], $0xffff;
	v47 =	vand.u32 $0xFFFFFF80, v37;
	v38 =	vand.u32 $0x7FFFFFFF, v38;
	v36 =	vsub.f32 v52, v36  }
0xf4: {  	v55 =	vand.u32 $0x7F, v37;
	v33 =	vadd.s32 v2, v47;
	v21 =	vld.idx.msk [tilespmem:v21+s1+$0x0], $0xffff;
	v5 =	vadd.f32 v38, v5  }
0xf5: {  	v52 =	vld.idx.msk [tilespmem:v49+s31+$0x0], $0xffff;
	v36 =	vand.u32 $0x7FFFFFFF, v36;
	v33 =	vor.u32 v55, v33;
	v27 =	vsub.f32 v27, v35  }
0xf6: {  	v32 =	vadd.s32 v2, v32;
	v34 =	vadd.s32 v2, v34;
	v26 =	vld.idx.msk [tilespmem:v26+s1+$0x0], $0xffff;
	v5 =	vadd.f32 v36, v5  }
0xf7: {  	v11 =	vor.u32 v11, v34;
	v19 =	vld.idx.msk [tilespmem:v19+s1+$0x0], $0xffff;
	v28 =	vsub.f32 v28, v46;
	v27 =	vand.u32 $0x7FFFFFFF, v27  }
0xf8: {  	v17 =	vand.u32 $0x7F, v30;
	v30 =	vand.u32 $0xFFFFFF80, v30;
	v5 =	vadd.f32 v27, v5  }
0xf9: {  	v55 =	vld.idx.msk [tilespmem:v48+s31+$0x0], $0xffff;
	v28 =	vand.u32 $0x7FFFFFFF, v28;
	v27 =	vor.u32 v57, v32;
	v21 =	vsub.f32 v21, v51  }
0xfa: {  	v0 =	vadd.s32 v2, v0;
	v30 =	vadd.s32 v2, v30;
	v33 =	vld.idx.msk [tilespmem:v33+s1+$0x0], $0xffff;
	v5 =	vadd.f32 v28, v5  }
0xfb: {  	v13 =	vld.idx.msk [tilespmem:v13+s31+$0x0], $0xffff;
	v17 =	vor.u32 v17, v30;
	v21 =	vand.u32 $0x7FFFFFFF, v21;
	v26 =	vsub.f32 v26, v52  }
0xfc: {  	v23 =	vand.u32 $0x7F, v25;
	v11 =	vld.idx.msk [tilespmem:v11+s1+$0x0], $0xffff;
	v15 =	vsub.f32 v19, v15;
	v5 =	vadd.f32 v21, v5  }
0xfd: {  	v0 =	vor.u32 v53, v0;
	v21 =	vand.u32 $0xFFFFFF80, v25;
	v25 =	vld.idx.msk [tilespmem:v63+s31+$0x0], $0xffff;
	v26 =	vand.u32 $0x7FFFFFFF, v26  }
0xfe: {  	v15 =	vand.u32 $0x7FFFFFFF, v15;
	v19 =	vadd.s32 v2, v21;
	v21 =	vld.idx.msk [tilespmem:v27+s1+$0x0], $0xffff;
	v5 =	vadd.f32 v26, v5  }
0xff: {  	v10 =	vld.idx.msk [tilespmem:v10+s31+$0x0], $0xffff;
	v19 =	vor.u32 v23, v19;
	v23 =	vand.u32 $0xFFFFFF80, v24;
	v24 =	vsub.f32 v33, v55  }
0x100: {  	v40 =	vand.u32 $0x7F, v20;
	v17 =	vld.idx.msk [tilespmem:v17+s1+$0x0], $0xffff;
	v23 =	vadd.s32 v2, v23;
	v5 =	vadd.f32 v15, v5  }
0x101: {  	v7 =	vld.idx.msk [tilespmem:v7+s31+$0x0], $0xffff;
	v11 =	vsub.f32 v11, v13;
	v15 =	vor.u32 v54, v23;
	v23 =	vand.u32 $0x7FFFFFFF, v24  }
0x102: {  	v20 =	vand.u32 $0xFFFFFF80, v20;
	v0 =	vld.idx.msk [tilespmem:v0+s1+$0x0], $0xffff;
	v13 =	vadd.s32 v2, v22;
	v5 =	vadd.f32 v23, v5  }
0x103: {  	v9 =	vld.idx.msk [tilespmem:v9+s31+$0x0], $0xffff;
	v13 =	vor.u32 v44, v13;
	v11 =	vand.u32 $0x7FFFFFFF, v11;
	v21 =	vsub.f32 v21, v25  }
0x104: {  	v16 =	vadd.s32 $0x1C, v8;
	v20 =	vadd.s32 v2, v20;
	v19 =	vld.idx.msk [tilespmem:v19+s1+$0x0], $0xffff;
	v5 =	vadd.f32 v11, v5  }
0x105: {  	v3 =	vld.idx.msk [tilespmem:v3+s31+$0x0], $0xffff;
	v10 =	vsub.f32 v17, v10;
	v11 =	vor.u32 v40, v20;
	v20 =	vand.u32 $0x7FFFFFFF, v21  }
0x106: {  	v12 =	vadd.s32 $0x1E, v8;
	v18 =	vadd.s32 $0x1B, v8;
	v15 =	vld.idx.msk [tilespmem:v15+s1+$0x0], $0xffff;
	v5 =	vadd.f32 v20, v5  }
0x107: {  	v6 =	vld.idx.msk [tilespmem:v6+s31+$0x0], $0xffff;
	v14 =	vadd.s32 $0x1D, v8;
	v0 =	vsub.f32 v0, v7;
	v10 =	vand.u32 $0x7FFFFFFF, v10  }
0x108: {  	v41 =	vand.u32 $0x7F, v18;
	v18 =	vand.u32 $0xFFFFFF80, v18;
	v13 =	vld.idx.msk [tilespmem:v13+s1+$0x0], $0xffff;
	v5 =	vadd.f32 v10, v5  }
0x109: {  	v4 =	vld.idx.msk [tilespmem:v4+s31+$0x0], $0xffff;
	v0 =	vand.u32 $0x7FFFFFFF, v0;
	v17 =	vadd.s32 v2, v18;
	v9 =	vsub.f32 v19, v9  }
0x10a: {  	v8 =	vadd.s32 $0x1F, v8;
	v17 =	vor.u32 v41, v17;
	v11 =	vld.idx.msk [tilespmem:v11+s1+$0x0], $0xffff;
	v0 =	vadd.f32 v0, v5  }
0x10b: {  	v29 =	vand.u32 $0x7F, v16;
	v9 =	vand.u32 $0x7FFFFFFF, v9;
	v3 =	vsub.f32 v15, v3  }
0x10c: {  	v16 =	vand.u32 $0xFFFFFF80, v16;
	v31 =	vand.u32 $0x7F, v14;
	v0 =	vadd.f32 v9, v0  }
0x10d: {  	v7 =	vadd.s32 v2, v16;
	v6 =	vsub.f32 v13, v6;
	v3 =	vand.u32 $0x7FFFFFFF, v3  }
0x10e: {  	v7 =	vor.u32 v29, v7;
	v10 =	vand.u32 $0xFFFFFF80, v14;
	v0 =	vadd.f32 v3, v0  }
0x10f: {  	v6 =	vand.u32 $0x7FFFFFFF, v6;
	v14 =	vld.idx.msk [tilespmem:v17+s1+$0x0], $0xffff;
	v10 =	vadd.s32 v2, v10;
	v4 =	vsub.f32 v11, v4  }
0x110: {  	v5 =	vor.u32 v31, v10;
	v10 =	vand.u32 $0xFFFFFF80, v12;
	v0 =	vadd.f32 v6, v0;
	v6 =	vld [tilespmem:$0x1FE60]  }
0x111: {  	v1 =	vand.u32 $0x7F, v12;
	v12 =	vld.idx.msk [tilespmem:v56+s31+$0x0], $0xffff;
	v10 =	vadd.s32 v2, v10;
	v4 =	vand.u32 $0x7FFFFFFF, v4  }
0x112: {  	v1 =	vor.u32 v1, v10;
	v10 =	vand.u32 $0xFFFFFF80, v8;
	v0 =	vadd.f32 v4, v0;
	v4 =	vld [tilespmem:$0x1FE70]  }
0x113: {  	v7 =	vld.idx.msk [tilespmem:v7+s1+$0x0], $0xffff;
	v8 =	vand.u32 $0x7F, v8;
	v2 =	vadd.s32 v2, v10  }
0x114: {  	v9 =	vld.idx.msk [tilespmem:v59+s31+$0x0], $0xffff;
	v2 =	vor.u32 v8, v2  }
0x115: {  	v3 =	vld.idx.msk [tilespmem:v61+s31+$0x0], $0xffff  }
0x116: {  	v5 =	vld.idx.msk [tilespmem:v5+s1+$0x0], $0xffff  }
0x117: {  	v8 =	vsub.f32 v14, v12;
	v1 =	vld.idx.msk [tilespmem:v1+s1+$0x0], $0xffff  }
0x118: {  	v6 =	vld.idx.msk [tilespmem:v6+s31+$0x0], $0xffff  }
0x119: {  	v8 =	vand.u32 $0x7FFFFFFF, v8;
	v7 =	vsub.f32 v7, v9;
	v2 =	vld.idx.msk [tilespmem:v2+s1+$0x0], $0xffff  }
0x11a: {  	v0 =	vadd.f32 v8, v0;
	v4 =	vld.idx.msk [tilespmem:v4+s31+$0x0], $0xffff  }
0x11b: {  	v7 =	vand.u32 $0x7FFFFFFF, v7;
	v3 =	vsub.f32 v5, v3  }
0x11c: {  	v0 =	vadd.f32 v7, v0  }
0x11d: {  	v3 =	vand.u32 $0x7FFFFFFF, v3;
	v1 =	vsub.f32 v1, v6  }
0x11e: {  	v0 =	vadd.f32 v3, v0  }
0x11f: {  	v1 =	vand.u32 $0x7FFFFFFF, v1;
	v2 =	vsub.f32 v2, v4  }
0x120: {  	v0 =	vadd.f32 v1, v0  }
0x121: {  	v1 =	vand.u32 $0x7FFFFFFF, v2  }
0x122: {  	v0 =	vadd.f32 v1, v0;
	_ =	sdelay $0x1  }
0x123: {  	s10 =	sadd.s32 $0x10, s24;
	v2 =	vld [tilespmem:$0x1FFF0];
	[tilespmem:s26+$0x0] =	vst v0  }
0x124: {  	v0 =	vld [tilespmem:s10+$0x0];
	_ =	sdelay $0x1  }
0x125: {  	s12 =	simm.s32 $0x10  }
0x126: {  	v1 =	vmov s12  }
0x127: {  	v1 =	vshll.u32 v1, $0x7  }
0x128: {  	v2 =	vor.u32 v2, v1;
	v1 =	vadd.s32 $0x1F, v0;
	v3 =	vadd.s32 $0x1C, v0  }
0x129: {  	v4 =	vadd.s32 $0x1D, v0;
	v5 =	vadd.s32 $0x1E, v0;
	v6 =	vadd.s32 $0x19, v0  }
0x12a: {  	v7 =	vadd.s32 $0x1A, v0;
	v8 =	vadd.s32 $0x1B, v0;
	v9 =	vadd.s32 $0x16, v0  }
0x12b: {  	v10 =	vadd.s32 $0x17, v0;
	v11 =	vadd.s32 $0x18, v0;
	v12 =	vadd.s32 $0x13, v0  }
0x12c: {  	v13 =	vadd.s32 $0x14, v0;
	v14 =	vadd.s32 $0x15, v0;
	v15 =	vadd.s32 $0x10, v0  }
0x12d: {  	v16 =	vadd.s32 $0x11, v0;
	v17 =	vadd.s32 $0x12, v0;
	v18 =	vadd.s32 $0xD, v0  }
0x12e: {  	v19 =	vadd.s32 $0xE, v0;
	v20 =	vadd.s32 $0xF, v0;
	v21 =	vadd.s32 $0xA, v0  }
0x12f: {  	v22 =	vadd.s32 $0xB, v0;
	v23 =	vadd.s32 $0xC, v0;
	v24 =	vadd.s32 $0x7, v0  }
0x130: {  	v25 =	vadd.s32 $0x8, v0;
	v26 =	vadd.s32 $0x9, v0;
	v27 =	vadd.s32 $0x4, v0  }
0x131: {  	v28 =	vadd.s32 $0x5, v0;
	v29 =	vadd.s32 $0x6, v0;
	v30 =	vand.u32 $0x7F, v0  }
0x132: {  	v31 =	vadd.s32 $0x2, v0;
	v32 =	vadd.s32 $0x3, v0;
	v33 =	vand.u32 $0xFFFFFF80, v0  }
0x133: {  	v0 =	vadd.s32 $0x1, v0;
	v35 =	vand.u32 $0xFFFFFF80, v5;
	v5 =	vand.u32 $0x7F, v5  }
0x134: {  	v43 =	vand.u32 $0xFFFFFF80, v10;
	v42 =	vand.u32 $0x7F, v10;
	v53 =	vand.u32 $0xFFFFFF80, v23  }
0x135: {  	v54 =	vand.u32 $0x7F, v23;
	v23 =	vand.u32 $0xFFFFFF80, v22;
	v52 =	vand.u32 $0x7F, v22  }
0x136: {  	v22 =	vand.u32 $0xFFFFFF80, v26;
	v57 =	vadd.s32 v2, v33;
	v10 =	vand.u32 $0x7F, v0;
	[tilespmem:$0x1FE80] =	vst v5  }
0x137: {  	v36 =	vor.u32 v30, v57;
	v30 =	vand.u32 $0xFFFFFF80, v0;
	v0 =	vadd.s32 v2, v22;
	v22 =	vld [tilespmem:$0x1FE80];
	_ =	sdelay $0x3  }
0x138: {  	v56 =	vand.u32 $0x7F, v1;
	v57 =	vadd.s32 v2, v35  }
0x139: {  	[tilespmem:$0x1FEA0] =	vst v56;
	v22 =	vor.u32 v22, v57  }
0x13a: {  	[tilespmem:$0x1FE90] =	vst v22;
	v22 =	vld [tilespmem:$0x1FEA0];
	_ =	sdelay $0x1  }
0x13b: {  	v1 =	vand.u32 $0xFFFFFF80, v1  }
0x13c: {  	v37 =	vand.u32 $0xFFFFFF80, v4;
	v4 =	vand.u32 $0x7F, v4;
	v47 =	vand.u32 $0xFFFFFF80, v17  }
0x13d: {  	v48 =	vand.u32 $0x7F, v17;
	[tilespmem:$0x1FF00] =	vst v4;
	v4 =	vand.u32 $0x7F, v8;
	v17 =	vadd.s32 v2, v1  }
0x13e: {  	[tilespmem:$0x1FEC0] =	vst v4;
	v17 =	vor.u32 v22, v17  }
0x13f: {  	[tilespmem:$0x1FEB0] =	vst v17;
	v17 =	vld [tilespmem:$0x1FEC0];
	_ =	sdelay $0x2  }
0x140: {  	v38 =	vand.u32 $0xFFFFFF80, v8;
	v50 =	vand.u32 $0xFFFFFF80, v20;
	v51 =	vand.u32 $0x7F, v20  }
0x141: {  	v5 =	vand.u32 $0x7F, v3;
	v20 =	vadd.s32 v2, v37;
	v37 =	vadd.s32 v2, v38  }
0x142: {  	[tilespmem:$0x1FEE0] =	vst v5;
	v17 =	vor.u32 v17, v37  }
0x143: {  	[tilespmem:$0x1FED0] =	vst v17;
	v17 =	vld [tilespmem:$0x1FEE0];
	_ =	sdelay $0x2  }
0x144: {  	v3 =	vand.u32 $0xFFFFFF80, v3  }
0x145: {  	v1 =	vadd.s32 v2, v3  }
0x146: {  	v40 =	vand.u32 $0xFFFFFF80, v7;
	v41 =	vand.u32 $0xFFFFFF80, v11;
	v1 =	vor.u32 v17, v1  }
0x147: {  	v34 =	vand.u32 $0x7F, v11;
	v44 =	vand.u32 $0xFFFFFF80, v14;
	v14 =	vand.u32 $0x7F, v14;
	[tilespmem:$0x1FEF0] =	vst v1;
	v1 =	vld [tilespmem:$0x1FF00]  }
0x148: {  	v45 =	vand.u32 $0x7F, v12;
	v46 =	vand.u32 $0xFFFFFF80, v13;
	v13 =	vand.u32 $0x7F, v13  }
0x149: {  	v12 =	vand.u32 $0xFFFFFF80, v12;
	v39 =	vand.u32 $0x7F, v15;
	v15 =	vand.u32 $0xFFFFFF80, v15  }
0x14a: {  	v49 =	vand.u32 $0x7F, v18;
	v18 =	vand.u32 $0xFFFFFF80, v18;
	v55 =	vand.u32 $0x7F, v21  }
0x14b: {  	v58 =	vand.u32 $0x7F, v26;
	v21 =	vand.u32 $0xFFFFFF80, v21;
	v4 =	vand.u32 $0x7F, v6  }
0x14c: {  	v35 =	vadd.s32 v2, v40;
	v40 =	vadd.s32 v2, v41;
	[tilespmem:$0x1FF30] =	vst v4;
	v1 =	vor.u32 v1, v20  }
0x14d: {  	v59 =	vand.u32 $0x7F, v24;
	v26 =	vand.u32 $0xFFFFFF80, v25;
	[tilespmem:$0x1FF10] =	vst v1;
	v1 =	vor.u32 v34, v40  }
0x14e: {  	v25 =	vand.u32 $0x7F, v25;
	v60 =	vand.u32 $0xFFFFFF80, v29;
	v61 =	vand.u32 $0x7F, v29;
	[tilespmem:$0x1FF20] =	vst v1;
	v1 =	vld [tilespmem:$0x1FF30]  }
0x14f: {  	v24 =	vand.u32 $0xFFFFFF80, v24;
	v62 =	vand.u32 $0x7F, v27;
	v29 =	vand.u32 $0xFFFFFF80, v28  }
0x150: {  	v63 =	vand.u32 $0x7F, v28;
	v28 =	vand.u32 $0xFFFFFF80, v32;
	v11 =	vand.u32 $0x7F, v32  }
0x151: {  	v27 =	vand.u32 $0xFFFFFF80, v27;
	v33 =	vand.u32 $0xFFFFFF80, v31;
	v6 =	vand.u32 $0xFFFFFF80, v6  }
0x152: {  	v31 =	vand.u32 $0x7F, v31;
	v4 =	vand.u32 $0x7F, v7;
	v6 =	vadd.s32 v2, v6  }
0x153: {  	v56 =	vand.u32 $0x7F, v9;
	v9 =	vand.u32 $0xFFFFFF80, v9;
	[tilespmem:$0x1FF50] =	vst v4;
	v1 =	vor.u32 v1, v6  }
0x154: {  	v38 =	vadd.s32 v2, v43;
	v12 =	vadd.s32 v2, v12;
	v41 =	vadd.s32 v2, v46;
	[tilespmem:$0x1FF40] =	vst v1;
	v1 =	vld [tilespmem:$0x1FF50]  }
0x155: {  	v43 =	vadd.s32 v2, v44;
	v15 =	vadd.s32 v2, v15;
	v46 =	vadd.s32 v2, v47  }
0x156: {  	v18 =	vadd.s32 v2, v18;
	v50 =	vadd.s32 v2, v50;
	v21 =	vadd.s32 v2, v21  }
0x157: {  	v8 =	vadd.s32 v2, v23;
	v24 =	vadd.s32 v2, v24;
	v27 =	vadd.s32 v2, v27  }
0x158: {  	v60 =	vadd.s32 v2, v60;
	v33 =	vadd.s32 v2, v33;
	v5 =	vand.u32 $0xFFFFFF80, v19  }
0x159: {  	v19 =	vand.u32 $0x7F, v19;
	v9 =	vadd.s32 v2, v9;
	v1 =	vor.u32 v1, v35  }
0x15a: {  	v3 =	vadd.s32 v2, v53;
	v30 =	vadd.s32 v2, v30;
	[tilespmem:$0x1FF60] =	vst v1;
	v1 =	vor.u32 v14, v43  }
0x15b: {  	v32 =	vor.u32 v42, v38;
	v18 =	vor.u32 v49, v18;
	[tilespmem:$0x1FF70] =	vst v1;
	v1 =	vor.u32 v56, v9  }
0x15c: {  	v42 =	vor.u32 v58, v0;
	v38 =	vor.u32 v52, v8;
	[tilespmem:$0x1FF80] =	vst v1;
	v1 =	vor.u32 v48, v46  }
0x15d: {  	v0 =	vor.u32 v62, v27;
	v47 =	vadd.s32 v2, v5;
	[tilespmem:$0x1FF90] =	vst v1;
	v1 =	vor.u32 v45, v12  }
0x15e: {  	s11 =	sadd.s32 $0x10, s29;
	v5 =	vadd.s32 v2, v26;
	v4 =	vand.u32 $0xFFFFFF80, v16;
	[tilespmem:$0x1FFA0] =	vst v1;
	v1 =	vor.u32 v13, v41  }
0x15f: {  	v7 =	vadd.s32 v2, v29;
	v44 =	vadd.s32 v2, v4;
	v4 =	vadd.s32 v2, v28;
	[tilespmem:$0x1FFB0] =	vst v1;
	v1 =	vld [tilespmem:s11+$0x0]  }
0x160: {  	v16 =	vand.u32 $0x7F, v16;
	v4 =	vor.u32 v11, v4;
	v6 =	vor.u32 v51, v50  }
0x161: {  	v40 =	vor.u32 v55, v21;
	v51 =	vor.u32 v59, v24;
	[tilespmem:$0x1FFC0] =	vst v6;
	v6 =	vor.u32 v39, v15  }
0x162: {  	v15 =	vor.u32 v19, v47;
	[tilespmem:$0x1FFD0] =	vst v6;
	v6 =	vor.u32 v16, v44;
	v35 =	vor.u32 v54, v3  }
0x163: {  	v54 =	vor.u32 v61, v60;
	v61 =	vor.u32 v63, v7;
	v43 =	vor.u32 v10, v30  }
0x164: {  	v48 =	vor.u32 v25, v5;
	v41 =	vor.u32 v31, v33;
	v20 =	vadd.s32 $0x1F, v1  }
0x165: {  	v26 =	vadd.s32 $0x1C, v1;
	v29 =	vadd.s32 $0x1D, v1;
	v22 =	vadd.s32 $0x1E, v1  }
0x166: {  	v21 =	vadd.s32 $0x19, v1;
	v19 =	vadd.s32 $0x1A, v1;
	v28 =	vadd.s32 $0x1B, v1  }
0x167: {  	v27 =	vadd.s32 $0x16, v1;
	v25 =	vadd.s32 $0x17, v1;
	v24 =	vadd.s32 $0x18, v1  }
0x168: {  	v33 =	vadd.s32 $0x13, v1;
	v31 =	vadd.s32 $0x14, v1;
	v30 =	vadd.s32 $0x15, v1  }
0x169: {  	v39 =	vadd.s32 $0x10, v1;
	v37 =	vadd.s32 $0x11, v1;
	v34 =	vadd.s32 $0x12, v1  }
0x16a: {  	v50 =	vadd.s32 $0xD, v1;
	v46 =	vadd.s32 $0xE, v1;
	v44 =	vadd.s32 $0xF, v1  }
0x16b: {  	v63 =	vadd.s32 $0xA, v1;
	v59 =	vadd.s32 $0xB, v1;
	v55 =	vadd.s32 $0xC, v1  }
0x16c: {  	v9 =	vadd.s32 $0x7, v1;
	v7 =	vadd.s32 $0x8, v1;
	v5 =	vadd.s32 $0x9, v1  }
0x16d: {  	v14 =	vadd.s32 $0x4, v1;
	v47 =	vadd.s32 $0x5, v1;
	v45 =	vadd.s32 $0x6, v1  }
0x16e: {  	s9 =	smov.u32 s26;
	s12 =	simm.s32 $0x20;
	[tilespmem:$0x1FFE0] =	vst v6;
	v8 =	vand.u32 $0x7F, v1;
	v11 =	vadd.s32 $0x2, v1;
	v16 =	vadd.s32 $0x3, v1  }
.LBB2_3:
0x16f: {  	v6 =	vand.u32 $0xFFFFFF80, v1;
	v17 =	vadd.s32 $0x1, v1  }
0x170: {  	[tilespmem:$0x1FDF0] =	vst v20;
	v1 =	vand.u32 $0x7F, v20;
	v49 =	vadd.s32 v2, v6;
	v20 =	vand.u32 $0xFFFFFF80, v17  }
0x171: {  	v49 =	vor.u32 v8, v49;
	v8 =	vand.u32 $0x7F, v17;
	v17 =	vadd.s32 v2, v20  }
0x172: {  	v20 =	vand.u32 $0xFFFFFF80, v11;
	v17 =	vor.u32 v8, v17  }
0x173: {  	v52 =	vand.u32 $0x7F, v11;
	v53 =	vld.idx.msk [tilespmem:v36+s31+$0x0], $0xffff;
	v36 =	vand.u32 $0xFFFFFF80, v16;
	v20 =	vadd.s32 v2, v20  }
0x174: {  	v57 =	vand.u32 $0x7F, v44;
	v16 =	vand.u32 $0x7F, v16;
	v20 =	vor.u32 v52, v20  }
0x175: {  	v43 =	vld.idx.msk [tilespmem:v43+s31+$0x0], $0xffff;
	v56 =	vand.u32 $0xFFFFFF80, v14;
	v14 =	vand.u32 $0x7F, v14;
	v52 =	vadd.s32 v2, v36  }
0x176: {  	v23 =	vand.u32 $0x7F, v55;
	v16 =	vor.u32 v16, v52;
	v52 =	vadd.s32 v2, v56;
	v49 =	vld.idx.msk [tilespmem:v49+s1+$0x0], $0xffff  }
0x177: {  	v58 =	vand.u32 $0x7F, v47;
	v14 =	vor.u32 v14, v52;
	v52 =	vand.u32 $0xFFFFFF80, v47;
	v17 =	vld.idx.msk [tilespmem:v17+s1+$0x0], $0xffff  }
0x178: {  	v41 =	vld.idx.msk [tilespmem:v41+s31+$0x0], $0xffff;
	v13 =	vand.u32 $0x7F, v5;
	v5 =	vand.u32 $0xFFFFFF80, v5;
	v52 =	vadd.s32 v2, v52  }
0x179: {  	v5 =	vadd.s32 v2, v5;
	v47 =	vor.u32 v58, v52;
	v58 =	vand.u32 $0xFFFFFF80, v45;
	v20 =	vld.idx.msk [tilespmem:v20+s1+$0x0], $0xffff  }
0x17a: {  	v4 =	vld.idx.msk [tilespmem:v4+s31+$0x0], $0xffff;
	v5 =	vor.u32 v13, v5;
	v45 =	vand.u32 $0x7F, v45;
	v52 =	vadd.s32 v2, v58  }
0x17b: {  	v16 =	vld.idx.msk [tilespmem:v16+s1+$0x0], $0xffff;
	v45 =	vor.u32 v45, v52;
	v52 =	vand.u32 $0xFFFFFF80, v9;
	v9 =	vand.u32 $0x7F, v9  }
0x17c: {  	v0 =	vld.idx.msk [tilespmem:v0+s31+$0x0], $0xffff;
	v49 =	vsub.f32 v49, v53;
	v17 =	vsub.f32 v17, v43;
	v43 =	vadd.s32 v2, v52  }
0x17d: {  	v13 =	vand.u32 $0xFFFFFF80, v63;
	v58 =	vand.u32 $0xFFFFFF80, v7;
	v14 =	vld.idx.msk [tilespmem:v14+s1+$0x0], $0xffff;
	v9 =	vor.u32 v9, v43  }
0x17e: {  	v52 =	vld.idx.msk [tilespmem:v61+s31+$0x0], $0xffff;
	v49 =	vand.u32 $0x7FFFFFFF, v49;
	v20 =	vsub.f32 v20, v41;
	v17 =	vand.u32 $0x7FFFFFFF, v17  }
0x17f: {  	v7 =	vand.u32 $0x7F, v7;
	v61 =	vadd.s32 v2, v58;
	v53 =	vld.idx.msk [tilespmem:v47+s1+$0x0], $0xffff;
	v17 =	vadd.f32 v17, v49  }
0x180: {  	v58 =	vld.idx.msk [tilespmem:v54+s31+$0x0], $0xffff;
	v7 =	vor.u32 v7, v61;
	v4 =	vsub.f32 v16, v4;
	v20 =	vand.u32 $0x7FFFFFFF, v20  }
0x181: {  	v12 =	vand.u32 $0x7F, v63;
	v13 =	vadd.s32 v2, v13;
	v16 =	vld.idx.msk [tilespmem:v45+s1+$0x0], $0xffff;
	v17 =	vadd.f32 v20, v17  }
0x182: {  	v12 =	vor.u32 v12, v13;
	v0 =	vsub.f32 v14, v0;
	v4 =	vand.u32 $0x7FFFFFFF, v4;
	v20 =	vld.idx.msk [tilespmem:v51+s31+$0x0], $0xffff  }
0x183: {  	v13 =	vand.u32 $0xFFFFFF80, v59;
	v56 =	vand.u32 $0x7F, v59;
	v9 =	vld.idx.msk [tilespmem:v9+s1+$0x0], $0xffff;
	v4 =	vadd.f32 v4, v17  }
0x184: {  	v13 =	vadd.s32 v2, v13;
	v14 =	vld.idx.msk [tilespmem:v48+s31+$0x0], $0xffff;
	v0 =	vand.u32 $0x7FFFFFFF, v0;
	v17 =	vsub.f32 v53, v52  }
0x185: {  	v13 =	vor.u32 v56, v13;
	v61 =	vand.u32 $0xFFFFFF80, v55;
	v7 =	vld.idx.msk [tilespmem:v7+s1+$0x0], $0xffff;
	v0 =	vadd.f32 v0, v4  }
0x186: {  	v5 =	vld.idx.msk [tilespmem:v5+s1+$0x0], $0xffff;
	v41 =	vadd.s32 v2, v61;
	v16 =	vsub.f32 v16, v58;
	v17 =	vand.u32 $0x7FFFFFFF, v17  }
0x187: {  	v10 =	vand.u32 $0x7F, v50;
	v23 =	vor.u32 v23, v41;
	v4 =	vld.idx.msk [tilespmem:v42+s31+$0x0], $0xffff;
	v0 =	vadd.f32 v17, v0  }
0x188: {  	[tilespmem:$0x1FE00] =	vst v1;
	v1 =	vand.u32 $0x7F, v26;
	v12 =	vld.idx.msk [tilespmem:v12+s1+$0x0], $0xffff;
	v16 =	vand.u32 $0x7FFFFFFF, v16;
	v9 =	vsub.f32 v9, v20  }
0x189: {  	[tilespmem:$0x1FDC0] =	vst v1;
	v1 =	vand.u32 $0x7F, v29;
	v63 =	vand.u32 $0xFFFFFF80, v50;
	v17 =	vld.idx.msk [tilespmem:v40+s31+$0x0], $0xffff;
	v0 =	vadd.f32 v16, v0  }
0x18a: {  	v13 =	vld.idx.msk [tilespmem:v13+s1+$0x0], $0xffff;
	v20 =	vadd.s32 v2, v63;
	v7 =	vsub.f32 v7, v14;
	v9 =	vand.u32 $0x7FFFFFFF, v9  }
0x18b: {  	[tilespmem:$0x1FDD0] =	vst v1;
	v1 =	vand.u32 $0x7F, v22;
	v10 =	vor.u32 v10, v20;
	v16 =	vld.idx.msk [tilespmem:v38+s31+$0x0], $0xffff;
	v0 =	vadd.f32 v9, v0  }
0x18c: {  	v20 =	vand.u32 $0xFFFFFF80, v46;
	v7 =	vand.u32 $0x7FFFFFFF, v7;
	v4 =	vsub.f32 v5, v4;
	v5 =	vld.idx.msk [tilespmem:v23+s1+$0x0], $0xffff  }
0x18d: {  	v36 =	vmovc v22;
	v22 =	vand.u32 $0x7F, v46;
	v14 =	vadd.s32 v2, v20;
	v9 =	vld.idx.msk [tilespmem:v35+s31+$0x0], $0xffff;
	v0 =	vadd.f32 v7, v0  }
0x18e: {  	v14 =	vor.u32 v22, v14;
	v4 =	vand.u32 $0x7FFFFFFF, v4;
	v12 =	vsub.f32 v12, v17  }
0x18f: {  	v11 =	vand.u32 $0x7F, v39;
	v20 =	vand.u32 $0xFFFFFF80, v44;
	v0 =	vadd.f32 v4, v0  }
0x190: {  	v20 =	vadd.s32 v2, v20;
	v7 =	vld.idx.msk [tilespmem:v18+s31+$0x0], $0xffff;
	v12 =	vand.u32 $0x7FFFFFFF, v12;
	v13 =	vsub.f32 v13, v16  }
0x191: {  	v22 =	vand.u32 $0xFFFFFF80, v39;
	v20 =	vor.u32 v57, v20;
	v10 =	vld.idx.msk [tilespmem:v10+s1+$0x0], $0xffff;
	v0 =	vadd.f32 v12, v0  }
0x192: {  	v17 =	vadd.s32 v2, v22;
	v4 =	vld.idx.msk [tilespmem:v15+s31+$0x0], $0xffff;
	v13 =	vand.u32 $0x7FFFFFFF, v13;
	v5 =	vsub.f32 v5, v9  }
0x193: {  	v11 =	vor.u32 v11, v17;
	v17 =	vand.u32 $0xFFFFFF80, v37;
	v14 =	vld.idx.msk [tilespmem:v14+s1+$0x0], $0xffff;
	v0 =	vadd.f32 v13, v0  }
0x194: {  	v8 =	vand.u32 $0x7F, v37;
	v16 =	vadd.s32 v2, v17;
	v5 =	vand.u32 $0x7FFFFFFF, v5;
	v13 =	vld [tilespmem:$0x1FFD0]  }
0x195: {  	v8 =	vor.u32 v8, v16;
	v0 =	vadd.f32 v5, v0;
	v5 =	vld [tilespmem:$0x1FFE0]  }
0x196: {  	v12 =	vld [tilespmem:$0x1FFC0];
	v7 =	vsub.f32 v10, v7  }
0x197: {  	v9 =	vld.idx.msk [tilespmem:v20+s1+$0x0], $0xffff  }
0x198: {  	v10 =	vld.idx.msk [tilespmem:v11+s1+$0x0], $0xffff;
	v7 =	vand.u32 $0x7FFFFFFF, v7;
	v4 =	vsub.f32 v14, v4  }
0x199: {  	v6 =	vand.u32 $0x7F, v34;
	v16 =	vand.u32 $0xFFFFFF80, v34;
	v0 =	vadd.f32 v7, v0;
	v7 =	vld [tilespmem:$0x1FF90]  }
0x19a: {  	[tilespmem:$0x1FDE0] =	vst v1;
	v1 =	vand.u32 $0x7F, v21;
	v16 =	vadd.s32 v2, v16;
	v8 =	vld.idx.msk [tilespmem:v8+s1+$0x0], $0xffff;
	v4 =	vand.u32 $0x7FFFFFFF, v4  }
0x19b: {  	[tilespmem:$0x1FD90] =	vst v1;
	v1 =	vand.u32 $0x7F, v19;
	v6 =	vor.u32 v6, v16;
	v0 =	vadd.f32 v4, v0;
	v4 =	vld [tilespmem:$0x1FFA0]  }
0x19c: {  	[tilespmem:$0x1FDA0] =	vst v1;
	v1 =	vand.u32 $0x7F, v28;
	v16 =	vand.u32 $0xFFFFFF80, v33;
	v13 =	vld.idx.msk [tilespmem:v13+s31+$0x0], $0xffff  }
0x19d: {  	v3 =	vand.u32 $0x7F, v33;
	[tilespmem:$0x1FDB0] =	vst v1;
	v1 =	vand.u32 $0x7F, v25;
	v11 =	vadd.s32 v2, v16;
	v5 =	vld.idx.msk [tilespmem:v5+s31+$0x0], $0xffff  }
0x19e: {  	[tilespmem:$0x1FD70] =	vst v1;
	v1 =	vand.u32 $0x7F, v24;
	v3 =	vor.u32 v3, v11;
	v11 =	vand.u32 $0xFFFFFF80, v31;
	v12 =	vld.idx.msk [tilespmem:v12+s31+$0x0], $0xffff  }
0x19f: {  	[tilespmem:$0x1FD80] =	vst v1;
	v1 =	vand.u32 $0x7F, v31;
	v11 =	vadd.s32 v2, v11  }
0x1a0: {  	v62 =	vand.u32 $0x7F, v30;
	v1 =	vor.u32 v1, v11;
	v11 =	vand.u32 $0xFFFFFF80, v30;
	v6 =	vld.idx.msk [tilespmem:v6+s1+$0x0], $0xffff  }
0x1a1: {  	v11 =	vadd.s32 v2, v11;
	v7 =	vld.idx.msk [tilespmem:v7+s31+$0x0], $0xffff;
	v10 =	vsub.f32 v10, v13;
	v13 =	vand.u32 $0xFFFFFF80, v25  }
0x1a2: {  	v11 =	vor.u32 v62, v11;
	v5 =	vsub.f32 v8, v5;
	v8 =	vadd.s32 v2, v13;
	v13 =	vld [tilespmem:$0x1FD70]  }
0x1a3: {  	v9 =	vsub.f32 v9, v12  }
0x1a4: {  	v3 =	vld.idx.msk [tilespmem:v3+s1+$0x0], $0xffff  }
0x1a5: {  	v12 =	vand.u32 $0xFFFFFF80, v27;
	v9 =	vand.u32 $0x7FFFFFFF, v9;
	v4 =	vld.idx.msk [tilespmem:v4+s31+$0x0], $0xffff  }
0x1a6: {  	v60 =	vand.u32 $0x7F, v27;
	v12 =	vadd.s32 v2, v12;
	v0 =	vadd.f32 v9, v0;
	v9 =	vld [tilespmem:$0x1FFB0]  }
0x1a7: {  	v6 =	vsub.f32 v6, v7;
	v7 =	vld.idx.msk [tilespmem:v11+s1+$0x0], $0xffff;
	v8 =	vor.u32 v13, v8;
	v13 =	vand.u32 $0xFFFFFF80, v24  }
0x1a8: {  	v12 =	vor.u32 v60, v12;
	v11 =	vadd.s32 v2, v13;
	v13 =	vld [tilespmem:$0x1FD80];
	_ =	sdelay $0x1  }
0x1a9: {  	v10 =	vand.u32 $0x7FFFFFFF, v10  }
0x1aa: {  	v0 =	vadd.f32 v10, v0;
	v10 =	vld [tilespmem:$0x1FF70]  }
0x1ab: {  	v1 =	vld.idx.msk [tilespmem:v1+s1+$0x0], $0xffff  }
0x1ac: {  	v3 =	vsub.f32 v3, v4;
	v4 =	vld.idx.msk [tilespmem:v12+s1+$0x0], $0xffff;
	v11 =	vor.u32 v13, v11;
	v13 =	vand.u32 $0xFFFFFF80, v21  }
0x1ad: {  	v12 =	vadd.s32 v2, v13;
	v13 =	vld [tilespmem:$0x1FD90]  }
0x1ae: {  	v5 =	vand.u32 $0x7FFFFFFF, v5;
	v9 =	vld.idx.msk [tilespmem:v9+s31+$0x0], $0xffff  }
0x1af: {  	v0 =	vadd.f32 v5, v0;
	v5 =	vld [tilespmem:$0x1FF80];
	_ =	sdelay $0x2  }
0x1b0: {  	v10 =	vld.idx.msk [tilespmem:v10+s31+$0x0], $0xffff;
	v12 =	vor.u32 v13, v12;
	v13 =	vand.u32 $0xFFFFFF80, v19  }
0x1b1: {  	v1 =	vsub.f32 v1, v9;
	v9 =	vadd.s32 v2, v13;
	v13 =	vld [tilespmem:$0x1FDA0];
	_ =	sdelay $0x3  }
0x1b2: {  	v6 =	vand.u32 $0x7FFFFFFF, v6;
	v5 =	vld.idx.msk [tilespmem:v5+s31+$0x0], $0xffff  }
0x1b3: {  	v7 =	vsub.f32 v7, v10;
	v10 =	vld.idx.msk [tilespmem:v11+s1+$0x0], $0xffff;
	v9 =	vor.u32 v13, v9;
	v13 =	vand.u32 $0xFFFFFF80, v28  }
0x1b4: {  	v0 =	vadd.f32 v6, v0;
	v11 =	vadd.s32 v2, v13;
	v13 =	vld [tilespmem:$0x1FDB0]  }
0x1b5: {  	v6 =	vld.idx.msk [tilespmem:v32+s31+$0x0], $0xffff;
	v3 =	vand.u32 $0x7FFFFFFF, v3  }
0x1b6: {  	v0 =	vadd.f32 v3, v0;
	v3 =	vld [tilespmem:$0x1FF20]  }
0x1b7: {  	v8 =	vld.idx.msk [tilespmem:v8+s1+$0x0], $0xffff;
	v1 =	vand.u32 $0x7FFFFFFF, v1  }
0x1b8: {  	v0 =	vadd.f32 v1, v0;
	v1 =	vld [tilespmem:$0x1FF40]  }
0x1b9: {  	v4 =	vsub.f32 v4, v5;
	v5 =	vld.idx.msk [tilespmem:v12+s1+$0x0], $0xffff;
	v11 =	vor.u32 v13, v11;
	v13 =	vand.u32 $0xFFFFFF80, v26  }
0x1ba: {  	v12 =	vadd.s32 v2, v13;
	v13 =	vld [tilespmem:$0x1FDC0]  }
0x1bb: {  	v7 =	vand.u32 $0x7FFFFFFF, v7  }
0x1bc: {  	v0 =	vadd.f32 v7, v0;
	v7 =	vld [tilespmem:$0x1FF60];
	_ =	sdelay $0x1  }
0x1bd: {  	v3 =	vld.idx.msk [tilespmem:v3+s31+$0x0], $0xffff  }
0x1be: {  	v6 =	vsub.f32 v8, v6;
	v8 =	vld.idx.msk [tilespmem:v9+s1+$0x0], $0xffff;
	v12 =	vor.u32 v13, v12;
	v13 =	vand.u32 $0xFFFFFF80, v29  }
0x1bf: {  	v9 =	vadd.s32 v2, v13;
	v13 =	vld [tilespmem:$0x1FDD0];
	_ =	sdelay $0x1  }
0x1c0: {  	v1 =	vld.idx.msk [tilespmem:v1+s31+$0x0], $0xffff  }
0x1c1: {  	v4 =	vand.u32 $0x7FFFFFFF, v4  }
0x1c2: {  	v6 =	vand.u32 $0x7FFFFFFF, v6;
	v0 =	vadd.f32 v4, v0;
	v7 =	vld.idx.msk [tilespmem:v7+s31+$0x0], $0xffff  }
0x1c3: {  	v3 =	vsub.f32 v10, v3;
	v10 =	vld.idx.msk [tilespmem:v11+s1+$0x0], $0xffff;
	v9 =	vor.u32 v13, v9;
	v13 =	vand.u32 $0xFFFFFF80, v36  }
0x1c4: {  	v0 =	vadd.f32 v6, v0;
	v11 =	vadd.s32 v2, v13;
	v13 =	vld [tilespmem:$0x1FDE0]  }
0x1c5: {  	v4 =	vld [tilespmem:$0x1FED0];
	v3 =	vand.u32 $0x7FFFFFFF, v3;
	v1 =	vsub.f32 v5, v1  }
0x1c6: {  	v6 =	vld [tilespmem:$0x1FEF0];
	v0 =	vadd.f32 v3, v0  }
0x1c7: {  	v3 =	vld [tilespmem:$0x1FF10];
	v1 =	vand.u32 $0x7FFFFFFF, v1  }
0x1c8: {  	v0 =	vadd.f32 v1, v0;
	v1 =	vld [tilespmem:$0x1FE90]  }
0x1c9: {  	v7 =	vsub.f32 v8, v7;
	v11 =	vor.u32 v13, v11;
	v13 =	vld [tilespmem:$0x1FDF0]  }
0x1ca: {  	v5 =	vld.idx.msk [tilespmem:v12+s1+$0x0], $0xffff  }
0x1cb: {  	v7 =	vand.u32 $0x7FFFFFFF, v7;
	v12 =	vld [tilespmem:$0x1FE00]  }
0x1cc: {  	v0 =	vadd.f32 v7, v0;
	v7 =	vld [tilespmem:$0x1FEB0]  }
0x1cd: {  	v4 =	vld.idx.msk [tilespmem:v4+s31+$0x0], $0xffff  }
0x1ce: {  	v13 =	vand.u32 $0xFFFFFF80, v13  }
0x1cf: {  	v6 =	vld.idx.msk [tilespmem:v6+s31+$0x0], $0xffff;
	v2 =	vadd.s32 v2, v13  }
0x1d0: {  	v3 =	vld.idx.msk [tilespmem:v3+s31+$0x0], $0xffff;
	v2 =	vor.u32 v12, v2  }
0x1d1: {  	v8 =	vld.idx.msk [tilespmem:v9+s1+$0x0], $0xffff  }
0x1d2: {  	v1 =	vld.idx.msk [tilespmem:v1+s31+$0x0], $0xffff;
	v4 =	vsub.f32 v10, v4  }
0x1d3: {  	v9 =	vld.idx.msk [tilespmem:v11+s1+$0x0], $0xffff  }
0x1d4: {  	v4 =	vand.u32 $0x7FFFFFFF, v4;
	v7 =	vld.idx.msk [tilespmem:v7+s31+$0x0], $0xffff;
	v5 =	vsub.f32 v5, v6  }
0x1d5: {  	v0 =	vadd.f32 v4, v0;
	v2 =	vld.idx.msk [tilespmem:v2+s1+$0x0], $0xffff  }
0x1d6: {  	v4 =	vand.u32 $0x7FFFFFFF, v5;
	v3 =	vsub.f32 v8, v3  }
0x1d7: {  	v0 =	vadd.f32 v4, v0  }
0x1d8: {  	v3 =	vand.u32 $0x7FFFFFFF, v3;
	v1 =	vsub.f32 v9, v1  }
0x1d9: {  	v0 =	vadd.f32 v3, v0  }
0x1da: {  	v1 =	vand.u32 $0x7FFFFFFF, v1;
	v2 =	vsub.f32 v2, v7  }
0x1db: {  	v0 =	vadd.f32 v1, v0  }
0x1dc: {  	v1 =	vand.u32 $0x7FFFFFFF, v2  }
0x1dd: {  	v0 =	vadd.f32 v1, v0  }
0x1de: {  	s9 =	sadd.s32 $0x10, s9  }
0x1df: {  	s10 =	sadd.s32 $0x10, s10;
	v2 =	vld [tilespmem:$0x1FFF0];
	[tilespmem:s9+$0x0] =	vst v0  }
0x1e0: {  	v0 =	vld [tilespmem:s10+$0x0];
	_ =	sdelay $0x2  }
0x1e1: {  	v1 =	vmov s12  }
0x1e2: {  	v1 =	vshll.u32 v1, $0x7  }
0x1e3: {  	v2 =	vor.u32 v2, v1;
	v1 =	vadd.s32 $0x1F, v0  }
0x1e4: {  	v3 =	vadd.s32 $0x1C, v0;
	v4 =	vadd.s32 $0x1D, v0;
	v5 =	vadd.s32 $0x1E, v0  }
0x1e5: {  	v6 =	vadd.s32 $0x19, v0;
	v7 =	vadd.s32 $0x1A, v0;
	v8 =	vadd.s32 $0x1B, v0  }
0x1e6: {  	v9 =	vadd.s32 $0x16, v0;
	v10 =	vadd.s32 $0x17, v0;
	v11 =	vadd.s32 $0x18, v0  }
0x1e7: {  	v12 =	vadd.s32 $0x13, v0;
	v13 =	vadd.s32 $0x14, v0;
	v14 =	vadd.s32 $0x15, v0  }
0x1e8: {  	v15 =	vadd.s32 $0x10, v0;
	v16 =	vadd.s32 $0x11, v0;
	v17 =	vadd.s32 $0x12, v0  }
0x1e9: {  	v18 =	vadd.s32 $0xD, v0;
	v19 =	vadd.s32 $0xE, v0;
	v20 =	vadd.s32 $0xF, v0  }
0x1ea: {  	v21 =	vadd.s32 $0xA, v0;
	v22 =	vadd.s32 $0xB, v0;
	v23 =	vadd.s32 $0xC, v0  }
0x1eb: {  	v24 =	vadd.s32 $0x7, v0;
	v25 =	vadd.s32 $0x8, v0;
	v26 =	vadd.s32 $0x9, v0  }
0x1ec: {  	v27 =	vadd.s32 $0x4, v0;
	v28 =	vadd.s32 $0x5, v0;
	v29 =	vadd.s32 $0x6, v0  }
0x1ed: {  	v34 =	vand.u32 $0x7F, v0;
	v31 =	vadd.s32 $0x2, v0;
	v32 =	vadd.s32 $0x3, v0  }
0x1ee: {  	v33 =	vand.u32 $0xFFFFFF80, v0;
	v30 =	vadd.s32 $0x1, v0;
	v0 =	vand.u32 $0x7F, v1  }
0x1ef: {  	v35 =	vand.u32 $0xFFFFFF80, v5;
	v5 =	vand.u32 $0x7F, v5;
	v1 =	vand.u32 $0xFFFFFF80, v1  }
0x1f0: {  	v37 =	vand.u32 $0xFFFFFF80, v4;
	v4 =	vand.u32 $0x7F, v4;
	v38 =	vand.u32 $0xFFFFFF80, v8  }
0x1f1: {  	v8 =	vand.u32 $0x7F, v8;
	v39 =	vand.u32 $0x7F, v6;
	v40 =	vand.u32 $0xFFFFFF80, v7  }
0x1f2: {  	v7 =	vand.u32 $0x7F, v7;
	v41 =	vand.u32 $0xFFFFFF80, v11;
	v11 =	vand.u32 $0x7F, v11  }
0x1f3: {  	v6 =	vand.u32 $0xFFFFFF80, v6;
	v42 =	vand.u32 $0x7F, v9;
	v43 =	vand.u32 $0xFFFFFF80, v10  }
0x1f4: {  	v10 =	vand.u32 $0x7F, v10;
	v44 =	vand.u32 $0xFFFFFF80, v14;
	v14 =	vand.u32 $0x7F, v14  }
0x1f5: {  	v9 =	vand.u32 $0xFFFFFF80, v9;
	v45 =	vand.u32 $0x7F, v12;
	v46 =	vand.u32 $0xFFFFFF80, v13  }
0x1f6: {  	v13 =	vand.u32 $0x7F, v13;
	v47 =	vand.u32 $0xFFFFFF80, v17;
	v17 =	vand.u32 $0x7F, v17  }
0x1f7: {  	v12 =	vand.u32 $0xFFFFFF80, v12;
	v48 =	vand.u32 $0x7F, v15;
	v49 =	vand.u32 $0xFFFFFF80, v16  }
0x1f8: {  	v16 =	vand.u32 $0x7F, v16;
	v50 =	vand.u32 $0xFFFFFF80, v20;
	v20 =	vand.u32 $0x7F, v20  }
0x1f9: {  	v15 =	vand.u32 $0xFFFFFF80, v15;
	v51 =	vand.u32 $0x7F, v18;
	v52 =	vand.u32 $0xFFFFFF80, v19  }
0x1fa: {  	v19 =	vand.u32 $0x7F, v19;
	v53 =	vand.u32 $0xFFFFFF80, v23;
	v23 =	vand.u32 $0x7F, v23  }
0x1fb: {  	v18 =	vand.u32 $0xFFFFFF80, v18;
	v54 =	vand.u32 $0x7F, v21;
	v55 =	vand.u32 $0xFFFFFF80, v22  }
0x1fc: {  	v22 =	vand.u32 $0x7F, v22;
	v56 =	vand.u32 $0xFFFFFF80, v26;
	v58 =	vand.u32 $0x7F, v26  }
0x1fd: {  	v21 =	vand.u32 $0xFFFFFF80, v21;
	v59 =	vand.u32 $0x7F, v24;
	v26 =	vand.u32 $0xFFFFFF80, v25  }
0x1fe: {  	v25 =	vand.u32 $0x7F, v25;
	v57 =	vand.u32 $0xFFFFFF80, v29;
	v60 =	vand.u32 $0x7F, v29  }
0x1ff: {  	v24 =	vand.u32 $0xFFFFFF80, v24;
	v61 =	vand.u32 $0x7F, v27;
	v29 =	vand.u32 $0xFFFFFF80, v28  }
0x200: {  	v62 =	vand.u32 $0x7F, v28;
	v28 =	vand.u32 $0xFFFFFF80, v32;
	v63 =	vand.u32 $0x7F, v32  }
0x201: {  	v27 =	vand.u32 $0xFFFFFF80, v27;
	v32 =	vadd.s32 v2, v33;
	v33 =	vand.u32 $0xFFFFFF80, v31  }
0x202: {  	v31 =	vand.u32 $0x7F, v31;
	[tilespmem:$0x1FE10] =	vst v0;
	v0 =	vand.u32 $0x7F, v3;
	v3 =	vand.u32 $0xFFFFFF80, v3  }
0x203: {  	v1 =	vadd.s32 v2, v1;
	v37 =	vadd.s32 v2, v37;
	v35 =	vadd.s32 v2, v35  }
0x204: {  	v6 =	vadd.s32 v2, v6;
	v40 =	vadd.s32 v2, v40;
	v38 =	vadd.s32 v2, v38  }
0x205: {  	v9 =	vadd.s32 v2, v9;
	v43 =	vadd.s32 v2, v43;
	[tilespmem:$0x1FE20] =	vst v0;
	v0 =	vand.u32 $0xFFFFFF80, v30  }
0x206: {  	v36 =	vor.u32 v34, v32;
	v34 =	vadd.s32 v2, v0;
	v0 =	vor.u32 v5, v35  }
0x207: {  	v41 =	vadd.s32 v2, v41;
	v12 =	vadd.s32 v2, v12;
	v46 =	vadd.s32 v2, v46;
	[tilespmem:$0x1FE90] =	vst v0;
	v0 =	vld [tilespmem:$0x1FE10]  }
0x208: {  	v44 =	vadd.s32 v2, v44;
	v15 =	vadd.s32 v2, v15;
	v49 =	vadd.s32 v2, v49  }
0x209: {  	v47 =	vadd.s32 v2, v47;
	v18 =	vadd.s32 v2, v18;
	v52 =	vadd.s32 v2, v52  }
0x20a: {  	v50 =	vadd.s32 v2, v50;
	v21 =	vadd.s32 v2, v21;
	v55 =	vadd.s32 v2, v55  }
0x20b: {  	s11 =	sadd.s32 $0x10, s11;
	v53 =	vadd.s32 v2, v53;
	v24 =	vadd.s32 v2, v24;
	v26 =	vadd.s32 v2, v26  }
0x20c: {  	v56 =	vadd.s32 v2, v56;
	v27 =	vadd.s32 v2, v27;
	v0 =	vor.u32 v0, v1;
	v1 =	vld [tilespmem:s11+$0x0]  }
0x20d: {  	v29 =	vadd.s32 v2, v29;
	v57 =	vadd.s32 v2, v57;
	[tilespmem:$0x1FEB0] =	vst v0;
	v0 =	vor.u32 v8, v38  }
0x20e: {  	v33 =	vadd.s32 v2, v33;
	v28 =	vadd.s32 v2, v28;
	v30 =	vand.u32 $0x7F, v30;
	[tilespmem:$0x1FED0] =	vst v0;
	v0 =	vld [tilespmem:$0x1FE20]  }
0x20f: {  	v3 =	vadd.s32 v2, v3;
	v32 =	vor.u32 v10, v43;
	v18 =	vor.u32 v51, v18  }
0x210: {  	v51 =	vor.u32 v59, v24;
	v35 =	vor.u32 v23, v53;
	v43 =	vor.u32 v30, v34  }
0x211: {  	v38 =	vor.u32 v22, v55;
	v22 =	vadd.s32 $0x1E, v1;
	v24 =	vadd.s32 $0x18, v1  }
0x212: {  	v30 =	vadd.s32 $0x15, v1;
	v34 =	vadd.s32 $0x12, v1;
	v59 =	vadd.s32 $0xB, v1  }
0x213: {  	v55 =	vadd.s32 $0xC, v1;
	v5 =	vadd.s32 $0x9, v1;
	v0 =	vor.u32 v0, v3  }
0x214: {  	v8 =	vand.u32 $0x7F, v1;
	[tilespmem:$0x1FEF0] =	vst v0;
	v0 =	vor.u32 v4, v37;
	v4 =	vor.u32 v63, v28  }
0x215: {  	v28 =	vadd.s32 $0x1B, v1;
	v37 =	vadd.s32 $0x11, v1;
	v63 =	vadd.s32 $0xA, v1  }
0x216: {  	[tilespmem:$0x1FF10] =	vst v0;
	v0 =	vor.u32 v11, v41;
	v41 =	vor.u32 v31, v33;
	v33 =	vadd.s32 $0x13, v1  }
0x217: {  	v31 =	vadd.s32 $0x14, v1;
	v11 =	vadd.s32 $0x2, v1;
	[tilespmem:$0x1FF20] =	vst v0;
	v0 =	vor.u32 v39, v6  }
0x218: {  	v39 =	vadd.s32 $0x10, v1;
	[tilespmem:$0x1FF40] =	vst v0;
	v0 =	vor.u32 v7, v40;
	v40 =	vor.u32 v54, v21  }
0x219: {  	v54 =	vor.u32 v60, v57;
	v21 =	vadd.s32 $0x19, v1;
	[tilespmem:$0x1FF60] =	vst v0;
	v0 =	vor.u32 v14, v44  }
0x21a: {  	v7 =	vadd.s32 $0x8, v1;
	v44 =	vadd.s32 $0xF, v1;
	[tilespmem:$0x1FF70] =	vst v0;
	v0 =	vor.u32 v42, v9  }
0x21b: {  	v14 =	vadd.s32 $0x4, v1;
	v42 =	vor.u32 v58, v56;
	[tilespmem:$0x1FF80] =	vst v0;
	v0 =	vor.u32 v17, v47  }
0x21c: {  	v9 =	vadd.s32 $0x7, v1;
	v47 =	vadd.s32 $0x5, v1;
	[tilespmem:$0x1FF90] =	vst v0;
	v0 =	vor.u32 v45, v12  }
0x21d: {  	p0 =	sne.s32 s12, $0x70;
	v45 =	vadd.s32 $0x6, v1;
	[tilespmem:$0x1FFA0] =	vst v0;
	v0 =	vor.u32 v13, v46;
	v46 =	vadd.s32 $0xE, v1  }
.Ltmp0:
0x21e: {  	[tilespmem:$0x1FFB0] =	vst v0;
	v0 =	vor.u32 v20, v50;
	v20 =	vadd.s32 $0x1F, v1;
	v50 =	vadd.s32 $0xD, v1;
	(pc) =	sbr.rel @p0 .LBB2_3-.Ltmp0, $4  }
0x21f: {  	[tilespmem:$0x1FFC0] =	vst v0;
	v0 =	vor.u32 v48, v15;
	v15 =	vor.u32 v19, v52;
	v48 =	vor.u32 v25, v26  }
0x220: {  	v26 =	vadd.s32 $0x1C, v1;
	v19 =	vadd.s32 $0x1A, v1;
	[tilespmem:$0x1FFD0] =	vst v0;
	v0 =	vor.u32 v16, v49  }
0x221: {  	v25 =	vadd.s32 $0x17, v1;
	v16 =	vadd.s32 $0x3, v1;
	[tilespmem:$0x1FFE0] =	vst v0;
	v0 =	vor.u32 v61, v27  }
0x222: {  	s12 =	sadd.s32 $0x10, s12;
	v61 =	vor.u32 v62, v29;
	v29 =	vadd.s32 $0x1D, v1;
	v27 =	vadd.s32 $0x16, v1  }
0x223: {  	_ =	sdelay $0x2  }
0x224: {  	v3 =	vand.u32 $0xFFFFFF80, v1;
	v57 =	vadd.s32 $0x1, v1  }
0x225: {  	v58 =	vand.u32 $0xFFFFFF80, v11;
	v60 =	vand.u32 $0x7F, v11;
	v62 =	vld.idx.msk [tilespmem:v36+s31+$0x0], $0xffff;
	v17 =	vand.u32 $0xFFFFFF80, v16  }
0x226: {  	v10 =	vld.idx.msk [tilespmem:v43+s31+$0x0], $0xffff;
	v12 =	vand.u32 $0x7F, v16;
	v13 =	vand.u32 $0xFFFFFF80, v14;
	v3 =	vadd.s32 v2, v3  }
0x227: {  	v23 =	vld.idx.msk [tilespmem:v41+s31+$0x0], $0xffff;
	v36 =	vand.u32 $0x7F, v14;
	v11 =	vadd.s32 v2, v17;
	v3 =	vor.u32 v8, v3  }
0x228: {  	v41 =	vand.u32 $0xFFFFFF80, v47;
	v4 =	vld.idx.msk [tilespmem:v4+s31+$0x0], $0xffff;
	v13 =	vadd.s32 v2, v13;
	v11 =	vor.u32 v12, v11  }
0x229: {  	v43 =	vand.u32 $0x7F, v47;
	v0 =	vld.idx.msk [tilespmem:v0+s31+$0x0], $0xffff;
	v6 =	vand.u32 $0xFFFFFF80, v57;
	v13 =	vor.u32 v36, v13  }
0x22a: {  	v61 =	vld.idx.msk [tilespmem:v61+s31+$0x0], $0xffff;
	v1 =	vand.u32 $0x7F, v57;
	v17 =	vand.u32 $0xFFFFFF80, v45;
	v6 =	vadd.s32 v2, v6  }
0x22b: {  	v47 =	vand.u32 $0x7F, v45;
	v45 =	vld.idx.msk [tilespmem:v51+s31+$0x0], $0xffff;
	v17 =	vadd.s32 v2, v17;
	v1 =	vor.u32 v1, v6  }
0x22c: {  	v16 =	vor.u32 v47, v17;
	v3 =	vld.idx.msk [tilespmem:v3+s1+$0x0], $0xffff  }
0x22d: {  	v6 =	vadd.s32 v2, v58;
	v49 =	vld.idx.msk [tilespmem:v11+s1+$0x0], $0xffff  }
0x22e: {  	v53 =	vand.u32 $0xFFFFFF80, v9;
	v14 =	vadd.s32 v2, v41;
	v6 =	vor.u32 v60, v6;
	v57 =	vld.idx.msk [tilespmem:v13+s1+$0x0], $0xffff  }
0x22f: {  	v14 =	vor.u32 v43, v14;
	v11 =	vadd.s32 v2, v53;
	v53 =	vld.idx.msk [tilespmem:v42+s31+$0x0], $0xffff  }
0x230: {  	v1 =	vld.idx.msk [tilespmem:v1+s1+$0x0], $0xffff  }
0x231: {  	v36 =	vld.idx.msk [tilespmem:v16+s1+$0x0], $0xffff  }
0x232: {  	v16 =	vld.idx.msk [tilespmem:v35+s31+$0x0], $0xffff  }
0x233: {  	v56 =	vand.u32 $0x7F, v9;
	v6 =	vld.idx.msk [tilespmem:v6+s1+$0x0], $0xffff  }
0x234: {  	v52 =	vand.u32 $0xFFFFFF80, v7;
	v9 =	vor.u32 v56, v11;
	v3 =	vsub.f32 v3, v62;
	v62 =	vld.idx.msk [tilespmem:v14+s1+$0x0], $0xffff  }
0x235: {  	v41 =	vand.u32 $0xFFFFFF80, v63;
	v51 =	vand.u32 $0xFFFFFF80, v59;
	v4 =	vsub.f32 v49, v4;
	v49 =	vld.idx.msk [tilespmem:v48+s31+$0x0], $0xffff  }
0x236: {  	v43 =	vand.u32 $0x7F, v63;
	v63 =	vand.u32 $0xFFFFFF80, v46;
	v0 =	vsub.f32 v57, v0;
	v57 =	vld.idx.msk [tilespmem:v40+s31+$0x0], $0xffff  }
0x237: {  	v58 =	vand.u32 $0x7F, v7;
	v17 =	vand.u32 $0x7F, v5;
	v42 =	vand.u32 $0xFFFFFF80, v37;
	v40 =	vld.idx.msk [tilespmem:v15+s31+$0x0], $0xffff  }
0x238: {  	v11 =	vadd.s32 v2, v41;
	v35 =	vand.u32 $0xFFFFFF80, v39;
	v41 =	vand.u32 $0x7F, v37;
	v48 =	vld [tilespmem:$0x1FFD0]  }
0x239: {  	v14 =	vand.u32 $0xFFFFFF80, v5;
	v1 =	vsub.f32 v1, v10;
	v10 =	vadd.s32 v2, v52;
	v9 =	vld.idx.msk [tilespmem:v9+s1+$0x0], $0xffff  }
0x23a: {  	v47 =	vor.u32 v43, v11;
	v15 =	vld [tilespmem:$0x1FF70];
	v8 =	vadd.s32 v2, v14;
	v60 =	vor.u32 v58, v10  }
0x23b: {  	v43 =	vand.u32 $0xFFFFFF80, v34;
	v6 =	vsub.f32 v6, v23;
	v23 =	vld.idx.msk [tilespmem:v54+s31+$0x0], $0xffff;
	v5 =	vor.u32 v17, v8  }
0x23c: {  	v13 =	vadd.s32 v2, v43;
	v10 =	vadd.s32 v2, v51;
	v54 =	vand.u32 $0xFFFFFF80, v55;
	v51 =	vld [tilespmem:$0x1FFE0]  }
0x23d: {  	v3 =	vand.u32 $0x7FFFFFFF, v3;
	v1 =	vand.u32 $0x7FFFFFFF, v1;
	v8 =	vadd.s32 v2, v54;
	v54 =	vld [tilespmem:$0x1FF90]  }
0x23e: {  	v52 =	vand.u32 $0x7F, v59;
	v1 =	vadd.f32 v1, v3;
	v9 =	vsub.f32 v9, v45;
	v45 =	vld [tilespmem:$0x1FFC0]  }
0x23f: {  	v59 =	vand.u32 $0x7F, v50;
	v4 =	vand.u32 $0x7FFFFFFF, v4;
	v6 =	vand.u32 $0x7FFFFFFF, v6;
	v3 =	vld.idx.msk [tilespmem:v60+s1+$0x0], $0xffff  }
0x240: {  	v0 =	vand.u32 $0x7FFFFFFF, v0;
	v58 =	vand.u32 $0xFFFFFF80, v50;
	v1 =	vadd.f32 v6, v1;
	v5 =	vld.idx.msk [tilespmem:v5+s1+$0x0], $0xffff  }
0x241: {  	v55 =	vand.u32 $0x7F, v55;
	v17 =	vand.u32 $0xFFFFFF80, v44;
	v12 =	vadd.s32 v2, v58;
	v60 =	vld.idx.msk [tilespmem:v38+s31+$0x0], $0xffff  }
0x242: {  	v14 =	vadd.s32 v2, v17;
	v56 =	vor.u32 v55, v8;
	v1 =	vadd.f32 v4, v1;
	v4 =	vld.idx.msk [tilespmem:v47+s1+$0x0], $0xffff  }
0x243: {  	v7 =	vsub.f32 v62, v61;
	v61 =	vand.u32 $0x7F, v44;
	v6 =	vsub.f32 v36, v23;
	v38 =	vld.idx.msk [tilespmem:v18+s31+$0x0], $0xffff  }
0x244: {  	v23 =	vor.u32 v61, v14;
	v61 =	vld [tilespmem:$0x1FFB0];
	v0 =	vadd.f32 v0, v1;
	v1 =	vor.u32 v52, v10  }
0x245: {  	v7 =	vand.u32 $0x7FFFFFFF, v7;
	v36 =	vand.u32 $0x7F, v39;
	v39 =	vand.u32 $0x7F, v34;
	v34 =	vld.idx.msk [tilespmem:v32+s31+$0x0], $0xffff  }
0x246: {  	v62 =	vand.u32 $0x7F, v46;
	v44 =	vor.u32 v39, v13;
	v13 =	vld.idx.msk [tilespmem:v51+s31+$0x0], $0xffff;
	v0 =	vadd.f32 v7, v0  }
0x247: {  	v9 =	vand.u32 $0x7FFFFFFF, v9;
	v6 =	vand.u32 $0x7FFFFFFF, v6;
	v7 =	vld.idx.msk [tilespmem:v56+s1+$0x0], $0xffff;
	v4 =	vsub.f32 v4, v57  }
0x248: {  	v57 =	vld [tilespmem:$0x1FFA0];
	v0 =	vadd.f32 v6, v0;
	v6 =	vor.u32 v59, v12;
	v12 =	vadd.s32 v2, v63  }
0x249: {  	v3 =	vsub.f32 v3, v49;
	v1 =	vld.idx.msk [tilespmem:v1+s1+$0x0], $0xffff;
	v10 =	vor.u32 v62, v12;
	v12 =	vadd.s32 v2, v42  }
0x24a: {  	v0 =	vadd.f32 v9, v0;
	v11 =	vor.u32 v41, v12;
	v12 =	vld.idx.msk [tilespmem:v48+s31+$0x0], $0xffff  }
0x24b: {  	v3 =	vand.u32 $0x7FFFFFFF, v3;
	v41 =	vld [tilespmem:$0x1FF40]  }
0x24c: {  	v37 =	vand.u32 $0x7F, v28;
	v0 =	vadd.f32 v3, v0;
	v3 =	vld.idx.msk [tilespmem:v23+s1+$0x0], $0xffff  }
0x24d: {  	v43 =	vand.u32 $0x7F, v29;
	v50 =	vand.u32 $0x7F, v31;
	v5 =	vsub.f32 v5, v53;
	v23 =	vld [tilespmem:$0x1FF80]  }
0x24e: {  	v58 =	vand.u32 $0xFFFFFF80, v27;
	v17 =	vand.u32 $0x7F, v24;
	v8 =	vadd.s32 v2, v35;
	v6 =	vld.idx.msk [tilespmem:v6+s1+$0x0], $0xffff  }
0x24f: {  	v55 =	vand.u32 $0xFFFFFF80, v30;
	v35 =	vand.u32 $0x7F, v26;
	v5 =	vand.u32 $0x7FFFFFFF, v5;
	v10 =	vld.idx.msk [tilespmem:v10+s1+$0x0], $0xffff  }
0x250: {  	v46 =	vand.u32 $0xFFFFFF80, v33;
	v0 =	vadd.f32 v5, v0;
	v5 =	vor.u32 v36, v8;
	v36 =	vld [tilespmem:$0x1FF20]  }
0x251: {  	v18 =	vand.u32 $0xFFFFFF80, v24;
	v4 =	vand.u32 $0x7FFFFFFF, v4;
	v1 =	vsub.f32 v1, v60;
	v53 =	vld.idx.msk [tilespmem:v11+s1+$0x0], $0xffff  }
0x252: {  	v24 =	vand.u32 $0xFFFFFF80, v21;
	v11 =	vadd.s32 v2, v58;
	v58 =	vld [tilespmem:$0x1FE90];
	v0 =	vadd.f32 v4, v0  }
0x253: {  	v59 =	vand.u32 $0x7F, v27;
	v7 =	vsub.f32 v7, v16;
	v1 =	vand.u32 $0x7FFFFFFF, v1;
	v4 =	vld.idx.msk [tilespmem:v45+s31+$0x0], $0xffff  }
0x254: {  	v47 =	vand.u32 $0x7F, v33;
	v60 =	vor.u32 v59, v11;
	v11 =	vld.idx.msk [tilespmem:v61+s31+$0x0], $0xffff;
	v0 =	vadd.f32 v1, v0  }
0x255: {  	v14 =	vadd.s32 v2, v24;
	v7 =	vand.u32 $0x7FFFFFFF, v7;
	v59 =	vld [tilespmem:$0x1FEB0];
	v6 =	vsub.f32 v6, v38  }
0x256: {  	v49 =	vand.u32 $0xFFFFFF80, v31;
	v9 =	vadd.s32 v2, v46;
	v5 =	vld.idx.msk [tilespmem:v5+s1+$0x0], $0xffff;
	v0 =	vadd.f32 v7, v0  }
0x257: {  	v1 =	vld.idx.msk [tilespmem:v44+s1+$0x0], $0xffff;
	v8 =	vsub.f32 v10, v40;
	v7 =	vor.u32 v47, v9;
	v6 =	vand.u32 $0x7FFFFFFF, v6  }
0x258: {  	v33 =	vand.u32 $0x7F, v19;
	v44 =	vld [tilespmem:$0x1FF60];
	v9 =	vadd.s32 v2, v49;
	v0 =	vadd.f32 v6, v0  }
0x259: {  	v10 =	vld.idx.msk [tilespmem:v54+s31+$0x0], $0xffff;
	v52 =	vor.u32 v50, v9;
	v3 =	vsub.f32 v3, v4;
	v8 =	vand.u32 $0x7FFFFFFF, v8  }
0x25a: {  	v56 =	vand.u32 $0x7F, v30;
	v47 =	vld [tilespmem:$0x1FED0];
	v4 =	vadd.s32 v2, v55;
	v0 =	vadd.f32 v8, v0  }
0x25b: {  	v4 =	vor.u32 v56, v4;
	v3 =	vand.u32 $0x7FFFFFFF, v3;
	v8 =	vld.idx.msk [tilespmem:v57+s31+$0x0], $0xffff;
	v5 =	vsub.f32 v5, v12  }
0x25c: {  	v39 =	vand.u32 $0xFFFFFF80, v26;
	v51 =	vand.u32 $0xFFFFFF80, v20;
	v7 =	vld.idx.msk [tilespmem:v7+s1+$0x0], $0xffff;
	v0 =	vadd.f32 v3, v0  }
0x25d: {  	v62 =	vand.u32 $0xFFFFFF80, v25;
	v9 =	vsub.f32 v53, v13;
	v13 =	vld.idx.msk [tilespmem:v23+s31+$0x0], $0xffff;
	v5 =	vand.u32 $0x7FFFFFFF, v5  }
0x25e: {  	v63 =	vand.u32 $0x7F, v25;
	v12 =	vadd.s32 v2, v62;
	v6 =	vld.idx.msk [tilespmem:v52+s1+$0x0], $0xffff;
	v0 =	vadd.f32 v5, v0  }
0x25f: {  	v9 =	vand.u32 $0x7FFFFFFF, v9;
	v1 =	vsub.f32 v1, v10;
	v10 =	vld.idx.msk [tilespmem:v15+s31+$0x0], $0xffff;
	v5 =	vor.u32 v63, v12  }
0x260: {  	v16 =	vand.u32 $0x7F, v21;
	v4 =	vld.idx.msk [tilespmem:v4+s1+$0x0], $0xffff;
	v12 =	vadd.s32 v2, v18;
	v0 =	vadd.f32 v9, v0  }
0x261: {  	v50 =	vld [tilespmem:$0x1FEF0];
	v1 =	vand.u32 $0x7FFFFFFF, v1;
	v7 =	vsub.f32 v7, v8;
	v8 =	vor.u32 v17, v12  }
0x262: {  	v27 =	vand.u32 $0xFFFFFF80, v19;
	v25 =	vor.u32 v16, v14;
	v3 =	vld.idx.msk [tilespmem:v60+s1+$0x0], $0xffff;
	v0 =	vadd.f32 v1, v0  }
0x263: {  	v42 =	vand.u32 $0xFFFFFF80, v29;
	v55 =	vld [tilespmem:$0x1FF10];
	v6 =	vsub.f32 v6, v11;
	v7 =	vand.u32 $0x7FFFFFFF, v7  }
0x264: {  	v38 =	vand.u32 $0xFFFFFF80, v28;
	v9 =	vadd.s32 v2, v27;
	v5 =	vld.idx.msk [tilespmem:v5+s1+$0x0], $0xffff;
	v0 =	vadd.f32 v7, v0  }
0x265: {  	v4 =	vsub.f32 v4, v10;
	v6 =	vand.u32 $0x7FFFFFFF, v6;
	v7 =	vor.u32 v33, v9;
	v9 =	vld.idx.msk [tilespmem:v36+s31+$0x0], $0xffff  }
0x266: {  	v46 =	vand.u32 $0x7F, v22;
	v12 =	vadd.s32 v2, v38;
	v8 =	vld.idx.msk [tilespmem:v8+s1+$0x0], $0xffff;
	v0 =	vadd.f32 v6, v0  }
0x267: {  	v3 =	vsub.f32 v3, v13;
	v10 =	vor.u32 v37, v12;
	v1 =	vld.idx.msk [tilespmem:v25+s1+$0x0], $0xffff;
	v4 =	vand.u32 $0x7FFFFFFF, v4  }
0x268: {  	v45 =	vand.u32 $0xFFFFFF80, v22;
	v13 =	vadd.s32 v2, v39;
	v6 =	vld.idx.msk [tilespmem:v41+s31+$0x0], $0xffff;
	v0 =	vadd.f32 v4, v0  }
0x269: {  	v40 =	vor.u32 v35, v13;
	v12 =	vld.idx.msk [tilespmem:v44+s31+$0x0], $0xffff;
	v3 =	vand.u32 $0x7FFFFFFF, v3;
	v5 =	vsub.f32 v5, v34  }
0x26a: {  	v53 =	vand.u32 $0x7F, v20;
	v11 =	vadd.s32 v2, v42;
	v7 =	vld.idx.msk [tilespmem:v7+s1+$0x0], $0xffff;
	v0 =	vadd.f32 v3, v0  }
0x26b: {  	v13 =	vld.idx.msk [tilespmem:v47+s31+$0x0], $0xffff;
	v3 =	vor.u32 v43, v11;
	v8 =	vsub.f32 v8, v9;
	v5 =	vand.u32 $0x7FFFFFFF, v5  }
0x26c: {  	v52 =	vadd.s32 v2, v51;
	v49 =	vld.idx.msk [tilespmem:v10+s1+$0x0], $0xffff;
	v9 =	vadd.s32 v2, v45;
	v0 =	vadd.f32 v5, v0  }
0x26d: {  	v10 =	vld.idx.msk [tilespmem:v50+s31+$0x0], $0xffff;
	v48 =	vor.u32 v46, v9;
	v1 =	vsub.f32 v1, v6;
	v8 =	vand.u32 $0x7FFFFFFF, v8  }
0x26e: {  	v4 =	vld.idx.msk [tilespmem:v40+s1+$0x0], $0xffff;
	v2 =	vor.u32 v53, v52;
	v0 =	vadd.f32 v8, v0  }
0x26f: {  	v1 =	vand.u32 $0x7FFFFFFF, v1;
	v54 =	vsub.f32 v7, v12;
	v7 =	vld.idx.msk [tilespmem:v55+s31+$0x0], $0xffff  }
0x270: {  	v56 =	vld.idx.msk [tilespmem:v3+s1+$0x0], $0xffff;
	v0 =	vadd.f32 v1, v0  }
0x271: {  	v57 =	vsub.f32 v49, v13;
	v8 =	vld.idx.msk [tilespmem:v58+s31+$0x0], $0xffff;
	v6 =	vand.u32 $0x7FFFFFFF, v54  }
0x272: {  	v5 =	vld.idx.msk [tilespmem:v48+s1+$0x0], $0xffff;
	v0 =	vadd.f32 v6, v0  }
0x273: {  	v4 =	vsub.f32 v4, v10;
	v3 =	vand.u32 $0x7FFFFFFF, v57;
	v2 =	vld.idx.msk [tilespmem:v2+s1+$0x0], $0xffff  }
0x274: {  	v6 =	vld.idx.msk [tilespmem:v59+s31+$0x0], $0xffff;
	v0 =	vadd.f32 v3, v0  }
0x275: {  	v60 =	vand.u32 $0x7FFFFFFF, v4;
	v1 =	vsub.f32 v56, v7  }
0x276: {  	v0 =	vadd.f32 v60, v0  }
0x277: {  	v61 =	vsub.f32 v5, v8;
	v1 =	vand.u32 $0x7FFFFFFF, v1  }
0x278: {  	s8 =	sadd.s32 $0x1, s8;
	v0 =	vadd.f32 v1, v0  }
0x279: {  	p0 =	sne.s32 s8, $0x4;
	v62 =	vsub.f32 v2, v6;
	v63 =	vand.u32 $0x7FFFFFFF, v61  }
.Ltmp1:
0x27a: {  	v0 =	vadd.f32 v63, v0;
	(pc) =	sbr.rel @p0 .LBB2_2-.Ltmp1, $4  }
0x27b: {  	v1 =	vand.u32 $0x7FFFFFFF, v62  }
0x27c: {  	v0 =	vadd.f32 v1, v0  }
0x27d: {  	s9 =	sadd.s32 $0x10, s9  }
0x27e: {  	s24 =	sadd.s32 $0x80, s24;
	s29 =	sadd.s32 $0x80, s29;
	s26 =	sadd.s32 $0x80, s26;
	v30 =	vld [tilespmem:$0x1FFF0];
	[tilespmem:s9+$0x0] =	vst v0  }
0x27f: {  	v2 =	vld [tilespmem:$0xF800]  }
0x280: {  	v3 =	vld [tilespmem:$0xF880]  }
0x281: {  	v4 =	vld [tilespmem:$0xF900];
	s8 =	simm.s32 $0x0  }
0x282: {  	v5 =	vld [tilespmem:$0xF980];
	s24 =	simm.s32 $0xF600;
	s26 =	simm.s32 $0xF000;
	s29 =	simm.s32 $0xF200  }
0x283: {  	s9 =	simm.s32 $0xF400;
	s10 =	simm.s32 $0xFA80;
	s11 =	simm.s32 $0xFC80;
	v6 =	vld [tilespmem:$0xFA00];
	v29 =	vlaneseq.u32  }
.LBB2_6:
0x284: {  	v0 =	vmov s8  }
0x285: {  	v0 =	vmul.u32 $0x32, v0;
	_ =	sdelay $0x1  }
0x286: {  	v8 =	vmul.u32 $0x32, v29;
	v7 =	vbroadcast v0, $0x0;
	_ =	sdelay $0x1  }
0x287: {  	v0 =	vadd.s32 v8, v7;
	_ =	sdelay $0x4  }
0x288: {  	v0 =	vld.idx.msk [tilespmem:v0+s28+$0x0], $0xffff  }
0x289: {  	v1 =	vor.u32 $0x1, v8  }
0x28a: {  	v1 =	vadd.s32 v1, v7;
	_ =	sdelay $0x2  }
0x28b: {  	vm3 =	vgt.f32 v0, $0.0e+00  }
0x28c: {  	v10 =	vadd.s32 $0x2, v8;
	v0 =	vnsel vm3, $0x0, v0  }
0x28d: {  	v10 =	vadd.s32 v10, v7;
	v1 =	vld.idx.msk [tilespmem:v1+s28+$0x0], $0xffff;
	v0 =	vadd.f32 v0, v2;
	_ =	sdelay $0x1  }
0x28e: {  	v12 =	vadd.s32 $0x3, v8;
	v9 =	vshra.s32 v0, $0x1;
	v0 =	vmul.f32 $-5.000000000e-01, v0  }
0x28f: {  	v12 =	vadd.s32 v12, v7;
	v9 =	vsub.s32 $0x5F3759DF, v9  }
0x290: {  	v11 =	vmul.f32 v9, v0  }
0x291: {  	v16 =	vadd.s32 $0x4, v8;
	v18 =	vadd.s32 $0x5, v8;
	v10 =	vld.idx.msk [tilespmem:v10+s28+$0x0], $0xffff;
	vm0 =	vgt.f32 v1, $0.0e+00  }
0x292: {  	v52 =	vadd.s32 $0x6, v8;
	v1 =	vnsel vm0, $0x0, v1;
	v11 =	vmul.f32 v9, v11  }
0x293: {  	v19 =	vadd.s32 $0x7, v8;
	v63 =	vadd.s32 $0x8, v8;
	v1 =	vadd.f32 v1, v2  }
0x294: {  	v35 =	vadd.s32 $0x9, v8;
	v36 =	vadd.s32 $0xA, v8;
	v12 =	vld.idx.msk [tilespmem:v12+s28+$0x0], $0xffff;
	v11 =	vadd.f32 $1.500000000e+00, v11  }
0x295: {  	v22 =	vadd.s32 $0xE, v8;
	v44 =	vshra.s32 v1, $0x1;
	v1 =	vmul.f32 $-5.000000000e-01, v1  }
0x296: {  	vm4 =	vgt.f32 v10, $0.0e+00;
	v9 =	vmul.f32 v9, v11;
	v11 =	vsub.s32 $0x5F3759DF, v44  }
0x297: {  	v16 =	vadd.s32 v16, v7;
	v10 =	vnsel vm4, $0x0, v10;
	v14 =	vmul.f32 v11, v1  }
0x298: {  	v18 =	vadd.s32 v18, v7;
	v19 =	vadd.s32 v19, v7;
	v10 =	vadd.f32 v10, v2  }
0x299: {  	vm1 =	vgt.f32 v12, $0.0e+00;
	v13 =	vmul.f32 v9, v0;
	v14 =	vmul.f32 v11, v14  }
0x29a: {  	v12 =	vnsel vm1, $0x0, v12;
	v15 =	vshra.s32 v10, $0x1;
	v10 =	vmul.f32 $-5.000000000e-01, v10  }
0x29b: {  	v45 =	vsub.s32 $0x5F3759DF, v15;
	v13 =	vmul.f32 v13, v9;
	v14 =	vadd.f32 $1.500000000e+00, v14  }
0x29c: {  	v23 =	vadd.s32 $0x10, v8;
	v12 =	vadd.f32 v12, v2;
	v46 =	vmul.f32 v45, v10  }
0x29d: {  	v38 =	vadd.s32 v36, v7;
	v16 =	vld.idx.msk [tilespmem:v16+s28+$0x0], $0xffff;
	v13 =	vadd.f32 $1.500000000e+00, v13;
	v11 =	vmul.f32 v11, v14  }
0x29e: {  	v51 =	vld.idx.msk [tilespmem:v18+s28+$0x0], $0xffff;
	v17 =	vshra.s32 v12, $0x1;
	v12 =	vmul.f32 $-5.000000000e-01, v12;
	v14 =	vmul.f32 v45, v46  }
0x29f: {  	v17 =	vsub.s32 $0x5F3759DF, v17;
	v9 =	vmul.f32 v13, v9;
	v47 =	vmul.f32 v11, v1  }
0x2a0: {  	v22 =	vadd.s32 v22, v7;
	v59 =	vld.idx.msk [tilespmem:v19+s28+$0x0], $0xffff;
	v48 =	vmul.f32 v17, v12;
	v14 =	vadd.f32 $1.500000000e+00, v14  }
0x2a1: {  	v23 =	vadd.s32 v23, v7;
	v0 =	vmul.f32 v9, v0;
	v15 =	vmul.f32 v47, v11  }
0x2a2: {  	vm2 =	vgt.f32 v16, $0.0e+00;
	v13 =	vmul.f32 v45, v14;
	v14 =	vmul.f32 v17, v48  }
0x2a3: {  	vm5 =	vgt.f32 v51, $0.0e+00;
	v16 =	vnsel vm2, $0x0, v16;
	v15 =	vadd.f32 $1.500000000e+00, v15  }
0x2a4: {  	v0 =	vmul.f32 v0, v9;
	v49 =	vmul.f32 v13, v10;
	v14 =	vadd.f32 $1.500000000e+00, v14  }
0x2a5: {  	vm13 =	vgt.f32 v59, $0.0e+00;
	v54 =	vadd.f32 v16, v2;
	v11 =	vmul.f32 v15, v11  }
0x2a6: {  	v0 =	vadd.f32 $1.500000000e+00, v0;
	v50 =	vmul.f32 v49, v13;
	v14 =	vmul.f32 v17, v14  }
0x2a7: {  	v17 =	vadd.s32 v52, v7;
	v15 =	vnsel vm5, $0x0, v51;
	v1 =	vmul.f32 v11, v1  }
0x2a8: {  	v0 =	vmul.f32 v0, v9;
	v15 =	vadd.f32 v15, v2;
	v9 =	vadd.f32 $1.500000000e+00, v50  }
0x2a9: {  	v16 =	vshra.s32 v54, $0x1;
	v44 =	vld.idx.msk [tilespmem:v38+s28+$0x0], $0xffff;
	v53 =	vmul.f32 v14, v12;
	v1 =	vmul.f32 v1, v11  }
0x2aa: {  	v16 =	vsub.s32 $0x5F3759DF, v16;
	v20 =	vshra.s32 v15, $0x1;
	v9 =	vmul.f32 v9, v13  }
0x2ab: {  	v15 =	vmul.f32 $-5.000000000e-01, v15;
	v13 =	vmul.f32 v53, v14;
	v1 =	vadd.f32 $1.500000000e+00, v1  }
0x2ac: {  	v0 =	vadd.f32 $0.0e+00, v0;
	v20 =	vsub.s32 $0x5F3759DF, v20;
	v17 =	vld.idx.msk [tilespmem:v17+s28+$0x0], $0xffff;
	v10 =	vmul.f32 v9, v10  }
0x2ad: {  	v56 =	vmul.f32 v20, v15;
	v13 =	vadd.f32 $1.500000000e+00, v13;
	v1 =	vmul.f32 v1, v11  }
0x2ae: {  	vm8 =	vgt.f32 v44, $0.0e+00;
	v11 =	vmul.f32 $-5.000000000e-01, v54;
	v10 =	vmul.f32 v10, v9  }
0x2af: {  	v45 =	vadd.s32 $0xB, v8;
	v0 =	vnsel vm3, $0x0, v0;
	v13 =	vmul.f32 v13, v14  }
0x2b0: {  	v14 =	vmul.f32 v20, v56;
	v55 =	vmul.f32 v16, v11;
	v10 =	vadd.f32 $1.500000000e+00, v10  }
0x2b1: {  	v1 =	vnsel vm0, $0x0, v1;
	vm12 =	vgt.f32 v17, $0.0e+00;
	v12 =	vmul.f32 v13, v12  }
0x2b2: {  	v14 =	vadd.f32 $1.500000000e+00, v14;
	v17 =	vnsel vm12, $0x0, v17;
	v0 =	vadd.f32 v1, v0  }
0x2b3: {  	v18 =	vmul.f32 v16, v55;
	v9 =	vmul.f32 v10, v9;
	v58 =	vadd.f32 v17, v2  }
0x2b4: {  	v12 =	vmul.f32 v12, v13;
	v14 =	vmul.f32 v20, v14;
	v20 =	vadd.s32 v63, v7  }
0x2b5: {  	v55 =	vadd.s32 $0xC, v8;
	v57 =	vadd.f32 $1.500000000e+00, v18;
	v9 =	vnsel vm4, $0x0, v9  }
0x2b6: {  	v61 =	vshra.s32 v58, $0x1;
	v10 =	vmul.f32 $-5.000000000e-01, v58;
	v12 =	vadd.f32 $1.500000000e+00, v12  }
0x2b7: {  	v21 =	vmul.f32 v14, v15;
	v18 =	vsub.s32 $0x5F3759DF, v61;
	v0 =	vadd.f32 v9, v0  }
0x2b8: {  	v1 =	vmul.f32 v16, v57;
	v62 =	vmul.f32 v18, v10;
	v16 =	vnsel vm13, $0x0, v59  }
0x2b9: {  	v24 =	vmul.f32 v21, v14;
	v12 =	vmul.f32 v12, v13;
	v16 =	vadd.f32 v16, v2  }
0x2ba: {  	v32 =	vld.idx.msk [tilespmem:v20+s28+$0x0], $0xffff;
	v20 =	vadd.s32 v55, v7;
	v60 =	vmul.f32 v1, v11;
	v19 =	vmul.f32 v18, v62  }
0x2bb: {  	v55 =	vadd.s32 $0x11, v8;
	v9 =	vadd.f32 $1.500000000e+00, v24;
	v12 =	vnsel vm1, $0x0, v12  }
0x2bc: {  	v24 =	vadd.s32 $0xD, v8;
	v17 =	vmul.f32 v60, v1;
	v25 =	vadd.f32 $1.500000000e+00, v19  }
0x2bd: {  	v26 =	vshra.s32 v16, $0x1;
	v9 =	vmul.f32 v9, v14;
	v19 =	vadd.s32 v35, v7  }
0x2be: {  	v16 =	vmul.f32 $-5.000000000e-01, v16;
	v17 =	vadd.f32 $1.500000000e+00, v17;
	v13 =	vmul.f32 v18, v25  }
0x2bf: {  	v0 =	vadd.f32 v12, v0;
	v15 =	vmul.f32 v9, v15;
	vm14 =	vgt.f32 v32, $0.0e+00  }
0x2c0: {  	v1 =	vmul.f32 v17, v1;
	v17 =	vsub.s32 $0x5F3759DF, v26;
	v34 =	vmul.f32 v13, v10  }
0x2c1: {  	v62 =	vld.idx.msk [tilespmem:v20+s28+$0x0], $0xffff;
	v20 =	vadd.s32 v24, v7;
	v18 =	vnsel vm14, $0x0, v32;
	v33 =	vmul.f32 v17, v16  }
0x2c2: {  	v37 =	vadd.f32 v18, v2;
	v19 =	vld.idx.msk [tilespmem:v19+s28+$0x0], $0xffff;
	v11 =	vmul.f32 v1, v11;
	v12 =	vmul.f32 v34, v13  }
0x2c3: {  	v15 =	vmul.f32 v15, v9;
	v18 =	vadd.s32 v45, v7;
	v14 =	vmul.f32 v17, v33  }
0x2c4: {  	v41 =	vshra.s32 v37, $0x1;
	v11 =	vmul.f32 v11, v1;
	v12 =	vadd.f32 $1.500000000e+00, v12  }
0x2c5: {  	v39 =	vadd.f32 $1.500000000e+00, v15;
	v42 =	vsub.s32 $0x5F3759DF, v41;
	v14 =	vadd.f32 $1.500000000e+00, v14  }
0x2c6: {  	vm10 =	vgt.f32 v62, $0.0e+00;
	v11 =	vadd.f32 $1.500000000e+00, v11;
	v12 =	vmul.f32 v12, v13  }
0x2c7: {  	vm15 =	vgt.f32 v19, $0.0e+00;
	v14 =	vmul.f32 v17, v14;
	v17 =	vmul.f32 $-5.000000000e-01, v37  }
0x2c8: {  	v47 =	vnsel vm15, $0x0, v19;
	v1 =	vmul.f32 v11, v1;
	v10 =	vmul.f32 v12, v10  }
0x2c9: {  	v9 =	vmul.f32 v39, v9;
	v48 =	vadd.f32 v47, v2;
	v40 =	vmul.f32 v14, v16  }
0x2ca: {  	v15 =	vmul.f32 v42, v17;
	v1 =	vnsel vm2, $0x0, v1;
	v43 =	vmul.f32 v10, v12  }
0x2cb: {  	v50 =	vshra.s32 v48, $0x1;
	v10 =	vnsel vm8, $0x0, v44;
	v13 =	vmul.f32 v40, v14  }
0x2cc: {  	v34 =	vld.idx.msk [tilespmem:v20+s28+$0x0], $0xffff;
	v0 =	vadd.f32 v1, v0;
	v15 =	vmul.f32 v42, v15;
	v10 =	vadd.f32 v10, v2  }
0x2cd: {  	v52 =	vld.idx.msk [tilespmem:v18+s28+$0x0], $0xffff;
	v1 =	vnsel vm5, $0x0, v9;
	v9 =	vadd.f32 $1.500000000e+00, v43;
	v13 =	vadd.f32 $1.500000000e+00, v13  }
0x2ce: {  	v46 =	vadd.f32 $1.500000000e+00, v15;
	v54 =	vshra.s32 v10, $0x1;
	v10 =	vmul.f32 $-5.000000000e-01, v10  }
0x2cf: {  	v37 =	vld.idx.msk [tilespmem:v22+s28+$0x0], $0xffff;
	v0 =	vadd.f32 v1, v0;
	v1 =	vmul.f32 v9, v12;
	v9 =	vmul.f32 $-5.000000000e-01, v48  }
0x2d0: {  	v13 =	vmul.f32 v13, v14;
	v11 =	vmul.f32 v42, v46;
	v14 =	vsub.s32 $0x5F3759DF, v50  }
0x2d1: {  	vm11 =	vgt.f32 v34, $0.0e+00;
	v19 =	vsub.s32 $0x5F3759DF, v54;
	v53 =	vmul.f32 v14, v9  }
0x2d2: {  	vm9 =	vgt.f32 v52, $0.0e+00;
	v56 =	vmul.f32 v19, v10;
	v51 =	vmul.f32 v11, v17  }
0x2d3: {  	v44 =	vadd.s32 $0xF, v8;
	v49 =	vmul.f32 v13, v16;
	v18 =	vmul.f32 v14, v53  }
0x2d4: {  	v1 =	vnsel vm12, $0x0, v1;
	vm12 =	vgt.f32 v37, $0.0e+00;
	v15 =	vmul.f32 v51, v11  }
0x2d5: {  	v16 =	vnsel vm9, $0x0, v52;
	v12 =	vmul.f32 v49, v13;
	v18 =	vadd.f32 $1.500000000e+00, v18  }
0x2d6: {  	v57 =	vmul.f32 v19, v56;
	v58 =	vadd.f32 v16, v2;
	v15 =	vadd.f32 $1.500000000e+00, v15  }
0x2d7: {  	v0 =	vadd.f32 v1, v0;
	v12 =	vadd.f32 $1.500000000e+00, v12;
	v1 =	vmul.f32 v14, v18  }
0x2d8: {  	v61 =	vshra.s32 v58, $0x1;
	v14 =	vmul.f32 $-5.000000000e-01, v58;
	v11 =	vmul.f32 v15, v11  }
0x2d9: {  	v18 =	vnsel vm10, $0x0, v62;
	v12 =	vmul.f32 v12, v13;
	v15 =	vadd.f32 $1.500000000e+00, v57  }
0x2da: {  	v26 =	vadd.f32 v18, v2;
	v60 =	vmul.f32 v1, v9;
	v59 =	vmul.f32 v11, v17  }
0x2db: {  	v15 =	vmul.f32 v19, v15;
	v17 =	vsub.s32 $0x5F3759DF, v61;
	v12 =	vnsel vm13, $0x0, v12  }
0x2dc: {  	v18 =	vshra.s32 v26, $0x1;
	v16 =	vmul.f32 v60, v1;
	v63 =	vmul.f32 v17, v14  }
0x2dd: {  	v0 =	vadd.f32 v12, v0;
	v12 =	vmul.f32 $-5.000000000e-01, v26;
	v13 =	vmul.f32 v59, v11  }
0x2de: {  	v18 =	vsub.s32 $0x5F3759DF, v18;
	v25 =	vmul.f32 v15, v10;
	v19 =	vmul.f32 v17, v63  }
0x2df: {  	v43 =	vnsel vm12, $0x0, v37;
	v16 =	vadd.f32 $1.500000000e+00, v16;
	v36 =	vmul.f32 v18, v12  }
0x2e0: {  	v53 =	vld.idx.msk [tilespmem:v23+s28+$0x0], $0xffff;
	v13 =	vadd.f32 $1.500000000e+00, v13;
	v21 =	vmul.f32 v25, v15;
	v19 =	vadd.f32 $1.500000000e+00, v19  }
0x2e1: {  	v57 =	vadd.s32 $0x12, v8;
	v1 =	vmul.f32 v16, v1;
	v39 =	vmul.f32 v18, v36  }
0x2e2: {  	v11 =	vmul.f32 v13, v11;
	v32 =	vadd.f32 $1.500000000e+00, v21;
	v33 =	vmul.f32 v17, v19  }
0x2e3: {  	v9 =	vmul.f32 v1, v9;
	v17 =	vnsel vm11, $0x0, v34;
	v40 =	vadd.f32 $1.500000000e+00, v39  }
0x2e4: {  	v13 =	vmul.f32 v32, v15;
	v11 =	vnsel vm14, $0x0, v11;
	v41 =	vadd.f32 v17, v2  }
0x2e5: {  	v17 =	vadd.f32 v43, v2;
	vm14 =	vgt.f32 v53, $0.0e+00;
	v35 =	vmul.f32 v33, v14  }
0x2e6: {  	v9 =	vmul.f32 v9, v1;
	v0 =	vadd.f32 v11, v0;
	v10 =	vmul.f32 v13, v10  }
0x2e7: {  	v42 =	vshra.s32 v41, $0x1;
	v15 =	vmul.f32 $-5.000000000e-01, v41;
	v47 =	vshra.s32 v17, $0x1  }
0x2e8: {  	v17 =	vmul.f32 $-5.000000000e-01, v17;
	v38 =	vmul.f32 v35, v33;
	v9 =	vadd.f32 $1.500000000e+00, v9  }
0x2e9: {  	v16 =	vsub.s32 $0x5F3759DF, v42;
	v21 =	vsub.s32 $0x5F3759DF, v47;
	v10 =	vmul.f32 v10, v13  }
0x2ea: {  	v46 =	vmul.f32 v16, v15;
	v48 =	vmul.f32 v21, v17;
	v11 =	vadd.f32 $1.500000000e+00, v38  }
0x2eb: {  	v1 =	vmul.f32 v9, v1;
	v9 =	vmul.f32 v18, v40;
	v18 =	vadd.s32 v44, v7  }
0x2ec: {  	v10 =	vadd.f32 $1.500000000e+00, v10;
	v20 =	vmul.f32 v16, v46;
	v22 =	vmul.f32 v21, v48  }
0x2ed: {  	v40 =	vadd.s32 $0x13, v8;
	v11 =	vmul.f32 v11, v33;
	v45 =	vmul.f32 v9, v12  }
0x2ee: {  	v1 =	vnsel vm15, $0x0, v1;
	v20 =	vadd.f32 $1.500000000e+00, v20;
	v10 =	vmul.f32 v10, v13  }
0x2ef: {  	v0 =	vadd.f32 v1, v0;
	v50 =	vadd.f32 $1.500000000e+00, v22;
	v14 =	vmul.f32 v11, v14  }
0x2f0: {  	v19 =	vmul.f32 v45, v9;
	v45 =	vadd.s32 $0x14, v8;
	v1 =	vmul.f32 v16, v20  }
0x2f1: {  	v10 =	vnsel vm8, $0x0, v10;
	v52 =	vmul.f32 v21, v50;
	v21 =	vadd.s32 v57, v7  }
0x2f2: {  	v18 =	vld.idx.msk [tilespmem:v18+s28+$0x0], $0xffff;
	v48 =	vadd.s32 v45, v7;
	v50 =	vadd.s32 $0x15, v8;
	v14 =	vmul.f32 v14, v11  }
0x2f3: {  	v45 =	vadd.s32 $0x19, v8;
	v19 =	vadd.f32 $1.500000000e+00, v19;
	v0 =	vadd.f32 v10, v0  }
0x2f4: {  	v51 =	vmul.f32 v1, v15;
	v54 =	vmul.f32 v52, v17;
	v49 =	vadd.f32 $1.500000000e+00, v14  }
0x2f5: {  	v9 =	vmul.f32 v19, v9;
	v19 =	vadd.s32 v55, v7;
	v14 =	vnsel vm14, $0x0, v53  }
0x2f6: {  	v10 =	vmul.f32 v51, v1;
	v16 =	vmul.f32 v54, v52;
	v14 =	vadd.f32 v14, v2  }
0x2f7: {  	v54 =	vadd.s32 $0x16, v8;
	v11 =	vmul.f32 v49, v11;
	vm13 =	vgt.f32 v18, $0.0e+00  }
0x2f8: {  	v12 =	vmul.f32 v9, v12;
	v24 =	vld.idx.msk [tilespmem:v21+s28+$0x0], $0xffff;
	v21 =	vadd.s32 v40, v7;
	v18 =	vnsel vm13, $0x0, v18  }
0x2f9: {  	v10 =	vadd.f32 $1.500000000e+00, v10;
	v59 =	vadd.f32 $1.500000000e+00, v16;
	v61 =	vshra.s32 v14, $0x1  }
0x2fa: {  	v14 =	vmul.f32 $-5.000000000e-01, v14;
	v11 =	vnsel vm9, $0x0, v11;
	v12 =	vmul.f32 v12, v9  }
0x2fb: {  	v18 =	vadd.f32 v18, v2;
	v62 =	vsub.s32 $0x5F3759DF, v61;
	v1 =	vmul.f32 v10, v1  }
0x2fc: {  	v10 =	vmul.f32 v59, v52;
	v0 =	vadd.f32 v11, v0;
	v22 =	vmul.f32 v62, v14  }
0x2fd: {  	v19 =	vld.idx.msk [tilespmem:v19+s28+$0x0], $0xffff;
	v12 =	vadd.f32 $1.500000000e+00, v12;
	v56 =	vshra.s32 v18, $0x1;
	v18 =	vmul.f32 $-5.000000000e-01, v18  }
0x2fe: {  	v20 =	vsub.s32 $0x5F3759DF, v56;
	v15 =	vmul.f32 v1, v15;
	v23 =	vmul.f32 v10, v17  }
0x2ff: {  	v26 =	vmul.f32 v62, v22;
	vm8 =	vgt.f32 v24, $0.0e+00;
	v58 =	vmul.f32 v20, v18  }
0x300: {  	v9 =	vmul.f32 v12, v9;
	v17 =	vnsel vm8, $0x0, v24;
	v15 =	vmul.f32 v15, v1  }
0x301: {  	v33 =	vmul.f32 v23, v10;
	v11 =	vadd.f32 $1.500000000e+00, v26;
	v17 =	vadd.f32 v17, v2  }
0x302: {  	v47 =	vld.idx.msk [tilespmem:v21+s28+$0x0], $0xffff;
	v60 =	vmul.f32 v20, v58;
	v9 =	vnsel vm10, $0x0, v9;
	vm15 =	vgt.f32 v19, $0.0e+00  }
0x303: {  	v0 =	vadd.f32 v9, v0;
	v32 =	vadd.f32 $1.500000000e+00, v15;
	v19 =	vnsel vm15, $0x0, v19  }
0x304: {  	v35 =	vadd.f32 $1.500000000e+00, v33;
	v11 =	vmul.f32 v62, v11;
	v41 =	vshra.s32 v17, $0x1  }
0x305: {  	v17 =	vmul.f32 $-5.000000000e-01, v17;
	v63 =	vadd.f32 $1.500000000e+00, v60;
	v36 =	vadd.f32 v19, v2  }
0x306: {  	v22 =	vsub.s32 $0x5F3759DF, v41;
	v1 =	vmul.f32 v32, v1;
	v38 =	vmul.f32 v11, v14  }
0x307: {  	vm9 =	vgt.f32 v47, $0.0e+00;
	v42 =	vmul.f32 v22, v17;
	v25 =	vmul.f32 v20, v63  }
0x308: {  	v32 =	vadd.s32 $0x17, v8;
	v37 =	vshra.s32 v36, $0x1;
	v15 =	vmul.f32 $-5.000000000e-01, v36  }
0x309: {  	v13 =	vsub.s32 $0x5F3759DF, v37;
	v19 =	vmul.f32 v38, v11;
	v34 =	vmul.f32 v25, v18  }
0x30a: {  	v10 =	vmul.f32 v35, v10;
	v21 =	vadd.s32 v32, v7;
	v39 =	vmul.f32 v13, v15  }
0x30b: {  	v1 =	vnsel vm11, $0x0, v1;
	v43 =	vadd.f32 $1.500000000e+00, v19;
	v16 =	vmul.f32 v34, v25  }
0x30c: {  	v10 =	vnsel vm12, $0x0, v10;
	v0 =	vadd.f32 v1, v0;
	v19 =	vld.idx.msk [tilespmem:v48+s28+$0x0], $0xffff;
	v20 =	vmul.f32 v13, v39  }
0x30d: {  	v38 =	vadd.s32 $0x18, v8;
	v11 =	vmul.f32 v43, v11;
	v16 =	vadd.f32 $1.500000000e+00, v16  }
0x30e: {  	v41 =	vadd.s32 v38, v7;
	v0 =	vadd.f32 v10, v0;
	v44 =	vadd.f32 $1.500000000e+00, v20  }
0x30f: {  	v20 =	vadd.s32 v50, v7;
	v14 =	vmul.f32 v11, v14;
	v9 =	vmul.f32 v16, v25  }
0x310: {  	v16 =	vmul.f32 v22, v42;
	v46 =	vmul.f32 v13, v44;
	v13 =	vnsel vm9, $0x0, v47  }
0x311: {  	vm10 =	vgt.f32 v19, $0.0e+00;
	v14 =	vmul.f32 v14, v11;
	v52 =	vadd.f32 v13, v2  }
0x312: {  	v19 =	vnsel vm10, $0x0, v19;
	v18 =	vmul.f32 v9, v18;
	v16 =	vadd.f32 $1.500000000e+00, v16  }
0x313: {  	v49 =	vmul.f32 v46, v15;
	v56 =	vadd.f32 v19, v2;
	v14 =	vadd.f32 $1.500000000e+00, v14  }
0x314: {  	v47 =	vld.idx.msk [tilespmem:v41+s28+$0x0], $0xffff;
	v13 =	vshra.s32 v52, $0x1;
	v10 =	vmul.f32 $-5.000000000e-01, v52;
	v1 =	vmul.f32 v18, v9  }
0x315: {  	v53 =	vld.idx.msk [tilespmem:v20+s28+$0x0], $0xffff;
	v16 =	vmul.f32 v22, v16;
	v18 =	vmul.f32 v49, v46;
	v13 =	vsub.s32 $0x5F3759DF, v13  }
0x316: {  	v19 =	vshra.s32 v56, $0x1;
	v11 =	vmul.f32 v14, v11;
	v55 =	vmul.f32 v13, v10  }
0x317: {  	v40 =	vld.idx.msk [tilespmem:v21+s28+$0x0], $0xffff;
	v19 =	vsub.s32 $0x5F3759DF, v19;
	v1 =	vadd.f32 $1.500000000e+00, v1;
	v51 =	vmul.f32 v16, v17  }
0x318: {  	v18 =	vadd.f32 $1.500000000e+00, v18;
	v11 =	vnsel vm14, $0x0, v11;
	v57 =	vmul.f32 v13, v55  }
0x319: {  	vm14 =	vgt.f32 v47, $0.0e+00;
	v1 =	vmul.f32 v1, v9;
	v9 =	vmul.f32 v51, v16  }
0x31a: {  	v12 =	vmul.f32 v18, v46;
	v18 =	vadd.s32 v54, v7;
	vm11 =	vgt.f32 v53, $0.0e+00  }
0x31b: {  	v14 =	vnsel vm11, $0x0, v53;
	v53 =	vadd.s32 $0x1A, v8;
	v1 =	vnsel vm13, $0x0, v1  }
0x31c: {  	v9 =	vadd.f32 $1.500000000e+00, v9;
	v14 =	vadd.f32 v14, v2;
	vm13 =	vgt.f32 v40, $0.0e+00  }
0x31d: {  	v0 =	vadd.f32 v1, v0;
	v1 =	vmul.f32 v12, v15;
	v15 =	vmul.f32 $-5.000000000e-01, v56  }
0x31e: {  	v48 =	vnsel vm13, $0x0, v40;
	v9 =	vmul.f32 v9, v16;
	v16 =	vadd.f32 $1.500000000e+00, v57  }
0x31f: {  	v61 =	vshra.s32 v14, $0x1;
	v14 =	vmul.f32 $-5.000000000e-01, v14;
	v50 =	vadd.f32 v48, v2  }
0x320: {  	v1 =	vmul.f32 v1, v12;
	v58 =	vmul.f32 v19, v15;
	v18 =	vld.idx.msk [tilespmem:v18+s28+$0x0], $0xffff;
	v0 =	vadd.f32 v11, v0  }
0x321: {  	v59 =	vmul.f32 v9, v17;
	v13 =	vmul.f32 v13, v16;
	v17 =	vsub.s32 $0x5F3759DF, v61  }
0x322: {  	v60 =	vmul.f32 v19, v58;
	v1 =	vadd.f32 $1.500000000e+00, v1;
	v63 =	vmul.f32 v17, v14  }
0x323: {  	v52 =	vshra.s32 v50, $0x1;
	v11 =	vmul.f32 v59, v9;
	v62 =	vmul.f32 v13, v10  }
0x324: {  	v16 =	vadd.f32 $1.500000000e+00, v60;
	v24 =	vmul.f32 v17, v63;
	v1 =	vmul.f32 v1, v12  }
0x325: {  	v11 =	vadd.f32 $1.500000000e+00, v11;
	v20 =	vmul.f32 v62, v13;
	vm12 =	vgt.f32 v18, $0.0e+00  }
0x326: {  	v62 =	vadd.s32 $0x1B, v8;
	v16 =	vmul.f32 v19, v16;
	v18 =	vnsel vm12, $0x0, v18  }
0x327: {  	v19 =	vadd.f32 $1.500000000e+00, v24;
	v1 =	vnsel vm15, $0x0, v1;
	v21 =	vadd.s32 v62, v7  }
0x328: {  	v25 =	vadd.f32 $1.500000000e+00, v20;
	v18 =	vadd.f32 v18, v2;
	v9 =	vmul.f32 v11, v9  }
0x329: {  	v26 =	vmul.f32 v16, v15;
	v17 =	vmul.f32 v17, v19;
	v19 =	vadd.s32 v53, v7  }
0x32a: {  	v33 =	vshra.s32 v18, $0x1;
	v18 =	vmul.f32 $-5.000000000e-01, v18;
	v12 =	vmul.f32 v25, v13  }
0x32b: {  	v20 =	vmul.f32 v26, v16;
	v34 =	vsub.s32 $0x5F3759DF, v33;
	v37 =	vmul.f32 v17, v14  }
0x32c: {  	v0 =	vadd.f32 v1, v0;
	v35 =	vmul.f32 v34, v18;
	v10 =	vmul.f32 v12, v10  }
0x32d: {  	v9 =	vnsel vm8, $0x0, v9;
	v32 =	vld.idx.msk [tilespmem:v21+s28+$0x0], $0xffff;
	v36 =	vadd.f32 $1.500000000e+00, v20;
	v39 =	vmul.f32 v37, v17  }
0x32e: {  	v0 =	vadd.f32 v9, v0;
	v13 =	vmul.f32 v34, v35;
	v1 =	vmul.f32 v10, v12  }
0x32f: {  	v11 =	vmul.f32 v36, v16;
	v44 =	vadd.f32 $1.500000000e+00, v39;
	v16 =	vadd.s32 v45, v7  }
0x330: {  	v19 =	vld.idx.msk [tilespmem:v19+s28+$0x0], $0xffff;
	v36 =	vadd.s32 $0x1C, v8;
	v42 =	vadd.f32 $1.500000000e+00, v13;
	v1 =	vadd.f32 $1.500000000e+00, v1  }
0x331: {  	v38 =	vadd.s32 v36, v7;
	v43 =	vmul.f32 v11, v15;
	v15 =	vmul.f32 v44, v17  }
0x332: {  	v17 =	vnsel vm14, $0x0, v47;
	vm8 =	vgt.f32 v32, $0.0e+00;
	v10 =	vmul.f32 v34, v42  }
0x333: {  	v44 =	vadd.s32 $0x1D, v8;
	v1 =	vmul.f32 v1, v12;
	v12 =	vmul.f32 $-5.000000000e-01, v50  }
0x334: {  	v55 =	vadd.f32 v17, v2;
	v13 =	vmul.f32 v43, v11;
	v14 =	vmul.f32 v15, v14  }
0x335: {  	vm6 =	vgt.f32 v19, $0.0e+00;
	v46 =	vmul.f32 v10, v18;
	v1 =	vnsel vm9, $0x0, v1  }
0x336: {  	v17 =	vshra.s32 v55, $0x1;
	v19 =	vnsel vm6, $0x0, v19;
	v13 =	vadd.f32 $1.500000000e+00, v13  }
0x337: {  	v16 =	vld.idx.msk [tilespmem:v16+s28+$0x0], $0xffff;
	v51 =	vmul.f32 v14, v15;
	v14 =	vsub.s32 $0x5F3759DF, v52;
	v0 =	vadd.f32 v1, v0  }
0x338: {  	v17 =	vsub.s32 $0x5F3759DF, v17;
	v19 =	vadd.f32 v19, v2;
	v49 =	vmul.f32 v46, v10  }
0x339: {  	v43 =	vld.idx.msk [tilespmem:v38+s28+$0x0], $0xffff;
	v54 =	vmul.f32 v14, v12;
	v11 =	vmul.f32 v13, v11;
	v13 =	vadd.f32 $1.500000000e+00, v51  }
0x33a: {  	v25 =	vshra.s32 v19, $0x1;
	v19 =	vmul.f32 $-5.000000000e-01, v19;
	v9 =	vadd.f32 $1.500000000e+00, v49  }
0x33b: {  	v56 =	vmul.f32 v14, v54;
	v26 =	vsub.s32 $0x5F3759DF, v25;
	v1 =	vnsel vm10, $0x0, v11  }
0x33c: {  	v11 =	vmul.f32 $-5.000000000e-01, v55;
	vm15 =	vgt.f32 v16, $0.0e+00;
	v13 =	vmul.f32 v13, v15  }
0x33d: {  	v33 =	vmul.f32 v26, v19;
	v9 =	vmul.f32 v9, v10;
	v10 =	vadd.f32 $1.500000000e+00, v56  }
0x33e: {  	v16 =	vnsel vm15, $0x0, v16;
	v0 =	vadd.f32 v1, v0;
	vm9 =	vgt.f32 v43, $0.0e+00  }
0x33f: {  	v56 =	vadd.s32 $0x1E, v8;
	v57 =	vmul.f32 v17, v11;
	v16 =	vadd.f32 v16, v2  }
0x340: {  	v13 =	vnsel vm11, $0x0, v13;
	v51 =	vnsel vm9, $0x0, v43;
	v1 =	vmul.f32 v9, v18  }
0x341: {  	v10 =	vmul.f32 v14, v10;
	v0 =	vadd.f32 v13, v0;
	v13 =	vmul.f32 v26, v33  }
0x342: {  	v58 =	vmul.f32 v17, v57;
	v59 =	vshra.s32 v16, $0x1;
	v16 =	vmul.f32 $-5.000000000e-01, v16  }
0x343: {  	v52 =	vadd.f32 v51, v2;
	v60 =	vmul.f32 v10, v12;
	v15 =	vsub.s32 $0x5F3759DF, v59  }
0x344: {  	v1 =	vmul.f32 v1, v9;
	v14 =	vadd.f32 $1.500000000e+00, v58;
	v61 =	vmul.f32 v15, v16  }
0x345: {  	v13 =	vadd.f32 $1.500000000e+00, v13;
	v55 =	vshra.s32 v52, $0x1;
	v18 =	vmul.f32 v60, v10  }
0x346: {  	v59 =	vadd.s32 $0x1F, v8;
	v14 =	vmul.f32 v17, v14;
	v63 =	vmul.f32 v15, v61  }
0x347: {  	v62 =	vadd.s32 v59, v7;
	v1 =	vadd.f32 $1.500000000e+00, v1;
	v18 =	vadd.f32 $1.500000000e+00, v18  }
0x348: {  	v39 =	vmul.f32 v26, v13;
	v24 =	vmul.f32 v14, v11;
	v17 =	vadd.f32 $1.500000000e+00, v63  }
0x349: {  	v1 =	vmul.f32 v1, v9;
	v10 =	vmul.f32 v18, v10;
	v18 =	vnsel vm8, $0x0, v32  }
0x34a: {  	v20 =	vmul.f32 v24, v14;
	v15 =	vmul.f32 v15, v17;
	v40 =	vadd.f32 v18, v2  }
0x34b: {  	v59 =	vadd.s32 $0x24, v8;
	v41 =	vmul.f32 v39, v19;
	v12 =	vmul.f32 v10, v12  }
0x34c: {  	v34 =	vadd.f32 $1.500000000e+00, v20;
	v35 =	vmul.f32 v15, v16;
	v42 =	vshra.s32 v40, $0x1  }
0x34d: {  	v13 =	vmul.f32 $-5.000000000e-01, v40;
	v20 =	vadd.s32 v44, v7;
	v12 =	vmul.f32 v12, v10  }
0x34e: {  	v17 =	vsub.s32 $0x5F3759DF, v42;
	v9 =	vmul.f32 v34, v14;
	v37 =	vmul.f32 v35, v15  }
0x34f: {  	v1 =	vnsel vm12, $0x0, v1;
	v45 =	vmul.f32 v17, v13;
	v12 =	vadd.f32 $1.500000000e+00, v12  }
0x350: {  	v0 =	vadd.f32 v1, v0;
	v11 =	vmul.f32 v9, v11;
	v14 =	vadd.f32 $1.500000000e+00, v37  }
0x351: {  	v24 =	vadd.s32 $0x20, v8;
	v47 =	vmul.f32 v17, v45;
	v10 =	vmul.f32 v12, v10  }
0x352: {  	v37 =	vadd.s32 $0x21, v8;
	v11 =	vmul.f32 v11, v9;
	v14 =	vmul.f32 v14, v15  }
0x353: {  	v53 =	vld.idx.msk [tilespmem:v20+s28+$0x0], $0xffff;
	v15 =	vmul.f32 v41, v39;
	v50 =	vadd.f32 $1.500000000e+00, v47;
	v47 =	vadd.s32 $0x22, v8  }
0x354: {  	v10 =	vnsel vm13, $0x0, v10;
	v16 =	vmul.f32 v14, v16;
	v1 =	vadd.f32 $1.500000000e+00, v11  }
0x355: {  	v15 =	vadd.f32 $1.500000000e+00, v15;
	v0 =	vadd.f32 v10, v0;
	v12 =	vmul.f32 v17, v50  }
0x356: {  	v10 =	vmul.f32 $-5.000000000e-01, v52;
	v17 =	vadd.s32 v56, v7;
	v46 =	vmul.f32 v16, v14  }
0x357: {  	v1 =	vmul.f32 v1, v9;
	v49 =	vmul.f32 v15, v39;
	v16 =	vsub.s32 $0x5F3759DF, v55  }
0x358: {  	v57 =	vmul.f32 v12, v13;
	vm10 =	vgt.f32 v53, $0.0e+00;
	v58 =	vmul.f32 v16, v10  }
0x359: {  	v48 =	vadd.f32 $1.500000000e+00, v46;
	v1 =	vnsel vm14, $0x0, v1;
	v54 =	vmul.f32 v49, v19  }
0x35a: {  	v18 =	vmul.f32 v57, v12;
	v19 =	vadd.s32 v37, v7;
	v15 =	vmul.f32 v16, v58  }
0x35b: {  	v0 =	vadd.f32 v1, v0;
	v61 =	vld.idx.msk [tilespmem:v17+s28+$0x0], $0xffff;
	v9 =	vmul.f32 v48, v14;
	v1 =	vmul.f32 v54, v49  }
0x35c: {  	v17 =	vld.idx.msk [tilespmem:v62+s28+$0x0], $0xffff;
	v14 =	vnsel vm10, $0x0, v53;
	v18 =	vadd.f32 $1.500000000e+00, v18;
	v53 =	vadd.s32 $0x23, v8  }
0x35d: {  	v14 =	vadd.f32 v14, v2;
	v60 =	vadd.f32 $1.500000000e+00, v15;
	v9 =	vnsel vm15, $0x0, v9  }
0x35e: {  	v1 =	vadd.f32 $1.500000000e+00, v1;
	v12 =	vmul.f32 v18, v12;
	v18 =	vadd.s32 v24, v7  }
0x35f: {  	v63 =	vshra.s32 v14, $0x1;
	v14 =	vmul.f32 $-5.000000000e-01, v14;
	v0 =	vadd.f32 v9, v0  }
0x360: {  	v21 =	vmul.f32 v16, v60;
	v1 =	vmul.f32 v1, v49;
	v22 =	vsub.s32 $0x5F3759DF, v63  }
0x361: {  	v13 =	vmul.f32 v12, v13;
	vm11 =	vgt.f32 v61, $0.0e+00;
	vm12 =	vgt.f32 v17, $0.0e+00  }
0x362: {  	v49 =	vadd.s32 v47, v7;
	v23 =	vmul.f32 v22, v14;
	v15 =	vnsel vm11, $0x0, v61  }
0x363: {  	v43 =	vld.idx.msk [tilespmem:v19+s28+$0x0], $0xffff;
	v17 =	vnsel vm12, $0x0, v17;
	v1 =	vnsel vm6, $0x0, v1;
	v15 =	vadd.f32 v15, v2  }
0x364: {  	v13 =	vmul.f32 v13, v12;
	v34 =	vadd.f32 v17, v2;
	v0 =	vadd.f32 v1, v0  }
0x365: {  	v1 =	vmul.f32 v21, v10;
	v16 =	vmul.f32 v22, v23;
	v23 =	vadd.s32 $0x25, v8  }
0x366: {  	v13 =	vadd.f32 $1.500000000e+00, v13;
	v25 =	vshra.s32 v15, $0x1;
	v15 =	vmul.f32 $-5.000000000e-01, v15  }
0x367: {  	v35 =	vld.idx.msk [tilespmem:v18+s28+$0x0], $0xffff;
	v38 =	vshra.s32 v34, $0x1;
	v16 =	vadd.f32 $1.500000000e+00, v16;
	v26 =	vsub.s32 $0x5F3759DF, v25  }
0x368: {  	vm14 =	vgt.f32 v43, $0.0e+00;
	v1 =	vmul.f32 v1, v21;
	v33 =	vmul.f32 v26, v15  }
0x369: {  	v20 =	vsub.s32 $0x5F3759DF, v38;
	v12 =	vmul.f32 v13, v12;
	v11 =	vmul.f32 v22, v16  }
0x36a: {  	v38 =	vadd.s32 $0x27, v8;
	v13 =	vmul.f32 $-5.000000000e-01, v34;
	v1 =	vadd.f32 $1.500000000e+00, v1  }
0x36b: {  	v36 =	vmul.f32 v26, v33;
	v12 =	vnsel vm8, $0x0, v12;
	v32 =	vmul.f32 v11, v14  }
0x36c: {  	v39 =	vmul.f32 v20, v13;
	vm13 =	vgt.f32 v35, $0.0e+00;
	v1 =	vmul.f32 v1, v21  }
0x36d: {  	v33 =	vadd.s32 $0x26, v8;
	v17 =	vnsel vm13, $0x0, v35;
	v16 =	vmul.f32 v32, v11  }
0x36e: {  	v0 =	vadd.f32 v12, v0;
	v18 =	vadd.f32 $1.500000000e+00, v36;
	v10 =	vmul.f32 v1, v10  }
0x36f: {  	v42 =	vadd.f32 v17, v2;
	v17 =	vnsel vm14, $0x0, v43;
	v16 =	vadd.f32 $1.500000000e+00, v16  }
0x370: {  	v40 =	vmul.f32 v20, v39;
	v48 =	vadd.f32 v17, v2;
	v17 =	vld.idx.msk [tilespmem:v49+s28+$0x0], $0xffff;
	v10 =	vmul.f32 v10, v1  }
0x371: {  	v21 =	vadd.s32 v53, v7;
	v9 =	vmul.f32 v26, v18;
	v11 =	vmul.f32 v16, v11  }
0x372: {  	v53 =	vadd.s32 $0x29, v8;
	v45 =	vshra.s32 v42, $0x1;
	v10 =	vadd.f32 $1.500000000e+00, v10  }
0x373: {  	v44 =	vmul.f32 v9, v15;
	v16 =	vadd.f32 $1.500000000e+00, v40;
	v41 =	vmul.f32 v11, v14  }
0x374: {  	v18 =	vsub.s32 $0x5F3759DF, v45;
	v1 =	vmul.f32 v10, v1;
	v14 =	vmul.f32 $-5.000000000e-01, v42  }
0x375: {  	vm15 =	vgt.f32 v17, $0.0e+00;
	v10 =	vmul.f32 v44, v9;
	v16 =	vmul.f32 v20, v16  }
0x376: {  	v51 =	vshra.s32 v48, $0x1;
	v17 =	vnsel vm15, $0x0, v17;
	v46 =	vmul.f32 v18, v14  }
0x377: {  	v60 =	vld.idx.msk [tilespmem:v21+s28+$0x0], $0xffff;
	v12 =	vmul.f32 v41, v11;
	v10 =	vadd.f32 $1.500000000e+00, v10;
	v20 =	vmul.f32 v16, v13  }
0x378: {  	v52 =	vsub.s32 $0x5F3759DF, v51;
	v17 =	vadd.f32 v17, v2;
	v19 =	vmul.f32 v18, v46  }
0x379: {  	v12 =	vadd.f32 $1.500000000e+00, v12;
	v9 =	vmul.f32 v10, v9;
	v50 =	vmul.f32 v20, v16  }
0x37a: {  	v1 =	vnsel vm9, $0x0, v1;
	v10 =	vmul.f32 $-5.000000000e-01, v48;
	v19 =	vadd.f32 $1.500000000e+00, v19  }
0x37b: {  	v11 =	vmul.f32 v12, v11;
	v15 =	vmul.f32 v9, v15;
	v12 =	vadd.f32 $1.500000000e+00, v50  }
0x37c: {  	vm8 =	vgt.f32 v60, $0.0e+00;
	v20 =	vmul.f32 v52, v10;
	v18 =	vmul.f32 v18, v19  }
0x37d: {  	v0 =	vadd.f32 v1, v0;
	v15 =	vmul.f32 v15, v9;
	v12 =	vmul.f32 v12, v16  }
0x37e: {  	v50 =	vadd.s32 $0x28, v8;
	v55 =	vmul.f32 v52, v20;
	v54 =	vmul.f32 v18, v14  }
0x37f: {  	v11 =	vnsel vm10, $0x0, v11;
	v1 =	vadd.f32 $1.500000000e+00, v15;
	v13 =	vmul.f32 v12, v13  }
0x380: {  	v20 =	vshra.s32 v17, $0x1;
	v56 =	vadd.f32 $1.500000000e+00, v55;
	v16 =	vmul.f32 v54, v18  }
0x381: {  	v15 =	vadd.s32 v59, v7;
	v1 =	vmul.f32 v1, v9;
	v57 =	vmul.f32 v13, v12  }
0x382: {  	v17 =	vmul.f32 $-5.000000000e-01, v17;
	v0 =	vadd.f32 v11, v0;
	v9 =	vmul.f32 v52, v56  }
0x383: {  	v58 =	vadd.f32 $1.500000000e+00, v16;
	v11 =	vadd.f32 $1.500000000e+00, v57;
	v1 =	vnsel vm11, $0x0, v1  }
0x384: {  	v61 =	vmul.f32 v9, v10;
	v16 =	vnsel vm8, $0x0, v60;
	v0 =	vadd.f32 v1, v0  }
0x385: {  	v16 =	vadd.f32 v16, v2;
	v13 =	vmul.f32 v58, v18;
	v1 =	vmul.f32 v11, v12  }
0x386: {  	v15 =	vld.idx.msk [tilespmem:v15+s28+$0x0], $0xffff;
	v63 =	vmul.f32 v61, v9;
	v18 =	vadd.s32 v23, v7;
	v23 =	vadd.s32 v53, v7  }
0x387: {  	v61 =	vadd.s32 $0x2A, v8;
	v24 =	vshra.s32 v16, $0x1;
	v16 =	vmul.f32 $-5.000000000e-01, v16  }
0x388: {  	v62 =	vmul.f32 v13, v14;
	v14 =	vsub.s32 $0x5F3759DF, v20;
	v12 =	vadd.f32 $1.500000000e+00, v63  }
0x389: {  	v1 =	vnsel vm12, $0x0, v1;
	v19 =	vsub.s32 $0x5F3759DF, v24;
	v20 =	vadd.s32 v33, v7  }
0x38a: {  	v63 =	vadd.s32 $0x2B, v8;
	v21 =	vmul.f32 v14, v17;
	v11 =	vmul.f32 v62, v13  }
0x38b: {  	v25 =	vmul.f32 v19, v16;
	v9 =	vmul.f32 v12, v9;
	vm9 =	vgt.f32 v15, $0.0e+00  }
0x38c: {  	v22 =	vmul.f32 v14, v21;
	v15 =	vnsel vm9, $0x0, v15;
	v11 =	vadd.f32 $1.500000000e+00, v11  }
0x38d: {  	v0 =	vadd.f32 v1, v0;
	v18 =	vld.idx.msk [tilespmem:v18+s28+$0x0], $0xffff;
	v10 =	vmul.f32 v9, v10;
	v26 =	vadd.f32 v15, v2  }
0x38e: {  	v32 =	vmul.f32 v19, v25;
	v12 =	vadd.f32 $1.500000000e+00, v22;
	v11 =	vmul.f32 v11, v13  }
0x38f: {  	v1 =	vmul.f32 v10, v9;
	v15 =	vshra.s32 v26, $0x1;
	v13 =	vmul.f32 $-5.000000000e-01, v26  }
0x390: {  	v20 =	vld.idx.msk [tilespmem:v20+s28+$0x0], $0xffff;
	v10 =	vadd.f32 $1.500000000e+00, v32;
	v12 =	vmul.f32 v14, v12;
	v15 =	vsub.s32 $0x5F3759DF, v15  }
0x391: {  	v1 =	vadd.f32 $1.500000000e+00, v1;
	v34 =	vmul.f32 v15, v13;
	v11 =	vnsel vm13, $0x0, v11  }
0x392: {  	v10 =	vmul.f32 v19, v10;
	vm10 =	vgt.f32 v18, $0.0e+00;
	v19 =	vadd.s32 v38, v7  }
0x393: {  	v60 =	vld.idx.msk [tilespmem:v23+s28+$0x0], $0xffff;
	v14 =	vmul.f32 v12, v17;
	v0 =	vadd.f32 v11, v0;
	v1 =	vmul.f32 v1, v9  }
0x394: {  	v18 =	vnsel vm10, $0x0, v18;
	v35 =	vmul.f32 v15, v34;
	v37 =	vmul.f32 v10, v16  }
0x395: {  	v18 =	vadd.f32 v18, v2;
	vm11 =	vgt.f32 v20, $0.0e+00;
	v14 =	vmul.f32 v14, v12  }
0x396: {  	v47 =	vnsel vm11, $0x0, v20;
	v20 =	vadd.s32 v50, v7;
	v9 =	vadd.f32 $1.500000000e+00, v35  }
0x397: {  	v1 =	vnsel vm14, $0x0, v1;
	v40 =	vshra.s32 v18, $0x1;
	v41 =	vmul.f32 $-5.000000000e-01, v18  }
0x398: {  	vm14 =	vgt.f32 v60, $0.0e+00;
	v36 =	vadd.f32 $1.500000000e+00, v14;
	v14 =	vmul.f32 v37, v10  }
0x399: {  	v0 =	vadd.f32 v1, v0;
	v46 =	vld.idx.msk [tilespmem:v19+s28+$0x0], $0xffff;
	v19 =	vadd.f32 v47, v2;
	v9 =	vmul.f32 v15, v9  }
0x39a: {  	v15 =	vnsel vm14, $0x0, v60;
	v11 =	vmul.f32 v36, v12;
	v39 =	vadd.f32 $1.500000000e+00, v14  }
0x39b: {  	v14 =	vsub.s32 $0x5F3759DF, v40;
	v48 =	vshra.s32 v19, $0x1;
	v19 =	vmul.f32 $-5.000000000e-01, v19  }
0x39c: {  	v15 =	vadd.f32 v15, v2;
	v42 =	vmul.f32 v9, v13;
	v43 =	vmul.f32 v14, v41  }
0x39d: {  	v49 =	vsub.s32 $0x5F3759DF, v48;
	v55 =	vld.idx.msk [tilespmem:v20+s28+$0x0], $0xffff;
	v20 =	vadd.s32 v63, v7;
	v17 =	vmul.f32 v11, v17  }
0x39e: {  	v1 =	vmul.f32 v39, v10;
	v26 =	vshra.s32 v15, $0x1;
	v15 =	vmul.f32 $-5.000000000e-01, v15  }
0x39f: {  	v39 =	vadd.s32 $0x2C, v8;
	v45 =	vmul.f32 v42, v9;
	v10 =	vmul.f32 v14, v43  }
0x3a0: {  	vm12 =	vgt.f32 v46, $0.0e+00;
	v43 =	vadd.s32 $0x2D, v8;
	v44 =	vmul.f32 v17, v11  }
0x3a1: {  	v16 =	vmul.f32 v1, v16;
	v18 =	vnsel vm12, $0x0, v46;
	v17 =	vadd.f32 $1.500000000e+00, v45  }
0x3a2: {  	v10 =	vadd.f32 $1.500000000e+00, v10;
	v18 =	vadd.f32 v18, v2;
	v45 =	vadd.s32 v43, v7  }
0x3a3: {  	v12 =	vadd.f32 $1.500000000e+00, v44;
	v16 =	vmul.f32 v16, v1;
	v9 =	vmul.f32 v17, v9  }
0x3a4: {  	v10 =	vmul.f32 v14, v10;
	v17 =	vmul.f32 v49, v19;
	v52 =	vshra.s32 v18, $0x1  }
0x3a5: {  	v18 =	vmul.f32 $-5.000000000e-01, v18;
	v16 =	vadd.f32 $1.500000000e+00, v16;
	v11 =	vmul.f32 v12, v11  }
0x3a6: {  	v22 =	vsub.s32 $0x5F3759DF, v52;
	v51 =	vmul.f32 v10, v41;
	v13 =	vmul.f32 v9, v13  }
0x3a7: {  	vm13 =	vgt.f32 v55, $0.0e+00;
	v17 =	vmul.f32 v49, v17;
	v24 =	vmul.f32 v22, v18  }
0x3a8: {  	v1 =	vmul.f32 v16, v1;
	v11 =	vnsel vm15, $0x0, v11;
	v16 =	vadd.s32 v61, v7  }
0x3a9: {  	v21 =	vmul.f32 v51, v10;
	v17 =	vadd.f32 $1.500000000e+00, v17;
	v13 =	vmul.f32 v13, v9  }
0x3aa: {  	v56 =	vmul.f32 v22, v24;
	v0 =	vadd.f32 v11, v0;
	v1 =	vnsel vm8, $0x0, v1  }
0x3ab: {  	v54 =	vadd.f32 $1.500000000e+00, v21;
	v14 =	vmul.f32 v49, v17;
	v13 =	vadd.f32 $1.500000000e+00, v13  }
0x3ac: {  	v20 =	vld.idx.msk [tilespmem:v20+s28+$0x0], $0xffff;
	v58 =	vadd.f32 $1.500000000e+00, v56;
	v17 =	vnsel vm13, $0x0, v55;
	v21 =	vsub.s32 $0x5F3759DF, v26  }
0x3ad: {  	v17 =	vadd.f32 v17, v2;
	v32 =	vmul.f32 v21, v15;
	v10 =	vmul.f32 v54, v10  }
0x3ae: {  	v0 =	vadd.f32 v1, v0;
	v57 =	vmul.f32 v14, v19;
	v9 =	vmul.f32 v13, v9  }
0x3af: {  	v11 =	vmul.f32 v22, v58;
	v16 =	vld.idx.msk [tilespmem:v16+s28+$0x0], $0xffff;
	v62 =	vshra.s32 v17, $0x1;
	v17 =	vmul.f32 $-5.000000000e-01, v17  }
0x3b0: {  	v54 =	vadd.s32 $0x2E, v8;
	v59 =	vmul.f32 v10, v41;
	v12 =	vmul.f32 v57, v14  }
0x3b1: {  	v1 =	vmul.f32 v11, v18;
	v9 =	vnsel vm9, $0x0, v9;
	vm9 =	vgt.f32 v20, $0.0e+00  }
0x3b2: {  	v0 =	vadd.f32 v9, v0;
	v20 =	vnsel vm9, $0x0, v20;
	v12 =	vadd.f32 $1.500000000e+00, v12  }
0x3b3: {  	v13 =	vmul.f32 v59, v10;
	v1 =	vmul.f32 v1, v11;
	v20 =	vadd.f32 v20, v2  }
0x3b4: {  	v59 =	vadd.s32 $0x2F, v8;
	vm15 =	vgt.f32 v16, $0.0e+00;
	v12 =	vmul.f32 v12, v14  }
0x3b5: {  	v14 =	vsub.s32 $0x5F3759DF, v62;
	v1 =	vadd.f32 $1.500000000e+00, v1;
	v13 =	vadd.f32 $1.500000000e+00, v13  }
0x3b6: {  	v16 =	vnsel vm15, $0x0, v16;
	v41 =	vshra.s32 v20, $0x1;
	v20 =	vmul.f32 $-5.000000000e-01, v20  }
0x3b7: {  	v62 =	vadd.s32 $0x30, v8;
	v25 =	vmul.f32 v14, v17;
	v24 =	vmul.f32 v12, v19  }
0x3b8: {  	v8 =	vadd.s32 $0x31, v8;
	v1 =	vmul.f32 v1, v11;
	v11 =	vmul.f32 v21, v32  }
0x3b9: {  	v34 =	vadd.f32 v16, v2;
	v10 =	vmul.f32 v13, v10;
	v19 =	vmul.f32 v14, v25  }
0x3ba: {  	v23 =	vsub.s32 $0x5F3759DF, v41;
	v9 =	vmul.f32 v24, v12;
	v18 =	vmul.f32 v1, v18  }
0x3bb: {  	v42 =	vmul.f32 v23, v20;
	v11 =	vadd.f32 $1.500000000e+00, v11;
	v19 =	vadd.f32 $1.500000000e+00, v19  }
0x3bc: {  	v37 =	vshra.s32 v34, $0x1;
	v9 =	vadd.f32 $1.500000000e+00, v9;
	v35 =	vmul.f32 v18, v1  }
0x3bd: {  	v11 =	vmul.f32 v21, v11;
	v21 =	vadd.s32 v39, v7;
	v33 =	vmul.f32 v14, v19  }
0x3be: {  	v49 =	vld.idx.msk [tilespmem:v45+s28+$0x0], $0xffff;
	v10 =	vnsel vm10, $0x0, v10;
	v14 =	vmul.f32 $-5.000000000e-01, v34;
	v9 =	vmul.f32 v9, v12  }
0x3bf: {  	v18 =	vsub.s32 $0x5F3759DF, v37;
	v40 =	vmul.f32 v11, v15;
	v36 =	vmul.f32 v33, v17  }
0x3c0: {  	v0 =	vadd.f32 v10, v0;
	v12 =	vadd.f32 $1.500000000e+00, v35;
	v38 =	vmul.f32 v18, v14  }
0x3c1: {  	v22 =	vmul.f32 v40, v11;
	v9 =	vnsel vm11, $0x0, v9;
	v16 =	vmul.f32 v36, v33  }
0x3c2: {  	v1 =	vmul.f32 v12, v1;
	v19 =	vmul.f32 v18, v38;
	v44 =	vld.idx.msk [tilespmem:v21+s28+$0x0], $0xffff;
	v0 =	vadd.f32 v9, v0  }
0x3c3: {  	vm11 =	vgt.f32 v49, $0.0e+00;
	v22 =	vadd.f32 $1.500000000e+00, v22;
	v16 =	vadd.f32 $1.500000000e+00, v16  }
0x3c4: {  	v21 =	vadd.s32 v54, v7;
	v1 =	vnsel vm12, $0x0, v1;
	v19 =	vadd.f32 $1.500000000e+00, v19  }
0x3c5: {  	v0 =	vadd.f32 v1, v0;
	v46 =	vmul.f32 v22, v11;
	v13 =	vmul.f32 v16, v33  }
0x3c6: {  	v22 =	vadd.s32 v59, v7;
	v18 =	vmul.f32 v18, v19;
	v16 =	vmul.f32 v23, v42  }
0x3c7: {  	v15 =	vmul.f32 v46, v15;
	vm10 =	vgt.f32 v44, $0.0e+00;
	v17 =	vmul.f32 v13, v17  }
0x3c8: {  	v47 =	vmul.f32 v18, v14;
	v16 =	vadd.f32 $1.500000000e+00, v16;
	v19 =	vnsel vm10, $0x0, v44  }
0x3c9: {  	v21 =	vld.idx.msk [tilespmem:v21+s28+$0x0], $0xffff;
	v15 =	vmul.f32 v15, v46;
	v19 =	vadd.f32 v19, v2;
	v48 =	vmul.f32 v17, v13  }
0x3ca: {  	v11 =	vmul.f32 v47, v18;
	v16 =	vmul.f32 v23, v16;
	v17 =	vnsel vm11, $0x0, v49  }
0x3cb: {  	v23 =	vadd.s32 v62, v7;
	v7 =	vadd.s32 v8, v7;
	v51 =	vadd.f32 $1.500000000e+00, v15  }
0x3cc: {  	v53 =	vshra.s32 v19, $0x1;
	v19 =	vmul.f32 $-5.000000000e-01, v19;
	v57 =	vadd.f32 v17, v2  }
0x3cd: {  	v12 =	vadd.f32 $1.500000000e+00, v48;
	v11 =	vadd.f32 $1.500000000e+00, v11;
	v50 =	vmul.f32 v16, v20  }
0x3ce: {  	vm12 =	vgt.f32 v21, $0.0e+00;
	v10 =	vmul.f32 v51, v46;
	v60 =	vshra.s32 v57, $0x1  }
0x3cf: {  	v35 =	vld.idx.msk [tilespmem:v22+s28+$0x0], $0xffff;
	v39 =	vnsel vm12, $0x0, v21;
	v12 =	vmul.f32 v12, v13;
	v52 =	vmul.f32 v50, v16  }
0x3d0: {  	v11 =	vmul.f32 v11, v18;
	v18 =	vsub.s32 $0x5F3759DF, v53;
	v61 =	vsub.s32 $0x5F3759DF, v60  }
0x3d1: {  	v40 =	vadd.f32 v39, v2;
	v55 =	vmul.f32 v18, v19;
	v38 =	vld.idx.msk [tilespmem:v23+s28+$0x0], $0xffff;
	v15 =	vadd.f32 $1.500000000e+00, v52  }
0x3d2: {  	v10 =	vnsel vm14, $0x0, v10;
	v56 =	vmul.f32 v11, v14;
	v14 =	vmul.f32 $-5.000000000e-01, v57  }
0x3d3: {  	v8 =	vnsel vm13, $0x0, v12;
	v58 =	vmul.f32 v18, v55;
	v15 =	vmul.f32 v15, v16  }
0x3d4: {  	vm13 =	vgt.f32 v35, $0.0e+00;
	v63 =	vmul.f32 v61, v14;
	v13 =	vmul.f32 v56, v11  }
0x3d5: {  	v43 =	vshra.s32 v40, $0x1;
	v17 =	vadd.f32 $1.500000000e+00, v58;
	v20 =	vmul.f32 v15, v20  }
0x3d6: {  	v7 =	vld.idx.msk [tilespmem:v7+s28+$0x0], $0xffff;
	v32 =	vmul.f32 v61, v63;
	v33 =	vadd.f32 $1.500000000e+00, v13;
	vm14 =	vgt.f32 v38, $0.0e+00  }
0x3d7: {  	v17 =	vmul.f32 v18, v17;
	v13 =	vnsel vm14, $0x0, v38;
	v34 =	vmul.f32 v20, v15  }
0x3d8: {  	v18 =	vadd.f32 $1.500000000e+00, v32;
	v11 =	vmul.f32 v33, v11;
	v20 =	vnsel vm13, $0x0, v35  }
0x3d9: {  	v13 =	vadd.f32 v13, v2;
	v36 =	vmul.f32 v17, v19;
	v20 =	vadd.f32 v20, v2  }
0x3da: {  	v37 =	vadd.f32 $1.500000000e+00, v34;
	v16 =	vmul.f32 v61, v18;
	v11 =	vnsel vm15, $0x0, v11  }
0x3db: {  	vm15 =	vgt.f32 v7, $0.0e+00;
	v25 =	vshra.s32 v13, $0x1;
	v13 =	vmul.f32 $-5.000000000e-01, v13  }
0x3dc: {  	v22 =	vmul.f32 v36, v17;
	v45 =	vshra.s32 v20, $0x1;
	v20 =	vmul.f32 $-5.000000000e-01, v20  }
0x3dd: {  	v7 =	vnsel vm15, $0x0, v7;
	v12 =	vmul.f32 v37, v15;
	v15 =	vmul.f32 $-5.000000000e-01, v40  }
0x3de: {  	v25 =	vsub.s32 $0x5F3759DF, v25;
	v41 =	vadd.f32 $1.500000000e+00, v22;
	v22 =	vsub.s32 $0x5F3759DF, v43  }
0x3df: {  	v42 =	vmul.f32 v16, v14;
	v24 =	vsub.s32 $0x5F3759DF, v45;
	v44 =	vmul.f32 v22, v15  }
0x3e0: {  	v7 =	vadd.f32 v7, v2;
	v27 =	vmul.f32 v25, v13;
	v26 =	vmul.f32 v24, v20  }
0x3e1: {  	v0 =	vadd.f32 v8, v0;
	v21 =	vmul.f32 v42, v16;
	v23 =	vmul.f32 v22, v44  }
0x3e2: {  	v28 =	vshra.s32 v7, $0x1;
	v7 =	vmul.f32 $-5.000000000e-01, v7;
	v26 =	vmul.f32 v24, v26  }
0x3e3: {  	v28 =	vsub.s32 $0x5F3759DF, v28;
	v17 =	vmul.f32 v41, v17;
	v23 =	vadd.f32 $1.500000000e+00, v23  }
0x3e4: {  	v46 =	vmul.f32 v25, v27;
	v27 =	vmul.f32 v28, v7;
	v21 =	vadd.f32 $1.500000000e+00, v21  }
0x3e5: {  	v48 =	vadd.f32 $1.500000000e+00, v26;
	v19 =	vmul.f32 v17, v19;
	v47 =	vmul.f32 v22, v23  }
0x3e6: {  	v9 =	vadd.f32 $1.500000000e+00, v46;
	v49 =	vmul.f32 v28, v27;
	v1 =	vmul.f32 v21, v16  }
0x3e7: {  	v0 =	vadd.f32 v10, v0;
	v51 =	vmul.f32 v24, v48;
	v50 =	vmul.f32 v47, v15  }
0x3e8: {  	v9 =	vmul.f32 v25, v9;
	v19 =	vmul.f32 v19, v17;
	v52 =	vadd.f32 $1.500000000e+00, v49  }
0x3e9: {  	v53 =	vmul.f32 v51, v20;
	v16 =	vmul.f32 v50, v47  }
0x3ea: {  	v0 =	vadd.f32 v11, v0;
	v55 =	vmul.f32 v9, v13;
	v8 =	vmul.f32 v28, v52  }
0x3eb: {  	v14 =	vmul.f32 v1, v14;
	v54 =	vmul.f32 v53, v51;
	v16 =	vadd.f32 $1.500000000e+00, v16  }
0x3ec: {  	v12 =	vnsel vm9, $0x0, v12;
	v22 =	vmul.f32 v55, v9;
	v56 =	vmul.f32 v8, v7  }
0x3ed: {  	v19 =	vadd.f32 $1.500000000e+00, v19;
	v10 =	vadd.f32 $1.500000000e+00, v54;
	v16 =	vmul.f32 v16, v47  }
0x3ee: {  	v14 =	vmul.f32 v14, v1;
	v59 =	vadd.f32 $1.500000000e+00, v22;
	v58 =	vmul.f32 v56, v8  }
0x3ef: {  	v0 =	vadd.f32 v12, v0;
	v10 =	vmul.f32 v10, v51;
	v57 =	vmul.f32 v16, v15  }
0x3f0: {  	v17 =	vmul.f32 v19, v17;
	v14 =	vadd.f32 $1.500000000e+00, v14;
	v9 =	vmul.f32 v59, v9  }
0x3f1: {  	v60 =	vmul.f32 v10, v20;
	v15 =	vadd.f32 $1.500000000e+00, v58;
	v11 =	vmul.f32 v57, v16  }
0x3f2: {  	v61 =	vnsel vm10, $0x0, v17;
	v1 =	vmul.f32 v14, v1;
	v13 =	vmul.f32 v9, v13  }
0x3f3: {  	v12 =	vmul.f32 v60, v10;
	v8 =	vmul.f32 v15, v8;
	v11 =	vadd.f32 $1.500000000e+00, v11  }
0x3f4: {  	v0 =	vadd.f32 v61, v0;
	v1 =	vnsel vm11, $0x0, v1;
	v13 =	vmul.f32 v13, v9  }
0x3f5: {  	v12 =	vadd.f32 $1.500000000e+00, v12;
	v7 =	vmul.f32 v8, v7;
	v11 =	vmul.f32 v11, v16  }
0x3f6: {  	v0 =	vadd.f32 v1, v0;
	v62 =	vadd.f32 $1.500000000e+00, v13  }
0x3f7: {  	v63 =	vld [tilespmem:s26+$0x0];
	v1 =	vmul.f32 v12, v10;
	v7 =	vmul.f32 v7, v8;
	v11 =	vnsel vm12, $0x0, v11  }
0x3f8: {  	v0 =	vadd.f32 v11, v0  }
0x3f9: {  	v9 =	vmul.f32 v62, v9;
	v1 =	vnsel vm13, $0x0, v1;
	v7 =	vadd.f32 $1.500000000e+00, v7  }
0x3fa: {  	v0 =	vadd.f32 v1, v0  }
0x3fb: {  	v7 =	vmul.f32 v7, v8;
	v1 =	vnsel vm14, $0x0, v9  }
0x3fc: {  	v0 =	vadd.f32 v1, v0;
	v1 =	vmax.f32 v63, $1.000000010e-01  }
0x3fd: {  	v8 =	vld [tilespmem:s24+$0x0];
	v7 =	vnsel vm15, $0x0, v7;
	v1 =	vmin.f32 v1, $1.000000000e+01  }
0x3fe: {  	v0 =	vadd.f32 v7, v0;
	v1 =	vadd.f32 v1, v3;
	_ =	sdelay $0x1  }
0x3ff: {  	v0 =	vmul.f32 v0, v1;
	_ =	sdelay $0x1  }
0x400: {  	v0 =	vmin.f32 v0, v8  }
0x401: {  	v0 =	vsub.f32 v8, v0;
	_ =	sdelay $0x1  }
0x402: {  	v1 =	vmul.f32 v0, v5;
	_ =	sdelay $0x1  }
0x403: {  	v7 =	vmul.f32 v0, v4;
	v1 =	vmul.f32 v1, v0  }
0x404: {  	v8 =	vld [tilespmem:s29+$0x0]  }
0x405: {  	v1 =	vadd.f32 v1, v7  }
0x406: {  	v7 =	vld [tilespmem:s9+$0x0]  }
0x407: {  	v1 =	vadd.f32 v1, v6;
	_ =	sdelay $0x1  }
0x408: {  	v1 =	vadd.f32 v1, v8;
	_ =	sdelay $0x1  }
0x409: {  	v1 =	vadd.f32 v1, v7;
	_ =	sdelay $0x1  }
0x40a: {  	v1 =	vsub.f32 $0.0e+00, v1;
	_ =	sdelay $0x1  }
0x40b: {  	v1 =	vmul.f32 $1.442695020e+00, v1;
	_ =	sdelay $0x1  }
0x40c: {  	(erf) = vpow2.f32 v1;
	_ =	sdelay $0x8  }
0x40d: {  	v1 =	vpop (erf)  }
0x40e: {  	v1 =	vadd.f32 $1.000000000e+00, v1;
	_ =	sdelay $0x1  }
0x40f: {  	(erf) = vrcp.f32 v1;
	_ =	sdelay $0x5  }
0x410: {  	p0 =	sne.s32 s8, $0x1F0  }
.Ltmp2:
0x411: {  	_ = 	snop;
	(pc) =	sbr.rel @p0 .LBB2_6-.Ltmp2, $4  }
0x412: {  	_ = 	snop  }
0x413: {  	s8 =	sadd.s32 $0x10, s8;
	v1 =	vpop (erf)  }
0x414: {  	s26 =	sadd.s32 $0x10, s26;
	s24 =	sadd.s32 $0x10, s24;
	s29 =	sadd.s32 $0x10, s29;
	[tilespmem:s10+$0x0] =	vst v1  }
0x415: {  	s9 =	sadd.s32 $0x10, s9;
	s10 =	sadd.s32 $0x10, s10;
	[tilespmem:s11+$0x0] =	vst v0;
	s11 =	sadd.s32 $0x10, s11  }
0x416: {  	s8 =	simm.s32 $0xFA80  }
0x417: {  	[hbm4b:s20+s2] =	stream.linear.scatter [tilespmem:s8], [sflag:$0x2], $0x200, $0x38;
	[tilespmem:$0xFE80] =	vst v63  }
0x418: {  	s0 =	sadd.s32 $0x1, s0;
	_ =	swait.ge [sflag:s23], $0x200  }
0x419: {  	p0 =	sne.s32 s0, s22;
	[sflag:s23] =	ssyncset.done $0x0  }
.Ltmp3:
0x41a: {  	s29 =	simm.s32 $0xFC80;
	[sflag:s23] =	ssyncadd.s32 $0xFFFFFE00;
	(pc) =	sbr.rel @p0 .LBB2_1-.Ltmp3, $4  }
0x41b: {  	[hbm4b:s21+s2] =	stream.linear.scatter [tilespmem:s29], [sflag:$0x2], $0x200, $0x38;
	[tilespmem:$0xFE80] =	vst v63  }
0x41c: {  	_ =	swait.ge [sflag:s23], $0x200  }
0x41d: {  	[sflag:s23] =	ssyncset.done $0x0  }
0x41e: {  	[sflag:s23] =	ssyncadd.s32 $0xFFFFFE00  }
0x41f: {  	_ =	sfence.sel $0x180000  }
0x420: {  	[bflag:$0x0] =	sbarrier.arrive $0xFFFF  }
0x421: {  	_ =	strace $0x90000047  }
0x422: {  	s0 =	stileid.u32;
	[bflag:$0x2] =	sbarrier.arrive $0xFFFF  }
0x423: {  	p0 =	sne.s32 s0, $0x0;
	s0 =	rddreg [dreg:$0x5]  }
0x424: {  	s0 =	sadd.s32 @!p0 $0x100000, s0  }
0x425: {  	[sflag:s0] =	ssyncadd.tile.s32 @!p0 $0x1;
	_ =	shalt  }
.Lfunc_end2:
_tile_overlayer_lowered:
.L_overlay_start_2:
0x426: {  	(tag) =	ssettag $0x2  }
0x427: {  	s0 =	rddreg [dreg:$0x0];
	s2 =	stileid.u32  }
0x428: {  	s1 =	rddreg [dreg:$0x1];
	p0 =	sne.s32 s2, $0x0  }
0x429: {  	s3 =	rddreg [dreg:$0x2];
	[bflag:$0x3] =	sbarrier.arrive $0xFFFF;
	s2 =	simm.s32 @!p0 $0x1C02  }
0x42a: {  	[timem:s3], [sflag:s2] =	dma.local @!p0 [hbm:s0], s1  }
0x42b: {  	s0 =	simm.s32 @!p0 $0x2  }
0x42c: {  	_ =	swait.ge @!p0 [sflag:s0], s1  }
0x42d: {  	s1 =	ssub.s32 @!p0 $0x0, s1;
	[sflag:s0] =	ssyncset.done @!p0 $0x0  }
0x42e: {  	[sflag:s0] =	ssyncadd.s32 @!p0 s1  }
0x42f: {  	[bflag:$0x3] =	sbarrier.arrive $0xFFFF  }
0x430: {  	_ =	shalt  }

</sc_bundles>
